<compile_context>
chip_gen: v7x
topology: tpu7x:2x2x1
jax: 0.10.2.dev20260603
libtpu: 0.0.44.dev20260713+nightly
codegen_flags: <defaults>
</compile_context>

<pallas_src>
import functools
import math

import jax
import jax.numpy as jnp
from jax import lax
from jax.experimental import pallas as pl
from jax.experimental.pallas import tpu as pltpu
from jax.experimental.pallas import tpu_sc as plsc

B = 4096
L = 200
D = 128
V = 100000

CH = 40
PER_SEQ = L // CH
NB = B * L // CH
NW = 32
CPW = NB // NW
SPW = B // NW
NBUF = PER_SEQ
LOOKAHEAD = 2


def _pos_body(o_ref):
    pos = lax.broadcasted_iota(jnp.int32, (L, D), 0).astype(jnp.float32)
    col = lax.broadcasted_iota(jnp.int32, (L, D), 1)
    k2 = col - (col % 2)
    div = jnp.exp(k2.astype(jnp.float32) * (-math.log(10000.0) / D))
    ang = pos * div
    o_ref[...] = jnp.where(col % 2 == 0, jnp.sin(ang), jnp.cos(ang))


_pos_call = pl.pallas_call(
    _pos_body, out_shape=jax.ShapeDtypeStruct((L, D), jnp.float32)
)

_mesh = plsc.VectorSubcoreMesh(core_axis_name="c", subcore_axis_name="s")


@functools.partial(
    pl.kernel,
    mesh=_mesh,
    out_type=jax.ShapeDtypeStruct((B, L, D), jnp.float32),
    scratch_types=(
        [pltpu.VMEM((CPW // 2, CH), jnp.int32)]
        + [pltpu.VMEM((CH, D), jnp.float32) for _ in range(NBUF)]
        + [pltpu.VMEM((L, D), jnp.float32)]
        + [pltpu.SemaphoreType.DMA for _ in range(2 * NBUF)]
    ),
)
def _sc_embed(x_hbm, w_hbm, pos_hbm, out_hbm, *refs):
    idx_v = refs[0]
    rows = refs[1:NBUF + 1]
    pos_v = refs[NBUF + 1]
    gsem = refs[NBUF + 2:2 * NBUF + 2]
    osem = refs[2 * NBUF + 2:3 * NBUF + 2]

    CPH = CPW // 2
    TPH = CPH // NBUF

    wid = lax.axis_index("s") * 2 + lax.axis_index("c")
    base = wid * CPW
    pltpu.sync_copy(pos_hbm, pos_v)

    for q in range(2):
        pltpu.sync_copy(x_hbm.at[pl.ds(base + q * CPH, CPH)], idx_v)

        for b in range(LOOKAHEAD):
            pltpu.async_copy(w_hbm.at[idx_v.at[b]], rows[b], gsem[b])

        def step(t, carry, _q=q):
            for b in range(NBUF):
                i = t * NBUF + b
                pltpu.make_async_copy(
                    w_hbm.at[idx_v.at[i]], rows[b], gsem[b]
                ).wait()
                poff = b * CH

                def row(r, c2, _b=b, _poff=poff):
                    for u in range(2):
                        for k in range(D // 16):
                            plsc.addupdate(
                                rows[_b].at[2 * r + u, pl.ds(k * 16, 16)],
                                pos_v[_poff + 2 * r + u, pl.ds(k * 16, 16)],
                            )
                    return c2

                lax.fori_loop(0, CH // 2, row, 0)
                pltpu.async_copy(
                    rows[b],
                    out_hbm.at[
                        wid * SPW + _q * TPH + t, pl.ds(b * CH, CH)
                    ],
                    osem[b],
                )

                nxt = i + LOOKAHEAD
                b2 = (b + LOOKAHEAD) % NBUF

                @pl.when(jnp.logical_and(nxt >= NBUF, nxt < CPH))
                def _drain(_b2=b2):
                    pltpu.make_async_copy(
                        rows[_b2], out_hbm.at[0, pl.ds(0, CH)], osem[_b2]
                    ).wait()

                @pl.when(nxt < CPH)
                def _prefetch(_b2=b2, _nxt=nxt):
                    pltpu.async_copy(
                        w_hbm.at[idx_v.at[_nxt]], rows[_b2], gsem[_b2]
                    )

            return carry

        lax.fori_loop(0, TPH, step, 0)
        for b in range(NBUF):
            pltpu.make_async_copy(
                rows[b], out_hbm.at[0, pl.ds(0, CH)], osem[b]
            ).wait()


def kernel(x, W):
    pos = _pos_call()
    x2 = x.astype(jnp.int32).reshape(NB, CH)
    return _sc_embed(x2, W, pos)

# --- scband reference (transcript-rebuilt; emitter-appended) ---
"""Pipeline reference for scband-positional-embedding-28432683500030 (READ-ONLY COPY).

The authoritative reference and input builder live on the scoring server;
editing this copy changes nothing except your own understanding.
"""

import jax, jax.numpy as jnp
import numpy as np
import math

VOCAB = 100000
EMBED_DIM = 128
BATCH = 4096
SEQ_LEN = 200


def setup_inputs(seed: int = 0) -> dict:
    key = jax.random.key(seed)
    k1, k2 = jax.random.split(key)
    x = jax.random.randint(k1, (BATCH, SEQ_LEN), 0, VOCAB, dtype=jnp.int64 if jax.config.jax_enable_x64 else jnp.int32)
    W = jax.random.normal(k2, (VOCAB, EMBED_DIM), dtype=jnp.float32) * 0.02
    return {"x": x, "W": W}


def reference(x, W):
    # embedding lookup (nn.Embed)
    emb = jnp.take(W, x, axis=0)  # [B, L, D]
    L = x.shape[1]
    d = W.shape[1]
    # sinusoidal positional embedding, faithful to original module
    position = jnp.arange(0, L, dtype=jnp.float32)
    div_term = jnp.exp(jnp.arange(0, d, 2).astype(jnp.float32) * (-math.log(10000.0) / d))
    pos_embed = jnp.zeros((L, d), dtype=jnp.float32)
    pos_embed = pos_embed.at[:, 0::2].set(jnp.sin(jnp.einsum('a,b -> ab', position, div_term)))
    pos_embed = pos_embed.at[:, 1::2].set(jnp.cos(jnp.einsum('a,b -> ab', position, div_term)))
    # dropout deterministic (train=False) -> identity
    return emb + pos_embed[None, :, :]

if __name__ == "__main__":
    import jax
    _d = setup_inputs()
    print(jax.jit(kernel)(*tuple(_d.values())))

</pallas_src>

<mosaic_0001>
#map = affine_map<(d0, d1) -> (0, 0)>
#map1 = affine_map<(d0, d1) -> (0, 0, 0)>
module attributes {stable_mosaic.version = 14 : i64} {
  func.func @_sc_embed(%arg0: i32, %arg1: i32, %arg2: memref<20480x40xi32, #tpu.memory_space<hbm>>, %arg3: memref<100000x128xf32, #tpu.memory_space<hbm>>, %arg4: memref<200x128xf32, #tpu.memory_space<hbm>>, %arg5: memref<4096x200x128xf32, #tpu.memory_space<hbm>>, %arg6: memref<320x40xi32, #tpu.memory_space<vmem>>, %arg7: memref<40x128xf32, #tpu.memory_space<vmem>>, %arg8: memref<40x128xf32, #tpu.memory_space<vmem>>, %arg9: memref<40x128xf32, #tpu.memory_space<vmem>>, %arg10: memref<40x128xf32, #tpu.memory_space<vmem>>, %arg11: memref<40x128xf32, #tpu.memory_space<vmem>>, %arg12: memref<200x128xf32, #tpu.memory_space<vmem>>, %arg13: memref<!tpu.dma_semaphore, #tpu.memory_space<semaphore_mem>>, %arg14: memref<!tpu.dma_semaphore, #tpu.memory_space<semaphore_mem>>, %arg15: memref<!tpu.dma_semaphore, #tpu.memory_space<semaphore_mem>>, %arg16: memref<!tpu.dma_semaphore, #tpu.memory_space<semaphore_mem>>, %arg17: memref<!tpu.dma_semaphore, #tpu.memory_space<semaphore_mem>>, %arg18: memref<!tpu.dma_semaphore, #tpu.memory_space<semaphore_mem>>, %arg19: memref<!tpu.dma_semaphore, #tpu.memory_space<semaphore_mem>>, %arg20: memref<!tpu.dma_semaphore, #tpu.memory_space<semaphore_mem>>, %arg21: memref<!tpu.dma_semaphore, #tpu.memory_space<semaphore_mem>>, %arg22: memref<!tpu.dma_semaphore, #tpu.memory_space<semaphore_mem>>) attributes {dimension_semantics = [#tpu.dimension_semantics<core_parallel>, #tpu.dimension_semantics<subcore_parallel>], iteration_bounds = array<i64: 2, 16>, scalar_prefetch = 0 : i64, scratch_operands = 17 : i64, tpu.core_type = #tpu.core_type<sc_vector_subcore>, window_params = [{transform_indices = #map}, {transform_indices = #map}, {transform_indices = #map}, {transform_indices = #map1}]} {
    %mul3A = arith.constant 2 : i32
    %mul3A_0 = arith.muli %arg1, %mul3A : i32
    %add3A = arith.addi %mul3A_0, %arg0 : i32
    %mul3A_1 = arith.constant 640 : i32
    %mul3A_2 = arith.muli %add3A, %mul3A_1 : i32
    "tpu.region"() ({
      %run_scoped3A = tpu.sem_alloc : memref<!tpu.dma_semaphore, #tpu.memory_space<semaphore_mem>>
      tpu.enqueue_dma source(%arg4 : memref<200x128xf32, #tpu.memory_space<hbm>>) target(%arg12 : memref<200x128xf32, #tpu.memory_space<vmem>>) target_semaphore(%run_scoped3A : memref<!tpu.dma_semaphore, #tpu.memory_space<semaphore_mem>>)
      tpu.wait_dma2 semaphore(%run_scoped3A : memref<!tpu.dma_semaphore, #tpu.memory_space<semaphore_mem>>) src(%arg4 : memref<200x128xf32, #tpu.memory_space<hbm>>) dst(%arg12 : memref<200x128xf32, #tpu.memory_space<vmem>>)
      tpu.yield
    }) : () -> ()
    %add3A_3 = arith.constant 0 : i32
    %add3A_4 = arith.addi %mul3A_2, %add3A_3 : i32
    "tpu.region"() ({
      %run_scoped3A = tpu.sem_alloc : memref<!tpu.dma_semaphore, #tpu.memory_space<semaphore_mem>>
      %dma_start3A_134 = arith.constant 0 : i32
      %dma_start3A_135 = tpu.memref_slice %arg2[%add3A_4, %dma_start3A_134] : memref<20480x40xi32, #tpu.memory_space<hbm>> -> memref<320x40xi32, #tpu.memory_space<hbm>>
      %dma_start3A_136 = arith.constant 0 : i32
      %dma_start3A_137 = tpu.memref_slice %arg2[%add3A_4, %dma_start3A_136] : memref<20480x40xi32, #tpu.memory_space<hbm>> -> memref<320x40xi32, #tpu.memory_space<hbm>>
      tpu.enqueue_dma source(%dma_start3A_137 : memref<320x40xi32, #tpu.memory_space<hbm>>) target(%arg6 : memref<320x40xi32, #tpu.memory_space<vmem>>) target_semaphore(%run_scoped3A : memref<!tpu.dma_semaphore, #tpu.memory_space<semaphore_mem>>)
      %dma_wait3A_138 = arith.constant 0 : i32
      %dma_wait3A_139 = tpu.memref_slice %arg2[%add3A_4, %dma_wait3A_138] : memref<20480x40xi32, #tpu.memory_space<hbm>> -> memref<320x40xi32, #tpu.memory_space<hbm>>
      %dma_wait3A_140 = arith.constant 0 : i32
      %dma_wait3A_141 = tpu.memref_slice %arg2[%add3A_4, %dma_wait3A_140] : memref<20480x40xi32, #tpu.memory_space<hbm>> -> memref<320x40xi32, #tpu.memory_space<hbm>>
      tpu.wait_dma2 semaphore(%run_scoped3A : memref<!tpu.dma_semaphore, #tpu.memory_space<semaphore_mem>>) src(%dma_wait3A_141 : memref<320x40xi32, #tpu.memory_space<hbm>>) dst(%arg6 : memref<320x40xi32, #tpu.memory_space<vmem>>)
      tpu.yield
    }) : () -> ()
    %dma_start3A = arith.constant 0 : i32
    %dma_start3A_5 = arith.constant 0 : i32
    %dma_start3A_6 = tpu.memref_slice %arg6[%dma_start3A, %dma_start3A_5] : memref<320x40xi32, #tpu.memory_space<vmem>> -> memref<1x40xi32, #tpu.memory_space<vmem>>
    %dma_start3A_7 = tpu.memref_squeeze %dma_start3A_6 : memref<1x40xi32, #tpu.memory_space<vmem>> -> memref<40xi32, #tpu.memory_space<vmem>>
    %dma_start3A_8 = arith.constant 0 : i32
    %dma_start3A_9 = arith.constant 0 : i32
    %dma_start3A_10 = tpu.memref_slice %arg3[%dma_start3A_8, %dma_start3A_9] : memref<100000x128xf32, #tpu.memory_space<hbm>> -> memref<100000x128xf32, #tpu.memory_space<hbm>>
    tpu.enqueue_indirect_dma source(%dma_start3A_10 : memref<100000x128xf32, #tpu.memory_space<hbm>>) target(%arg7 : memref<40x128xf32, #tpu.memory_space<vmem>>) offsets(%dma_start3A_7 : memref<40xi32, #tpu.memory_space<vmem>>) semaphore(%arg13 : memref<!tpu.dma_semaphore, #tpu.memory_space<semaphore_mem>>)
    %dma_start3A_11 = arith.constant 1 : i32
    %dma_start3A_12 = arith.constant 0 : i32
    %dma_start3A_13 = tpu.memref_slice %arg6[%dma_start3A_11, %dma_start3A_12] : memref<320x40xi32, #tpu.memory_space<vmem>> -> memref<1x40xi32, #tpu.memory_space<vmem>>
    %dma_start3A_14 = tpu.memref_squeeze %dma_start3A_13 : memref<1x40xi32, #tpu.memory_space<vmem>> -> memref<40xi32, #tpu.memory_space<vmem>>
    %dma_start3A_15 = arith.constant 0 : i32
    %dma_start3A_16 = arith.constant 0 : i32
    %dma_start3A_17 = tpu.memref_slice %arg3[%dma_start3A_15, %dma_start3A_16] : memref<100000x128xf32, #tpu.memory_space<hbm>> -> memref<100000x128xf32, #tpu.memory_space<hbm>>
    tpu.enqueue_indirect_dma source(%dma_start3A_17 : memref<100000x128xf32, #tpu.memory_space<hbm>>) target(%arg8 : memref<40x128xf32, #tpu.memory_space<vmem>>) offsets(%dma_start3A_14 : memref<40xi32, #tpu.memory_space<vmem>>) semaphore(%arg14 : memref<!tpu.dma_semaphore, #tpu.memory_space<semaphore_mem>>)
    %scan3A = arith.constant 0 : i32
    %scan3A_18 = arith.constant 0 : i32
    %scan3A_19 = arith.constant 64 : i32
    %scan3A_20 = arith.addi %scan3A_18, %scan3A_19 : i32
    %scan3A_21 = arith.constant 1 : i32
    scf.for %scan3A_134 = %scan3A_18 to %scan3A_20 step %scan3A_21  : i32 {
      %mul3A_135 = arith.constant 5 : i32
      %mul3A_136 = arith.muli %scan3A_134, %mul3A_135 : i32
      %add3A_137 = arith.constant 0 : i32
      %add3A_138 = arith.addi %mul3A_136, %add3A_137 : i32
      %dma_wait3A_139 = arith.constant 0 : i32
      %dma_wait3A_140 = tpu.memref_slice %arg6[%add3A_138, %dma_wait3A_139] : memref<320x40xi32, #tpu.memory_space<vmem>> -> memref<1x40xi32, #tpu.memory_space<vmem>>
      %dma_wait3A_141 = tpu.memref_squeeze %dma_wait3A_140 : memref<1x40xi32, #tpu.memory_space<vmem>> -> memref<40xi32, #tpu.memory_space<vmem>>
      %dma_wait3A_142 = arith.constant 0 : i32
      %dma_wait3A_143 = arith.constant 0 : i32
      %dma_wait3A_144 = tpu.memref_slice %arg3[%dma_wait3A_142, %dma_wait3A_143] : memref<100000x128xf32, #tpu.memory_space<hbm>> -> memref<100000x128xf32, #tpu.memory_space<hbm>>
      tpu.wait_indirect_dma semaphore(%arg13 : memref<!tpu.dma_semaphore, #tpu.memory_space<semaphore_mem>>) src(%dma_wait3A_144 : memref<100000x128xf32, #tpu.memory_space<hbm>>) dst(%arg7 : memref<40x128xf32, #tpu.memory_space<vmem>>)
      %scan3A_145 = arith.constant 0 : i32
      %scan3A_146 = arith.constant 0 : i32
      %scan3A_147 = arith.constant 20 : i32
      %scan3A_148 = arith.addi %scan3A_146, %scan3A_147 : i32
      %scan3A_149 = arith.constant 1 : i32
      scf.for %scan3A_350 = %scan3A_146 to %scan3A_148 step %scan3A_149  : i32 {
        %mul3A_351 = arith.constant 2 : i32
        %mul3A_352 = arith.muli %mul3A_351, %scan3A_350 : i32
        %add3A_353 = arith.constant 0 : i32
        %add3A_354 = arith.addi %mul3A_352, %add3A_353 : i32
        %mul3A_355 = arith.constant 2 : i32
        %mul3A_356 = arith.muli %mul3A_355, %scan3A_350 : i32
        %add3A_357 = arith.constant 0 : i32
        %add3A_358 = arith.addi %add3A_357, %mul3A_356 : i32
        %add3A_359 = arith.constant 0 : i32
        %add3A_360 = arith.addi %add3A_358, %add3A_359 : i32
        %get3A = arith.index_cast %add3A_360 : i32 to index
        %get3A_361 = arith.constant 0 : index
        %get3A_362 = tpu.vector_load %arg12[%get3A, %get3A_361] {strides = array<i32>} : memref<200x128xf32, #tpu.memory_space<vmem>>, vector<1x16xf32>,
        %get3A_363 = vector.shape_cast %get3A_362 : vector<1x16xf32> to vector<16xf32>
        %swap3A = arith.index_cast %add3A_354 : i32 to index
        %swap3A_364 = arith.constant 0 : index
        %swap3A_365 = tpu.vector_load %arg7[%swap3A, %swap3A_364] {strides = array<i32>} : memref<40x128xf32, #tpu.memory_space<vmem>>, vector<1x16xf32>,
        %swap3A_366 = vector.shape_cast %swap3A_365 : vector<1x16xf32> to vector<16xf32>
        %swap3A_367 = vector.shape_cast %get3A_363 : vector<16xf32> to vector<1x16xf32>
        tpu.vector_store %arg7[%swap3A, %swap3A_364], %swap3A_367 {add = true, strides = array<i32>} : memref<40x128xf32, #tpu.memory_space<vmem>>, vector<1x16xf32>,
        %mul3A_368 = arith.constant 2 : i32
        %mul3A_369 = arith.muli %mul3A_368, %scan3A_350 : i32
        %add3A_370 = arith.constant 0 : i32
        %add3A_371 = arith.addi %mul3A_369, %add3A_370 : i32
        %mul3A_372 = arith.constant 2 : i32
        %mul3A_373 = arith.muli %mul3A_372, %scan3A_350 : i32
        %add3A_374 = arith.constant 0 : i32
        %add3A_375 = arith.addi %add3A_374, %mul3A_373 : i32
        %add3A_376 = arith.constant 0 : i32
        %add3A_377 = arith.addi %add3A_375, %add3A_376 : i32
        %get3A_378 = arith.index_cast %add3A_377 : i32 to index
        %get3A_379 = arith.constant 16 : index
        %get3A_380 = tpu.vector_load %arg12[%get3A_378, %get3A_379] {strides = array<i32>} : memref<200x128xf32, #tpu.memory_space<vmem>>, vector<1x16xf32>,
        %get3A_381 = vector.shape_cast %get3A_380 : vector<1x16xf32> to vector<16xf32>
        %swap3A_382 = arith.index_cast %add3A_371 : i32 to index
        %swap3A_383 = arith.constant 16 : index
        %swap3A_384 = tpu.vector_load %arg7[%swap3A_382, %swap3A_383] {strides = array<i32>} : memref<40x128xf32, #tpu.memory_space<vmem>>, vector<1x16xf32>,
        %swap3A_385 = vector.shape_cast %swap3A_384 : vector<1x16xf32> to vector<16xf32>
        %swap3A_386 = vector.shape_cast %get3A_381 : vector<16xf32> to vector<1x16xf32>
        tpu.vector_store %arg7[%swap3A_382, %swap3A_383], %swap3A_386 {add = true, strides = array<i32>} : memref<40x128xf32, #tpu.memory_space<vmem>>, vector<1x16xf32>,
        %mul3A_387 = arith.constant 2 : i32
        %mul3A_388 = arith.muli %mul3A_387, %scan3A_350 : i32
        %add3A_389 = arith.constant 0 : i32
        %add3A_390 = arith.addi %mul3A_388, %add3A_389 : i32
        %mul3A_391 = arith.constant 2 : i32
        %mul3A_392 = arith.muli %mul3A_391, %scan3A_350 : i32
        %add3A_393 = arith.constant 0 : i32
        %add3A_394 = arith.addi %add3A_393, %mul3A_392 : i32
        %add3A_395 = arith.constant 0 : i32
        %add3A_396 = arith.addi %add3A_394, %add3A_395 : i32
        %get3A_397 = arith.index_cast %add3A_396 : i32 to index
        %get3A_398 = arith.constant 32 : index
        %get3A_399 = tpu.vector_load %arg12[%get3A_397, %get3A_398] {strides = array<i32>} : memref<200x128xf32, #tpu.memory_space<vmem>>, vector<1x16xf32>,
        %get3A_400 = vector.shape_cast %get3A_399 : vector<1x16xf32> to vector<16xf32>
        %swap3A_401 = arith.index_cast %add3A_390 : i32 to index
        %swap3A_402 = arith.constant 32 : index
        %swap3A_403 = tpu.vector_load %arg7[%swap3A_401, %swap3A_402] {strides = array<i32>} : memref<40x128xf32, #tpu.memory_space<vmem>>, vector<1x16xf32>,
        %swap3A_404 = vector.shape_cast %swap3A_403 : vector<1x16xf32> to vector<16xf32>
        %swap3A_405 = vector.shape_cast %get3A_400 : vector<16xf32> to vector<1x16xf32>
        tpu.vector_store %arg7[%swap3A_401, %swap3A_402], %swap3A_405 {add = true, strides = array<i32>} : memref<40x128xf32, #tpu.memory_space<vmem>>, vector<1x16xf32>,
        %mul3A_406 = arith.constant 2 : i32
        %mul3A_407 = arith.muli %mul3A_406, %scan3A_350 : i32
        %add3A_408 = arith.constant 0 : i32
        %add3A_409 = arith.addi %mul3A_407, %add3A_408 : i32
        %mul3A_410 = arith.constant 2 : i32
        %mul3A_411 = arith.muli %mul3A_410, %scan3A_350 : i32
        %add3A_412 = arith.constant 0 : i32
        %add3A_413 = arith.addi %add3A_412, %mul3A_411 : i32
        %add3A_414 = arith.constant 0 : i32
        %add3A_415 = arith.addi %add3A_413, %add3A_414 : i32
        %get3A_416 = arith.index_cast %add3A_415 : i32 to index
        %get3A_417 = arith.constant 48 : index
        %get3A_418 = tpu.vector_load %arg12[%get3A_416, %get3A_417] {strides = array<i32>} : memref<200x128xf32, #tpu.memory_space<vmem>>, vector<1x16xf32>,
        %get3A_419 = vector.shape_cast %get3A_418 : vector<1x16xf32> to vector<16xf32>
        %swap3A_420 = arith.index_cast %add3A_409 : i32 to index
        %swap3A_421 = arith.constant 48 : index
        %swap3A_422 = tpu.vector_load %arg7[%swap3A_420, %swap3A_421] {strides = array<i32>} : memref<40x128xf32, #tpu.memory_space<vmem>>, vector<1x16xf32>,
        %swap3A_423 = vector.shape_cast %swap3A_422 : vector<1x16xf32> to vector<16xf32>
        %swap3A_424 = vector.shape_cast %get3A_419 : vector<16xf32> to vector<1x16xf32>
        tpu.vector_store %arg7[%swap3A_420, %swap3A_421], %swap3A_424 {add = true, strides = array<i32>} : memref<40x128xf32, #tpu.memory_space<vmem>>, vector<1x16xf32>,
        %mul3A_425 = arith.constant 2 : i32
        %mul3A_426 = arith.muli %mul3A_425, %scan3A_350 : i32
        %add3A_427 = arith.constant 0 : i32
        %add3A_428 = arith.addi %mul3A_426, %add3A_427 : i32
        %mul3A_429 = arith.constant 2 : i32
        %mul3A_430 = arith.muli %mul3A_429, %scan3A_350 : i32
        %add3A_431 = arith.constant 0 : i32
        %add3A_432 = arith.addi %add3A_431, %mul3A_430 : i32
        %add3A_433 = arith.constant 0 : i32
        %add3A_434 = arith.addi %add3A_432, %add3A_433 : i32
        %get3A_435 = arith.index_cast %add3A_434 : i32 to index
        %get3A_436 = arith.constant 64 : index
        %get3A_437 = tpu.vector_load %arg12[%get3A_435, %get3A_436] {strides = array<i32>} : memref<200x128xf32, #tpu.memory_space<vmem>>, vector<1x16xf32>,
        %get3A_438 = vector.shape_cast %get3A_437 : vector<1x16xf32> to vector<16xf32>
        %swap3A_439 = arith.index_cast %add3A_428 : i32 to index
        %swap3A_440 = arith.constant 64 : index
        %swap3A_441 = tpu.vector_load %arg7[%swap3A_439, %swap3A_440] {strides = array<i32>} : memref<40x128xf32, #tpu.memory_space<vmem>>, vector<1x16xf32>,
        %swap3A_442 = vector.shape_cast %swap3A_441 : vector<1x16xf32> to vector<16xf32>
        %swap3A_443 = vector.shape_cast %get3A_438 : vector<16xf32> to vector<1x16xf32>
        tpu.vector_store %arg7[%swap3A_439, %swap3A_440], %swap3A_443 {add = true, strides = array<i32>} : memref<40x128xf32, #tpu.memory_space<vmem>>, vector<1x16xf32>,
        %mul3A_444 = arith.constant 2 : i32
        %mul3A_445 = arith.muli %mul3A_444, %scan3A_350 : i32
        %add3A_446 = arith.constant 0 : i32
        %add3A_447 = arith.addi %mul3A_445, %add3A_446 : i32
        %mul3A_448 = arith.constant 2 : i32
        %mul3A_449 = arith.muli %mul3A_448, %scan3A_350 : i32
        %add3A_450 = arith.constant 0 : i32
        %add3A_451 = arith.addi %add3A_450, %mul3A_449 : i32
        %add3A_452 = arith.constant 0 : i32
        %add3A_453 = arith.addi %add3A_451, %add3A_452 : i32
        %get3A_454 = arith.index_cast %add3A_453 : i32 to index
        %get3A_455 = arith.constant 80 : index
        %get3A_456 = tpu.vector_load %arg12[%get3A_454, %get3A_455] {strides = array<i32>} : memref<200x128xf32, #tpu.memory_space<vmem>>, vector<1x16xf32>,
        %get3A_457 = vector.shape_cast %get3A_456 : vector<1x16xf32> to vector<16xf32>
        %swap3A_458 = arith.index_cast %add3A_447 : i32 to index
        %swap3A_459 = arith.constant 80 : index
        %swap3A_460 = tpu.vector_load %arg7[%swap3A_458, %swap3A_459] {strides = array<i32>} : memref<40x128xf32, #tpu.memory_space<vmem>>, vector<1x16xf32>,
        %swap3A_461 = vector.shape_cast %swap3A_460 : vector<1x16xf32> to vector<16xf32>
        %swap3A_462 = vector.shape_cast %get3A_457 : vector<16xf32> to vector<1x16xf32>
        tpu.vector_store %arg7[%swap3A_458, %swap3A_459], %swap3A_462 {add = true, strides = array<i32>} : memref<40x128xf32, #tpu.memory_space<vmem>>, vector<1x16xf32>,
        %mul3A_463 = arith.constant 2 : i32
        %mul3A_464 = arith.muli %mul3A_463, %scan3A_350 : i32
        %add3A_465 = arith.constant 0 : i32
        %add3A_466 = arith.addi %mul3A_464, %add3A_465 : i32
        %mul3A_467 = arith.constant 2 : i32
        %mul3A_468 = arith.muli %mul3A_467, %scan3A_350 : i32
        %add3A_469 = arith.constant 0 : i32
        %add3A_470 = arith.addi %add3A_469, %mul3A_468 : i32
        %add3A_471 = arith.constant 0 : i32
        %add3A_472 = arith.addi %add3A_470, %add3A_471 : i32
        %get3A_473 = arith.index_cast %add3A_472 : i32 to index
        %get3A_474 = arith.constant 96 : index
        %get3A_475 = tpu.vector_load %arg12[%get3A_473, %get3A_474] {strides = array<i32>} : memref<200x128xf32, #tpu.memory_space<vmem>>, vector<1x16xf32>,
        %get3A_476 = vector.shape_cast %get3A_475 : vector<1x16xf32> to vector<16xf32>
        %swap3A_477 = arith.index_cast %add3A_466 : i32 to index
        %swap3A_478 = arith.constant 96 : index
        %swap3A_479 = tpu.vector_load %arg7[%swap3A_477, %swap3A_478] {strides = array<i32>} : memref<40x128xf32, #tpu.memory_space<vmem>>, vector<1x16xf32>,
        %swap3A_480 = vector.shape_cast %swap3A_479 : vector<1x16xf32> to vector<16xf32>
        %swap3A_481 = vector.shape_cast %get3A_476 : vector<16xf32> to vector<1x16xf32>
        tpu.vector_store %arg7[%swap3A_477, %swap3A_478], %swap3A_481 {add = true, strides = array<i32>} : memref<40x128xf32, #tpu.memory_space<vmem>>, vector<1x16xf32>,
        %mul3A_482 = arith.constant 2 : i32
        %mul3A_483 = arith.muli %mul3A_482, %scan3A_350 : i32
        %add3A_484 = arith.constant 0 : i32
        %add3A_485 = arith.addi %mul3A_483, %add3A_484 : i32
        %mul3A_486 = arith.constant 2 : i32
        %mul3A_487 = arith.muli %mul3A_486, %scan3A_350 : i32
        %add3A_488 = arith.constant 0 : i32
        %add3A_489 = arith.addi %add3A_488, %mul3A_487 : i32
        %add3A_490 = arith.constant 0 : i32
        %add3A_491 = arith.addi %add3A_489, %add3A_490 : i32
        %get3A_492 = arith.index_cast %add3A_491 : i32 to index
        %get3A_493 = arith.constant 112 : index
        %get3A_494 = tpu.vector_load %arg12[%get3A_492, %get3A_493] {strides = array<i32>} : memref<200x128xf32, #tpu.memory_space<vmem>>, vector<1x16xf32>,
        %get3A_495 = vector.shape_cast %get3A_494 : vector<1x16xf32> to vector<16xf32>
        %swap3A_496 = arith.index_cast %add3A_485 : i32 to index
        %swap3A_497 = arith.constant 112 : index
        %swap3A_498 = tpu.vector_load %arg7[%swap3A_496, %swap3A_497] {strides = array<i32>} : memref<40x128xf32, #tpu.memory_space<vmem>>, vector<1x16xf32>,
        %swap3A_499 = vector.shape_cast %swap3A_498 : vector<1x16xf32> to vector<16xf32>
        %swap3A_500 = vector.shape_cast %get3A_495 : vector<16xf32> to vector<1x16xf32>
        tpu.vector_store %arg7[%swap3A_496, %swap3A_497], %swap3A_500 {add = true, strides = array<i32>} : memref<40x128xf32, #tpu.memory_space<vmem>>, vector<1x16xf32>,
        %mul3A_501 = arith.constant 2 : i32
        %mul3A_502 = arith.muli %mul3A_501, %scan3A_350 : i32
        %add3A_503 = arith.constant 1 : i32
        %add3A_504 = arith.addi %mul3A_502, %add3A_503 : i32
        %mul3A_505 = arith.constant 2 : i32
        %mul3A_506 = arith.muli %mul3A_505, %scan3A_350 : i32
        %add3A_507 = arith.constant 0 : i32
        %add3A_508 = arith.addi %add3A_507, %mul3A_506 : i32
        %add3A_509 = arith.constant 1 : i32
        %add3A_510 = arith.addi %add3A_508, %add3A_509 : i32
        %get3A_511 = arith.index_cast %add3A_510 : i32 to index
        %get3A_512 = arith.constant 0 : index
        %get3A_513 = tpu.vector_load %arg12[%get3A_511, %get3A_512] {strides = array<i32>} : memref<200x128xf32, #tpu.memory_space<vmem>>, vector<1x16xf32>,
        %get3A_514 = vector.shape_cast %get3A_513 : vector<1x16xf32> to vector<16xf32>
        %swap3A_515 = arith.index_cast %add3A_504 : i32 to index
        %swap3A_516 = arith.constant 0 : index
        %swap3A_517 = tpu.vector_load %arg7[%swap3A_515, %swap3A_516] {strides = array<i32>} : memref<40x128xf32, #tpu.memory_space<vmem>>, vector<1x16xf32>,
        %swap3A_518 = vector.shape_cast %swap3A_517 : vector<1x16xf32> to vector<16xf32>
        %swap3A_519 = vector.shape_cast %get3A_514 : vector<16xf32> to vector<1x16xf32>
        tpu.vector_store %arg7[%swap3A_515, %swap3A_516], %swap3A_519 {add = true, strides = array<i32>} : memref<40x128xf32, #tpu.memory_space<vmem>>, vector<1x16xf32>,
        %mul3A_520 = arith.constant 2 : i32
        %mul3A_521 = arith.muli %mul3A_520, %scan3A_350 : i32
        %add3A_522 = arith.constant 1 : i32
        %add3A_523 = arith.addi %mul3A_521, %add3A_522 : i32
        %mul3A_524 = arith.constant 2 : i32
        %mul3A_525 = arith.muli %mul3A_524, %scan3A_350 : i32
        %add3A_526 = arith.constant 0 : i32
        %add3A_527 = arith.addi %add3A_526, %mul3A_525 : i32
        %add3A_528 = arith.constant 1 : i32
        %add3A_529 = arith.addi %add3A_527, %add3A_528 : i32
        %get3A_530 = arith.index_cast %add3A_529 : i32 to index
        %get3A_531 = arith.constant 16 : index
        %get3A_532 = tpu.vector_load %arg12[%get3A_530, %get3A_531] {strides = array<i32>} : memref<200x128xf32, #tpu.memory_space<vmem>>, vector<1x16xf32>,
        %get3A_533 = vector.shape_cast %get3A_532 : vector<1x16xf32> to vector<16xf32>
        %swap3A_534 = arith.index_cast %add3A_523 : i32 to index
        %swap3A_535 = arith.constant 16 : index
        %swap3A_536 = tpu.vector_load %arg7[%swap3A_534, %swap3A_535] {strides = array<i32>} : memref<40x128xf32, #tpu.memory_space<vmem>>, vector<1x16xf32>,
        %swap3A_537 = vector.shape_cast %swap3A_536 : vector<1x16xf32> to vector<16xf32>
        %swap3A_538 = vector.shape_cast %get3A_533 : vector<16xf32> to vector<1x16xf32>
        tpu.vector_store %arg7[%swap3A_534, %swap3A_535], %swap3A_538 {add = true, strides = array<i32>} : memref<40x128xf32, #tpu.memory_space<vmem>>, vector<1x16xf32>,
        %mul3A_539 = arith.constant 2 : i32
        %mul3A_540 = arith.muli %mul3A_539, %scan3A_350 : i32
        %add3A_541 = arith.constant 1 : i32
        %add3A_542 = arith.addi %mul3A_540, %add3A_541 : i32
        %mul3A_543 = arith.constant 2 : i32
        %mul3A_544 = arith.muli %mul3A_543, %scan3A_350 : i32
        %add3A_545 = arith.constant 0 : i32
        %add3A_546 = arith.addi %add3A_545, %mul3A_544 : i32
        %add3A_547 = arith.constant 1 : i32
        %add3A_548 = arith.addi %add3A_546, %add3A_547 : i32
        %get3A_549 = arith.index_cast %add3A_548 : i32 to index
        %get3A_550 = arith.constant 32 : index
        %get3A_551 = tpu.vector_load %arg12[%get3A_549, %get3A_550] {strides = array<i32>} : memref<200x128xf32, #tpu.memory_space<vmem>>, vector<1x16xf32>,
        %get3A_552 = vector.shape_cast %get3A_551 : vector<1x16xf32> to vector<16xf32>
        %swap3A_553 = arith.index_cast %add3A_542 : i32 to index
        %swap3A_554 = arith.constant 32 : index
        %swap3A_555 = tpu.vector_load %arg7[%swap3A_553, %swap3A_554] {strides = array<i32>} : memref<40x128xf32, #tpu.memory_space<vmem>>, vector<1x16xf32>,
        %swap3A_556 = vector.shape_cast %swap3A_555 : vector<1x16xf32> to vector<16xf32>
        %swap3A_557 = vector.shape_cast %get3A_552 : vector<16xf32> to vector<1x16xf32>
        tpu.vector_store %arg7[%swap3A_553, %swap3A_554], %swap3A_557 {add = true, strides = array<i32>} : memref<40x128xf32, #tpu.memory_space<vmem>>, vector<1x16xf32>,
        %mul3A_558 = arith.constant 2 : i32
        %mul3A_559 = arith.muli %mul3A_558, %scan3A_350 : i32
        %add3A_560 = arith.constant 1 : i32
        %add3A_561 = arith.addi %mul3A_559, %add3A_560 : i32
        %mul3A_562 = arith.constant 2 : i32
        %mul3A_563 = arith.muli %mul3A_562, %scan3A_350 : i32
        %add3A_564 = arith.constant 0 : i32
        %add3A_565 = arith.addi %add3A_564, %mul3A_563 : i32
        %add3A_566 = arith.constant 1 : i32
        %add3A_567 = arith.addi %add3A_565, %add3A_566 : i32
        %get3A_568 = arith.index_cast %add3A_567 : i32 to index
        %get3A_569 = arith.constant 48 : index
        %get3A_570 = tpu.vector_load %arg12[%get3A_568, %get3A_569] {strides = array<i32>} : memref<200x128xf32, #tpu.memory_space<vmem>>, vector<1x16xf32>,
        %get3A_571 = vector.shape_cast %get3A_570 : vector<1x16xf32> to vector<16xf32>
        %swap3A_572 = arith.index_cast %add3A_561 : i32 to index
        %swap3A_573 = arith.constant 48 : index
        %swap3A_574 = tpu.vector_load %arg7[%swap3A_572, %swap3A_573] {strides = array<i32>} : memref<40x128xf32, #tpu.memory_space<vmem>>, vector<1x16xf32>,
        %swap3A_575 = vector.shape_cast %swap3A_574 : vector<1x16xf32> to vector<16xf32>
        %swap3A_576 = vector.shape_cast %get3A_571 : vector<16xf32> to vector<1x16xf32>
        tpu.vector_store %arg7[%swap3A_572, %swap3A_573], %swap3A_576 {add = true, strides = array<i32>} : memref<40x128xf32, #tpu.memory_space<vmem>>, vector<1x16xf32>,
        %mul3A_577 = arith.constant 2 : i32
        %mul3A_578 = arith.muli %mul3A_577, %scan3A_350 : i32
        %add3A_579 = arith.constant 1 : i32
        %add3A_580 = arith.addi %mul3A_578, %add3A_579 : i32
        %mul3A_581 = arith.constant 2 : i32
        %mul3A_582 = arith.muli %mul3A_581, %scan3A_350 : i32
        %add3A_583 = arith.constant 0 : i32
        %add3A_584 = arith.addi %add3A_583, %mul3A_582 : i32
        %add3A_585 = arith.constant 1 : i32
        %add3A_586 = arith.addi %add3A_584, %add3A_585 : i32
        %get3A_587 = arith.index_cast %add3A_586 : i32 to index
        %get3A_588 = arith.constant 64 : index
        %get3A_589 = tpu.vector_load %arg12[%get3A_587, %get3A_588] {strides = array<i32>} : memref<200x128xf32, #tpu.memory_space<vmem>>, vector<1x16xf32>,
        %get3A_590 = vector.shape_cast %get3A_589 : vector<1x16xf32> to vector<16xf32>
        %swap3A_591 = arith.index_cast %add3A_580 : i32 to index
        %swap3A_592 = arith.constant 64 : index
        %swap3A_593 = tpu.vector_load %arg7[%swap3A_591, %swap3A_592] {strides = array<i32>} : memref<40x128xf32, #tpu.memory_space<vmem>>, vector<1x16xf32>,
        %swap3A_594 = vector.shape_cast %swap3A_593 : vector<1x16xf32> to vector<16xf32>
        %swap3A_595 = vector.shape_cast %get3A_590 : vector<16xf32> to vector<1x16xf32>
        tpu.vector_store %arg7[%swap3A_591, %swap3A_592], %swap3A_595 {add = true, strides = array<i32>} : memref<40x128xf32, #tpu.memory_space<vmem>>, vector<1x16xf32>,
        %mul3A_596 = arith.constant 2 : i32
        %mul3A_597 = arith.muli %mul3A_596, %scan3A_350 : i32
        %add3A_598 = arith.constant 1 : i32
        %add3A_599 = arith.addi %mul3A_597, %add3A_598 : i32
        %mul3A_600 = arith.constant 2 : i32
        %mul3A_601 = arith.muli %mul3A_600, %scan3A_350 : i32
        %add3A_602 = arith.constant 0 : i32
        %add3A_603 = arith.addi %add3A_602, %mul3A_601 : i32
        %add3A_604 = arith.constant 1 : i32
        %add3A_605 = arith.addi %add3A_603, %add3A_604 : i32
        %get3A_606 = arith.index_cast %add3A_605 : i32 to index
        %get3A_607 = arith.constant 80 : index
        %get3A_608 = tpu.vector_load %arg12[%get3A_606, %get3A_607] {strides = array<i32>} : memref<200x128xf32, #tpu.memory_space<vmem>>, vector<1x16xf32>,
        %get3A_609 = vector.shape_cast %get3A_608 : vector<1x16xf32> to vector<16xf32>
        %swap3A_610 = arith.index_cast %add3A_599 : i32 to index
        %swap3A_611 = arith.constant 80 : index
        %swap3A_612 = tpu.vector_load %arg7[%swap3A_610, %swap3A_611] {strides = array<i32>} : memref<40x128xf32, #tpu.memory_space<vmem>>, vector<1x16xf32>,
        %swap3A_613 = vector.shape_cast %swap3A_612 : vector<1x16xf32> to vector<16xf32>
        %swap3A_614 = vector.shape_cast %get3A_609 : vector<16xf32> to vector<1x16xf32>
        tpu.vector_store %arg7[%swap3A_610, %swap3A_611], %swap3A_614 {add = true, strides = array<i32>} : memref<40x128xf32, #tpu.memory_space<vmem>>, vector<1x16xf32>,
        %mul3A_615 = arith.constant 2 : i32
        %mul3A_616 = arith.muli %mul3A_615, %scan3A_350 : i32
        %add3A_617 = arith.constant 1 : i32
        %add3A_618 = arith.addi %mul3A_616, %add3A_617 : i32
        %mul3A_619 = arith.constant 2 : i32
        %mul3A_620 = arith.muli %mul3A_619, %scan3A_350 : i32
        %add3A_621 = arith.constant 0 : i32
        %add3A_622 = arith.addi %add3A_621, %mul3A_620 : i32
        %add3A_623 = arith.constant 1 : i32
        %add3A_624 = arith.addi %add3A_622, %add3A_623 : i32
        %get3A_625 = arith.index_cast %add3A_624 : i32 to index
        %get3A_626 = arith.constant 96 : index
        %get3A_627 = tpu.vector_load %arg12[%get3A_625, %get3A_626] {strides = array<i32>} : memref<200x128xf32, #tpu.memory_space<vmem>>, vector<1x16xf32>,
        %get3A_628 = vector.shape_cast %get3A_627 : vector<1x16xf32> to vector<16xf32>
        %swap3A_629 = arith.index_cast %add3A_618 : i32 to index
        %swap3A_630 = arith.constant 96 : index
        %swap3A_631 = tpu.vector_load %arg7[%swap3A_629, %swap3A_630] {strides = array<i32>} : memref<40x128xf32, #tpu.memory_space<vmem>>, vector<1x16xf32>,
        %swap3A_632 = vector.shape_cast %swap3A_631 : vector<1x16xf32> to vector<16xf32>
        %swap3A_633 = vector.shape_cast %get3A_628 : vector<16xf32> to vector<1x16xf32>
        tpu.vector_store %arg7[%swap3A_629, %swap3A_630], %swap3A_633 {add = true, strides = array<i32>} : memref<40x128xf32, #tpu.memory_space<vmem>>, vector<1x16xf32>,
        %mul3A_634 = arith.constant 2 : i32
        %mul3A_635 = arith.muli %mul3A_634, %scan3A_350 : i32
        %add3A_636 = arith.constant 1 : i32
        %add3A_637 = arith.addi %mul3A_635, %add3A_636 : i32
        %mul3A_638 = arith.constant 2 : i32
        %mul3A_639 = arith.muli %mul3A_638, %scan3A_350 : i32
        %add3A_640 = arith.constant 0 : i32
        %add3A_641 = arith.addi %add3A_640, %mul3A_639 : i32
        %add3A_642 = arith.constant 1 : i32
        %add3A_643 = arith.addi %add3A_641, %add3A_642 : i32
        %get3A_644 = arith.index_cast %add3A_643 : i32 to index
        %get3A_645 = arith.constant 112 : index
        %get3A_646 = tpu.vector_load %arg12[%get3A_644, %get3A_645] {strides = array<i32>} : memref<200x128xf32, #tpu.memory_space<vmem>>, vector<1x16xf32>,
        %get3A_647 = vector.shape_cast %get3A_646 : vector<1x16xf32> to vector<16xf32>
        %swap3A_648 = arith.index_cast %add3A_637 : i32 to index
        %swap3A_649 = arith.constant 112 : index
        %swap3A_650 = tpu.vector_load %arg7[%swap3A_648, %swap3A_649] {strides = array<i32>} : memref<40x128xf32, #tpu.memory_space<vmem>>, vector<1x16xf32>,
        %swap3A_651 = vector.shape_cast %swap3A_650 : vector<1x16xf32> to vector<16xf32>
        %swap3A_652 = vector.shape_cast %get3A_647 : vector<16xf32> to vector<1x16xf32>
        tpu.vector_store %arg7[%swap3A_648, %swap3A_649], %swap3A_652 {add = true, strides = array<i32>} : memref<40x128xf32, #tpu.memory_space<vmem>>, vector<1x16xf32>,
      }
      %scan3A_150 = arith.constant 20 : i32
      %mul3A_151 = arith.constant 128 : i32
      %mul3A_152 = arith.muli %add3A, %mul3A_151 : i32
      %add3A_153 = arith.constant 0 : i32
      %add3A_154 = arith.addi %mul3A_152, %add3A_153 : i32
      %add3A_155 = arith.addi %add3A_154, %scan3A_134 : i32
      %dma_start3A_156 = arith.constant 0 : i32
      %dma_start3A_157 = arith.constant 0 : i32
      %dma_start3A_158 = tpu.memref_slice %arg5[%add3A_155, %dma_start3A_156, %dma_start3A_157] : memref<4096x200x128xf32, #tpu.memory_space<hbm>> -> memref<1x40x128xf32, #tpu.memory_space<hbm>>
      %dma_start3A_159 = tpu.memref_squeeze %dma_start3A_158 : memref<1x40x128xf32, #tpu.memory_space<hbm>> -> memref<40x128xf32, #tpu.memory_space<hbm>>
      %dma_start3A_160 = arith.constant 0 : i32
      %dma_start3A_161 = arith.constant 0 : i32
      %dma_start3A_162 = tpu.memref_slice %arg5[%add3A_155, %dma_start3A_160, %dma_start3A_161] : memref<4096x200x128xf32, #tpu.memory_space<hbm>> -> memref<1x40x128xf32, #tpu.memory_space<hbm>>
      %dma_start3A_163 = tpu.memref_squeeze %dma_start3A_162 : memref<1x40x128xf32, #tpu.memory_space<hbm>> -> memref<40x128xf32, #tpu.memory_space<hbm>>
      tpu.enqueue_dma source(%arg7 : memref<40x128xf32, #tpu.memory_space<vmem>>) target(%dma_start3A_163 : memref<40x128xf32, #tpu.memory_space<hbm>>) target_semaphore(%arg18 : memref<!tpu.dma_semaphore, #tpu.memory_space<semaphore_mem>>)
      %add3A_164 = arith.constant 2 : i32
      %add3A_165 = arith.addi %add3A_138, %add3A_164 : i32
      %ge3A = arith.constant 5 : i32
      %ge3A_166 = arith.cmpi sge, %add3A_165, %ge3A : i32
      %lt3A = arith.constant 320 : i32
      %lt3A_167 = arith.cmpi slt, %add3A_165, %lt3A : i32
      %and3A = arith.andi %ge3A_166, %lt3A_167 : i1
      %convert_element_type3A = arith.extui %and3A : i1 to i32
      %cond3A = arith.constant 0 : i32
      %cond3A_168 = arith.cmpi ne, %convert_element_type3A, %cond3A : i32
      scf.if %cond3A_168 {
        %dma_wait3A_350 = arith.constant 0 : i32
        %dma_wait3A_351 = arith.constant 0 : i32
        %dma_wait3A_352 = arith.constant 0 : i32
        %dma_wait3A_353 = tpu.memref_slice %arg5[%dma_wait3A_350, %dma_wait3A_351, %dma_wait3A_352] : memref<4096x200x128xf32, #tpu.memory_space<hbm>> -> memref<1x40x128xf32, #tpu.memory_space<hbm>>
        %dma_wait3A_354 = tpu.memref_squeeze %dma_wait3A_353 : memref<1x40x128xf32, #tpu.memory_space<hbm>> -> memref<40x128xf32, #tpu.memory_space<hbm>>
        %dma_wait3A_355 = arith.constant 0 : i32
        %dma_wait3A_356 = arith.constant 0 : i32
        %dma_wait3A_357 = tpu.memref_slice %arg5[%dma_wait3A_350, %dma_wait3A_355, %dma_wait3A_356] : memref<4096x200x128xf32, #tpu.memory_space<hbm>> -> memref<1x40x128xf32, #tpu.memory_space<hbm>>
        %dma_wait3A_358 = tpu.memref_squeeze %dma_wait3A_357 : memref<1x40x128xf32, #tpu.memory_space<hbm>> -> memref<40x128xf32, #tpu.memory_space<hbm>>
        tpu.wait_dma2 semaphore(%arg20 : memref<!tpu.dma_semaphore, #tpu.memory_space<semaphore_mem>>) src(%arg9 : memref<40x128xf32, #tpu.memory_space<vmem>>) dst(%dma_wait3A_358 : memref<40x128xf32, #tpu.memory_space<hbm>>)
      } else {
      }
      %lt3A_169 = arith.constant 320 : i32
      %lt3A_170 = arith.cmpi slt, %add3A_165, %lt3A_169 : i32
      %convert_element_type3A_171 = arith.extui %lt3A_170 : i1 to i32
      %cond3A_172 = arith.constant 0 : i32
      %cond3A_173 = arith.cmpi ne, %convert_element_type3A_171, %cond3A_172 : i32
      scf.if %cond3A_173 {
        %dma_start3A_350 = arith.constant 0 : i32
        %dma_start3A_351 = tpu.memref_slice %arg6[%add3A_165, %dma_start3A_350] : memref<320x40xi32, #tpu.memory_space<vmem>> -> memref<1x40xi32, #tpu.memory_space<vmem>>
        %dma_start3A_352 = tpu.memref_squeeze %dma_start3A_351 : memref<1x40xi32, #tpu.memory_space<vmem>> -> memref<40xi32, #tpu.memory_space<vmem>>
        %dma_start3A_353 = arith.constant 0 : i32
        %dma_start3A_354 = arith.constant 0 : i32
        %dma_start3A_355 = tpu.memref_slice %arg3[%dma_start3A_353, %dma_start3A_354] : memref<100000x128xf32, #tpu.memory_space<hbm>> -> memref<100000x128xf32, #tpu.memory_space<hbm>>
        tpu.enqueue_indirect_dma source(%dma_start3A_355 : memref<100000x128xf32, #tpu.memory_space<hbm>>) target(%arg9 : memref<40x128xf32, #tpu.memory_space<vmem>>) offsets(%dma_start3A_352 : memref<40xi32, #tpu.memory_space<vmem>>) semaphore(%arg15 : memref<!tpu.dma_semaphore, #tpu.memory_space<semaphore_mem>>)
      } else {
      }
      %mul3A_174 = arith.constant 5 : i32
      %mul3A_175 = arith.muli %scan3A_134, %mul3A_174 : i32
      %add3A_176 = arith.constant 1 : i32
      %add3A_177 = arith.addi %mul3A_175, %add3A_176 : i32
      %dma_wait3A_178 = arith.constant 0 : i32
      %dma_wait3A_179 = tpu.memref_slice %arg6[%add3A_177, %dma_wait3A_178] : memref<320x40xi32, #tpu.memory_space<vmem>> -> memref<1x40xi32, #tpu.memory_space<vmem>>
      %dma_wait3A_180 = tpu.memref_squeeze %dma_wait3A_179 : memref<1x40xi32, #tpu.memory_space<vmem>> -> memref<40xi32, #tpu.memory_space<vmem>>
      %dma_wait3A_181 = arith.constant 0 : i32
      %dma_wait3A_182 = arith.constant 0 : i32
      %dma_wait3A_183 = tpu.memref_slice %arg3[%dma_wait3A_181, %dma_wait3A_182] : memref<100000x128xf32, #tpu.memory_space<hbm>> -> memref<100000x128xf32, #tpu.memory_space<hbm>>
      tpu.wait_indirect_dma semaphore(%arg14 : memref<!tpu.dma_semaphore, #tpu.memory_space<semaphore_mem>>) src(%dma_wait3A_183 : memref<100000x128xf32, #tpu.memory_space<hbm>>) dst(%arg8 : memref<40x128xf32, #tpu.memory_space<vmem>>)
      %scan3A_184 = arith.constant 0 : i32
      %scan3A_185 = arith.constant 0 : i32
      %scan3A_186 = arith.constant 20 : i32
      %scan3A_187 = arith.addi %scan3A_185, %scan3A_186 : i32
      %scan3A_188 = arith.constant 1 : i32
      scf.for %scan3A_350 = %scan3A_185 to %scan3A_187 step %scan3A_188  : i32 {
        %mul3A_351 = arith.constant 2 : i32
        %mul3A_352 = arith.muli %mul3A_351, %scan3A_350 : i32
        %add3A_353 = arith.constant 0 : i32
        %add3A_354 = arith.addi %mul3A_352, %add3A_353 : i32
        %mul3A_355 = arith.constant 2 : i32
        %mul3A_356 = arith.muli %mul3A_355, %scan3A_350 : i32
        %add3A_357 = arith.constant 40 : i32
        %add3A_358 = arith.addi %add3A_357, %mul3A_356 : i32
        %add3A_359 = arith.constant 0 : i32
        %add3A_360 = arith.addi %add3A_358, %add3A_359 : i32
        %get3A = arith.index_cast %add3A_360 : i32 to index
        %get3A_361 = arith.constant 0 : index
        %get3A_362 = tpu.vector_load %arg12[%get3A, %get3A_361] {strides = array<i32>} : memref<200x128xf32, #tpu.memory_space<vmem>>, vector<1x16xf32>,
        %get3A_363 = vector.shape_cast %get3A_362 : vector<1x16xf32> to vector<16xf32>
        %swap3A = arith.index_cast %add3A_354 : i32 to index
        %swap3A_364 = arith.constant 0 : index
        %swap3A_365 = tpu.vector_load %arg8[%swap3A, %swap3A_364] {strides = array<i32>} : memref<40x128xf32, #tpu.memory_space<vmem>>, vector<1x16xf32>,
        %swap3A_366 = vector.shape_cast %swap3A_365 : vector<1x16xf32> to vector<16xf32>
        %swap3A_367 = vector.shape_cast %get3A_363 : vector<16xf32> to vector<1x16xf32>
        tpu.vector_store %arg8[%swap3A, %swap3A_364], %swap3A_367 {add = true, strides = array<i32>} : memref<40x128xf32, #tpu.memory_space<vmem>>, vector<1x16xf32>,
        %mul3A_368 = arith.constant 2 : i32
        %mul3A_369 = arith.muli %mul3A_368, %scan3A_350 : i32
        %add3A_370 = arith.constant 0 : i32
        %add3A_371 = arith.addi %mul3A_369, %add3A_370 : i32
        %mul3A_372 = arith.constant 2 : i32
        %mul3A_373 = arith.muli %mul3A_372, %scan3A_350 : i32
        %add3A_374 = arith.constant 40 : i32
        %add3A_375 = arith.addi %add3A_374, %mul3A_373 : i32
        %add3A_376 = arith.constant 0 : i32
        %add3A_377 = arith.addi %add3A_375, %add3A_376 : i32
        %get3A_378 = arith.index_cast %add3A_377 : i32 to index
        %get3A_379 = arith.constant 16 : index
        %get3A_380 = tpu.vector_load %arg12[%get3A_378, %get3A_379] {strides = array<i32>} : memref<200x128xf32, #tpu.memory_space<vmem>>, vector<1x16xf32>,
        %get3A_381 = vector.shape_cast %get3A_380 : vector<1x16xf32> to vector<16xf32>
        %swap3A_382 = arith.index_cast %add3A_371 : i32 to index
        %swap3A_383 = arith.constant 16 : index
        %swap3A_384 = tpu.vector_load %arg8[%swap3A_382, %swap3A_383] {strides = array<i32>} : memref<40x128xf32, #tpu.memory_space<vmem>>, vector<1x16xf32>,
        %swap3A_385 = vector.shape_cast %swap3A_384 : vector<1x16xf32> to vector<16xf32>
        %swap3A_386 = vector.shape_cast %get3A_381 : vector<16xf32> to vector<1x16xf32>
        tpu.vector_store %arg8[%swap3A_382, %swap3A_383], %swap3A_386 {add = true, strides = array<i32>} : memref<40x128xf32, #tpu.memory_space<vmem>>, vector<1x16xf32>,
        %mul3A_387 = arith.constant 2 : i32
        %mul3A_388 = arith.muli %mul3A_387, %scan3A_350 : i32
        %add3A_389 = arith.constant 0 : i32
        %add3A_390 = arith.addi %mul3A_388, %add3A_389 : i32
        %mul3A_391 = arith.constant 2 : i32
        %mul3A_392 = arith.muli %mul3A_391, %scan3A_350 : i32
        %add3A_393 = arith.constant 40 : i32
        %add3A_394 = arith.addi %add3A_393, %mul3A_392 : i32
        %add3A_395 = arith.constant 0 : i32
        %add3A_396 = arith.addi %add3A_394, %add3A_395 : i32
        %get3A_397 = arith.index_cast %add3A_396 : i32 to index
        %get3A_398 = arith.constant 32 : index
        %get3A_399 = tpu.vector_load %arg12[%get3A_397, %get3A_398] {strides = array<i32>} : memref<200x128xf32, #tpu.memory_space<vmem>>, vector<1x16xf32>,
        %get3A_400 = vector.shape_cast %get3A_399 : vector<1x16xf32> to vector<16xf32>
        %swap3A_401 = arith.index_cast %add3A_390 : i32 to index
        %swap3A_402 = arith.constant 32 : index
        %swap3A_403 = tpu.vector_load %arg8[%swap3A_401, %swap3A_402] {strides = array<i32>} : memref<40x128xf32, #tpu.memory_space<vmem>>, vector<1x16xf32>,
        %swap3A_404 = vector.shape_cast %swap3A_403 : vector<1x16xf32> to vector<16xf32>
        %swap3A_405 = vector.shape_cast %get3A_400 : vector<16xf32> to vector<1x16xf32>
        tpu.vector_store %arg8[%swap3A_401, %swap3A_402], %swap3A_405 {add = true, strides = array<i32>} : memref<40x128xf32, #tpu.memory_space<vmem>>, vector<1x16xf32>,
        %mul3A_406 = arith.constant 2 : i32
        %mul3A_407 = arith.muli %mul3A_406, %scan3A_350 : i32
        %add3A_408 = arith.constant 0 : i32
        %add3A_409 = arith.addi %mul3A_407, %add3A_408 : i32
        %mul3A_410 = arith.constant 2 : i32
        %mul3A_411 = arith.muli %mul3A_410, %scan3A_350 : i32
        %add3A_412 = arith.constant 40 : i32
        %add3A_413 = arith.addi %add3A_412, %mul3A_411 : i32
        %add3A_414 = arith.constant 0 : i32
        %add3A_415 = arith.addi %add3A_413, %add3A_414 : i32
        %get3A_416 = arith.index_cast %add3A_415 : i32 to index
        %get3A_417 = arith.constant 48 : index
        %get3A_418 = tpu.vector_load %arg12[%get3A_416, %get3A_417] {strides = array<i32>} : memref<200x128xf32, #tpu.memory_space<vmem>>, vector<1x16xf32>,
        %get3A_419 = vector.shape_cast %get3A_418 : vector<1x16xf32> to vector<16xf32>
        %swap3A_420 = arith.index_cast %add3A_409 : i32 to index
        %swap3A_421 = arith.constant 48 : index
        %swap3A_422 = tpu.vector_load %arg8[%swap3A_420, %swap3A_421] {strides = array<i32>} : memref<40x128xf32, #tpu.memory_space<vmem>>, vector<1x16xf32>,
        %swap3A_423 = vector.shape_cast %swap3A_422 : vector<1x16xf32> to vector<16xf32>
        %swap3A_424 = vector.shape_cast %get3A_419 : vector<16xf32> to vector<1x16xf32>
        tpu.vector_store %arg8[%swap3A_420, %swap3A_421], %swap3A_424 {add = true, strides = array<i32>} : memref<40x128xf32, #tpu.memory_space<vmem>>, vector<1x16xf32>,
        %mul3A_425 = arith.constant 2 : i32
        %mul3A_426 = arith.muli %mul3A_425, %scan3A_350 : i32
        %add3A_427 = arith.constant 0 : i32
        %add3A_428 = arith.addi %mul3A_426, %add3A_427 : i32
        %mul3A_429 = arith.constant 2 : i32
        %mul3A_430 = arith.muli %mul3A_429, %scan3A_350 : i32
        %add3A_431 = arith.constant 40 : i32
        %add3A_432 = arith.addi %add3A_431, %mul3A_430 : i32
        %add3A_433 = arith.constant 0 : i32
        %add3A_434 = arith.addi %add3A_432, %add3A_433 : i32
        %get3A_435 = arith.index_cast %add3A_434 : i32 to index
        %get3A_436 = arith.constant 64 : index
        %get3A_437 = tpu.vector_load %arg12[%get3A_435, %get3A_436] {strides = array<i32>} : memref<200x128xf32, #tpu.memory_space<vmem>>, vector<1x16xf32>,
        %get3A_438 = vector.shape_cast %get3A_437 : vector<1x16xf32> to vector<16xf32>
        %swap3A_439 = arith.index_cast %add3A_428 : i32 to index
        %swap3A_440 = arith.constant 64 : index
        %swap3A_441 = tpu.vector_load %arg8[%swap3A_439, %swap3A_440] {strides = array<i32>} : memref<40x128xf32, #tpu.memory_space<vmem>>, vector<1x16xf32>,
        %swap3A_442 = vector.shape_cast %swap3A_441 : vector<1x16xf32> to vector<16xf32>
        %swap3A_443 = vector.shape_cast %get3A_438 : vector<16xf32> to vector<1x16xf32>
        tpu.vector_store %arg8[%swap3A_439, %swap3A_440], %swap3A_443 {add = true, strides = array<i32>} : memref<40x128xf32, #tpu.memory_space<vmem>>, vector<1x16xf32>,
        %mul3A_444 = arith.constant 2 : i32
        %mul3A_445 = arith.muli %mul3A_444, %scan3A_350 : i32
        %add3A_446 = arith.constant 0 : i32
        %add3A_447 = arith.addi %mul3A_445, %add3A_446 : i32
        %mul3A_448 = arith.constant 2 : i32
        %mul3A_449 = arith.muli %mul3A_448, %scan3A_350 : i32
        %add3A_450 = arith.constant 40 : i32
        %add3A_451 = arith.addi %add3A_450, %mul3A_449 : i32
        %add3A_452 = arith.constant 0 : i32
        %add3A_453 = arith.addi %add3A_451, %add3A_452 : i32
        %get3A_454 = arith.index_cast %add3A_453 : i32 to index
        %get3A_455 = arith.constant 80 : index
        %get3A_456 = tpu.vector_load %arg12[%get3A_454, %get3A_455] {strides = array<i32>} : memref<200x128xf32, #tpu.memory_space<vmem>>, vector<1x16xf32>,
        %get3A_457 = vector.shape_cast %get3A_456 : vector<1x16xf32> to vector<16xf32>
        %swap3A_458 = arith.index_cast %add3A_447 : i32 to index
        %swap3A_459 = arith.constant 80 : index
        %swap3A_460 = tpu.vector_load %arg8[%swap3A_458, %swap3A_459] {strides = array<i32>} : memref<40x128xf32, #tpu.memory_space<vmem>>, vector<1x16xf32>,
        %swap3A_461 = vector.shape_cast %swap3A_460 : vector<1x16xf32> to vector<16xf32>
        %swap3A_462 = vector.shape_cast %get3A_457 : vector<16xf32> to vector<1x16xf32>
        tpu.vector_store %arg8[%swap3A_458, %swap3A_459], %swap3A_462 {add = true, strides = array<i32>} : memref<40x128xf32, #tpu.memory_space<vmem>>, vector<1x16xf32>,
        %mul3A_463 = arith.constant 2 : i32
        %mul3A_464 = arith.muli %mul3A_463, %scan3A_350 : i32
        %add3A_465 = arith.constant 0 : i32
        %add3A_466 = arith.addi %mul3A_464, %add3A_465 : i32
        %mul3A_467 = arith.constant 2 : i32
        %mul3A_468 = arith.muli %mul3A_467, %scan3A_350 : i32
        %add3A_469 = arith.constant 40 : i32
        %add3A_470 = arith.addi %add3A_469, %mul3A_468 : i32
        %add3A_471 = arith.constant 0 : i32
        %add3A_472 = arith.addi %add3A_470, %add3A_471 : i32
        %get3A_473 = arith.index_cast %add3A_472 : i32 to index
        %get3A_474 = arith.constant 96 : index
        %get3A_475 = tpu.vector_load %arg12[%get3A_473, %get3A_474] {strides = array<i32>} : memref<200x128xf32, #tpu.memory_space<vmem>>, vector<1x16xf32>,
        %get3A_476 = vector.shape_cast %get3A_475 : vector<1x16xf32> to vector<16xf32>
        %swap3A_477 = arith.index_cast %add3A_466 : i32 to index
        %swap3A_478 = arith.constant 96 : index
        %swap3A_479 = tpu.vector_load %arg8[%swap3A_477, %swap3A_478] {strides = array<i32>} : memref<40x128xf32, #tpu.memory_space<vmem>>, vector<1x16xf32>,
        %swap3A_480 = vector.shape_cast %swap3A_479 : vector<1x16xf32> to vector<16xf32>
        %swap3A_481 = vector.shape_cast %get3A_476 : vector<16xf32> to vector<1x16xf32>
        tpu.vector_store %arg8[%swap3A_477, %swap3A_478], %swap3A_481 {add = true, strides = array<i32>} : memref<40x128xf32, #tpu.memory_space<vmem>>, vector<1x16xf32>,
        %mul3A_482 = arith.constant 2 : i32
        %mul3A_483 = arith.muli %mul3A_482, %scan3A_350 : i32
        %add3A_484 = arith.constant 0 : i32
        %add3A_485 = arith.addi %mul3A_483, %add3A_484 : i32
        %mul3A_486 = arith.constant 2 : i32
        %mul3A_487 = arith.muli %mul3A_486, %scan3A_350 : i32
        %add3A_488 = arith.constant 40 : i32
        %add3A_489 = arith.addi %add3A_488, %mul3A_487 : i32
        %add3A_490 = arith.constant 0 : i32
        %add3A_491 = arith.addi %add3A_489, %add3A_490 : i32
        %get3A_492 = arith.index_cast %add3A_491 : i32 to index
        %get3A_493 = arith.constant 112 : index
        %get3A_494 = tpu.vector_load %arg12[%get3A_492, %get3A_493] {strides = array<i32>} : memref<200x128xf32, #tpu.memory_space<vmem>>, vector<1x16xf32>,
        %get3A_495 = vector.shape_cast %get3A_494 : vector<1x16xf32> to vector<16xf32>
        %swap3A_496 = arith.index_cast %add3A_485 : i32 to index
        %swap3A_497 = arith.constant 112 : index
        %swap3A_498 = tpu.vector_load %arg8[%swap3A_496, %swap3A_497] {strides = array<i32>} : memref<40x128xf32, #tpu.memory_space<vmem>>, vector<1x16xf32>,
        %swap3A_499 = vector.shape_cast %swap3A_498 : vector<1x16xf32> to vector<16xf32>
        %swap3A_500 = vector.shape_cast %get3A_495 : vector<16xf32> to vector<1x16xf32>
        tpu.vector_store %arg8[%swap3A_496, %swap3A_497], %swap3A_500 {add = true, strides = array<i32>} : memref<40x128xf32, #tpu.memory_space<vmem>>, vector<1x16xf32>,
        %mul3A_501 = arith.constant 2 : i32
        %mul3A_502 = arith.muli %mul3A_501, %scan3A_350 : i32
        %add3A_503 = arith.constant 1 : i32
        %add3A_504 = arith.addi %mul3A_502, %add3A_503 : i32
        %mul3A_505 = arith.constant 2 : i32
        %mul3A_506 = arith.muli %mul3A_505, %scan3A_350 : i32
        %add3A_507 = arith.constant 40 : i32
        %add3A_508 = arith.addi %add3A_507, %mul3A_506 : i32
        %add3A_509 = arith.constant 1 : i32
        %add3A_510 = arith.addi %add3A_508, %add3A_509 : i32
        %get3A_511 = arith.index_cast %add3A_510 : i32 to index
        %get3A_512 = arith.constant 0 : index
        %get3A_513 = tpu.vector_load %arg12[%get3A_511, %get3A_512] {strides = array<i32>} : memref<200x128xf32, #tpu.memory_space<vmem>>, vector<1x16xf32>,
        %get3A_514 = vector.shape_cast %get3A_513 : vector<1x16xf32> to vector<16xf32>
        %swap3A_515 = arith.index_cast %add3A_504 : i32 to index
        %swap3A_516 = arith.constant 0 : index
        %swap3A_517 = tpu.vector_load %arg8[%swap3A_515, %swap3A_516] {strides = array<i32>} : memref<40x128xf32, #tpu.memory_space<vmem>>, vector<1x16xf32>,
        %swap3A_518 = vector.shape_cast %swap3A_517 : vector<1x16xf32> to vector<16xf32>
        %swap3A_519 = vector.shape_cast %get3A_514 : vector<16xf32> to vector<1x16xf32>
        tpu.vector_store %arg8[%swap3A_515, %swap3A_516], %swap3A_519 {add = true, strides = array<i32>} : memref<40x128xf32, #tpu.memory_space<vmem>>, vector<1x16xf32>,
        %mul3A_520 = arith.constant 2 : i32
        %mul3A_521 = arith.muli %mul3A_520, %scan3A_350 : i32
        %add3A_522 = arith.constant 1 : i32
        %add3A_523 = arith.addi %mul3A_521, %add3A_522 : i32
        %mul3A_524 = arith.constant 2 : i32
        %mul3A_525 = arith.muli %mul3A_524, %scan3A_350 : i32
        %add3A_526 = arith.constant 40 : i32
        %add3A_527 = arith.addi %add3A_526, %mul3A_525 : i32
        %add3A_528 = arith.constant 1 : i32
        %add3A_529 = arith.addi %add3A_527, %add3A_528 : i32
        %get3A_530 = arith.index_cast %add3A_529 : i32 to index
        %get3A_531 = arith.constant 16 : index
        %get3A_532 = tpu.vector_load %arg12[%get3A_530, %get3A_531] {strides = array<i32>} : memref<200x128xf32, #tpu.memory_space<vmem>>, vector<1x16xf32>,
        %get3A_533 = vector.shape_cast %get3A_532 : vector<1x16xf32> to vector<16xf32>
        %swap3A_534 = arith.index_cast %add3A_523 : i32 to index
        %swap3A_535 = arith.constant 16 : index
        %swap3A_536 = tpu.vector_load %arg8[%swap3A_534, %swap3A_535] {strides = array<i32>} : memref<40x128xf32, #tpu.memory_space<vmem>>, vector<1x16xf32>,
        %swap3A_537 = vector.shape_cast %swap3A_536 : vector<1x16xf32> to vector<16xf32>
        %swap3A_538 = vector.shape_cast %get3A_533 : vector<16xf32> to vector<1x16xf32>
        tpu.vector_store %arg8[%swap3A_534, %swap3A_535], %swap3A_538 {add = true, strides = array<i32>} : memref<40x128xf32, #tpu.memory_space<vmem>>, vector<1x16xf32>,
        %mul3A_539 = arith.constant 2 : i32
        %mul3A_540 = arith.muli %mul3A_539, %scan3A_350 : i32
        %add3A_541 = arith.constant 1 : i32
        %add3A_542 = arith.addi %mul3A_540, %add3A_541 : i32
        %mul3A_543 = arith.constant 2 : i32
        %mul3A_544 = arith.muli %mul3A_543, %scan3A_350 : i32
        %add3A_545 = arith.constant 40 : i32
        %add3A_546 = arith.addi %add3A_545, %mul3A_544 : i32
        %add3A_547 = arith.constant 1 : i32
        %add3A_548 = arith.addi %add3A_546, %add3A_547 : i32
        %get3A_549 = arith.index_cast %add3A_548 : i32 to index
        %get3A_550 = arith.constant 32 : index
        %get3A_551 = tpu.vector_load %arg12[%get3A_549, %get3A_550] {strides = array<i32>} : memref<200x128xf32, #tpu.memory_space<vmem>>, vector<1x16xf32>,
        %get3A_552 = vector.shape_cast %get3A_551 : vector<1x16xf32> to vector<16xf32>
        %swap3A_553 = arith.index_cast %add3A_542 : i32 to index
        %swap3A_554 = arith.constant 32 : index
        %swap3A_555 = tpu.vector_load %arg8[%swap3A_553, %swap3A_554] {strides = array<i32>} : memref<40x128xf32, #tpu.memory_space<vmem>>, vector<1x16xf32>,
        %swap3A_556 = vector.shape_cast %swap3A_555 : vector<1x16xf32> to vector<16xf32>
        %swap3A_557 = vector.shape_cast %get3A_552 : vector<16xf32> to vector<1x16xf32>
        tpu.vector_store %arg8[%swap3A_553, %swap3A_554], %swap3A_557 {add = true, strides = array<i32>} : memref<40x128xf32, #tpu.memory_space<vmem>>, vector<1x16xf32>,
        %mul3A_558 = arith.constant 2 : i32
        %mul3A_559 = arith.muli %mul3A_558, %scan3A_350 : i32
        %add3A_560 = arith.constant 1 : i32
        %add3A_561 = arith.addi %mul3A_559, %add3A_560 : i32
        %mul3A_562 = arith.constant 2 : i32
        %mul3A_563 = arith.muli %mul3A_562, %scan3A_350 : i32
        %add3A_564 = arith.constant 40 : i32
        %add3A_565 = arith.addi %add3A_564, %mul3A_563 : i32
        %add3A_566 = arith.constant 1 : i32
        %add3A_567 = arith.addi %add3A_565, %add3A_566 : i32
        %get3A_568 = arith.index_cast %add3A_567 : i32 to index
        %get3A_569 = arith.constant 48 : index
        %get3A_570 = tpu.vector_load %arg12[%get3A_568, %get3A_569] {strides = array<i32>} : memref<200x128xf32, #tpu.memory_space<vmem>>, vector<1x16xf32>,
        %get3A_571 = vector.shape_cast %get3A_570 : vector<1x16xf32> to vector<16xf32>
        %swap3A_572 = arith.index_cast %add3A_561 : i32 to index
        %swap3A_573 = arith.constant 48 : index
        %swap3A_574 = tpu.vector_load %arg8[%swap3A_572, %swap3A_573] {strides = array<i32>} : memref<40x128xf32, #tpu.memory_space<vmem>>, vector<1x16xf32>,
        %swap3A_575 = vector.shape_cast %swap3A_574 : vector<1x16xf32> to vector<16xf32>
        %swap3A_576 = vector.shape_cast %get3A_571 : vector<16xf32> to vector<1x16xf32>
        tpu.vector_store %arg8[%swap3A_572, %swap3A_573], %swap3A_576 {add = true, strides = array<i32>} : memref<40x128xf32, #tpu.memory_space<vmem>>, vector<1x16xf32>,
        %mul3A_577 = arith.constant 2 : i32
        %mul3A_578 = arith.muli %mul3A_577, %scan3A_350 : i32
        %add3A_579 = arith.constant 1 : i32
        %add3A_580 = arith.addi %mul3A_578, %add3A_579 : i32
        %mul3A_581 = arith.constant 2 : i32
        %mul3A_582 = arith.muli %mul3A_581, %scan3A_350 : i32
        %add3A_583 = arith.constant 40 : i32
        %add3A_584 = arith.addi %add3A_583, %mul3A_582 : i32
        %add3A_585 = arith.constant 1 : i32
        %add3A_586 = arith.addi %add3A_584, %add3A_585 : i32
        %get3A_587 = arith.index_cast %add3A_586 : i32 to index
        %get3A_588 = arith.constant 64 : index
        %get3A_589 = tpu.vector_load %arg12[%get3A_587, %get3A_588] {strides = array<i32>} : memref<200x128xf32, #tpu.memory_space<vmem>>, vector<1x16xf32>,
        %get3A_590 = vector.shape_cast %get3A_589 : vector<1x16xf32> to vector<16xf32>
        %swap3A_591 = arith.index_cast %add3A_580 : i32 to index
        %swap3A_592 = arith.constant 64 : index
        %swap3A_593 = tpu.vector_load %arg8[%swap3A_591, %swap3A_592] {strides = array<i32>} : memref<40x128xf32, #tpu.memory_space<vmem>>, vector<1x16xf32>,
        %swap3A_594 = vector.shape_cast %swap3A_593 : vector<1x16xf32> to vector<16xf32>
        %swap3A_595 = vector.shape_cast %get3A_590 : vector<16xf32> to vector<1x16xf32>
        tpu.vector_store %arg8[%swap3A_591, %swap3A_592], %swap3A_595 {add = true, strides = array<i32>} : memref<40x128xf32, #tpu.memory_space<vmem>>, vector<1x16xf32>,
        %mul3A_596 = arith.constant 2 : i32
        %mul3A_597 = arith.muli %mul3A_596, %scan3A_350 : i32
        %add3A_598 = arith.constant 1 : i32
        %add3A_599 = arith.addi %mul3A_597, %add3A_598 : i32
        %mul3A_600 = arith.constant 2 : i32
        %mul3A_601 = arith.muli %mul3A_600, %scan3A_350 : i32
        %add3A_602 = arith.constant 40 : i32
        %add3A_603 = arith.addi %add3A_602, %mul3A_601 : i32
        %add3A_604 = arith.constant 1 : i32
        %add3A_605 = arith.addi %add3A_603, %add3A_604 : i32
        %get3A_606 = arith.index_cast %add3A_605 : i32 to index
        %get3A_607 = arith.constant 80 : index
        %get3A_608 = tpu.vector_load %arg12[%get3A_606, %get3A_607] {strides = array<i32>} : memref<200x128xf32, #tpu.memory_space<vmem>>, vector<1x16xf32>,
        %get3A_609 = vector.shape_cast %get3A_608 : vector<1x16xf32> to vector<16xf32>
        %swap3A_610 = arith.index_cast %add3A_599 : i32 to index
        %swap3A_611 = arith.constant 80 : index
        %swap3A_612 = tpu.vector_load %arg8[%swap3A_610, %swap3A_611] {strides = array<i32>} : memref<40x128xf32, #tpu.memory_space<vmem>>, vector<1x16xf32>,
        %swap3A_613 = vector.shape_cast %swap3A_612 : vector<1x16xf32> to vector<16xf32>
        %swap3A_614 = vector.shape_cast %get3A_609 : vector<16xf32> to vector<1x16xf32>
        tpu.vector_store %arg8[%swap3A_610, %swap3A_611], %swap3A_614 {add = true, strides = array<i32>} : memref<40x128xf32, #tpu.memory_space<vmem>>, vector<1x16xf32>,
        %mul3A_615 = arith.constant 2 : i32
        %mul3A_616 = arith.muli %mul3A_615, %scan3A_350 : i32
        %add3A_617 = arith.constant 1 : i32
        %add3A_618 = arith.addi %mul3A_616, %add3A_617 : i32
        %mul3A_619 = arith.constant 2 : i32
        %mul3A_620 = arith.muli %mul3A_619, %scan3A_350 : i32
        %add3A_621 = arith.constant 40 : i32
        %add3A_622 = arith.addi %add3A_621, %mul3A_620 : i32
        %add3A_623 = arith.constant 1 : i32
        %add3A_624 = arith.addi %add3A_622, %add3A_623 : i32
        %get3A_625 = arith.index_cast %add3A_624 : i32 to index
        %get3A_626 = arith.constant 96 : index
        %get3A_627 = tpu.vector_load %arg12[%get3A_625, %get3A_626] {strides = array<i32>} : memref<200x128xf32, #tpu.memory_space<vmem>>, vector<1x16xf32>,
        %get3A_628 = vector.shape_cast %get3A_627 : vector<1x16xf32> to vector<16xf32>
        %swap3A_629 = arith.index_cast %add3A_618 : i32 to index
        %swap3A_630 = arith.constant 96 : index
        %swap3A_631 = tpu.vector_load %arg8[%swap3A_629, %swap3A_630] {strides = array<i32>} : memref<40x128xf32, #tpu.memory_space<vmem>>, vector<1x16xf32>,
        %swap3A_632 = vector.shape_cast %swap3A_631 : vector<1x16xf32> to vector<16xf32>
        %swap3A_633 = vector.shape_cast %get3A_628 : vector<16xf32> to vector<1x16xf32>
        tpu.vector_store %arg8[%swap3A_629, %swap3A_630], %swap3A_633 {add = true, strides = array<i32>} : memref<40x128xf32, #tpu.memory_space<vmem>>, vector<1x16xf32>,
        %mul3A_634 = arith.constant 2 : i32
        %mul3A_635 = arith.muli %mul3A_634, %scan3A_350 : i32
        %add3A_636 = arith.constant 1 : i32
        %add3A_637 = arith.addi %mul3A_635, %add3A_636 : i32
        %mul3A_638 = arith.constant 2 : i32
        %mul3A_639 = arith.muli %mul3A_638, %scan3A_350 : i32
        %add3A_640 = arith.constant 40 : i32
        %add3A_641 = arith.addi %add3A_640, %mul3A_639 : i32
        %add3A_642 = arith.constant 1 : i32
        %add3A_643 = arith.addi %add3A_641, %add3A_642 : i32
        %get3A_644 = arith.index_cast %add3A_643 : i32 to index
        %get3A_645 = arith.constant 112 : index
        %get3A_646 = tpu.vector_load %arg12[%get3A_644, %get3A_645] {strides = array<i32>} : memref<200x128xf32, #tpu.memory_space<vmem>>, vector<1x16xf32>,
        %get3A_647 = vector.shape_cast %get3A_646 : vector<1x16xf32> to vector<16xf32>
        %swap3A_648 = arith.index_cast %add3A_637 : i32 to index
        %swap3A_649 = arith.constant 112 : index
        %swap3A_650 = tpu.vector_load %arg8[%swap3A_648, %swap3A_649] {strides = array<i32>} : memref<40x128xf32, #tpu.memory_space<vmem>>, vector<1x16xf32>,
        %swap3A_651 = vector.shape_cast %swap3A_650 : vector<1x16xf32> to vector<16xf32>
        %swap3A_652 = vector.shape_cast %get3A_647 : vector<16xf32> to vector<1x16xf32>
        tpu.vector_store %arg8[%swap3A_648, %swap3A_649], %swap3A_652 {add = true, strides = array<i32>} : memref<40x128xf32, #tpu.memory_space<vmem>>, vector<1x16xf32>,
      }
      %scan3A_189 = arith.constant 20 : i32
      %mul3A_190 = arith.constant 128 : i32
      %mul3A_191 = arith.muli %add3A, %mul3A_190 : i32
      %add3A_192 = arith.constant 0 : i32
      %add3A_193 = arith.addi %mul3A_191, %add3A_192 : i32
      %add3A_194 = arith.addi %add3A_193, %scan3A_134 : i32
      %dma_start3A_195 = arith.constant 40 : i32
      %dma_start3A_196 = arith.constant 0 : i32
      %dma_start3A_197 = tpu.memref_slice %arg5[%add3A_194, %dma_start3A_195, %dma_start3A_196] : memref<4096x200x128xf32, #tpu.memory_space<hbm>> -> memref<1x40x128xf32, #tpu.memory_space<hbm>>
      %dma_start3A_198 = tpu.memref_squeeze %dma_start3A_197 : memref<1x40x128xf32, #tpu.memory_space<hbm>> -> memref<40x128xf32, #tpu.memory_space<hbm>>
      %dma_start3A_199 = arith.constant 40 : i32
      %dma_start3A_200 = arith.constant 0 : i32
      %dma_start3A_201 = tpu.memref_slice %arg5[%add3A_194, %dma_start3A_199, %dma_start3A_200] : memref<4096x200x128xf32, #tpu.memory_space<hbm>> -> memref<1x40x128xf32, #tpu.memory_space<hbm>>
      %dma_start3A_202 = tpu.memref_squeeze %dma_start3A_201 : memref<1x40x128xf32, #tpu.memory_space<hbm>> -> memref<40x128xf32, #tpu.memory_space<hbm>>
      tpu.enqueue_dma source(%arg8 : memref<40x128xf32, #tpu.memory_space<vmem>>) target(%dma_start3A_202 : memref<40x128xf32, #tpu.memory_space<hbm>>) target_semaphore(%arg19 : memref<!tpu.dma_semaphore, #tpu.memory_space<semaphore_mem>>)
      %add3A_203 = arith.constant 2 : i32
      %add3A_204 = arith.addi %add3A_177, %add3A_203 : i32
      %ge3A_205 = arith.constant 5 : i32
      %ge3A_206 = arith.cmpi sge, %add3A_204, %ge3A_205 : i32
      %lt3A_207 = arith.constant 320 : i32
      %lt3A_208 = arith.cmpi slt, %add3A_204, %lt3A_207 : i32
      %and3A_209 = arith.andi %ge3A_206, %lt3A_208 : i1
      %convert_element_type3A_210 = arith.extui %and3A_209 : i1 to i32
      %cond3A_211 = arith.constant 0 : i32
      %cond3A_212 = arith.cmpi ne, %convert_element_type3A_210, %cond3A_211 : i32
      scf.if %cond3A_212 {
        %dma_wait3A_350 = arith.constant 0 : i32
        %dma_wait3A_351 = arith.constant 0 : i32
        %dma_wait3A_352 = arith.constant 0 : i32
        %dma_wait3A_353 = tpu.memref_slice %arg5[%dma_wait3A_350, %dma_wait3A_351, %dma_wait3A_352] : memref<4096x200x128xf32, #tpu.memory_space<hbm>> -> memref<1x40x128xf32, #tpu.memory_space<hbm>>
        %dma_wait3A_354 = tpu.memref_squeeze %dma_wait3A_353 : memref<1x40x128xf32, #tpu.memory_space<hbm>> -> memref<40x128xf32, #tpu.memory_space<hbm>>
        %dma_wait3A_355 = arith.constant 0 : i32
        %dma_wait3A_356 = arith.constant 0 : i32
        %dma_wait3A_357 = tpu.memref_slice %arg5[%dma_wait3A_350, %dma_wait3A_355, %dma_wait3A_356] : memref<4096x200x128xf32, #tpu.memory_space<hbm>> -> memref<1x40x128xf32, #tpu.memory_space<hbm>>
        %dma_wait3A_358 = tpu.memref_squeeze %dma_wait3A_357 : memref<1x40x128xf32, #tpu.memory_space<hbm>> -> memref<40x128xf32, #tpu.memory_space<hbm>>
        tpu.wait_dma2 semaphore(%arg21 : memref<!tpu.dma_semaphore, #tpu.memory_space<semaphore_mem>>) src(%arg10 : memref<40x128xf32, #tpu.memory_space<vmem>>) dst(%dma_wait3A_358 : memref<40x128xf32, #tpu.memory_space<hbm>>)
      } else {
      }
      %lt3A_213 = arith.constant 320 : i32
      %lt3A_214 = arith.cmpi slt, %add3A_204, %lt3A_213 : i32
      %convert_element_type3A_215 = arith.extui %lt3A_214 : i1 to i32
      %cond3A_216 = arith.constant 0 : i32
      %cond3A_217 = arith.cmpi ne, %convert_element_type3A_215, %cond3A_216 : i32
      scf.if %cond3A_217 {
        %dma_start3A_350 = arith.constant 0 : i32
        %dma_start3A_351 = tpu.memref_slice %arg6[%add3A_204, %dma_start3A_350] : memref<320x40xi32, #tpu.memory_space<vmem>> -> memref<1x40xi32, #tpu.memory_space<vmem>>
        %dma_start3A_352 = tpu.memref_squeeze %dma_start3A_351 : memref<1x40xi32, #tpu.memory_space<vmem>> -> memref<40xi32, #tpu.memory_space<vmem>>
        %dma_start3A_353 = arith.constant 0 : i32
        %dma_start3A_354 = arith.constant 0 : i32
        %dma_start3A_355 = tpu.memref_slice %arg3[%dma_start3A_353, %dma_start3A_354] : memref<100000x128xf32, #tpu.memory_space<hbm>> -> memref<100000x128xf32, #tpu.memory_space<hbm>>
        tpu.enqueue_indirect_dma source(%dma_start3A_355 : memref<100000x128xf32, #tpu.memory_space<hbm>>) target(%arg10 : memref<40x128xf32, #tpu.memory_space<vmem>>) offsets(%dma_start3A_352 : memref<40xi32, #tpu.memory_space<vmem>>) semaphore(%arg16 : memref<!tpu.dma_semaphore, #tpu.memory_space<semaphore_mem>>)
      } else {
      }
      %mul3A_218 = arith.constant 5 : i32
      %mul3A_219 = arith.muli %scan3A_134, %mul3A_218 : i32
      %add3A_220 = arith.constant 2 : i32
      %add3A_221 = arith.addi %mul3A_219, %add3A_220 : i32
      %dma_wait3A_222 = arith.constant 0 : i32
      %dma_wait3A_223 = tpu.memref_slice %arg6[%add3A_221, %dma_wait3A_222] : memref<320x40xi32, #tpu.memory_space<vmem>> -> memref<1x40xi32, #tpu.memory_space<vmem>>
      %dma_wait3A_224 = tpu.memref_squeeze %dma_wait3A_223 : memref<1x40xi32, #tpu.memory_space<vmem>> -> memref<40xi32, #tpu.memory_space<vmem>>
      %dma_wait3A_225 = arith.constant 0 : i32
      %dma_wait3A_226 = arith.constant 0 : i32
      %dma_wait3A_227 = tpu.memref_slice %arg3[%dma_wait3A_225, %dma_wait3A_226] : memref<100000x128xf32, #tpu.memory_space<hbm>> -> memref<100000x128xf32, #tpu.memory_space<hbm>>
      tpu.wait_indirect_dma semaphore(%arg15 : memref<!tpu.dma_semaphore, #tpu.memory_space<semaphore_mem>>) src(%dma_wait3A_227 : memref<100000x128xf32, #tpu.memory_space<hbm>>) dst(%arg9 : memref<40x128xf32, #tpu.memory_space<vmem>>)
      %scan3A_228 = arith.constant 0 : i32
      %scan3A_229 = arith.constant 0 : i32
      %scan3A_230 = arith.constant 20 : i32
      %scan3A_231 = arith.addi %scan3A_229, %scan3A_230 : i32
      %scan3A_232 = arith.constant 1 : i32
      scf.for %scan3A_350 = %scan3A_229 to %scan3A_231 step %scan3A_232  : i32 {
        %mul3A_351 = arith.constant 2 : i32
        %mul3A_352 = arith.muli %mul3A_351, %scan3A_350 : i32
        %add3A_353 = arith.constant 0 : i32
        %add3A_354 = arith.addi %mul3A_352, %add3A_353 : i32
        %mul3A_355 = arith.constant 2 : i32
        %mul3A_356 = arith.muli %mul3A_355, %scan3A_350 : i32
        %add3A_357 = arith.constant 80 : i32
        %add3A_358 = arith.addi %add3A_357, %mul3A_356 : i32
        %add3A_359 = arith.constant 0 : i32
        %add3A_360 = arith.addi %add3A_358, %add3A_359 : i32
        %get3A = arith.index_cast %add3A_360 : i32 to index
        %get3A_361 = arith.constant 0 : index
        %get3A_362 = tpu.vector_load %arg12[%get3A, %get3A_361] {strides = array<i32>} : memref<200x128xf32, #tpu.memory_space<vmem>>, vector<1x16xf32>,
        %get3A_363 = vector.shape_cast %get3A_362 : vector<1x16xf32> to vector<16xf32>
        %swap3A = arith.index_cast %add3A_354 : i32 to index
        %swap3A_364 = arith.constant 0 : index
        %swap3A_365 = tpu.vector_load %arg9[%swap3A, %swap3A_364] {strides = array<i32>} : memref<40x128xf32, #tpu.memory_space<vmem>>, vector<1x16xf32>,
        %swap3A_366 = vector.shape_cast %swap3A_365 : vector<1x16xf32> to vector<16xf32>
        %swap3A_367 = vector.shape_cast %get3A_363 : vector<16xf32> to vector<1x16xf32>
        tpu.vector_store %arg9[%swap3A, %swap3A_364], %swap3A_367 {add = true, strides = array<i32>} : memref<40x128xf32, #tpu.memory_space<vmem>>, vector<1x16xf32>,
        %mul3A_368 = arith.constant 2 : i32
        %mul3A_369 = arith.muli %mul3A_368, %scan3A_350 : i32
        %add3A_370 = arith.constant 0 : i32
        %add3A_371 = arith.addi %mul3A_369, %add3A_370 : i32
        %mul3A_372 = arith.constant 2 : i32
        %mul3A_373 = arith.muli %mul3A_372, %scan3A_350 : i32
        %add3A_374 = arith.constant 80 : i32
        %add3A_375 = arith.addi %add3A_374, %mul3A_373 : i32
        %add3A_376 = arith.constant 0 : i32
        %add3A_377 = arith.addi %add3A_375, %add3A_376 : i32
        %get3A_378 = arith.index_cast %add3A_377 : i32 to index
        %get3A_379 = arith.constant 16 : index
        %get3A_380 = tpu.vector_load %arg12[%get3A_378, %get3A_379] {strides = array<i32>} : memref<200x128xf32, #tpu.memory_space<vmem>>, vector<1x16xf32>,
        %get3A_381 = vector.shape_cast %get3A_380 : vector<1x16xf32> to vector<16xf32>
        %swap3A_382 = arith.index_cast %add3A_371 : i32 to index
        %swap3A_383 = arith.constant 16 : index
        %swap3A_384 = tpu.vector_load %arg9[%swap3A_382, %swap3A_383] {strides = array<i32>} : memref<40x128xf32, #tpu.memory_space<vmem>>, vector<1x16xf32>,
        %swap3A_385 = vector.shape_cast %swap3A_384 : vector<1x16xf32> to vector<16xf32>
        %swap3A_386 = vector.shape_cast %get3A_381 : vector<16xf32> to vector<1x16xf32>
        tpu.vector_store %arg9[%swap3A_382, %swap3A_383], %swap3A_386 {add = true, strides = array<i32>} : memref<40x128xf32, #tpu.memory_space<vmem>>, vector<1x16xf32>,
        %mul3A_387 = arith.constant 2 : i32
        %mul3A_388 = arith.muli %mul3A_387, %scan3A_350 : i32
        %add3A_389 = arith.constant 0 : i32
        %add3A_390 = arith.addi %mul3A_388, %add3A_389 : i32
        %mul3A_391 = arith.constant 2 : i32
        %mul3A_392 = arith.muli %mul3A_391, %scan3A_350 : i32
        %add3A_393 = arith.constant 80 : i32
        %add3A_394 = arith.addi %add3A_393, %mul3A_392 : i32
        %add3A_395 = arith.constant 0 : i32
        %add3A_396 = arith.addi %add3A_394, %add3A_395 : i32
        %get3A_397 = arith.index_cast %add3A_396 : i32 to index
        %get3A_398 = arith.constant 32 : index
        %get3A_399 = tpu.vector_load %arg12[%get3A_397, %get3A_398] {strides = array<i32>} : memref<200x128xf32, #tpu.memory_space<vmem>>, vector<1x16xf32>,
        %get3A_400 = vector.shape_cast %get3A_399 : vector<1x16xf32> to vector<16xf32>
        %swap3A_401 = arith.index_cast %add3A_390 : i32 to index
        %swap3A_402 = arith.constant 32 : index
        %swap3A_403 = tpu.vector_load %arg9[%swap3A_401, %swap3A_402] {strides = array<i32>} : memref<40x128xf32, #tpu.memory_space<vmem>>, vector<1x16xf32>,
        %swap3A_404 = vector.shape_cast %swap3A_403 : vector<1x16xf32> to vector<16xf32>
        %swap3A_405 = vector.shape_cast %get3A_400 : vector<16xf32> to vector<1x16xf32>
        tpu.vector_store %arg9[%swap3A_401, %swap3A_402], %swap3A_405 {add = true, strides = array<i32>} : memref<40x128xf32, #tpu.memory_space<vmem>>, vector<1x16xf32>,
        %mul3A_406 = arith.constant 2 : i32
        %mul3A_407 = arith.muli %mul3A_406, %scan3A_350 : i32
        %add3A_408 = arith.constant 0 : i32
        %add3A_409 = arith.addi %mul3A_407, %add3A_408 : i32
        %mul3A_410 = arith.constant 2 : i32
        %mul3A_411 = arith.muli %mul3A_410, %scan3A_350 : i32
        %add3A_412 = arith.constant 80 : i32
        %add3A_413 = arith.addi %add3A_412, %mul3A_411 : i32
        %add3A_414 = arith.constant 0 : i32
        %add3A_415 = arith.addi %add3A_413, %add3A_414 : i32
        %get3A_416 = arith.index_cast %add3A_415 : i32 to index
        %get3A_417 = arith.constant 48 : index
        %get3A_418 = tpu.vector_load %arg12[%get3A_416, %get3A_417] {strides = array<i32>} : memref<200x128xf32, #tpu.memory_space<vmem>>, vector<1x16xf32>,
        %get3A_419 = vector.shape_cast %get3A_418 : vector<1x16xf32> to vector<16xf32>
        %swap3A_420 = arith.index_cast %add3A_409 : i32 to index
        %swap3A_421 = arith.constant 48 : index
        %swap3A_422 = tpu.vector_load %arg9[%swap3A_420, %swap3A_421] {strides = array<i32>} : memref<40x128xf32, #tpu.memory_space<vmem>>, vector<1x16xf32>,
        %swap3A_423 = vector.shape_cast %swap3A_422 : vector<1x16xf32> to vector<16xf32>
        %swap3A_424 = vector.shape_cast %get3A_419 : vector<16xf32> to vector<1x16xf32>
        tpu.vector_store %arg9[%swap3A_420, %swap3A_421], %swap3A_424 {add = true, strides = array<i32>} : memref<40x128xf32, #tpu.memory_space<vmem>>, vector<1x16xf32>,
        %mul3A_425 = arith.constant 2 : i32
        %mul3A_426 = arith.muli %mul3A_425, %scan3A_350 : i32
        %add3A_427 = arith.constant 0 : i32
        %add3A_428 = arith.addi %mul3A_426, %add3A_427 : i32
        %mul3A_429 = arith.constant 2 : i32
        %mul3A_430 = arith.muli %mul3A_429, %scan3A_350 : i32
        %add3A_431 = arith.constant 80 : i32
        %add3A_432 = arith.addi %add3A_431, %mul3A_430 : i32
        %add3A_433 = arith.constant 0 : i32
        %add3A_434 = arith.addi %add3A_432, %add3A_433 : i32
        %get3A_435 = arith.index_cast %add3A_434 : i32 to index
        %get3A_436 = arith.constant 64 : index
        %get3A_437 = tpu.vector_load %arg12[%get3A_435, %get3A_436] {strides = array<i32>} : memref<200x128xf32, #tpu.memory_space<vmem>>, vector<1x16xf32>,
        %get3A_438 = vector.shape_cast %get3A_437 : vector<1x16xf32> to vector<16xf32>
        %swap3A_439 = arith.index_cast %add3A_428 : i32 to index
        %swap3A_440 = arith.constant 64 : index
        %swap3A_441 = tpu.vector_load %arg9[%swap3A_439, %swap3A_440] {strides = array<i32>} : memref<40x128xf32, #tpu.memory_space<vmem>>, vector<1x16xf32>,
        %swap3A_442 = vector.shape_cast %swap3A_441 : vector<1x16xf32> to vector<16xf32>
        %swap3A_443 = vector.shape_cast %get3A_438 : vector<16xf32> to vector<1x16xf32>
        tpu.vector_store %arg9[%swap3A_439, %swap3A_440], %swap3A_443 {add = true, strides = array<i32>} : memref<40x128xf32, #tpu.memory_space<vmem>>, vector<1x16xf32>,
        %mul3A_444 = arith.constant 2 : i32
        %mul3A_445 = arith.muli %mul3A_444, %scan3A_350 : i32
        %add3A_446 = arith.constant 0 : i32
        %add3A_447 = arith.addi %mul3A_445, %add3A_446 : i32
        %mul3A_448 = arith.constant 2 : i32
        %mul3A_449 = arith.muli %mul3A_448, %scan3A_350 : i32
        %add3A_450 = arith.constant 80 : i32
        %add3A_451 = arith.addi %add3A_450, %mul3A_449 : i32
        %add3A_452 = arith.constant 0 : i32
        %add3A_453 = arith.addi %add3A_451, %add3A_452 : i32
        %get3A_454 = arith.index_cast %add3A_453 : i32 to index
        %get3A_455 = arith.constant 80 : index
        %get3A_456 = tpu.vector_load %arg12[%get3A_454, %get3A_455] {strides = array<i32>} : memref<200x128xf32, #tpu.memory_space<vmem>>, vector<1x16xf32>,
        %get3A_457 = vector.shape_cast %get3A_456 : vector<1x16xf32> to vector<16xf32>
        %swap3A_458 = arith.index_cast %add3A_447 : i32 to index
        %swap3A_459 = arith.constant 80 : index
        %swap3A_460 = tpu.vector_load %arg9[%swap3A_458, %swap3A_459] {strides = array<i32>} : memref<40x128xf32, #tpu.memory_space<vmem>>, vector<1x16xf32>,
        %swap3A_461 = vector.shape_cast %swap3A_460 : vector<1x16xf32> to vector<16xf32>
        %swap3A_462 = vector.shape_cast %get3A_457 : vector<16xf32> to vector<1x16xf32>
        tpu.vector_store %arg9[%swap3A_458, %swap3A_459], %swap3A_462 {add = true, strides = array<i32>} : memref<40x128xf32, #tpu.memory_space<vmem>>, vector<1x16xf32>,
        %mul3A_463 = arith.constant 2 : i32
        %mul3A_464 = arith.muli %mul3A_463, %scan3A_350 : i32
        %add3A_465 = arith.constant 0 : i32
        %add3A_466 = arith.addi %mul3A_464, %add3A_465 : i32
        %mul3A_467 = arith.constant 2 : i32
        %mul3A_468 = arith.muli %mul3A_467, %scan3A_350 : i32
        %add3A_469 = arith.constant 80 : i32
        %add3A_470 = arith.addi %add3A_469, %mul3A_468 : i32
        %add3A_471 = arith.constant 0 : i32
        %add3A_472 = arith.addi %add3A_470, %add3A_471 : i32
        %get3A_473 = arith.index_cast %add3A_472 : i32 to index
        %get3A_474 = arith.constant 96 : index
        %get3A_475 = tpu.vector_load %arg12[%get3A_473, %get3A_474] {strides = array<i32>} : memref<200x128xf32, #tpu.memory_space<vmem>>, vector<1x16xf32>,
        %get3A_476 = vector.shape_cast %get3A_475 : vector<1x16xf32> to vector<16xf32>
        %swap3A_477 = arith.index_cast %add3A_466 : i32 to index
        %swap3A_478 = arith.constant 96 : index
        %swap3A_479 = tpu.vector_load %arg9[%swap3A_477, %swap3A_478] {strides = array<i32>} : memref<40x128xf32, #tpu.memory_space<vmem>>, vector<1x16xf32>,
        %swap3A_480 = vector.shape_cast %swap3A_479 : vector<1x16xf32> to vector<16xf32>
        %swap3A_481 = vector.shape_cast %get3A_476 : vector<16xf32> to vector<1x16xf32>
        tpu.vector_store %arg9[%swap3A_477, %swap3A_478], %swap3A_481 {add = true, strides = array<i32>} : memref<40x128xf32, #tpu.memory_space<vmem>>, vector<1x16xf32>,
        %mul3A_482 = arith.constant 2 : i32
        %mul3A_483 = arith.muli %mul3A_482, %scan3A_350 : i32
        %add3A_484 = arith.constant 0 : i32
        %add3A_485 = arith.addi %mul3A_483, %add3A_484 : i32
        %mul3A_486 = arith.constant 2 : i32
        %mul3A_487 = arith.muli %mul3A_486, %scan3A_350 : i32
        %add3A_488 = arith.constant 80 : i32
        %add3A_489 = arith.addi %add3A_488, %mul3A_487 : i32
        %add3A_490 = arith.constant 0 : i32
        %add3A_491 = arith.addi %add3A_489, %add3A_490 : i32
        %get3A_492 = arith.index_cast %add3A_491 : i32 to index
        %get3A_493 = arith.constant 112 : index
        %get3A_494 = tpu.vector_load %arg12[%get3A_492, %get3A_493] {strides = array<i32>} : memref<200x128xf32, #tpu.memory_space<vmem>>, vector<1x16xf32>,
        %get3A_495 = vector.shape_cast %get3A_494 : vector<1x16xf32> to vector<16xf32>
        %swap3A_496 = arith.index_cast %add3A_485 : i32 to index
        %swap3A_497 = arith.constant 112 : index
        %swap3A_498 = tpu.vector_load %arg9[%swap3A_496, %swap3A_497] {strides = array<i32>} : memref<40x128xf32, #tpu.memory_space<vmem>>, vector<1x16xf32>,
        %swap3A_499 = vector.shape_cast %swap3A_498 : vector<1x16xf32> to vector<16xf32>
        %swap3A_500 = vector.shape_cast %get3A_495 : vector<16xf32> to vector<1x16xf32>
        tpu.vector_store %arg9[%swap3A_496, %swap3A_497], %swap3A_500 {add = true, strides = array<i32>} : memref<40x128xf32, #tpu.memory_space<vmem>>, vector<1x16xf32>,
        %mul3A_501 = arith.constant 2 : i32
        %mul3A_502 = arith.muli %mul3A_501, %scan3A_350 : i32
        %add3A_503 = arith.constant 1 : i32
        %add3A_504 = arith.addi %mul3A_502, %add3A_503 : i32
        %mul3A_505 = arith.constant 2 : i32
        %mul3A_506 = arith.muli %mul3A_505, %scan3A_350 : i32
        %add3A_507 = arith.constant 80 : i32
        %add3A_508 = arith.addi %add3A_507, %mul3A_506 : i32
        %add3A_509 = arith.constant 1 : i32
        %add3A_510 = arith.addi %add3A_508, %add3A_509 : i32
        %get3A_511 = arith.index_cast %add3A_510 : i32 to index
        %get3A_512 = arith.constant 0 : index
        %get3A_513 = tpu.vector_load %arg12[%get3A_511, %get3A_512] {strides = array<i32>} : memref<200x128xf32, #tpu.memory_space<vmem>>, vector<1x16xf32>,
        %get3A_514 = vector.shape_cast %get3A_513 : vector<1x16xf32> to vector<16xf32>
        %swap3A_515 = arith.index_cast %add3A_504 : i32 to index
        %swap3A_516 = arith.constant 0 : index
        %swap3A_517 = tpu.vector_load %arg9[%swap3A_515, %swap3A_516] {strides = array<i32>} : memref<40x128xf32, #tpu.memory_space<vmem>>, vector<1x16xf32>,
        %swap3A_518 = vector.shape_cast %swap3A_517 : vector<1x16xf32> to vector<16xf32>
        %swap3A_519 = vector.shape_cast %get3A_514 : vector<16xf32> to vector<1x16xf32>
        tpu.vector_store %arg9[%swap3A_515, %swap3A_516], %swap3A_519 {add = true, strides = array<i32>} : memref<40x128xf32, #tpu.memory_space<vmem>>, vector<1x16xf32>,
        %mul3A_520 = arith.constant 2 : i32
        %mul3A_521 = arith.muli %mul3A_520, %scan3A_350 : i32
        %add3A_522 = arith.constant 1 : i32
        %add3A_523 = arith.addi %mul3A_521, %add3A_522 : i32
        %mul3A_524 = arith.constant 2 : i32
        %mul3A_525 = arith.muli %mul3A_524, %scan3A_350 : i32
        %add3A_526 = arith.constant 80 : i32
        %add3A_527 = arith.addi %add3A_526, %mul3A_525 : i32
        %add3A_528 = arith.constant 1 : i32
        %add3A_529 = arith.addi %add3A_527, %add3A_528 : i32
        %get3A_530 = arith.index_cast %add3A_529 : i32 to index
        %get3A_531 = arith.constant 16 : index
        %get3A_532 = tpu.vector_load %arg12[%get3A_530, %get3A_531] {strides = array<i32>} : memref<200x128xf32, #tpu.memory_space<vmem>>, vector<1x16xf32>,
        %get3A_533 = vector.shape_cast %get3A_532 : vector<1x16xf32> to vector<16xf32>
        %swap3A_534 = arith.index_cast %add3A_523 : i32 to index
        %swap3A_535 = arith.constant 16 : index
        %swap3A_536 = tpu.vector_load %arg9[%swap3A_534, %swap3A_535] {strides = array<i32>} : memref<40x128xf32, #tpu.memory_space<vmem>>, vector<1x16xf32>,
        %swap3A_537 = vector.shape_cast %swap3A_536 : vector<1x16xf32> to vector<16xf32>
        %swap3A_538 = vector.shape_cast %get3A_533 : vector<16xf32> to vector<1x16xf32>
        tpu.vector_store %arg9[%swap3A_534, %swap3A_535], %swap3A_538 {add = true, strides = array<i32>} : memref<40x128xf32, #tpu.memory_space<vmem>>, vector<1x16xf32>,
        %mul3A_539 = arith.constant 2 : i32
        %mul3A_540 = arith.muli %mul3A_539, %scan3A_350 : i32
        %add3A_541 = arith.constant 1 : i32
        %add3A_542 = arith.addi %mul3A_540, %add3A_541 : i32
        %mul3A_543 = arith.constant 2 : i32
        %mul3A_544 = arith.muli %mul3A_543, %scan3A_350 : i32
        %add3A_545 = arith.constant 80 : i32
        %add3A_546 = arith.addi %add3A_545, %mul3A_544 : i32
        %add3A_547 = arith.constant 1 : i32
        %add3A_548 = arith.addi %add3A_546, %add3A_547 : i32
        %get3A_549 = arith.index_cast %add3A_548 : i32 to index
        %get3A_550 = arith.constant 32 : index
        %get3A_551 = tpu.vector_load %arg12[%get3A_549, %get3A_550] {strides = array<i32>} : memref<200x128xf32, #tpu.memory_space<vmem>>, vector<1x16xf32>,
        %get3A_552 = vector.shape_cast %get3A_551 : vector<1x16xf32> to vector<16xf32>
        %swap3A_553 = arith.index_cast %add3A_542 : i32 to index
        %swap3A_554 = arith.constant 32 : index
        %swap3A_555 = tpu.vector_load %arg9[%swap3A_553, %swap3A_554] {strides = array<i32>} : memref<40x128xf32, #tpu.memory_space<vmem>>, vector<1x16xf32>,
        %swap3A_556 = vector.shape_cast %swap3A_555 : vector<1x16xf32> to vector<16xf32>
        %swap3A_557 = vector.shape_cast %get3A_552 : vector<16xf32> to vector<1x16xf32>
        tpu.vector_store %arg9[%swap3A_553, %swap3A_554], %swap3A_557 {add = true, strides = array<i32>} : memref<40x128xf32, #tpu.memory_space<vmem>>, vector<1x16xf32>,
        %mul3A_558 = arith.constant 2 : i32
        %mul3A_559 = arith.muli %mul3A_558, %scan3A_350 : i32
        %add3A_560 = arith.constant 1 : i32
        %add3A_561 = arith.addi %mul3A_559, %add3A_560 : i32
        %mul3A_562 = arith.constant 2 : i32
        %mul3A_563 = arith.muli %mul3A_562, %scan3A_350 : i32
        %add3A_564 = arith.constant 80 : i32
        %add3A_565 = arith.addi %add3A_564, %mul3A_563 : i32
        %add3A_566 = arith.constant 1 : i32
        %add3A_567 = arith.addi %add3A_565, %add3A_566 : i32
        %get3A_568 = arith.index_cast %add3A_567 : i32 to index
        %get3A_569 = arith.constant 48 : index
        %get3A_570 = tpu.vector_load %arg12[%get3A_568, %get3A_569] {strides = array<i32>} : memref<200x128xf32, #tpu.memory_space<vmem>>, vector<1x16xf32>,
        %get3A_571 = vector.shape_cast %get3A_570 : vector<1x16xf32> to vector<16xf32>
        %swap3A_572 = arith.index_cast %add3A_561 : i32 to index
        %swap3A_573 = arith.constant 48 : index
        %swap3A_574 = tpu.vector_load %arg9[%swap3A_572, %swap3A_573] {strides = array<i32>} : memref<40x128xf32, #tpu.memory_space<vmem>>, vector<1x16xf32>,
        %swap3A_575 = vector.shape_cast %swap3A_574 : vector<1x16xf32> to vector<16xf32>
        %swap3A_576 = vector.shape_cast %get3A_571 : vector<16xf32> to vector<1x16xf32>
        tpu.vector_store %arg9[%swap3A_572, %swap3A_573], %swap3A_576 {add = true, strides = array<i32>} : memref<40x128xf32, #tpu.memory_space<vmem>>, vector<1x16xf32>,
        %mul3A_577 = arith.constant 2 : i32
        %mul3A_578 = arith.muli %mul3A_577, %scan3A_350 : i32
        %add3A_579 = arith.constant 1 : i32
        %add3A_580 = arith.addi %mul3A_578, %add3A_579 : i32
        %mul3A_581 = arith.constant 2 : i32
        %mul3A_582 = arith.muli %mul3A_581, %scan3A_350 : i32
        %add3A_583 = arith.constant 80 : i32
        %add3A_584 = arith.addi %add3A_583, %mul3A_582 : i32
        %add3A_585 = arith.constant 1 : i32
        %add3A_586 = arith.addi %add3A_584, %add3A_585 : i32
        %get3A_587 = arith.index_cast %add3A_586 : i32 to index
        %get3A_588 = arith.constant 64 : index
        %get3A_589 = tpu.vector_load %arg12[%get3A_587, %get3A_588] {strides = array<i32>} : memref<200x128xf32, #tpu.memory_space<vmem>>, vector<1x16xf32>,
        %get3A_590 = vector.shape_cast %get3A_589 : vector<1x16xf32> to vector<16xf32>
        %swap3A_591 = arith.index_cast %add3A_580 : i32 to index
        %swap3A_592 = arith.constant 64 : index
        %swap3A_593 = tpu.vector_load %arg9[%swap3A_591, %swap3A_592] {strides = array<i32>} : memref<40x128xf32, #tpu.memory_space<vmem>>, vector<1x16xf32>,
        %swap3A_594 = vector.shape_cast %swap3A_593 : vector<1x16xf32> to vector<16xf32>
        %swap3A_595 = vector.shape_cast %get3A_590 : vector<16xf32> to vector<1x16xf32>
        tpu.vector_store %arg9[%swap3A_591, %swap3A_592], %swap3A_595 {add = true, strides = array<i32>} : memref<40x128xf32, #tpu.memory_space<vmem>>, vector<1x16xf32>,
        %mul3A_596 = arith.constant 2 : i32
        %mul3A_597 = arith.muli %mul3A_596, %scan3A_350 : i32
        %add3A_598 = arith.constant 1 : i32
        %add3A_599 = arith.addi %mul3A_597, %add3A_598 : i32
        %mul3A_600 = arith.constant 2 : i32
        %mul3A_601 = arith.muli %mul3A_600, %scan3A_350 : i32
        %add3A_602 = arith.constant 80 : i32
        %add3A_603 = arith.addi %add3A_602, %mul3A_601 : i32
        %add3A_604 = arith.constant 1 : i32
        %add3A_605 = arith.addi %add3A_603, %add3A_604 : i32
        %get3A_606 = arith.index_cast %add3A_605 : i32 to index
        %get3A_607 = arith.constant 80 : index
        %get3A_608 = tpu.vector_load %arg12[%get3A_606, %get3A_607] {strides = array<i32>} : memref<200x128xf32, #tpu.memory_space<vmem>>, vector<1x16xf32>,
        %get3A_609 = vector.shape_cast %get3A_608 : vector<1x16xf32> to vector<16xf32>
        %swap3A_610 = arith.index_cast %add3A_599 : i32 to index
        %swap3A_611 = arith.constant 80 : index
        %swap3A_612 = tpu.vector_load %arg9[%swap3A_610, %swap3A_611] {strides = array<i32>} : memref<40x128xf32, #tpu.memory_space<vmem>>, vector<1x16xf32>,
        %swap3A_613 = vector.shape_cast %swap3A_612 : vector<1x16xf32> to vector<16xf32>
        %swap3A_614 = vector.shape_cast %get3A_609 : vector<16xf32> to vector<1x16xf32>
        tpu.vector_store %arg9[%swap3A_610, %swap3A_611], %swap3A_614 {add = true, strides = array<i32>} : memref<40x128xf32, #tpu.memory_space<vmem>>, vector<1x16xf32>,
        %mul3A_615 = arith.constant 2 : i32
        %mul3A_616 = arith.muli %mul3A_615, %scan3A_350 : i32
        %add3A_617 = arith.constant 1 : i32
        %add3A_618 = arith.addi %mul3A_616, %add3A_617 : i32
        %mul3A_619 = arith.constant 2 : i32
        %mul3A_620 = arith.muli %mul3A_619, %scan3A_350 : i32
        %add3A_621 = arith.constant 80 : i32
        %add3A_622 = arith.addi %add3A_621, %mul3A_620 : i32
        %add3A_623 = arith.constant 1 : i32
        %add3A_624 = arith.addi %add3A_622, %add3A_623 : i32
        %get3A_625 = arith.index_cast %add3A_624 : i32 to index
        %get3A_626 = arith.constant 96 : index
        %get3A_627 = tpu.vector_load %arg12[%get3A_625, %get3A_626] {strides = array<i32>} : memref<200x128xf32, #tpu.memory_space<vmem>>, vector<1x16xf32>,
        %get3A_628 = vector.shape_cast %get3A_627 : vector<1x16xf32> to vector<16xf32>
        %swap3A_629 = arith.index_cast %add3A_618 : i32 to index
        %swap3A_630 = arith.constant 96 : index
        %swap3A_631 = tpu.vector_load %arg9[%swap3A_629, %swap3A_630] {strides = array<i32>} : memref<40x128xf32, #tpu.memory_space<vmem>>, vector<1x16xf32>,
        %swap3A_632 = vector.shape_cast %swap3A_631 : vector<1x16xf32> to vector<16xf32>
        %swap3A_633 = vector.shape_cast %get3A_628 : vector<16xf32> to vector<1x16xf32>
        tpu.vector_store %arg9[%swap3A_629, %swap3A_630], %swap3A_633 {add = true, strides = array<i32>} : memref<40x128xf32, #tpu.memory_space<vmem>>, vector<1x16xf32>,
        %mul3A_634 = arith.constant 2 : i32
        %mul3A_635 = arith.muli %mul3A_634, %scan3A_350 : i32
        %add3A_636 = arith.constant 1 : i32
        %add3A_637 = arith.addi %mul3A_635, %add3A_636 : i32
        %mul3A_638 = arith.constant 2 : i32
        %mul3A_639 = arith.muli %mul3A_638, %scan3A_350 : i32
        %add3A_640 = arith.constant 80 : i32
        %add3A_641 = arith.addi %add3A_640, %mul3A_639 : i32
        %add3A_642 = arith.constant 1 : i32
        %add3A_643 = arith.addi %add3A_641, %add3A_642 : i32
        %get3A_644 = arith.index_cast %add3A_643 : i32 to index
        %get3A_645 = arith.constant 112 : index
        %get3A_646 = tpu.vector_load %arg12[%get3A_644, %get3A_645] {strides = array<i32>} : memref<200x128xf32, #tpu.memory_space<vmem>>, vector<1x16xf32>,
        %get3A_647 = vector.shape_cast %get3A_646 : vector<1x16xf32> to vector<16xf32>
        %swap3A_648 = arith.index_cast %add3A_637 : i32 to index
        %swap3A_649 = arith.constant 112 : index
        %swap3A_650 = tpu.vector_load %arg9[%swap3A_648, %swap3A_649] {strides = array<i32>} : memref<40x128xf32, #tpu.memory_space<vmem>>, vector<1x16xf32>,
        %swap3A_651 = vector.shape_cast %swap3A_650 : vector<1x16xf32> to vector<16xf32>
        %swap3A_652 = vector.shape_cast %get3A_647 : vector<16xf32> to vector<1x16xf32>
        tpu.vector_store %arg9[%swap3A_648, %swap3A_649], %swap3A_652 {add = true, strides = array<i32>} : memref<40x128xf32, #tpu.memory_space<vmem>>, vector<1x16xf32>,
      }
      %scan3A_233 = arith.constant 20 : i32
      %mul3A_234 = arith.constant 128 : i32
      %mul3A_235 = arith.muli %add3A, %mul3A_234 : i32
      %add3A_236 = arith.constant 0 : i32
      %add3A_237 = arith.addi %mul3A_235, %add3A_236 : i32
      %add3A_238 = arith.addi %add3A_237, %scan3A_134 : i32
      %dma_start3A_239 = arith.constant 80 : i32
      %dma_start3A_240 = arith.constant 0 : i32
      %dma_start3A_241 = tpu.memref_slice %arg5[%add3A_238, %dma_start3A_239, %dma_start3A_240] : memref<4096x200x128xf32, #tpu.memory_space<hbm>> -> memref<1x40x128xf32, #tpu.memory_space<hbm>>
      %dma_start3A_242 = tpu.memref_squeeze %dma_start3A_241 : memref<1x40x128xf32, #tpu.memory_space<hbm>> -> memref<40x128xf32, #tpu.memory_space<hbm>>
      %dma_start3A_243 = arith.constant 80 : i32
      %dma_start3A_244 = arith.constant 0 : i32
      %dma_start3A_245 = tpu.memref_slice %arg5[%add3A_238, %dma_start3A_243, %dma_start3A_244] : memref<4096x200x128xf32, #tpu.memory_space<hbm>> -> memref<1x40x128xf32, #tpu.memory_space<hbm>>
      %dma_start3A_246 = tpu.memref_squeeze %dma_start3A_245 : memref<1x40x128xf32, #tpu.memory_space<hbm>> -> memref<40x128xf32, #tpu.memory_space<hbm>>
      tpu.enqueue_dma source(%arg9 : memref<40x128xf32, #tpu.memory_space<vmem>>) target(%dma_start3A_246 : memref<40x128xf32, #tpu.memory_space<hbm>>) target_semaphore(%arg20 : memref<!tpu.dma_semaphore, #tpu.memory_space<semaphore_mem>>)
      %add3A_247 = arith.constant 2 : i32
      %add3A_248 = arith.addi %add3A_221, %add3A_247 : i32
      %ge3A_249 = arith.constant 5 : i32
      %ge3A_250 = arith.cmpi sge, %add3A_248, %ge3A_249 : i32
      %lt3A_251 = arith.constant 320 : i32
      %lt3A_252 = arith.cmpi slt, %add3A_248, %lt3A_251 : i32
      %and3A_253 = arith.andi %ge3A_250, %lt3A_252 : i1
      %convert_element_type3A_254 = arith.extui %and3A_253 : i1 to i32
      %cond3A_255 = arith.constant 0 : i32
      %cond3A_256 = arith.cmpi ne, %convert_element_type3A_254, %cond3A_255 : i32
      scf.if %cond3A_256 {
        %dma_wait3A_350 = arith.constant 0 : i32
        %dma_wait3A_351 = arith.constant 0 : i32
        %dma_wait3A_352 = arith.constant 0 : i32
        %dma_wait3A_353 = tpu.memref_slice %arg5[%dma_wait3A_350, %dma_wait3A_351, %dma_wait3A_352] : memref<4096x200x128xf32, #tpu.memory_space<hbm>> -> memref<1x40x128xf32, #tpu.memory_space<hbm>>
        %dma_wait3A_354 = tpu.memref_squeeze %dma_wait3A_353 : memref<1x40x128xf32, #tpu.memory_space<hbm>> -> memref<40x128xf32, #tpu.memory_space<hbm>>
        %dma_wait3A_355 = arith.constant 0 : i32
        %dma_wait3A_356 = arith.constant 0 : i32
        %dma_wait3A_357 = tpu.memref_slice %arg5[%dma_wait3A_350, %dma_wait3A_355, %dma_wait3A_356] : memref<4096x200x128xf32, #tpu.memory_space<hbm>> -> memref<1x40x128xf32, #tpu.memory_space<hbm>>
        %dma_wait3A_358 = tpu.memref_squeeze %dma_wait3A_357 : memref<1x40x128xf32, #tpu.memory_space<hbm>> -> memref<40x128xf32, #tpu.memory_space<hbm>>
        tpu.wait_dma2 semaphore(%arg22 : memref<!tpu.dma_semaphore, #tpu.memory_space<semaphore_mem>>) src(%arg11 : memref<40x128xf32, #tpu.memory_space<vmem>>) dst(%dma_wait3A_358 : memref<40x128xf32, #tpu.memory_space<hbm>>)
      } else {
      }
      %lt3A_257 = arith.constant 320 : i32
      %lt3A_258 = arith.cmpi slt, %add3A_248, %lt3A_257 : i32
      %convert_element_type3A_259 = arith.extui %lt3A_258 : i1 to i32
      %cond3A_260 = arith.constant 0 : i32
      %cond3A_261 = arith.cmpi ne, %convert_element_type3A_259, %cond3A_260 : i32
      scf.if %cond3A_261 {
        %dma_start3A_350 = arith.constant 0 : i32
        %dma_start3A_351 = tpu.memref_slice %arg6[%add3A_248, %dma_start3A_350] : memref<320x40xi32, #tpu.memory_space<vmem>> -> memref<1x40xi32, #tpu.memory_space<vmem>>
        %dma_start3A_352 = tpu.memref_squeeze %dma_start3A_351 : memref<1x40xi32, #tpu.memory_space<vmem>> -> memref<40xi32, #tpu.memory_space<vmem>>
        %dma_start3A_353 = arith.constant 0 : i32
        %dma_start3A_354 = arith.constant 0 : i32
        %dma_start3A_355 = tpu.memref_slice %arg3[%dma_start3A_353, %dma_start3A_354] : memref<100000x128xf32, #tpu.memory_space<hbm>> -> memref<100000x128xf32, #tpu.memory_space<hbm>>
        tpu.enqueue_indirect_dma source(%dma_start3A_355 : memref<100000x128xf32, #tpu.memory_space<hbm>>) target(%arg11 : memref<40x128xf32, #tpu.memory_space<vmem>>) offsets(%dma_start3A_352 : memref<40xi32, #tpu.memory_space<vmem>>) semaphore(%arg17 : memref<!tpu.dma_semaphore, #tpu.memory_space<semaphore_mem>>)
      } else {
      }
      %mul3A_262 = arith.constant 5 : i32
      %mul3A_263 = arith.muli %scan3A_134, %mul3A_262 : i32
      %add3A_264 = arith.constant 3 : i32
      %add3A_265 = arith.addi %mul3A_263, %add3A_264 : i32
      %dma_wait3A_266 = arith.constant 0 : i32
      %dma_wait3A_267 = tpu.memref_slice %arg6[%add3A_265, %dma_wait3A_266] : memref<320x40xi32, #tpu.memory_space<vmem>> -> memref<1x40xi32, #tpu.memory_space<vmem>>
      %dma_wait3A_268 = tpu.memref_squeeze %dma_wait3A_267 : memref<1x40xi32, #tpu.memory_space<vmem>> -> memref<40xi32, #tpu.memory_space<vmem>>
      %dma_wait3A_269 = arith.constant 0 : i32
      %dma_wait3A_270 = arith.constant 0 : i32
      %dma_wait3A_271 = tpu.memref_slice %arg3[%dma_wait3A_269, %dma_wait3A_270] : memref<100000x128xf32, #tpu.memory_space<hbm>> -> memref<100000x128xf32, #tpu.memory_space<hbm>>
      tpu.wait_indirect_dma semaphore(%arg16 : memref<!tpu.dma_semaphore, #tpu.memory_space<semaphore_mem>>) src(%dma_wait3A_271 : memref<100000x128xf32, #tpu.memory_space<hbm>>) dst(%arg10 : memref<40x128xf32, #tpu.memory_space<vmem>>)
      %scan3A_272 = arith.constant 0 : i32
      %scan3A_273 = arith.constant 0 : i32
      %scan3A_274 = arith.constant 20 : i32
      %scan3A_275 = arith.addi %scan3A_273, %scan3A_274 : i32
      %scan3A_276 = arith.constant 1 : i32
      scf.for %scan3A_350 = %scan3A_273 to %scan3A_275 step %scan3A_276  : i32 {
        %mul3A_351 = arith.constant 2 : i32
        %mul3A_352 = arith.muli %mul3A_351, %scan3A_350 : i32
        %add3A_353 = arith.constant 0 : i32
        %add3A_354 = arith.addi %mul3A_352, %add3A_353 : i32
        %mul3A_355 = arith.constant 2 : i32
        %mul3A_356 = arith.muli %mul3A_355, %scan3A_350 : i32
        %add3A_357 = arith.constant 120 : i32
        %add3A_358 = arith.addi %add3A_357, %mul3A_356 : i32
        %add3A_359 = arith.constant 0 : i32
        %add3A_360 = arith.addi %add3A_358, %add3A_359 : i32
        %get3A = arith.index_cast %add3A_360 : i32 to index
        %get3A_361 = arith.constant 0 : index
        %get3A_362 = tpu.vector_load %arg12[%get3A, %get3A_361] {strides = array<i32>} : memref<200x128xf32, #tpu.memory_space<vmem>>, vector<1x16xf32>,
        %get3A_363 = vector.shape_cast %get3A_362 : vector<1x16xf32> to vector<16xf32>
        %swap3A = arith.index_cast %add3A_354 : i32 to index
        %swap3A_364 = arith.constant 0 : index
        %swap3A_365 = tpu.vector_load %arg10[%swap3A, %swap3A_364] {strides = array<i32>} : memref<40x128xf32, #tpu.memory_space<vmem>>, vector<1x16xf32>,
        %swap3A_366 = vector.shape_cast %swap3A_365 : vector<1x16xf32> to vector<16xf32>
        %swap3A_367 = vector.shape_cast %get3A_363 : vector<16xf32> to vector<1x16xf32>
        tpu.vector_store %arg10[%swap3A, %swap3A_364], %swap3A_367 {add = true, strides = array<i32>} : memref<40x128xf32, #tpu.memory_space<vmem>>, vector<1x16xf32>,
        %mul3A_368 = arith.constant 2 : i32
        %mul3A_369 = arith.muli %mul3A_368, %scan3A_350 : i32
        %add3A_370 = arith.constant 0 : i32
        %add3A_371 = arith.addi %mul3A_369, %add3A_370 : i32
        %mul3A_372 = arith.constant 2 : i32
        %mul3A_373 = arith.muli %mul3A_372, %scan3A_350 : i32
        %add3A_374 = arith.constant 120 : i32
        %add3A_375 = arith.addi %add3A_374, %mul3A_373 : i32
        %add3A_376 = arith.constant 0 : i32
        %add3A_377 = arith.addi %add3A_375, %add3A_376 : i32
        %get3A_378 = arith.index_cast %add3A_377 : i32 to index
        %get3A_379 = arith.constant 16 : index
        %get3A_380 = tpu.vector_load %arg12[%get3A_378, %get3A_379] {strides = array<i32>} : memref<200x128xf32, #tpu.memory_space<vmem>>, vector<1x16xf32>,
        %get3A_381 = vector.shape_cast %get3A_380 : vector<1x16xf32> to vector<16xf32>
        %swap3A_382 = arith.index_cast %add3A_371 : i32 to index
        %swap3A_383 = arith.constant 16 : index
        %swap3A_384 = tpu.vector_load %arg10[%swap3A_382, %swap3A_383] {strides = array<i32>} : memref<40x128xf32, #tpu.memory_space<vmem>>, vector<1x16xf32>,
        %swap3A_385 = vector.shape_cast %swap3A_384 : vector<1x16xf32> to vector<16xf32>
        %swap3A_386 = vector.shape_cast %get3A_381 : vector<16xf32> to vector<1x16xf32>
        tpu.vector_store %arg10[%swap3A_382, %swap3A_383], %swap3A_386 {add = true, strides = array<i32>} : memref<40x128xf32, #tpu.memory_space<vmem>>, vector<1x16xf32>,
        %mul3A_387 = arith.constant 2 : i32
        %mul3A_388 = arith.muli %mul3A_387, %scan3A_350 : i32
        %add3A_389 = arith.constant 0 : i32
        %add3A_390 = arith.addi %mul3A_388, %add3A_389 : i32
        %mul3A_391 = arith.constant 2 : i32
        %mul3A_392 = arith.muli %mul3A_391, %scan3A_350 : i32
        %add3A_393 = arith.constant 120 : i32
        %add3A_394 = arith.addi %add3A_393, %mul3A_392 : i32
        %add3A_395 = arith.constant 0 : i32
        %add3A_396 = arith.addi %add3A_394, %add3A_395 : i32
        %get3A_397 = arith.index_cast %add3A_396 : i32 to index
        %get3A_398 = arith.constant 32 : index
        %get3A_399 = tpu.vector_load %arg12[%get3A_397, %get3A_398] {strides = array<i32>} : memref<200x128xf32, #tpu.memory_space<vmem>>, vector<1x16xf32>,
        %get3A_400 = vector.shape_cast %get3A_399 : vector<1x16xf32> to vector<16xf32>
        %swap3A_401 = arith.index_cast %add3A_390 : i32 to index
        %swap3A_402 = arith.constant 32 : index
        %swap3A_403 = tpu.vector_load %arg10[%swap3A_401, %swap3A_402] {strides = array<i32>} : memref<40x128xf32, #tpu.memory_space<vmem>>, vector<1x16xf32>,
        %swap3A_404 = vector.shape_cast %swap3A_403 : vector<1x16xf32> to vector<16xf32>
        %swap3A_405 = vector.shape_cast %get3A_400 : vector<16xf32> to vector<1x16xf32>
        tpu.vector_store %arg10[%swap3A_401, %swap3A_402], %swap3A_405 {add = true, strides = array<i32>} : memref<40x128xf32, #tpu.memory_space<vmem>>, vector<1x16xf32>,
        %mul3A_406 = arith.constant 2 : i32
        %mul3A_407 = arith.muli %mul3A_406, %scan3A_350 : i32
        %add3A_408 = arith.constant 0 : i32
        %add3A_409 = arith.addi %mul3A_407, %add3A_408 : i32
        %mul3A_410 = arith.constant 2 : i32
        %mul3A_411 = arith.muli %mul3A_410, %scan3A_350 : i32
        %add3A_412 = arith.constant 120 : i32
        %add3A_413 = arith.addi %add3A_412, %mul3A_411 : i32
        %add3A_414 = arith.constant 0 : i32
        %add3A_415 = arith.addi %add3A_413, %add3A_414 : i32
        %get3A_416 = arith.index_cast %add3A_415 : i32 to index
        %get3A_417 = arith.constant 48 : index
        %get3A_418 = tpu.vector_load %arg12[%get3A_416, %get3A_417] {strides = array<i32>} : memref<200x128xf32, #tpu.memory_space<vmem>>, vector<1x16xf32>,
        %get3A_419 = vector.shape_cast %get3A_418 : vector<1x16xf32> to vector<16xf32>
        %swap3A_420 = arith.index_cast %add3A_409 : i32 to index
        %swap3A_421 = arith.constant 48 : index
        %swap3A_422 = tpu.vector_load %arg10[%swap3A_420, %swap3A_421] {strides = array<i32>} : memref<40x128xf32, #tpu.memory_space<vmem>>, vector<1x16xf32>,
        %swap3A_423 = vector.shape_cast %swap3A_422 : vector<1x16xf32> to vector<16xf32>
        %swap3A_424 = vector.shape_cast %get3A_419 : vector<16xf32> to vector<1x16xf32>
        tpu.vector_store %arg10[%swap3A_420, %swap3A_421], %swap3A_424 {add = true, strides = array<i32>} : memref<40x128xf32, #tpu.memory_space<vmem>>, vector<1x16xf32>,
        %mul3A_425 = arith.constant 2 : i32
        %mul3A_426 = arith.muli %mul3A_425, %scan3A_350 : i32
        %add3A_427 = arith.constant 0 : i32
        %add3A_428 = arith.addi %mul3A_426, %add3A_427 : i32
        %mul3A_429 = arith.constant 2 : i32
        %mul3A_430 = arith.muli %mul3A_429, %scan3A_350 : i32
        %add3A_431 = arith.constant 120 : i32
        %add3A_432 = arith.addi %add3A_431, %mul3A_430 : i32
        %add3A_433 = arith.constant 0 : i32
        %add3A_434 = arith.addi %add3A_432, %add3A_433 : i32
        %get3A_435 = arith.index_cast %add3A_434 : i32 to index
        %get3A_436 = arith.constant 64 : index
        %get3A_437 = tpu.vector_load %arg12[%get3A_435, %get3A_436] {strides = array<i32>} : memref<200x128xf32, #tpu.memory_space<vmem>>, vector<1x16xf32>,
        %get3A_438 = vector.shape_cast %get3A_437 : vector<1x16xf32> to vector<16xf32>
        %swap3A_439 = arith.index_cast %add3A_428 : i32 to index
        %swap3A_440 = arith.constant 64 : index
        %swap3A_441 = tpu.vector_load %arg10[%swap3A_439, %swap3A_440] {strides = array<i32>} : memref<40x128xf32, #tpu.memory_space<vmem>>, vector<1x16xf32>,
        %swap3A_442 = vector.shape_cast %swap3A_441 : vector<1x16xf32> to vector<16xf32>
        %swap3A_443 = vector.shape_cast %get3A_438 : vector<16xf32> to vector<1x16xf32>
        tpu.vector_store %arg10[%swap3A_439, %swap3A_440], %swap3A_443 {add = true, strides = array<i32>} : memref<40x128xf32, #tpu.memory_space<vmem>>, vector<1x16xf32>,
        %mul3A_444 = arith.constant 2 : i32
        %mul3A_445 = arith.muli %mul3A_444, %scan3A_350 : i32
        %add3A_446 = arith.constant 0 : i32
        %add3A_447 = arith.addi %mul3A_445, %add3A_446 : i32
        %mul3A_448 = arith.constant 2 : i32
        %mul3A_449 = arith.muli %mul3A_448, %scan3A_350 : i32
        %add3A_450 = arith.constant 120 : i32
        %add3A_451 = arith.addi %add3A_450, %mul3A_449 : i32
        %add3A_452 = arith.constant 0 : i32
        %add3A_453 = arith.addi %add3A_451, %add3A_452 : i32
        %get3A_454 = arith.index_cast %add3A_453 : i32 to index
        %get3A_455 = arith.constant 80 : index
        %get3A_456 = tpu.vector_load %arg12[%get3A_454, %get3A_455] {strides = array<i32>} : memref<200x128xf32, #tpu.memory_space<vmem>>, vector<1x16xf32>,
        %get3A_457 = vector.shape_cast %get3A_456 : vector<1x16xf32> to vector<16xf32>
        %swap3A_458 = arith.index_cast %add3A_447 : i32 to index
        %swap3A_459 = arith.constant 80 : index
        %swap3A_460 = tpu.vector_load %arg10[%swap3A_458, %swap3A_459] {strides = array<i32>} : memref<40x128xf32, #tpu.memory_space<vmem>>, vector<1x16xf32>,
        %swap3A_461 = vector.shape_cast %swap3A_460 : vector<1x16xf32> to vector<16xf32>
        %swap3A_462 = vector.shape_cast %get3A_457 : vector<16xf32> to vector<1x16xf32>
        tpu.vector_store %arg10[%swap3A_458, %swap3A_459], %swap3A_462 {add = true, strides = array<i32>} : memref<40x128xf32, #tpu.memory_space<vmem>>, vector<1x16xf32>,
        %mul3A_463 = arith.constant 2 : i32
        %mul3A_464 = arith.muli %mul3A_463, %scan3A_350 : i32
        %add3A_465 = arith.constant 0 : i32
        %add3A_466 = arith.addi %mul3A_464, %add3A_465 : i32
        %mul3A_467 = arith.constant 2 : i32
        %mul3A_468 = arith.muli %mul3A_467, %scan3A_350 : i32
        %add3A_469 = arith.constant 120 : i32
        %add3A_470 = arith.addi %add3A_469, %mul3A_468 : i32
        %add3A_471 = arith.constant 0 : i32
        %add3A_472 = arith.addi %add3A_470, %add3A_471 : i32
        %get3A_473 = arith.index_cast %add3A_472 : i32 to index
        %get3A_474 = arith.constant 96 : index
        %get3A_475 = tpu.vector_load %arg12[%get3A_473, %get3A_474] {strides = array<i32>} : memref<200x128xf32, #tpu.memory_space<vmem>>, vector<1x16xf32>,
        %get3A_476 = vector.shape_cast %get3A_475 : vector<1x16xf32> to vector<16xf32>
        %swap3A_477 = arith.index_cast %add3A_466 : i32 to index
        %swap3A_478 = arith.constant 96 : index
        %swap3A_479 = tpu.vector_load %arg10[%swap3A_477, %swap3A_478] {strides = array<i32>} : memref<40x128xf32, #tpu.memory_space<vmem>>, vector<1x16xf32>,
        %swap3A_480 = vector.shape_cast %swap3A_479 : vector<1x16xf32> to vector<16xf32>
        %swap3A_481 = vector.shape_cast %get3A_476 : vector<16xf32> to vector<1x16xf32>
        tpu.vector_store %arg10[%swap3A_477, %swap3A_478], %swap3A_481 {add = true, strides = array<i32>} : memref<40x128xf32, #tpu.memory_space<vmem>>, vector<1x16xf32>,
        %mul3A_482 = arith.constant 2 : i32
        %mul3A_483 = arith.muli %mul3A_482, %scan3A_350 : i32
        %add3A_484 = arith.constant 0 : i32
        %add3A_485 = arith.addi %mul3A_483, %add3A_484 : i32
        %mul3A_486 = arith.constant 2 : i32
        %mul3A_487 = arith.muli %mul3A_486, %scan3A_350 : i32
        %add3A_488 = arith.constant 120 : i32
        %add3A_489 = arith.addi %add3A_488, %mul3A_487 : i32
        %add3A_490 = arith.constant 0 : i32
        %add3A_491 = arith.addi %add3A_489, %add3A_490 : i32
        %get3A_492 = arith.index_cast %add3A_491 : i32 to index
        %get3A_493 = arith.constant 112 : index
        %get3A_494 = tpu.vector_load %arg12[%get3A_492, %get3A_493] {strides = array<i32>} : memref<200x128xf32, #tpu.memory_space<vmem>>, vector<1x16xf32>,
        %get3A_495 = vector.shape_cast %get3A_494 : vector<1x16xf32> to vector<16xf32>
        %swap3A_496 = arith.index_cast %add3A_485 : i32 to index
        %swap3A_497 = arith.constant 112 : index
        %swap3A_498 = tpu.vector_load %arg10[%swap3A_496, %swap3A_497] {strides = array<i32>} : memref<40x128xf32, #tpu.memory_space<vmem>>, vector<1x16xf32>,
        %swap3A_499 = vector.shape_cast %swap3A_498 : vector<1x16xf32> to vector<16xf32>
        %swap3A_500 = vector.shape_cast %get3A_495 : vector<16xf32> to vector<1x16xf32>
        tpu.vector_store %arg10[%swap3A_496, %swap3A_497], %swap3A_500 {add = true, strides = array<i32>} : memref<40x128xf32, #tpu.memory_space<vmem>>, vector<1x16xf32>,
        %mul3A_501 = arith.constant 2 : i32
        %mul3A_502 = arith.muli %mul3A_501, %scan3A_350 : i32
        %add3A_503 = arith.constant 1 : i32
        %add3A_504 = arith.addi %mul3A_502, %add3A_503 : i32
        %mul3A_505 = arith.constant 2 : i32
        %mul3A_506 = arith.muli %mul3A_505, %scan3A_350 : i32
        %add3A_507 = arith.constant 120 : i32
        %add3A_508 = arith.addi %add3A_507, %mul3A_506 : i32
        %add3A_509 = arith.constant 1 : i32
        %add3A_510 = arith.addi %add3A_508, %add3A_509 : i32
        %get3A_511 = arith.index_cast %add3A_510 : i32 to index
        %get3A_512 = arith.constant 0 : index
        %get3A_513 = tpu.vector_load %arg12[%get3A_511, %get3A_512] {strides = array<i32>} : memref<200x128xf32, #tpu.memory_space<vmem>>, vector<1x16xf32>,
        %get3A_514 = vector.shape_cast %get3A_513 : vector<1x16xf32> to vector<16xf32>
        %swap3A_515 = arith.index_cast %add3A_504 : i32 to index
        %swap3A_516 = arith.constant 0 : index
        %swap3A_517 = tpu.vector_load %arg10[%swap3A_515, %swap3A_516] {strides = array<i32>} : memref<40x128xf32, #tpu.memory_space<vmem>>, vector<1x16xf32>,
        %swap3A_518 = vector.shape_cast %swap3A_517 : vector<1x16xf32> to vector<16xf32>
        %swap3A_519 = vector.shape_cast %get3A_514 : vector<16xf32> to vector<1x16xf32>
        tpu.vector_store %arg10[%swap3A_515, %swap3A_516], %swap3A_519 {add = true, strides = array<i32>} : memref<40x128xf32, #tpu.memory_space<vmem>>, vector<1x16xf32>,
        %mul3A_520 = arith.constant 2 : i32
        %mul3A_521 = arith.muli %mul3A_520, %scan3A_350 : i32
        %add3A_522 = arith.constant 1 : i32
        %add3A_523 = arith.addi %mul3A_521, %add3A_522 : i32
        %mul3A_524 = arith.constant 2 : i32
        %mul3A_525 = arith.muli %mul3A_524, %scan3A_350 : i32
        %add3A_526 = arith.constant 120 : i32
        %add3A_527 = arith.addi %add3A_526, %mul3A_525 : i32
        %add3A_528 = arith.constant 1 : i32
        %add3A_529 = arith.addi %add3A_527, %add3A_528 : i32
        %get3A_530 = arith.index_cast %add3A_529 : i32 to index
        %get3A_531 = arith.constant 16 : index
        %get3A_532 = tpu.vector_load %arg12[%get3A_530, %get3A_531] {strides = array<i32>} : memref<200x128xf32, #tpu.memory_space<vmem>>, vector<1x16xf32>,
        %get3A_533 = vector.shape_cast %get3A_532 : vector<1x16xf32> to vector<16xf32>
        %swap3A_534 = arith.index_cast %add3A_523 : i32 to index
        %swap3A_535 = arith.constant 16 : index
        %swap3A_536 = tpu.vector_load %arg10[%swap3A_534, %swap3A_535] {strides = array<i32>} : memref<40x128xf32, #tpu.memory_space<vmem>>, vector<1x16xf32>,
        %swap3A_537 = vector.shape_cast %swap3A_536 : vector<1x16xf32> to vector<16xf32>
        %swap3A_538 = vector.shape_cast %get3A_533 : vector<16xf32> to vector<1x16xf32>
        tpu.vector_store %arg10[%swap3A_534, %swap3A_535], %swap3A_538 {add = true, strides = array<i32>} : memref<40x128xf32, #tpu.memory_space<vmem>>, vector<1x16xf32>,
        %mul3A_539 = arith.constant 2 : i32
        %mul3A_540 = arith.muli %mul3A_539, %scan3A_350 : i32
        %add3A_541 = arith.constant 1 : i32
        %add3A_542 = arith.addi %mul3A_540, %add3A_541 : i32
        %mul3A_543 = arith.constant 2 : i32
        %mul3A_544 = arith.muli %mul3A_543, %scan3A_350 : i32
        %add3A_545 = arith.constant 120 : i32
        %add3A_546 = arith.addi %add3A_545, %mul3A_544 : i32
        %add3A_547 = arith.constant 1 : i32
        %add3A_548 = arith.addi %add3A_546, %add3A_547 : i32
        %get3A_549 = arith.index_cast %add3A_548 : i32 to index
        %get3A_550 = arith.constant 32 : index
        %get3A_551 = tpu.vector_load %arg12[%get3A_549, %get3A_550] {strides = array<i32>} : memref<200x128xf32, #tpu.memory_space<vmem>>, vector<1x16xf32>,
        %get3A_552 = vector.shape_cast %get3A_551 : vector<1x16xf32> to vector<16xf32>
        %swap3A_553 = arith.index_cast %add3A_542 : i32 to index
        %swap3A_554 = arith.constant 32 : index
        %swap3A_555 = tpu.vector_load %arg10[%swap3A_553, %swap3A_554] {strides = array<i32>} : memref<40x128xf32, #tpu.memory_space<vmem>>, vector<1x16xf32>,
        %swap3A_556 = vector.shape_cast %swap3A_555 : vector<1x16xf32> to vector<16xf32>
        %swap3A_557 = vector.shape_cast %get3A_552 : vector<16xf32> to vector<1x16xf32>
        tpu.vector_store %arg10[%swap3A_553, %swap3A_554], %swap3A_557 {add = true, strides = array<i32>} : memref<40x128xf32, #tpu.memory_space<vmem>>, vector<1x16xf32>,
        %mul3A_558 = arith.constant 2 : i32
        %mul3A_559 = arith.muli %mul3A_558, %scan3A_350 : i32
        %add3A_560 = arith.constant 1 : i32
        %add3A_561 = arith.addi %mul3A_559, %add3A_560 : i32
        %mul3A_562 = arith.constant 2 : i32
        %mul3A_563 = arith.muli %mul3A_562, %scan3A_350 : i32
        %add3A_564 = arith.constant 120 : i32
        %add3A_565 = arith.addi %add3A_564, %mul3A_563 : i32
        %add3A_566 = arith.constant 1 : i32
        %add3A_567 = arith.addi %add3A_565, %add3A_566 : i32
        %get3A_568 = arith.index_cast %add3A_567 : i32 to index
        %get3A_569 = arith.constant 48 : index
        %get3A_570 = tpu.vector_load %arg12[%get3A_568, %get3A_569] {strides = array<i32>} : memref<200x128xf32, #tpu.memory_space<vmem>>, vector<1x16xf32>,
        %get3A_571 = vector.shape_cast %get3A_570 : vector<1x16xf32> to vector<16xf32>
        %swap3A_572 = arith.index_cast %add3A_561 : i32 to index
        %swap3A_573 = arith.constant 48 : index
        %swap3A_574 = tpu.vector_load %arg10[%swap3A_572, %swap3A_573] {strides = array<i32>} : memref<40x128xf32, #tpu.memory_space<vmem>>, vector<1x16xf32>,
        %swap3A_575 = vector.shape_cast %swap3A_574 : vector<1x16xf32> to vector<16xf32>
        %swap3A_576 = vector.shape_cast %get3A_571 : vector<16xf32> to vector<1x16xf32>
        tpu.vector_store %arg10[%swap3A_572, %swap3A_573], %swap3A_576 {add = true, strides = array<i32>} : memref<40x128xf32, #tpu.memory_space<vmem>>, vector<1x16xf32>,
        %mul3A_577 = arith.constant 2 : i32
        %mul3A_578 = arith.muli %mul3A_577, %scan3A_350 : i32
        %add3A_579 = arith.constant 1 : i32
        %add3A_580 = arith.addi %mul3A_578, %add3A_579 : i32
        %mul3A_581 = arith.constant 2 : i32
        %mul3A_582 = arith.muli %mul3A_581, %scan3A_350 : i32
        %add3A_583 = arith.constant 120 : i32
        %add3A_584 = arith.addi %add3A_583, %mul3A_582 : i32
        %add3A_585 = arith.constant 1 : i32
        %add3A_586 = arith.addi %add3A_584, %add3A_585 : i32
        %get3A_587 = arith.index_cast %add3A_586 : i32 to index
        %get3A_588 = arith.constant 64 : index
        %get3A_589 = tpu.vector_load %arg12[%get3A_587, %get3A_588] {strides = array<i32>} : memref<200x128xf32, #tpu.memory_space<vmem>>, vector<1x16xf32>,
        %get3A_590 = vector.shape_cast %get3A_589 : vector<1x16xf32> to vector<16xf32>
        %swap3A_591 = arith.index_cast %add3A_580 : i32 to index
        %swap3A_592 = arith.constant 64 : index
        %swap3A_593 = tpu.vector_load %arg10[%swap3A_591, %swap3A_592] {strides = array<i32>} : memref<40x128xf32, #tpu.memory_space<vmem>>, vector<1x16xf32>,
        %swap3A_594 = vector.shape_cast %swap3A_593 : vector<1x16xf32> to vector<16xf32>
        %swap3A_595 = vector.shape_cast %get3A_590 : vector<16xf32> to vector<1x16xf32>
        tpu.vector_store %arg10[%swap3A_591, %swap3A_592], %swap3A_595 {add = true, strides = array<i32>} : memref<40x128xf32, #tpu.memory_space<vmem>>, vector<1x16xf32>,
        %mul3A_596 = arith.constant 2 : i32
        %mul3A_597 = arith.muli %mul3A_596, %scan3A_350 : i32
        %add3A_598 = arith.constant 1 : i32
        %add3A_599 = arith.addi %mul3A_597, %add3A_598 : i32
        %mul3A_600 = arith.constant 2 : i32
        %mul3A_601 = arith.muli %mul3A_600, %scan3A_350 : i32
        %add3A_602 = arith.constant 120 : i32
        %add3A_603 = arith.addi %add3A_602, %mul3A_601 : i32
        %add3A_604 = arith.constant 1 : i32
        %add3A_605 = arith.addi %add3A_603, %add3A_604 : i32
        %get3A_606 = arith.index_cast %add3A_605 : i32 to index
        %get3A_607 = arith.constant 80 : index
        %get3A_608 = tpu.vector_load %arg12[%get3A_606, %get3A_607] {strides = array<i32>} : memref<200x128xf32, #tpu.memory_space<vmem>>, vector<1x16xf32>,
        %get3A_609 = vector.shape_cast %get3A_608 : vector<1x16xf32> to vector<16xf32>
        %swap3A_610 = arith.index_cast %add3A_599 : i32 to index
        %swap3A_611 = arith.constant 80 : index
        %swap3A_612 = tpu.vector_load %arg10[%swap3A_610, %swap3A_611] {strides = array<i32>} : memref<40x128xf32, #tpu.memory_space<vmem>>, vector<1x16xf32>,
        %swap3A_613 = vector.shape_cast %swap3A_612 : vector<1x16xf32> to vector<16xf32>
        %swap3A_614 = vector.shape_cast %get3A_609 : vector<16xf32> to vector<1x16xf32>
        tpu.vector_store %arg10[%swap3A_610, %swap3A_611], %swap3A_614 {add = true, strides = array<i32>} : memref<40x128xf32, #tpu.memory_space<vmem>>, vector<1x16xf32>,
        %mul3A_615 = arith.constant 2 : i32
        %mul3A_616 = arith.muli %mul3A_615, %scan3A_350 : i32
        %add3A_617 = arith.constant 1 : i32
        %add3A_618 = arith.addi %mul3A_616, %add3A_617 : i32
        %mul3A_619 = arith.constant 2 : i32
        %mul3A_620 = arith.muli %mul3A_619, %scan3A_350 : i32
        %add3A_621 = arith.constant 120 : i32
        %add3A_622 = arith.addi %add3A_621, %mul3A_620 : i32
        %add3A_623 = arith.constant 1 : i32
        %add3A_624 = arith.addi %add3A_622, %add3A_623 : i32
        %get3A_625 = arith.index_cast %add3A_624 : i32 to index
        %get3A_626 = arith.constant 96 : index
        %get3A_627 = tpu.vector_load %arg12[%get3A_625, %get3A_626] {strides = array<i32>} : memref<200x128xf32, #tpu.memory_space<vmem>>, vector<1x16xf32>,
        %get3A_628 = vector.shape_cast %get3A_627 : vector<1x16xf32> to vector<16xf32>
        %swap3A_629 = arith.index_cast %add3A_618 : i32 to index
        %swap3A_630 = arith.constant 96 : index
        %swap3A_631 = tpu.vector_load %arg10[%swap3A_629, %swap3A_630] {strides = array<i32>} : memref<40x128xf32, #tpu.memory_space<vmem>>, vector<1x16xf32>,
        %swap3A_632 = vector.shape_cast %swap3A_631 : vector<1x16xf32> to vector<16xf32>
        %swap3A_633 = vector.shape_cast %get3A_628 : vector<16xf32> to vector<1x16xf32>
        tpu.vector_store %arg10[%swap3A_629, %swap3A_630], %swap3A_633 {add = true, strides = array<i32>} : memref<40x128xf32, #tpu.memory_space<vmem>>, vector<1x16xf32>,
        %mul3A_634 = arith.constant 2 : i32
        %mul3A_635 = arith.muli %mul3A_634, %scan3A_350 : i32
        %add3A_636 = arith.constant 1 : i32
        %add3A_637 = arith.addi %mul3A_635, %add3A_636 : i32
        %mul3A_638 = arith.constant 2 : i32
        %mul3A_639 = arith.muli %mul3A_638, %scan3A_350 : i32
        %add3A_640 = arith.constant 120 : i32
        %add3A_641 = arith.addi %add3A_640, %mul3A_639 : i32
        %add3A_642 = arith.constant 1 : i32
        %add3A_643 = arith.addi %add3A_641, %add3A_642 : i32
        %get3A_644 = arith.index_cast %add3A_643 : i32 to index
        %get3A_645 = arith.constant 112 : index
        %get3A_646 = tpu.vector_load %arg12[%get3A_644, %get3A_645] {strides = array<i32>} : memref<200x128xf32, #tpu.memory_space<vmem>>, vector<1x16xf32>,
        %get3A_647 = vector.shape_cast %get3A_646 : vector<1x16xf32> to vector<16xf32>
        %swap3A_648 = arith.index_cast %add3A_637 : i32 to index
        %swap3A_649 = arith.constant 112 : index
        %swap3A_650 = tpu.vector_load %arg10[%swap3A_648, %swap3A_649] {strides = array<i32>} : memref<40x128xf32, #tpu.memory_space<vmem>>, vector<1x16xf32>,
        %swap3A_651 = vector.shape_cast %swap3A_650 : vector<1x16xf32> to vector<16xf32>
        %swap3A_652 = vector.shape_cast %get3A_647 : vector<16xf32> to vector<1x16xf32>
        tpu.vector_store %arg10[%swap3A_648, %swap3A_649], %swap3A_652 {add = true, strides = array<i32>} : memref<40x128xf32, #tpu.memory_space<vmem>>, vector<1x16xf32>,
      }
      %scan3A_277 = arith.constant 20 : i32
      %mul3A_278 = arith.constant 128 : i32
      %mul3A_279 = arith.muli %add3A, %mul3A_278 : i32
      %add3A_280 = arith.constant 0 : i32
      %add3A_281 = arith.addi %mul3A_279, %add3A_280 : i32
      %add3A_282 = arith.addi %add3A_281, %scan3A_134 : i32
      %dma_start3A_283 = arith.constant 120 : i32
      %dma_start3A_284 = arith.constant 0 : i32
      %dma_start3A_285 = tpu.memref_slice %arg5[%add3A_282, %dma_start3A_283, %dma_start3A_284] : memref<4096x200x128xf32, #tpu.memory_space<hbm>> -> memref<1x40x128xf32, #tpu.memory_space<hbm>>
      %dma_start3A_286 = tpu.memref_squeeze %dma_start3A_285 : memref<1x40x128xf32, #tpu.memory_space<hbm>> -> memref<40x128xf32, #tpu.memory_space<hbm>>
      %dma_start3A_287 = arith.constant 120 : i32
      %dma_start3A_288 = arith.constant 0 : i32
      %dma_start3A_289 = tpu.memref_slice %arg5[%add3A_282, %dma_start3A_287, %dma_start3A_288] : memref<4096x200x128xf32, #tpu.memory_space<hbm>> -> memref<1x40x128xf32, #tpu.memory_space<hbm>>
      %dma_start3A_290 = tpu.memref_squeeze %dma_start3A_289 : memref<1x40x128xf32, #tpu.memory_space<hbm>> -> memref<40x128xf32, #tpu.memory_space<hbm>>
      tpu.enqueue_dma source(%arg10 : memref<40x128xf32, #tpu.memory_space<vmem>>) target(%dma_start3A_290 : memref<40x128xf32, #tpu.memory_space<hbm>>) target_semaphore(%arg21 : memref<!tpu.dma_semaphore, #tpu.memory_space<semaphore_mem>>)
      %add3A_291 = arith.constant 2 : i32
      %add3A_292 = arith.addi %add3A_265, %add3A_291 : i32
      %ge3A_293 = arith.constant 5 : i32
      %ge3A_294 = arith.cmpi sge, %add3A_292, %ge3A_293 : i32
      %lt3A_295 = arith.constant 320 : i32
      %lt3A_296 = arith.cmpi slt, %add3A_292, %lt3A_295 : i32
      %and3A_297 = arith.andi %ge3A_294, %lt3A_296 : i1
      %convert_element_type3A_298 = arith.extui %and3A_297 : i1 to i32
      %cond3A_299 = arith.constant 0 : i32
      %cond3A_300 = arith.cmpi ne, %convert_element_type3A_298, %cond3A_299 : i32
      scf.if %cond3A_300 {
        %dma_wait3A_350 = arith.constant 0 : i32
        %dma_wait3A_351 = arith.constant 0 : i32
        %dma_wait3A_352 = arith.constant 0 : i32
        %dma_wait3A_353 = tpu.memref_slice %arg5[%dma_wait3A_350, %dma_wait3A_351, %dma_wait3A_352] : memref<4096x200x128xf32, #tpu.memory_space<hbm>> -> memref<1x40x128xf32, #tpu.memory_space<hbm>>
        %dma_wait3A_354 = tpu.memref_squeeze %dma_wait3A_353 : memref<1x40x128xf32, #tpu.memory_space<hbm>> -> memref<40x128xf32, #tpu.memory_space<hbm>>
        %dma_wait3A_355 = arith.constant 0 : i32
        %dma_wait3A_356 = arith.constant 0 : i32
        %dma_wait3A_357 = tpu.memref_slice %arg5[%dma_wait3A_350, %dma_wait3A_355, %dma_wait3A_356] : memref<4096x200x128xf32, #tpu.memory_space<hbm>> -> memref<1x40x128xf32, #tpu.memory_space<hbm>>
        %dma_wait3A_358 = tpu.memref_squeeze %dma_wait3A_357 : memref<1x40x128xf32, #tpu.memory_space<hbm>> -> memref<40x128xf32, #tpu.memory_space<hbm>>
        tpu.wait_dma2 semaphore(%arg18 : memref<!tpu.dma_semaphore, #tpu.memory_space<semaphore_mem>>) src(%arg7 : memref<40x128xf32, #tpu.memory_space<vmem>>) dst(%dma_wait3A_358 : memref<40x128xf32, #tpu.memory_space<hbm>>)
      } else {
      }
      %lt3A_301 = arith.constant 320 : i32
      %lt3A_302 = arith.cmpi slt, %add3A_292, %lt3A_301 : i32
      %convert_element_type3A_303 = arith.extui %lt3A_302 : i1 to i32
      %cond3A_304 = arith.constant 0 : i32
      %cond3A_305 = arith.cmpi ne, %convert_element_type3A_303, %cond3A_304 : i32
      scf.if %cond3A_305 {
        %dma_start3A_350 = arith.constant 0 : i32
        %dma_start3A_351 = tpu.memref_slice %arg6[%add3A_292, %dma_start3A_350] : memref<320x40xi32, #tpu.memory_space<vmem>> -> memref<1x40xi32, #tpu.memory_space<vmem>>
        %dma_start3A_352 = tpu.memref_squeeze %dma_start3A_351 : memref<1x40xi32, #tpu.memory_space<vmem>> -> memref<40xi32, #tpu.memory_space<vmem>>
        %dma_start3A_353 = arith.constant 0 : i32
        %dma_start3A_354 = arith.constant 0 : i32
        %dma_start3A_355 = tpu.memref_slice %arg3[%dma_start3A_353, %dma_start3A_354] : memref<100000x128xf32, #tpu.memory_space<hbm>> -> memref<100000x128xf32, #tpu.memory_space<hbm>>
        tpu.enqueue_indirect_dma source(%dma_start3A_355 : memref<100000x128xf32, #tpu.memory_space<hbm>>) target(%arg7 : memref<40x128xf32, #tpu.memory_space<vmem>>) offsets(%dma_start3A_352 : memref<40xi32, #tpu.memory_space<vmem>>) semaphore(%arg13 : memref<!tpu.dma_semaphore, #tpu.memory_space<semaphore_mem>>)
      } else {
      }
      %mul3A_306 = arith.constant 5 : i32
      %mul3A_307 = arith.muli %scan3A_134, %mul3A_306 : i32
      %add3A_308 = arith.constant 4 : i32
      %add3A_309 = arith.addi %mul3A_307, %add3A_308 : i32
      %dma_wait3A_310 = arith.constant 0 : i32
      %dma_wait3A_311 = tpu.memref_slice %arg6[%add3A_309, %dma_wait3A_310] : memref<320x40xi32, #tpu.memory_space<vmem>> -> memref<1x40xi32, #tpu.memory_space<vmem>>
      %dma_wait3A_312 = tpu.memref_squeeze %dma_wait3A_311 : memref<1x40xi32, #tpu.memory_space<vmem>> -> memref<40xi32, #tpu.memory_space<vmem>>
      %dma_wait3A_313 = arith.constant 0 : i32
      %dma_wait3A_314 = arith.constant 0 : i32
      %dma_wait3A_315 = tpu.memref_slice %arg3[%dma_wait3A_313, %dma_wait3A_314] : memref<100000x128xf32, #tpu.memory_space<hbm>> -> memref<100000x128xf32, #tpu.memory_space<hbm>>
      tpu.wait_indirect_dma semaphore(%arg17 : memref<!tpu.dma_semaphore, #tpu.memory_space<semaphore_mem>>) src(%dma_wait3A_315 : memref<100000x128xf32, #tpu.memory_space<hbm>>) dst(%arg11 : memref<40x128xf32, #tpu.memory_space<vmem>>)
      %scan3A_316 = arith.constant 0 : i32
      %scan3A_317 = arith.constant 0 : i32
      %scan3A_318 = arith.constant 20 : i32
      %scan3A_319 = arith.addi %scan3A_317, %scan3A_318 : i32
      %scan3A_320 = arith.constant 1 : i32
      scf.for %scan3A_350 = %scan3A_317 to %scan3A_319 step %scan3A_320  : i32 {
        %mul3A_351 = arith.constant 2 : i32
        %mul3A_352 = arith.muli %mul3A_351, %scan3A_350 : i32
        %add3A_353 = arith.constant 0 : i32
        %add3A_354 = arith.addi %mul3A_352, %add3A_353 : i32
        %mul3A_355 = arith.constant 2 : i32
        %mul3A_356 = arith.muli %mul3A_355, %scan3A_350 : i32
        %add3A_357 = arith.constant 160 : i32
        %add3A_358 = arith.addi %add3A_357, %mul3A_356 : i32
        %add3A_359 = arith.constant 0 : i32
        %add3A_360 = arith.addi %add3A_358, %add3A_359 : i32
        %get3A = arith.index_cast %add3A_360 : i32 to index
        %get3A_361 = arith.constant 0 : index
        %get3A_362 = tpu.vector_load %arg12[%get3A, %get3A_361] {strides = array<i32>} : memref<200x128xf32, #tpu.memory_space<vmem>>, vector<1x16xf32>,
        %get3A_363 = vector.shape_cast %get3A_362 : vector<1x16xf32> to vector<16xf32>
        %swap3A = arith.index_cast %add3A_354 : i32 to index
        %swap3A_364 = arith.constant 0 : index
        %swap3A_365 = tpu.vector_load %arg11[%swap3A, %swap3A_364] {strides = array<i32>} : memref<40x128xf32, #tpu.memory_space<vmem>>, vector<1x16xf32>,
        %swap3A_366 = vector.shape_cast %swap3A_365 : vector<1x16xf32> to vector<16xf32>
        %swap3A_367 = vector.shape_cast %get3A_363 : vector<16xf32> to vector<1x16xf32>
        tpu.vector_store %arg11[%swap3A, %swap3A_364], %swap3A_367 {add = true, strides = array<i32>} : memref<40x128xf32, #tpu.memory_space<vmem>>, vector<1x16xf32>,
        %mul3A_368 = arith.constant 2 : i32
        %mul3A_369 = arith.muli %mul3A_368, %scan3A_350 : i32
        %add3A_370 = arith.constant 0 : i32
        %add3A_371 = arith.addi %mul3A_369, %add3A_370 : i32
        %mul3A_372 = arith.constant 2 : i32
        %mul3A_373 = arith.muli %mul3A_372, %scan3A_350 : i32
        %add3A_374 = arith.constant 160 : i32
        %add3A_375 = arith.addi %add3A_374, %mul3A_373 : i32
        %add3A_376 = arith.constant 0 : i32
        %add3A_377 = arith.addi %add3A_375, %add3A_376 : i32
        %get3A_378 = arith.index_cast %add3A_377 : i32 to index
        %get3A_379 = arith.constant 16 : index
        %get3A_380 = tpu.vector_load %arg12[%get3A_378, %get3A_379] {strides = array<i32>} : memref<200x128xf32, #tpu.memory_space<vmem>>, vector<1x16xf32>,
        %get3A_381 = vector.shape_cast %get3A_380 : vector<1x16xf32> to vector<16xf32>
        %swap3A_382 = arith.index_cast %add3A_371 : i32 to index
        %swap3A_383 = arith.constant 16 : index
        %swap3A_384 = tpu.vector_load %arg11[%swap3A_382, %swap3A_383] {strides = array<i32>} : memref<40x128xf32, #tpu.memory_space<vmem>>, vector<1x16xf32>,
        %swap3A_385 = vector.shape_cast %swap3A_384 : vector<1x16xf32> to vector<16xf32>
        %swap3A_386 = vector.shape_cast %get3A_381 : vector<16xf32> to vector<1x16xf32>
        tpu.vector_store %arg11[%swap3A_382, %swap3A_383], %swap3A_386 {add = true, strides = array<i32>} : memref<40x128xf32, #tpu.memory_space<vmem>>, vector<1x16xf32>,
        %mul3A_387 = arith.constant 2 : i32
        %mul3A_388 = arith.muli %mul3A_387, %scan3A_350 : i32
        %add3A_389 = arith.constant 0 : i32
        %add3A_390 = arith.addi %mul3A_388, %add3A_389 : i32
        %mul3A_391 = arith.constant 2 : i32
        %mul3A_392 = arith.muli %mul3A_391, %scan3A_350 : i32
        %add3A_393 = arith.constant 160 : i32
        %add3A_394 = arith.addi %add3A_393, %mul3A_392 : i32
        %add3A_395 = arith.constant 0 : i32
        %add3A_396 = arith.addi %add3A_394, %add3A_395 : i32
        %get3A_397 = arith.index_cast %add3A_396 : i32 to index
        %get3A_398 = arith.constant 32 : index
        %get3A_399 = tpu.vector_load %arg12[%get3A_397, %get3A_398] {strides = array<i32>} : memref<200x128xf32, #tpu.memory_space<vmem>>, vector<1x16xf32>,
        %get3A_400 = vector.shape_cast %get3A_399 : vector<1x16xf32> to vector<16xf32>
        %swap3A_401 = arith.index_cast %add3A_390 : i32 to index
        %swap3A_402 = arith.constant 32 : index
        %swap3A_403 = tpu.vector_load %arg11[%swap3A_401, %swap3A_402] {strides = array<i32>} : memref<40x128xf32, #tpu.memory_space<vmem>>, vector<1x16xf32>,
        %swap3A_404 = vector.shape_cast %swap3A_403 : vector<1x16xf32> to vector<16xf32>
        %swap3A_405 = vector.shape_cast %get3A_400 : vector<16xf32> to vector<1x16xf32>
        tpu.vector_store %arg11[%swap3A_401, %swap3A_402], %swap3A_405 {add = true, strides = array<i32>} : memref<40x128xf32, #tpu.memory_space<vmem>>, vector<1x16xf32>,
        %mul3A_406 = arith.constant 2 : i32
        %mul3A_407 = arith.muli %mul3A_406, %scan3A_350 : i32
        %add3A_408 = arith.constant 0 : i32
        %add3A_409 = arith.addi %mul3A_407, %add3A_408 : i32
        %mul3A_410 = arith.constant 2 : i32
        %mul3A_411 = arith.muli %mul3A_410, %scan3A_350 : i32
        %add3A_412 = arith.constant 160 : i32
        %add3A_413 = arith.addi %add3A_412, %mul3A_411 : i32
        %add3A_414 = arith.constant 0 : i32
        %add3A_415 = arith.addi %add3A_413, %add3A_414 : i32
        %get3A_416 = arith.index_cast %add3A_415 : i32 to index
        %get3A_417 = arith.constant 48 : index
        %get3A_418 = tpu.vector_load %arg12[%get3A_416, %get3A_417] {strides = array<i32>} : memref<200x128xf32, #tpu.memory_space<vmem>>, vector<1x16xf32>,
        %get3A_419 = vector.shape_cast %get3A_418 : vector<1x16xf32> to vector<16xf32>
        %swap3A_420 = arith.index_cast %add3A_409 : i32 to index
        %swap3A_421 = arith.constant 48 : index
        %swap3A_422 = tpu.vector_load %arg11[%swap3A_420, %swap3A_421] {strides = array<i32>} : memref<40x128xf32, #tpu.memory_space<vmem>>, vector<1x16xf32>,
        %swap3A_423 = vector.shape_cast %swap3A_422 : vector<1x16xf32> to vector<16xf32>
        %swap3A_424 = vector.shape_cast %get3A_419 : vector<16xf32> to vector<1x16xf32>
        tpu.vector_store %arg11[%swap3A_420, %swap3A_421], %swap3A_424 {add = true, strides = array<i32>} : memref<40x128xf32, #tpu.memory_space<vmem>>, vector<1x16xf32>,
        %mul3A_425 = arith.constant 2 : i32
        %mul3A_426 = arith.muli %mul3A_425, %scan3A_350 : i32
        %add3A_427 = arith.constant 0 : i32
        %add3A_428 = arith.addi %mul3A_426, %add3A_427 : i32
        %mul3A_429 = arith.constant 2 : i32
        %mul3A_430 = arith.muli %mul3A_429, %scan3A_350 : i32
        %add3A_431 = arith.constant 160 : i32
        %add3A_432 = arith.addi %add3A_431, %mul3A_430 : i32
        %add3A_433 = arith.constant 0 : i32
        %add3A_434 = arith.addi %add3A_432, %add3A_433 : i32
        %get3A_435 = arith.index_cast %add3A_434 : i32 to index
        %get3A_436 = arith.constant 64 : index
        %get3A_437 = tpu.vector_load %arg12[%get3A_435, %get3A_436] {strides = array<i32>} : memref<200x128xf32, #tpu.memory_space<vmem>>, vector<1x16xf32>,
        %get3A_438 = vector.shape_cast %get3A_437 : vector<1x16xf32> to vector<16xf32>
        %swap3A_439 = arith.index_cast %add3A_428 : i32 to index
        %swap3A_440 = arith.constant 64 : index
        %swap3A_441 = tpu.vector_load %arg11[%swap3A_439, %swap3A_440] {strides = array<i32>} : memref<40x128xf32, #tpu.memory_space<vmem>>, vector<1x16xf32>,
        %swap3A_442 = vector.shape_cast %swap3A_441 : vector<1x16xf32> to vector<16xf32>
        %swap3A_443 = vector.shape_cast %get3A_438 : vector<16xf32> to vector<1x16xf32>
        tpu.vector_store %arg11[%swap3A_439, %swap3A_440], %swap3A_443 {add = true, strides = array<i32>} : memref<40x128xf32, #tpu.memory_space<vmem>>, vector<1x16xf32>,
        %mul3A_444 = arith.constant 2 : i32
        %mul3A_445 = arith.muli %mul3A_444, %scan3A_350 : i32
        %add3A_446 = arith.constant 0 : i32
        %add3A_447 = arith.addi %mul3A_445, %add3A_446 : i32
        %mul3A_448 = arith.constant 2 : i32
        %mul3A_449 = arith.muli %mul3A_448, %scan3A_350 : i32
        %add3A_450 = arith.constant 160 : i32
        %add3A_451 = arith.addi %add3A_450, %mul3A_449 : i32
        %add3A_452 = arith.constant 0 : i32
        %add3A_453 = arith.addi %add3A_451, %add3A_452 : i32
        %get3A_454 = arith.index_cast %add3A_453 : i32 to index
        %get3A_455 = arith.constant 80 : index
        %get3A_456 = tpu.vector_load %arg12[%get3A_454, %get3A_455] {strides = array<i32>} : memref<200x128xf32, #tpu.memory_space<vmem>>, vector<1x16xf32>,
        %get3A_457 = vector.shape_cast %get3A_456 : vector<1x16xf32> to vector<16xf32>
        %swap3A_458 = arith.index_cast %add3A_447 : i32 to index
        %swap3A_459 = arith.constant 80 : index
        %swap3A_460 = tpu.vector_load %arg11[%swap3A_458, %swap3A_459] {strides = array<i32>} : memref<40x128xf32, #tpu.memory_space<vmem>>, vector<1x16xf32>,
        %swap3A_461 = vector.shape_cast %swap3A_460 : vector<1x16xf32> to vector<16xf32>
        %swap3A_462 = vector.shape_cast %get3A_457 : vector<16xf32> to vector<1x16xf32>
        tpu.vector_store %arg11[%swap3A_458, %swap3A_459], %swap3A_462 {add = true, strides = array<i32>} : memref<40x128xf32, #tpu.memory_space<vmem>>, vector<1x16xf32>,
        %mul3A_463 = arith.constant 2 : i32
        %mul3A_464 = arith.muli %mul3A_463, %scan3A_350 : i32
        %add3A_465 = arith.constant 0 : i32
        %add3A_466 = arith.addi %mul3A_464, %add3A_465 : i32
        %mul3A_467 = arith.constant 2 : i32
        %mul3A_468 = arith.muli %mul3A_467, %scan3A_350 : i32
        %add3A_469 = arith.constant 160 : i32
        %add3A_470 = arith.addi %add3A_469, %mul3A_468 : i32
        %add3A_471 = arith.constant 0 : i32
        %add3A_472 = arith.addi %add3A_470, %add3A_471 : i32
        %get3A_473 = arith.index_cast %add3A_472 : i32 to index
        %get3A_474 = arith.constant 96 : index
        %get3A_475 = tpu.vector_load %arg12[%get3A_473, %get3A_474] {strides = array<i32>} : memref<200x128xf32, #tpu.memory_space<vmem>>, vector<1x16xf32>,
        %get3A_476 = vector.shape_cast %get3A_475 : vector<1x16xf32> to vector<16xf32>
        %swap3A_477 = arith.index_cast %add3A_466 : i32 to index
        %swap3A_478 = arith.constant 96 : index
        %swap3A_479 = tpu.vector_load %arg11[%swap3A_477, %swap3A_478] {strides = array<i32>} : memref<40x128xf32, #tpu.memory_space<vmem>>, vector<1x16xf32>,
        %swap3A_480 = vector.shape_cast %swap3A_479 : vector<1x16xf32> to vector<16xf32>
        %swap3A_481 = vector.shape_cast %get3A_476 : vector<16xf32> to vector<1x16xf32>
        tpu.vector_store %arg11[%swap3A_477, %swap3A_478], %swap3A_481 {add = true, strides = array<i32>} : memref<40x128xf32, #tpu.memory_space<vmem>>, vector<1x16xf32>,
        %mul3A_482 = arith.constant 2 : i32
        %mul3A_483 = arith.muli %mul3A_482, %scan3A_350 : i32
        %add3A_484 = arith.constant 0 : i32
        %add3A_485 = arith.addi %mul3A_483, %add3A_484 : i32
        %mul3A_486 = arith.constant 2 : i32
        %mul3A_487 = arith.muli %mul3A_486, %scan3A_350 : i32
        %add3A_488 = arith.constant 160 : i32
        %add3A_489 = arith.addi %add3A_488, %mul3A_487 : i32
        %add3A_490 = arith.constant 0 : i32
        %add3A_491 = arith.addi %add3A_489, %add3A_490 : i32
        %get3A_492 = arith.index_cast %add3A_491 : i32 to index
        %get3A_493 = arith.constant 112 : index
        %get3A_494 = tpu.vector_load %arg12[%get3A_492, %get3A_493] {strides = array<i32>} : memref<200x128xf32, #tpu.memory_space<vmem>>, vector<1x16xf32>,
        %get3A_495 = vector.shape_cast %get3A_494 : vector<1x16xf32> to vector<16xf32>
        %swap3A_496 = arith.index_cast %add3A_485 : i32 to index
        %swap3A_497 = arith.constant 112 : index
        %swap3A_498 = tpu.vector_load %arg11[%swap3A_496, %swap3A_497] {strides = array<i32>} : memref<40x128xf32, #tpu.memory_space<vmem>>, vector<1x16xf32>,
        %swap3A_499 = vector.shape_cast %swap3A_498 : vector<1x16xf32> to vector<16xf32>
        %swap3A_500 = vector.shape_cast %get3A_495 : vector<16xf32> to vector<1x16xf32>
        tpu.vector_store %arg11[%swap3A_496, %swap3A_497], %swap3A_500 {add = true, strides = array<i32>} : memref<40x128xf32, #tpu.memory_space<vmem>>, vector<1x16xf32>,
        %mul3A_501 = arith.constant 2 : i32
        %mul3A_502 = arith.muli %mul3A_501, %scan3A_350 : i32
        %add3A_503 = arith.constant 1 : i32
        %add3A_504 = arith.addi %mul3A_502, %add3A_503 : i32
        %mul3A_505 = arith.constant 2 : i32
        %mul3A_506 = arith.muli %mul3A_505, %scan3A_350 : i32
        %add3A_507 = arith.constant 160 : i32
        %add3A_508 = arith.addi %add3A_507, %mul3A_506 : i32
        %add3A_509 = arith.constant 1 : i32
        %add3A_510 = arith.addi %add3A_508, %add3A_509 : i32
        %get3A_511 = arith.index_cast %add3A_510 : i32 to index
        %get3A_512 = arith.constant 0 : index
        %get3A_513 = tpu.vector_load %arg12[%get3A_511, %get3A_512] {strides = array<i32>} : memref<200x128xf32, #tpu.memory_space<vmem>>, vector<1x16xf32>,
        %get3A_514 = vector.shape_cast %get3A_513 : vector<1x16xf32> to vector<16xf32>
        %swap3A_515 = arith.index_cast %add3A_504 : i32 to index
        %swap3A_516 = arith.constant 0 : index
        %swap3A_517 = tpu.vector_load %arg11[%swap3A_515, %swap3A_516] {strides = array<i32>} : memref<40x128xf32, #tpu.memory_space<vmem>>, vector<1x16xf32>,
        %swap3A_518 = vector.shape_cast %swap3A_517 : vector<1x16xf32> to vector<16xf32>
        %swap3A_519 = vector.shape_cast %get3A_514 : vector<16xf32> to vector<1x16xf32>
        tpu.vector_store %arg11[%swap3A_515, %swap3A_516], %swap3A_519 {add = true, strides = array<i32>} : memref<40x128xf32, #tpu.memory_space<vmem>>, vector<1x16xf32>,
        %mul3A_520 = arith.constant 2 : i32
        %mul3A_521 = arith.muli %mul3A_520, %scan3A_350 : i32
        %add3A_522 = arith.constant 1 : i32
        %add3A_523 = arith.addi %mul3A_521, %add3A_522 : i32
        %mul3A_524 = arith.constant 2 : i32
        %mul3A_525 = arith.muli %mul3A_524, %scan3A_350 : i32
        %add3A_526 = arith.constant 160 : i32
        %add3A_527 = arith.addi %add3A_526, %mul3A_525 : i32
        %add3A_528 = arith.constant 1 : i32
        %add3A_529 = arith.addi %add3A_527, %add3A_528 : i32
        %get3A_530 = arith.index_cast %add3A_529 : i32 to index
        %get3A_531 = arith.constant 16 : index
        %get3A_532 = tpu.vector_load %arg12[%get3A_530, %get3A_531] {strides = array<i32>} : memref<200x128xf32, #tpu.memory_space<vmem>>, vector<1x16xf32>,
        %get3A_533 = vector.shape_cast %get3A_532 : vector<1x16xf32> to vector<16xf32>
        %swap3A_534 = arith.index_cast %add3A_523 : i32 to index
        %swap3A_535 = arith.constant 16 : index
        %swap3A_536 = tpu.vector_load %arg11[%swap3A_534, %swap3A_535] {strides = array<i32>} : memref<40x128xf32, #tpu.memory_space<vmem>>, vector<1x16xf32>,
        %swap3A_537 = vector.shape_cast %swap3A_536 : vector<1x16xf32> to vector<16xf32>
        %swap3A_538 = vector.shape_cast %get3A_533 : vector<16xf32> to vector<1x16xf32>
        tpu.vector_store %arg11[%swap3A_534, %swap3A_535], %swap3A_538 {add = true, strides = array<i32>} : memref<40x128xf32, #tpu.memory_space<vmem>>, vector<1x16xf32>,
        %mul3A_539 = arith.constant 2 : i32
        %mul3A_540 = arith.muli %mul3A_539, %scan3A_350 : i32
        %add3A_541 = arith.constant 1 : i32
        %add3A_542 = arith.addi %mul3A_540, %add3A_541 : i32
        %mul3A_543 = arith.constant 2 : i32
        %mul3A_544 = arith.muli %mul3A_543, %scan3A_350 : i32
        %add3A_545 = arith.constant 160 : i32
        %add3A_546 = arith.addi %add3A_545, %mul3A_544 : i32
        %add3A_547 = arith.constant 1 : i32
        %add3A_548 = arith.addi %add3A_546, %add3A_547 : i32
        %get3A_549 = arith.index_cast %add3A_548 : i32 to index
        %get3A_550 = arith.constant 32 : index
        %get3A_551 = tpu.vector_load %arg12[%get3A_549, %get3A_550] {strides = array<i32>} : memref<200x128xf32, #tpu.memory_space<vmem>>, vector<1x16xf32>,
        %get3A_552 = vector.shape_cast %get3A_551 : vector<1x16xf32> to vector<16xf32>
        %swap3A_553 = arith.index_cast %add3A_542 : i32 to index
        %swap3A_554 = arith.constant 32 : index
        %swap3A_555 = tpu.vector_load %arg11[%swap3A_553, %swap3A_554] {strides = array<i32>} : memref<40x128xf32, #tpu.memory_space<vmem>>, vector<1x16xf32>,
        %swap3A_556 = vector.shape_cast %swap3A_555 : vector<1x16xf32> to vector<16xf32>
        %swap3A_557 = vector.shape_cast %get3A_552 : vector<16xf32> to vector<1x16xf32>
        tpu.vector_store %arg11[%swap3A_553, %swap3A_554], %swap3A_557 {add = true, strides = array<i32>} : memref<40x128xf32, #tpu.memory_space<vmem>>, vector<1x16xf32>,
        %mul3A_558 = arith.constant 2 : i32
        %mul3A_559 = arith.muli %mul3A_558, %scan3A_350 : i32
        %add3A_560 = arith.constant 1 : i32
        %add3A_561 = arith.addi %mul3A_559, %add3A_560 : i32
        %mul3A_562 = arith.constant 2 : i32
        %mul3A_563 = arith.muli %mul3A_562, %scan3A_350 : i32
        %add3A_564 = arith.constant 160 : i32
        %add3A_565 = arith.addi %add3A_564, %mul3A_563 : i32
        %add3A_566 = arith.constant 1 : i32
        %add3A_567 = arith.addi %add3A_565, %add3A_566 : i32
        %get3A_568 = arith.index_cast %add3A_567 : i32 to index
        %get3A_569 = arith.constant 48 : index
        %get3A_570 = tpu.vector_load %arg12[%get3A_568, %get3A_569] {strides = array<i32>} : memref<200x128xf32, #tpu.memory_space<vmem>>, vector<1x16xf32>,
        %get3A_571 = vector.shape_cast %get3A_570 : vector<1x16xf32> to vector<16xf32>
        %swap3A_572 = arith.index_cast %add3A_561 : i32 to index
        %swap3A_573 = arith.constant 48 : index
        %swap3A_574 = tpu.vector_load %arg11[%swap3A_572, %swap3A_573] {strides = array<i32>} : memref<40x128xf32, #tpu.memory_space<vmem>>, vector<1x16xf32>,
        %swap3A_575 = vector.shape_cast %swap3A_574 : vector<1x16xf32> to vector<16xf32>
        %swap3A_576 = vector.shape_cast %get3A_571 : vector<16xf32> to vector<1x16xf32>
        tpu.vector_store %arg11[%swap3A_572, %swap3A_573], %swap3A_576 {add = true, strides = array<i32>} : memref<40x128xf32, #tpu.memory_space<vmem>>, vector<1x16xf32>,
        %mul3A_577 = arith.constant 2 : i32
        %mul3A_578 = arith.muli %mul3A_577, %scan3A_350 : i32
        %add3A_579 = arith.constant 1 : i32
        %add3A_580 = arith.addi %mul3A_578, %add3A_579 : i32
        %mul3A_581 = arith.constant 2 : i32
        %mul3A_582 = arith.muli %mul3A_581, %scan3A_350 : i32
        %add3A_583 = arith.constant 160 : i32
        %add3A_584 = arith.addi %add3A_583, %mul3A_582 : i32
        %add3A_585 = arith.constant 1 : i32
        %add3A_586 = arith.addi %add3A_584, %add3A_585 : i32
        %get3A_587 = arith.index_cast %add3A_586 : i32 to index
        %get3A_588 = arith.constant 64 : index
        %get3A_589 = tpu.vector_load %arg12[%get3A_587, %get3A_588] {strides = array<i32>} : memref<200x128xf32, #tpu.memory_space<vmem>>, vector<1x16xf32>,
        %get3A_590 = vector.shape_cast %get3A_589 : vector<1x16xf32> to vector<16xf32>
        %swap3A_591 = arith.index_cast %add3A_580 : i32 to index
        %swap3A_592 = arith.constant 64 : index
        %swap3A_593 = tpu.vector_load %arg11[%swap3A_591, %swap3A_592] {strides = array<i32>} : memref<40x128xf32, #tpu.memory_space<vmem>>, vector<1x16xf32>,
        %swap3A_594 = vector.shape_cast %swap3A_593 : vector<1x16xf32> to vector<16xf32>
        %swap3A_595 = vector.shape_cast %get3A_590 : vector<16xf32> to vector<1x16xf32>
        tpu.vector_store %arg11[%swap3A_591, %swap3A_592], %swap3A_595 {add = true, strides = array<i32>} : memref<40x128xf32, #tpu.memory_space<vmem>>, vector<1x16xf32>,
        %mul3A_596 = arith.constant 2 : i32
        %mul3A_597 = arith.muli %mul3A_596, %scan3A_350 : i32
        %add3A_598 = arith.constant 1 : i32
        %add3A_599 = arith.addi %mul3A_597, %add3A_598 : i32
        %mul3A_600 = arith.constant 2 : i32
        %mul3A_601 = arith.muli %mul3A_600, %scan3A_350 : i32
        %add3A_602 = arith.constant 160 : i32
        %add3A_603 = arith.addi %add3A_602, %mul3A_601 : i32
        %add3A_604 = arith.constant 1 : i32
        %add3A_605 = arith.addi %add3A_603, %add3A_604 : i32
        %get3A_606 = arith.index_cast %add3A_605 : i32 to index
        %get3A_607 = arith.constant 80 : index
        %get3A_608 = tpu.vector_load %arg12[%get3A_606, %get3A_607] {strides = array<i32>} : memref<200x128xf32, #tpu.memory_space<vmem>>, vector<1x16xf32>,
        %get3A_609 = vector.shape_cast %get3A_608 : vector<1x16xf32> to vector<16xf32>
        %swap3A_610 = arith.index_cast %add3A_599 : i32 to index
        %swap3A_611 = arith.constant 80 : index
        %swap3A_612 = tpu.vector_load %arg11[%swap3A_610, %swap3A_611] {strides = array<i32>} : memref<40x128xf32, #tpu.memory_space<vmem>>, vector<1x16xf32>,
        %swap3A_613 = vector.shape_cast %swap3A_612 : vector<1x16xf32> to vector<16xf32>
        %swap3A_614 = vector.shape_cast %get3A_609 : vector<16xf32> to vector<1x16xf32>
        tpu.vector_store %arg11[%swap3A_610, %swap3A_611], %swap3A_614 {add = true, strides = array<i32>} : memref<40x128xf32, #tpu.memory_space<vmem>>, vector<1x16xf32>,
        %mul3A_615 = arith.constant 2 : i32
        %mul3A_616 = arith.muli %mul3A_615, %scan3A_350 : i32
        %add3A_617 = arith.constant 1 : i32
        %add3A_618 = arith.addi %mul3A_616, %add3A_617 : i32
        %mul3A_619 = arith.constant 2 : i32
        %mul3A_620 = arith.muli %mul3A_619, %scan3A_350 : i32
        %add3A_621 = arith.constant 160 : i32
        %add3A_622 = arith.addi %add3A_621, %mul3A_620 : i32
        %add3A_623 = arith.constant 1 : i32
        %add3A_624 = arith.addi %add3A_622, %add3A_623 : i32
        %get3A_625 = arith.index_cast %add3A_624 : i32 to index
        %get3A_626 = arith.constant 96 : index
        %get3A_627 = tpu.vector_load %arg12[%get3A_625, %get3A_626] {strides = array<i32>} : memref<200x128xf32, #tpu.memory_space<vmem>>, vector<1x16xf32>,
        %get3A_628 = vector.shape_cast %get3A_627 : vector<1x16xf32> to vector<16xf32>
        %swap3A_629 = arith.index_cast %add3A_618 : i32 to index
        %swap3A_630 = arith.constant 96 : index
        %swap3A_631 = tpu.vector_load %arg11[%swap3A_629, %swap3A_630] {strides = array<i32>} : memref<40x128xf32, #tpu.memory_space<vmem>>, vector<1x16xf32>,
        %swap3A_632 = vector.shape_cast %swap3A_631 : vector<1x16xf32> to vector<16xf32>
        %swap3A_633 = vector.shape_cast %get3A_628 : vector<16xf32> to vector<1x16xf32>
        tpu.vector_store %arg11[%swap3A_629, %swap3A_630], %swap3A_633 {add = true, strides = array<i32>} : memref<40x128xf32, #tpu.memory_space<vmem>>, vector<1x16xf32>,
        %mul3A_634 = arith.constant 2 : i32
        %mul3A_635 = arith.muli %mul3A_634, %scan3A_350 : i32
        %add3A_636 = arith.constant 1 : i32
        %add3A_637 = arith.addi %mul3A_635, %add3A_636 : i32
        %mul3A_638 = arith.constant 2 : i32
        %mul3A_639 = arith.muli %mul3A_638, %scan3A_350 : i32
        %add3A_640 = arith.constant 160 : i32
        %add3A_641 = arith.addi %add3A_640, %mul3A_639 : i32
        %add3A_642 = arith.constant 1 : i32
        %add3A_643 = arith.addi %add3A_641, %add3A_642 : i32
        %get3A_644 = arith.index_cast %add3A_643 : i32 to index
        %get3A_645 = arith.constant 112 : index
        %get3A_646 = tpu.vector_load %arg12[%get3A_644, %get3A_645] {strides = array<i32>} : memref<200x128xf32, #tpu.memory_space<vmem>>, vector<1x16xf32>,
        %get3A_647 = vector.shape_cast %get3A_646 : vector<1x16xf32> to vector<16xf32>
        %swap3A_648 = arith.index_cast %add3A_637 : i32 to index
        %swap3A_649 = arith.constant 112 : index
        %swap3A_650 = tpu.vector_load %arg11[%swap3A_648, %swap3A_649] {strides = array<i32>} : memref<40x128xf32, #tpu.memory_space<vmem>>, vector<1x16xf32>,
        %swap3A_651 = vector.shape_cast %swap3A_650 : vector<1x16xf32> to vector<16xf32>
        %swap3A_652 = vector.shape_cast %get3A_647 : vector<16xf32> to vector<1x16xf32>
        tpu.vector_store %arg11[%swap3A_648, %swap3A_649], %swap3A_652 {add = true, strides = array<i32>} : memref<40x128xf32, #tpu.memory_space<vmem>>, vector<1x16xf32>,
      }
      %scan3A_321 = arith.constant 20 : i32
      %mul3A_322 = arith.constant 128 : i32
      %mul3A_323 = arith.muli %add3A, %mul3A_322 : i32
      %add3A_324 = arith.constant 0 : i32
      %add3A_325 = arith.addi %mul3A_323, %add3A_324 : i32
      %add3A_326 = arith.addi %add3A_325, %scan3A_134 : i32
      %dma_start3A_327 = arith.constant 160 : i32
      %dma_start3A_328 = arith.constant 0 : i32
      %dma_start3A_329 = tpu.memref_slice %arg5[%add3A_326, %dma_start3A_327, %dma_start3A_328] : memref<4096x200x128xf32, #tpu.memory_space<hbm>> -> memref<1x40x128xf32, #tpu.memory_space<hbm>>
      %dma_start3A_330 = tpu.memref_squeeze %dma_start3A_329 : memref<1x40x128xf32, #tpu.memory_space<hbm>> -> memref<40x128xf32, #tpu.memory_space<hbm>>
      %dma_start3A_331 = arith.constant 160 : i32
      %dma_start3A_332 = arith.constant 0 : i32
      %dma_start3A_333 = tpu.memref_slice %arg5[%add3A_326, %dma_start3A_331, %dma_start3A_332] : memref<4096x200x128xf32, #tpu.memory_space<hbm>> -> memref<1x40x128xf32, #tpu.memory_space<hbm>>
      %dma_start3A_334 = tpu.memref_squeeze %dma_start3A_333 : memref<1x40x128xf32, #tpu.memory_space<hbm>> -> memref<40x128xf32, #tpu.memory_space<hbm>>
      tpu.enqueue_dma source(%arg11 : memref<40x128xf32, #tpu.memory_space<vmem>>) target(%dma_start3A_334 : memref<40x128xf32, #tpu.memory_space<hbm>>) target_semaphore(%arg22 : memref<!tpu.dma_semaphore, #tpu.memory_space<semaphore_mem>>)
      %add3A_335 = arith.constant 2 : i32
      %add3A_336 = arith.addi %add3A_309, %add3A_335 : i32
      %ge3A_337 = arith.constant 5 : i32
      %ge3A_338 = arith.cmpi sge, %add3A_336, %ge3A_337 : i32
      %lt3A_339 = arith.constant 320 : i32
      %lt3A_340 = arith.cmpi slt, %add3A_336, %lt3A_339 : i32
      %and3A_341 = arith.andi %ge3A_338, %lt3A_340 : i1
      %convert_element_type3A_342 = arith.extui %and3A_341 : i1 to i32
      %cond3A_343 = arith.constant 0 : i32
      %cond3A_344 = arith.cmpi ne, %convert_element_type3A_342, %cond3A_343 : i32
      scf.if %cond3A_344 {
        %dma_wait3A_350 = arith.constant 0 : i32
        %dma_wait3A_351 = arith.constant 0 : i32
        %dma_wait3A_352 = arith.constant 0 : i32
        %dma_wait3A_353 = tpu.memref_slice %arg5[%dma_wait3A_350, %dma_wait3A_351, %dma_wait3A_352] : memref<4096x200x128xf32, #tpu.memory_space<hbm>> -> memref<1x40x128xf32, #tpu.memory_space<hbm>>
        %dma_wait3A_354 = tpu.memref_squeeze %dma_wait3A_353 : memref<1x40x128xf32, #tpu.memory_space<hbm>> -> memref<40x128xf32, #tpu.memory_space<hbm>>
        %dma_wait3A_355 = arith.constant 0 : i32
        %dma_wait3A_356 = arith.constant 0 : i32
        %dma_wait3A_357 = tpu.memref_slice %arg5[%dma_wait3A_350, %dma_wait3A_355, %dma_wait3A_356] : memref<4096x200x128xf32, #tpu.memory_space<hbm>> -> memref<1x40x128xf32, #tpu.memory_space<hbm>>
        %dma_wait3A_358 = tpu.memref_squeeze %dma_wait3A_357 : memref<1x40x128xf32, #tpu.memory_space<hbm>> -> memref<40x128xf32, #tpu.memory_space<hbm>>
        tpu.wait_dma2 semaphore(%arg19 : memref<!tpu.dma_semaphore, #tpu.memory_space<semaphore_mem>>) src(%arg8 : memref<40x128xf32, #tpu.memory_space<vmem>>) dst(%dma_wait3A_358 : memref<40x128xf32, #tpu.memory_space<hbm>>)
      } else {
      }
      %lt3A_345 = arith.constant 320 : i32
      %lt3A_346 = arith.cmpi slt, %add3A_336, %lt3A_345 : i32
      %convert_element_type3A_347 = arith.extui %lt3A_346 : i1 to i32
      %cond3A_348 = arith.constant 0 : i32
      %cond3A_349 = arith.cmpi ne, %convert_element_type3A_347, %cond3A_348 : i32
      scf.if %cond3A_349 {
        %dma_start3A_350 = arith.constant 0 : i32
        %dma_start3A_351 = tpu.memref_slice %arg6[%add3A_336, %dma_start3A_350] : memref<320x40xi32, #tpu.memory_space<vmem>> -> memref<1x40xi32, #tpu.memory_space<vmem>>
        %dma_start3A_352 = tpu.memref_squeeze %dma_start3A_351 : memref<1x40xi32, #tpu.memory_space<vmem>> -> memref<40xi32, #tpu.memory_space<vmem>>
        %dma_start3A_353 = arith.constant 0 : i32
        %dma_start3A_354 = arith.constant 0 : i32
        %dma_start3A_355 = tpu.memref_slice %arg3[%dma_start3A_353, %dma_start3A_354] : memref<100000x128xf32, #tpu.memory_space<hbm>> -> memref<100000x128xf32, #tpu.memory_space<hbm>>
        tpu.enqueue_indirect_dma source(%dma_start3A_355 : memref<100000x128xf32, #tpu.memory_space<hbm>>) target(%arg8 : memref<40x128xf32, #tpu.memory_space<vmem>>) offsets(%dma_start3A_352 : memref<40xi32, #tpu.memory_space<vmem>>) semaphore(%arg14 : memref<!tpu.dma_semaphore, #tpu.memory_space<semaphore_mem>>)
      } else {
      }
    }
    %scan3A_22 = arith.constant 64 : i32
    %dma_wait3A = arith.constant 0 : i32
    %dma_wait3A_23 = arith.constant 0 : i32
    %dma_wait3A_24 = arith.constant 0 : i32
    %dma_wait3A_25 = tpu.memref_slice %arg5[%dma_wait3A, %dma_wait3A_23, %dma_wait3A_24] : memref<4096x200x128xf32, #tpu.memory_space<hbm>> -> memref<1x40x128xf32, #tpu.memory_space<hbm>>
    %dma_wait3A_26 = tpu.memref_squeeze %dma_wait3A_25 : memref<1x40x128xf32, #tpu.memory_space<hbm>> -> memref<40x128xf32, #tpu.memory_space<hbm>>
    %dma_wait3A_27 = arith.constant 0 : i32
    %dma_wait3A_28 = arith.constant 0 : i32
    %dma_wait3A_29 = tpu.memref_slice %arg5[%dma_wait3A, %dma_wait3A_27, %dma_wait3A_28] : memref<4096x200x128xf32, #tpu.memory_space<hbm>> -> memref<1x40x128xf32, #tpu.memory_space<hbm>>
    %dma_wait3A_30 = tpu.memref_squeeze %dma_wait3A_29 : memref<1x40x128xf32, #tpu.memory_space<hbm>> -> memref<40x128xf32, #tpu.memory_space<hbm>>
    tpu.wait_dma2 semaphore(%arg18 : memref<!tpu.dma_semaphore, #tpu.memory_space<semaphore_mem>>) src(%arg7 : memref<40x128xf32, #tpu.memory_space<vmem>>) dst(%dma_wait3A_30 : memref<40x128xf32, #tpu.memory_space<hbm>>)
    %dma_wait3A_31 = arith.constant 0 : i32
    %dma_wait3A_32 = arith.constant 0 : i32
    %dma_wait3A_33 = arith.constant 0 : i32
    %dma_wait3A_34 = tpu.memref_slice %arg5[%dma_wait3A_31, %dma_wait3A_32, %dma_wait3A_33] : memref<4096x200x128xf32, #tpu.memory_space<hbm>> -> memref<1x40x128xf32, #tpu.memory_space<hbm>>
    %dma_wait3A_35 = tpu.memref_squeeze %dma_wait3A_34 : memref<1x40x128xf32, #tpu.memory_space<hbm>> -> memref<40x128xf32, #tpu.memory_space<hbm>>
    %dma_wait3A_36 = arith.constant 0 : i32
    %dma_wait3A_37 = arith.constant 0 : i32
    %dma_wait3A_38 = tpu.memref_slice %arg5[%dma_wait3A_31, %dma_wait3A_36, %dma_wait3A_37] : memref<4096x200x128xf32, #tpu.memory_space<hbm>> -> memref<1x40x128xf32, #tpu.memory_space<hbm>>
    %dma_wait3A_39 = tpu.memref_squeeze %dma_wait3A_38 : memref<1x40x128xf32, #tpu.memory_space<hbm>> -> memref<40x128xf32, #tpu.memory_space<hbm>>
    tpu.wait_dma2 semaphore(%arg19 : memref<!tpu.dma_semaphore, #tpu.memory_space<semaphore_mem>>) src(%arg8 : memref<40x128xf32, #tpu.memory_space<vmem>>) dst(%dma_wait3A_39 : memref<40x128xf32, #tpu.memory_space<hbm>>)
    %dma_wait3A_40 = arith.constant 0 : i32
    %dma_wait3A_41 = arith.constant 0 : i32
    %dma_wait3A_42 = arith.constant 0 : i32
    %dma_wait3A_43 = tpu.memref_slice %arg5[%dma_wait3A_40, %dma_wait3A_41, %dma_wait3A_42] : memref<4096x200x128xf32, #tpu.memory_space<hbm>> -> memref<1x40x128xf32, #tpu.memory_space<hbm>>
    %dma_wait3A_44 = tpu.memref_squeeze %dma_wait3A_43 : memref<1x40x128xf32, #tpu.memory_space<hbm>> -> memref<40x128xf32, #tpu.memory_space<hbm>>
    %dma_wait3A_45 = arith.constant 0 : i32
    %dma_wait3A_46 = arith.constant 0 : i32
    %dma_wait3A_47 = tpu.memref_slice %arg5[%dma_wait3A_40, %dma_wait3A_45, %dma_wait3A_46] : memref<4096x200x128xf32, #tpu.memory_space<hbm>> -> memref<1x40x128xf32, #tpu.memory_space<hbm>>
    %dma_wait3A_48 = tpu.memref_squeeze %dma_wait3A_47 : memref<1x40x128xf32, #tpu.memory_space<hbm>> -> memref<40x128xf32, #tpu.memory_space<hbm>>
    tpu.wait_dma2 semaphore(%arg20 : memref<!tpu.dma_semaphore, #tpu.memory_space<semaphore_mem>>) src(%arg9 : memref<40x128xf32, #tpu.memory_space<vmem>>) dst(%dma_wait3A_48 : memref<40x128xf32, #tpu.memory_space<hbm>>)
    %dma_wait3A_49 = arith.constant 0 : i32
    %dma_wait3A_50 = arith.constant 0 : i32
    %dma_wait3A_51 = arith.constant 0 : i32
    %dma_wait3A_52 = tpu.memref_slice %arg5[%dma_wait3A_49, %dma_wait3A_50, %dma_wait3A_51] : memref<4096x200x128xf32, #tpu.memory_space<hbm>> -> memref<1x40x128xf32, #tpu.memory_space<hbm>>
    %dma_wait3A_53 = tpu.memref_squeeze %dma_wait3A_52 : memref<1x40x128xf32, #tpu.memory_space<hbm>> -> memref<40x128xf32, #tpu.memory_space<hbm>>
    %dma_wait3A_54 = arith.constant 0 : i32
    %dma_wait3A_55 = arith.constant 0 : i32
    %dma_wait3A_56 = tpu.memref_slice %arg5[%dma_wait3A_49, %dma_wait3A_54, %dma_wait3A_55] : memref<4096x200x128xf32, #tpu.memory_space<hbm>> -> memref<1x40x128xf32, #tpu.memory_space<hbm>>
    %dma_wait3A_57 = tpu.memref_squeeze %dma_wait3A_56 : memref<1x40x128xf32, #tpu.memory_space<hbm>> -> memref<40x128xf32, #tpu.memory_space<hbm>>
    tpu.wait_dma2 semaphore(%arg21 : memref<!tpu.dma_semaphore, #tpu.memory_space<semaphore_mem>>) src(%arg10 : memref<40x128xf32, #tpu.memory_space<vmem>>) dst(%dma_wait3A_57 : memref<40x128xf32, #tpu.memory_space<hbm>>)
    %dma_wait3A_58 = arith.constant 0 : i32
    %dma_wait3A_59 = arith.constant 0 : i32
    %dma_wait3A_60 = arith.constant 0 : i32
    %dma_wait3A_61 = tpu.memref_slice %arg5[%dma_wait3A_58, %dma_wait3A_59, %dma_wait3A_60] : memref<4096x200x128xf32, #tpu.memory_space<hbm>> -> memref<1x40x128xf32, #tpu.memory_space<hbm>>
    %dma_wait3A_62 = tpu.memref_squeeze %dma_wait3A_61 : memref<1x40x128xf32, #tpu.memory_space<hbm>> -> memref<40x128xf32, #tpu.memory_space<hbm>>
    %dma_wait3A_63 = arith.constant 0 : i32
    %dma_wait3A_64 = arith.constant 0 : i32
    %dma_wait3A_65 = tpu.memref_slice %arg5[%dma_wait3A_58, %dma_wait3A_63, %dma_wait3A_64] : memref<4096x200x128xf32, #tpu.memory_space<hbm>> -> memref<1x40x128xf32, #tpu.memory_space<hbm>>
    %dma_wait3A_66 = tpu.memref_squeeze %dma_wait3A_65 : memref<1x40x128xf32, #tpu.memory_space<hbm>> -> memref<40x128xf32, #tpu.memory_space<hbm>>
    tpu.wait_dma2 semaphore(%arg22 : memref<!tpu.dma_semaphore, #tpu.memory_space<semaphore_mem>>) src(%arg11 : memref<40x128xf32, #tpu.memory_space<vmem>>) dst(%dma_wait3A_66 : memref<40x128xf32, #tpu.memory_space<hbm>>)
    %add3A_67 = arith.constant 320 : i32
    %add3A_68 = arith.addi %mul3A_2, %add3A_67 : i32
    "tpu.region"() ({
      %run_scoped3A = tpu.sem_alloc : memref<!tpu.dma_semaphore, #tpu.memory_space<semaphore_mem>>
      %dma_start3A_134 = arith.constant 0 : i32
      %dma_start3A_135 = tpu.memref_slice %arg2[%add3A_68, %dma_start3A_134] : memref<20480x40xi32, #tpu.memory_space<hbm>> -> memref<320x40xi32, #tpu.memory_space<hbm>>
      %dma_start3A_136 = arith.constant 0 : i32
      %dma_start3A_137 = tpu.memref_slice %arg2[%add3A_68, %dma_start3A_136] : memref<20480x40xi32, #tpu.memory_space<hbm>> -> memref<320x40xi32, #tpu.memory_space<hbm>>
      tpu.enqueue_dma source(%dma_start3A_137 : memref<320x40xi32, #tpu.memory_space<hbm>>) target(%arg6 : memref<320x40xi32, #tpu.memory_space<vmem>>) target_semaphore(%run_scoped3A : memref<!tpu.dma_semaphore, #tpu.memory_space<semaphore_mem>>)
      %dma_wait3A_138 = arith.constant 0 : i32
      %dma_wait3A_139 = tpu.memref_slice %arg2[%add3A_68, %dma_wait3A_138] : memref<20480x40xi32, #tpu.memory_space<hbm>> -> memref<320x40xi32, #tpu.memory_space<hbm>>
      %dma_wait3A_140 = arith.constant 0 : i32
      %dma_wait3A_141 = tpu.memref_slice %arg2[%add3A_68, %dma_wait3A_140] : memref<20480x40xi32, #tpu.memory_space<hbm>> -> memref<320x40xi32, #tpu.memory_space<hbm>>
      tpu.wait_dma2 semaphore(%run_scoped3A : memref<!tpu.dma_semaphore, #tpu.memory_space<semaphore_mem>>) src(%dma_wait3A_141 : memref<320x40xi32, #tpu.memory_space<hbm>>) dst(%arg6 : memref<320x40xi32, #tpu.memory_space<vmem>>)
      tpu.yield
    }) : () -> ()
    %dma_start3A_69 = arith.constant 0 : i32
    %dma_start3A_70 = arith.constant 0 : i32
    %dma_start3A_71 = tpu.memref_slice %arg6[%dma_start3A_69, %dma_start3A_70] : memref<320x40xi32, #tpu.memory_space<vmem>> -> memref<1x40xi32, #tpu.memory_space<vmem>>
    %dma_start3A_72 = tpu.memref_squeeze %dma_start3A_71 : memref<1x40xi32, #tpu.memory_space<vmem>> -> memref<40xi32, #tpu.memory_space<vmem>>
    %dma_start3A_73 = arith.constant 0 : i32
    %dma_start3A_74 = arith.constant 0 : i32
    %dma_start3A_75 = tpu.memref_slice %arg3[%dma_start3A_73, %dma_start3A_74] : memref<100000x128xf32, #tpu.memory_space<hbm>> -> memref<100000x128xf32, #tpu.memory_space<hbm>>
    tpu.enqueue_indirect_dma source(%dma_start3A_75 : memref<100000x128xf32, #tpu.memory_space<hbm>>) target(%arg7 : memref<40x128xf32, #tpu.memory_space<vmem>>) offsets(%dma_start3A_72 : memref<40xi32, #tpu.memory_space<vmem>>) semaphore(%arg13 : memref<!tpu.dma_semaphore, #tpu.memory_space<semaphore_mem>>)
    %dma_start3A_76 = arith.constant 1 : i32
    %dma_start3A_77 = arith.constant 0 : i32
    %dma_start3A_78 = tpu.memref_slice %arg6[%dma_start3A_76, %dma_start3A_77] : memref<320x40xi32, #tpu.memory_space<vmem>> -> memref<1x40xi32, #tpu.memory_space<vmem>>
    %dma_start3A_79 = tpu.memref_squeeze %dma_start3A_78 : memref<1x40xi32, #tpu.memory_space<vmem>> -> memref<40xi32, #tpu.memory_space<vmem>>
    %dma_start3A_80 = arith.constant 0 : i32
    %dma_start3A_81 = arith.constant 0 : i32
    %dma_start3A_82 = tpu.memref_slice %arg3[%dma_start3A_80, %dma_start3A_81] : memref<100000x128xf32, #tpu.memory_space<hbm>> -> memref<100000x128xf32, #tpu.memory_space<hbm>>
    tpu.enqueue_indirect_dma source(%dma_start3A_82 : memref<100000x128xf32, #tpu.memory_space<hbm>>) target(%arg8 : memref<40x128xf32, #tpu.memory_space<vmem>>) offsets(%dma_start3A_79 : memref<40xi32, #tpu.memory_space<vmem>>) semaphore(%arg14 : memref<!tpu.dma_semaphore, #tpu.memory_space<semaphore_mem>>)
    %scan3A_83 = arith.constant 0 : i32
    %scan3A_84 = arith.constant 0 : i32
    %scan3A_85 = arith.constant 64 : i32
    %scan3A_86 = arith.addi %scan3A_84, %scan3A_85 : i32
    %scan3A_87 = arith.constant 1 : i32
    scf.for %scan3A_134 = %scan3A_84 to %scan3A_86 step %scan3A_87  : i32 {
      %mul3A_135 = arith.constant 5 : i32
      %mul3A_136 = arith.muli %scan3A_134, %mul3A_135 : i32
      %add3A_137 = arith.constant 0 : i32
      %add3A_138 = arith.addi %mul3A_136, %add3A_137 : i32
      %dma_wait3A_139 = arith.constant 0 : i32
      %dma_wait3A_140 = tpu.memref_slice %arg6[%add3A_138, %dma_wait3A_139] : memref<320x40xi32, #tpu.memory_space<vmem>> -> memref<1x40xi32, #tpu.memory_space<vmem>>
      %dma_wait3A_141 = tpu.memref_squeeze %dma_wait3A_140 : memref<1x40xi32, #tpu.memory_space<vmem>> -> memref<40xi32, #tpu.memory_space<vmem>>
      %dma_wait3A_142 = arith.constant 0 : i32
      %dma_wait3A_143 = arith.constant 0 : i32
      %dma_wait3A_144 = tpu.memref_slice %arg3[%dma_wait3A_142, %dma_wait3A_143] : memref<100000x128xf32, #tpu.memory_space<hbm>> -> memref<100000x128xf32, #tpu.memory_space<hbm>>
      tpu.wait_indirect_dma semaphore(%arg13 : memref<!tpu.dma_semaphore, #tpu.memory_space<semaphore_mem>>) src(%dma_wait3A_144 : memref<100000x128xf32, #tpu.memory_space<hbm>>) dst(%arg7 : memref<40x128xf32, #tpu.memory_space<vmem>>)
      %scan3A_145 = arith.constant 0 : i32
      %scan3A_146 = arith.constant 0 : i32
      %scan3A_147 = arith.constant 20 : i32
      %scan3A_148 = arith.addi %scan3A_146, %scan3A_147 : i32
      %scan3A_149 = arith.constant 1 : i32
      scf.for %scan3A_350 = %scan3A_146 to %scan3A_148 step %scan3A_149  : i32 {
        %mul3A_351 = arith.constant 2 : i32
        %mul3A_352 = arith.muli %mul3A_351, %scan3A_350 : i32
        %add3A_353 = arith.constant 0 : i32
        %add3A_354 = arith.addi %mul3A_352, %add3A_353 : i32
        %mul3A_355 = arith.constant 2 : i32
        %mul3A_356 = arith.muli %mul3A_355, %scan3A_350 : i32
        %add3A_357 = arith.constant 0 : i32
        %add3A_358 = arith.addi %add3A_357, %mul3A_356 : i32
        %add3A_359 = arith.constant 0 : i32
        %add3A_360 = arith.addi %add3A_358, %add3A_359 : i32
        %get3A = arith.index_cast %add3A_360 : i32 to index
        %get3A_361 = arith.constant 0 : index
        %get3A_362 = tpu.vector_load %arg12[%get3A, %get3A_361] {strides = array<i32>} : memref<200x128xf32, #tpu.memory_space<vmem>>, vector<1x16xf32>,
        %get3A_363 = vector.shape_cast %get3A_362 : vector<1x16xf32> to vector<16xf32>
        %swap3A = arith.index_cast %add3A_354 : i32 to index
        %swap3A_364 = arith.constant 0 : index
        %swap3A_365 = tpu.vector_load %arg7[%swap3A, %swap3A_364] {strides = array<i32>} : memref<40x128xf32, #tpu.memory_space<vmem>>, vector<1x16xf32>,
        %swap3A_366 = vector.shape_cast %swap3A_365 : vector<1x16xf32> to vector<16xf32>
        %swap3A_367 = vector.shape_cast %get3A_363 : vector<16xf32> to vector<1x16xf32>
        tpu.vector_store %arg7[%swap3A, %swap3A_364], %swap3A_367 {add = true, strides = array<i32>} : memref<40x128xf32, #tpu.memory_space<vmem>>, vector<1x16xf32>,
        %mul3A_368 = arith.constant 2 : i32
        %mul3A_369 = arith.muli %mul3A_368, %scan3A_350 : i32
        %add3A_370 = arith.constant 0 : i32
        %add3A_371 = arith.addi %mul3A_369, %add3A_370 : i32
        %mul3A_372 = arith.constant 2 : i32
        %mul3A_373 = arith.muli %mul3A_372, %scan3A_350 : i32
        %add3A_374 = arith.constant 0 : i32
        %add3A_375 = arith.addi %add3A_374, %mul3A_373 : i32
        %add3A_376 = arith.constant 0 : i32
        %add3A_377 = arith.addi %add3A_375, %add3A_376 : i32
        %get3A_378 = arith.index_cast %add3A_377 : i32 to index
        %get3A_379 = arith.constant 16 : index
        %get3A_380 = tpu.vector_load %arg12[%get3A_378, %get3A_379] {strides = array<i32>} : memref<200x128xf32, #tpu.memory_space<vmem>>, vector<1x16xf32>,
        %get3A_381 = vector.shape_cast %get3A_380 : vector<1x16xf32> to vector<16xf32>
        %swap3A_382 = arith.index_cast %add3A_371 : i32 to index
        %swap3A_383 = arith.constant 16 : index
        %swap3A_384 = tpu.vector_load %arg7[%swap3A_382, %swap3A_383] {strides = array<i32>} : memref<40x128xf32, #tpu.memory_space<vmem>>, vector<1x16xf32>,
        %swap3A_385 = vector.shape_cast %swap3A_384 : vector<1x16xf32> to vector<16xf32>
        %swap3A_386 = vector.shape_cast %get3A_381 : vector<16xf32> to vector<1x16xf32>
        tpu.vector_store %arg7[%swap3A_382, %swap3A_383], %swap3A_386 {add = true, strides = array<i32>} : memref<40x128xf32, #tpu.memory_space<vmem>>, vector<1x16xf32>,
        %mul3A_387 = arith.constant 2 : i32
        %mul3A_388 = arith.muli %mul3A_387, %scan3A_350 : i32
        %add3A_389 = arith.constant 0 : i32
        %add3A_390 = arith.addi %mul3A_388, %add3A_389 : i32
        %mul3A_391 = arith.constant 2 : i32
        %mul3A_392 = arith.muli %mul3A_391, %scan3A_350 : i32
        %add3A_393 = arith.constant 0 : i32
        %add3A_394 = arith.addi %add3A_393, %mul3A_392 : i32
        %add3A_395 = arith.constant 0 : i32
        %add3A_396 = arith.addi %add3A_394, %add3A_395 : i32
        %get3A_397 = arith.index_cast %add3A_396 : i32 to index
        %get3A_398 = arith.constant 32 : index
        %get3A_399 = tpu.vector_load %arg12[%get3A_397, %get3A_398] {strides = array<i32>} : memref<200x128xf32, #tpu.memory_space<vmem>>, vector<1x16xf32>,
        %get3A_400 = vector.shape_cast %get3A_399 : vector<1x16xf32> to vector<16xf32>
        %swap3A_401 = arith.index_cast %add3A_390 : i32 to index
        %swap3A_402 = arith.constant 32 : index
        %swap3A_403 = tpu.vector_load %arg7[%swap3A_401, %swap3A_402] {strides = array<i32>} : memref<40x128xf32, #tpu.memory_space<vmem>>, vector<1x16xf32>,
        %swap3A_404 = vector.shape_cast %swap3A_403 : vector<1x16xf32> to vector<16xf32>
        %swap3A_405 = vector.shape_cast %get3A_400 : vector<16xf32> to vector<1x16xf32>
        tpu.vector_store %arg7[%swap3A_401, %swap3A_402], %swap3A_405 {add = true, strides = array<i32>} : memref<40x128xf32, #tpu.memory_space<vmem>>, vector<1x16xf32>,
        %mul3A_406 = arith.constant 2 : i32
        %mul3A_407 = arith.muli %mul3A_406, %scan3A_350 : i32
        %add3A_408 = arith.constant 0 : i32
        %add3A_409 = arith.addi %mul3A_407, %add3A_408 : i32
        %mul3A_410 = arith.constant 2 : i32
        %mul3A_411 = arith.muli %mul3A_410, %scan3A_350 : i32
        %add3A_412 = arith.constant 0 : i32
        %add3A_413 = arith.addi %add3A_412, %mul3A_411 : i32
        %add3A_414 = arith.constant 0 : i32
        %add3A_415 = arith.addi %add3A_413, %add3A_414 : i32
        %get3A_416 = arith.index_cast %add3A_415 : i32 to index
        %get3A_417 = arith.constant 48 : index
        %get3A_418 = tpu.vector_load %arg12[%get3A_416, %get3A_417] {strides = array<i32>} : memref<200x128xf32, #tpu.memory_space<vmem>>, vector<1x16xf32>,
        %get3A_419 = vector.shape_cast %get3A_418 : vector<1x16xf32> to vector<16xf32>
        %swap3A_420 = arith.index_cast %add3A_409 : i32 to index
        %swap3A_421 = arith.constant 48 : index
        %swap3A_422 = tpu.vector_load %arg7[%swap3A_420, %swap3A_421] {strides = array<i32>} : memref<40x128xf32, #tpu.memory_space<vmem>>, vector<1x16xf32>,
        %swap3A_423 = vector.shape_cast %swap3A_422 : vector<1x16xf32> to vector<16xf32>
        %swap3A_424 = vector.shape_cast %get3A_419 : vector<16xf32> to vector<1x16xf32>
        tpu.vector_store %arg7[%swap3A_420, %swap3A_421], %swap3A_424 {add = true, strides = array<i32>} : memref<40x128xf32, #tpu.memory_space<vmem>>, vector<1x16xf32>,
        %mul3A_425 = arith.constant 2 : i32
        %mul3A_426 = arith.muli %mul3A_425, %scan3A_350 : i32
        %add3A_427 = arith.constant 0 : i32
        %add3A_428 = arith.addi %mul3A_426, %add3A_427 : i32
        %mul3A_429 = arith.constant 2 : i32
        %mul3A_430 = arith.muli %mul3A_429, %scan3A_350 : i32
        %add3A_431 = arith.constant 0 : i32
        %add3A_432 = arith.addi %add3A_431, %mul3A_430 : i32
        %add3A_433 = arith.constant 0 : i32
        %add3A_434 = arith.addi %add3A_432, %add3A_433 : i32
        %get3A_435 = arith.index_cast %add3A_434 : i32 to index
        %get3A_436 = arith.constant 64 : index
        %get3A_437 = tpu.vector_load %arg12[%get3A_435, %get3A_436] {strides = array<i32>} : memref<200x128xf32, #tpu.memory_space<vmem>>, vector<1x16xf32>,
        %get3A_438 = vector.shape_cast %get3A_437 : vector<1x16xf32> to vector<16xf32>
        %swap3A_439 = arith.index_cast %add3A_428 : i32 to index
        %swap3A_440 = arith.constant 64 : index
        %swap3A_441 = tpu.vector_load %arg7[%swap3A_439, %swap3A_440] {strides = array<i32>} : memref<40x128xf32, #tpu.memory_space<vmem>>, vector<1x16xf32>,
        %swap3A_442 = vector.shape_cast %swap3A_441 : vector<1x16xf32> to vector<16xf32>
        %swap3A_443 = vector.shape_cast %get3A_438 : vector<16xf32> to vector<1x16xf32>
        tpu.vector_store %arg7[%swap3A_439, %swap3A_440], %swap3A_443 {add = true, strides = array<i32>} : memref<40x128xf32, #tpu.memory_space<vmem>>, vector<1x16xf32>,
        %mul3A_444 = arith.constant 2 : i32
        %mul3A_445 = arith.muli %mul3A_444, %scan3A_350 : i32
        %add3A_446 = arith.constant 0 : i32
        %add3A_447 = arith.addi %mul3A_445, %add3A_446 : i32
        %mul3A_448 = arith.constant 2 : i32
        %mul3A_449 = arith.muli %mul3A_448, %scan3A_350 : i32
        %add3A_450 = arith.constant 0 : i32
        %add3A_451 = arith.addi %add3A_450, %mul3A_449 : i32
        %add3A_452 = arith.constant 0 : i32
        %add3A_453 = arith.addi %add3A_451, %add3A_452 : i32
        %get3A_454 = arith.index_cast %add3A_453 : i32 to index
        %get3A_455 = arith.constant 80 : index
        %get3A_456 = tpu.vector_load %arg12[%get3A_454, %get3A_455] {strides = array<i32>} : memref<200x128xf32, #tpu.memory_space<vmem>>, vector<1x16xf32>,
        %get3A_457 = vector.shape_cast %get3A_456 : vector<1x16xf32> to vector<16xf32>
        %swap3A_458 = arith.index_cast %add3A_447 : i32 to index
        %swap3A_459 = arith.constant 80 : index
        %swap3A_460 = tpu.vector_load %arg7[%swap3A_458, %swap3A_459] {strides = array<i32>} : memref<40x128xf32, #tpu.memory_space<vmem>>, vector<1x16xf32>,
        %swap3A_461 = vector.shape_cast %swap3A_460 : vector<1x16xf32> to vector<16xf32>
        %swap3A_462 = vector.shape_cast %get3A_457 : vector<16xf32> to vector<1x16xf32>
        tpu.vector_store %arg7[%swap3A_458, %swap3A_459], %swap3A_462 {add = true, strides = array<i32>} : memref<40x128xf32, #tpu.memory_space<vmem>>, vector<1x16xf32>,
        %mul3A_463 = arith.constant 2 : i32
        %mul3A_464 = arith.muli %mul3A_463, %scan3A_350 : i32
        %add3A_465 = arith.constant 0 : i32
        %add3A_466 = arith.addi %mul3A_464, %add3A_465 : i32
        %mul3A_467 = arith.constant 2 : i32
        %mul3A_468 = arith.muli %mul3A_467, %scan3A_350 : i32
        %add3A_469 = arith.constant 0 : i32
        %add3A_470 = arith.addi %add3A_469, %mul3A_468 : i32
        %add3A_471 = arith.constant 0 : i32
        %add3A_472 = arith.addi %add3A_470, %add3A_471 : i32
        %get3A_473 = arith.index_cast %add3A_472 : i32 to index
        %get3A_474 = arith.constant 96 : index
        %get3A_475 = tpu.vector_load %arg12[%get3A_473, %get3A_474] {strides = array<i32>} : memref<200x128xf32, #tpu.memory_space<vmem>>, vector<1x16xf32>,
        %get3A_476 = vector.shape_cast %get3A_475 : vector<1x16xf32> to vector<16xf32>
        %swap3A_477 = arith.index_cast %add3A_466 : i32 to index
        %swap3A_478 = arith.constant 96 : index
        %swap3A_479 = tpu.vector_load %arg7[%swap3A_477, %swap3A_478] {strides = array<i32>} : memref<40x128xf32, #tpu.memory_space<vmem>>, vector<1x16xf32>,
        %swap3A_480 = vector.shape_cast %swap3A_479 : vector<1x16xf32> to vector<16xf32>
        %swap3A_481 = vector.shape_cast %get3A_476 : vector<16xf32> to vector<1x16xf32>
        tpu.vector_store %arg7[%swap3A_477, %swap3A_478], %swap3A_481 {add = true, strides = array<i32>} : memref<40x128xf32, #tpu.memory_space<vmem>>, vector<1x16xf32>,
        %mul3A_482 = arith.constant 2 : i32
        %mul3A_483 = arith.muli %mul3A_482, %scan3A_350 : i32
        %add3A_484 = arith.constant 0 : i32
        %add3A_485 = arith.addi %mul3A_483, %add3A_484 : i32
        %mul3A_486 = arith.constant 2 : i32
        %mul3A_487 = arith.muli %mul3A_486, %scan3A_350 : i32
        %add3A_488 = arith.constant 0 : i32
        %add3A_489 = arith.addi %add3A_488, %mul3A_487 : i32
        %add3A_490 = arith.constant 0 : i32
        %add3A_491 = arith.addi %add3A_489, %add3A_490 : i32
        %get3A_492 = arith.index_cast %add3A_491 : i32 to index
        %get3A_493 = arith.constant 112 : index
        %get3A_494 = tpu.vector_load %arg12[%get3A_492, %get3A_493] {strides = array<i32>} : memref<200x128xf32, #tpu.memory_space<vmem>>, vector<1x16xf32>,
        %get3A_495 = vector.shape_cast %get3A_494 : vector<1x16xf32> to vector<16xf32>
        %swap3A_496 = arith.index_cast %add3A_485 : i32 to index
        %swap3A_497 = arith.constant 112 : index
        %swap3A_498 = tpu.vector_load %arg7[%swap3A_496, %swap3A_497] {strides = array<i32>} : memref<40x128xf32, #tpu.memory_space<vmem>>, vector<1x16xf32>,
        %swap3A_499 = vector.shape_cast %swap3A_498 : vector<1x16xf32> to vector<16xf32>
        %swap3A_500 = vector.shape_cast %get3A_495 : vector<16xf32> to vector<1x16xf32>
        tpu.vector_store %arg7[%swap3A_496, %swap3A_497], %swap3A_500 {add = true, strides = array<i32>} : memref<40x128xf32, #tpu.memory_space<vmem>>, vector<1x16xf32>,
        %mul3A_501 = arith.constant 2 : i32
        %mul3A_502 = arith.muli %mul3A_501, %scan3A_350 : i32
        %add3A_503 = arith.constant 1 : i32
        %add3A_504 = arith.addi %mul3A_502, %add3A_503 : i32
        %mul3A_505 = arith.constant 2 : i32
        %mul3A_506 = arith.muli %mul3A_505, %scan3A_350 : i32
        %add3A_507 = arith.constant 0 : i32
        %add3A_508 = arith.addi %add3A_507, %mul3A_506 : i32
        %add3A_509 = arith.constant 1 : i32
        %add3A_510 = arith.addi %add3A_508, %add3A_509 : i32
        %get3A_511 = arith.index_cast %add3A_510 : i32 to index
        %get3A_512 = arith.constant 0 : index
        %get3A_513 = tpu.vector_load %arg12[%get3A_511, %get3A_512] {strides = array<i32>} : memref<200x128xf32, #tpu.memory_space<vmem>>, vector<1x16xf32>,
        %get3A_514 = vector.shape_cast %get3A_513 : vector<1x16xf32> to vector<16xf32>
        %swap3A_515 = arith.index_cast %add3A_504 : i32 to index
        %swap3A_516 = arith.constant 0 : index
        %swap3A_517 = tpu.vector_load %arg7[%swap3A_515, %swap3A_516] {strides = array<i32>} : memref<40x128xf32, #tpu.memory_space<vmem>>, vector<1x16xf32>,
        %swap3A_518 = vector.shape_cast %swap3A_517 : vector<1x16xf32> to vector<16xf32>
        %swap3A_519 = vector.shape_cast %get3A_514 : vector<16xf32> to vector<1x16xf32>
        tpu.vector_store %arg7[%swap3A_515, %swap3A_516], %swap3A_519 {add = true, strides = array<i32>} : memref<40x128xf32, #tpu.memory_space<vmem>>, vector<1x16xf32>,
        %mul3A_520 = arith.constant 2 : i32
        %mul3A_521 = arith.muli %mul3A_520, %scan3A_350 : i32
        %add3A_522 = arith.constant 1 : i32
        %add3A_523 = arith.addi %mul3A_521, %add3A_522 : i32
        %mul3A_524 = arith.constant 2 : i32
        %mul3A_525 = arith.muli %mul3A_524, %scan3A_350 : i32
        %add3A_526 = arith.constant 0 : i32
        %add3A_527 = arith.addi %add3A_526, %mul3A_525 : i32
        %add3A_528 = arith.constant 1 : i32
        %add3A_529 = arith.addi %add3A_527, %add3A_528 : i32
        %get3A_530 = arith.index_cast %add3A_529 : i32 to index
        %get3A_531 = arith.constant 16 : index
        %get3A_532 = tpu.vector_load %arg12[%get3A_530, %get3A_531] {strides = array<i32>} : memref<200x128xf32, #tpu.memory_space<vmem>>, vector<1x16xf32>,
        %get3A_533 = vector.shape_cast %get3A_532 : vector<1x16xf32> to vector<16xf32>
        %swap3A_534 = arith.index_cast %add3A_523 : i32 to index
        %swap3A_535 = arith.constant 16 : index
        %swap3A_536 = tpu.vector_load %arg7[%swap3A_534, %swap3A_535] {strides = array<i32>} : memref<40x128xf32, #tpu.memory_space<vmem>>, vector<1x16xf32>,
        %swap3A_537 = vector.shape_cast %swap3A_536 : vector<1x16xf32> to vector<16xf32>
        %swap3A_538 = vector.shape_cast %get3A_533 : vector<16xf32> to vector<1x16xf32>
        tpu.vector_store %arg7[%swap3A_534, %swap3A_535], %swap3A_538 {add = true, strides = array<i32>} : memref<40x128xf32, #tpu.memory_space<vmem>>, vector<1x16xf32>,
        %mul3A_539 = arith.constant 2 : i32
        %mul3A_540 = arith.muli %mul3A_539, %scan3A_350 : i32
        %add3A_541 = arith.constant 1 : i32
        %add3A_542 = arith.addi %mul3A_540, %add3A_541 : i32
        %mul3A_543 = arith.constant 2 : i32
        %mul3A_544 = arith.muli %mul3A_543, %scan3A_350 : i32
        %add3A_545 = arith.constant 0 : i32
        %add3A_546 = arith.addi %add3A_545, %mul3A_544 : i32
        %add3A_547 = arith.constant 1 : i32
        %add3A_548 = arith.addi %add3A_546, %add3A_547 : i32
        %get3A_549 = arith.index_cast %add3A_548 : i32 to index
        %get3A_550 = arith.constant 32 : index
        %get3A_551 = tpu.vector_load %arg12[%get3A_549, %get3A_550] {strides = array<i32>} : memref<200x128xf32, #tpu.memory_space<vmem>>, vector<1x16xf32>,
        %get3A_552 = vector.shape_cast %get3A_551 : vector<1x16xf32> to vector<16xf32>
        %swap3A_553 = arith.index_cast %add3A_542 : i32 to index
        %swap3A_554 = arith.constant 32 : index
        %swap3A_555 = tpu.vector_load %arg7[%swap3A_553, %swap3A_554] {strides = array<i32>} : memref<40x128xf32, #tpu.memory_space<vmem>>, vector<1x16xf32>,
        %swap3A_556 = vector.shape_cast %swap3A_555 : vector<1x16xf32> to vector<16xf32>
        %swap3A_557 = vector.shape_cast %get3A_552 : vector<16xf32> to vector<1x16xf32>
        tpu.vector_store %arg7[%swap3A_553, %swap3A_554], %swap3A_557 {add = true, strides = array<i32>} : memref<40x128xf32, #tpu.memory_space<vmem>>, vector<1x16xf32>,
        %mul3A_558 = arith.constant 2 : i32
        %mul3A_559 = arith.muli %mul3A_558, %scan3A_350 : i32
        %add3A_560 = arith.constant 1 : i32
        %add3A_561 = arith.addi %mul3A_559, %add3A_560 : i32
        %mul3A_562 = arith.constant 2 : i32
        %mul3A_563 = arith.muli %mul3A_562, %scan3A_350 : i32
        %add3A_564 = arith.constant 0 : i32
        %add3A_565 = arith.addi %add3A_564, %mul3A_563 : i32
        %add3A_566 = arith.constant 1 : i32
        %add3A_567 = arith.addi %add3A_565, %add3A_566 : i32
        %get3A_568 = arith.index_cast %add3A_567 : i32 to index
        %get3A_569 = arith.constant 48 : index
        %get3A_570 = tpu.vector_load %arg12[%get3A_568, %get3A_569] {strides = array<i32>} : memref<200x128xf32, #tpu.memory_space<vmem>>, vector<1x16xf32>,
        %get3A_571 = vector.shape_cast %get3A_570 : vector<1x16xf32> to vector<16xf32>
        %swap3A_572 = arith.index_cast %add3A_561 : i32 to index
        %swap3A_573 = arith.constant 48 : index
        %swap3A_574 = tpu.vector_load %arg7[%swap3A_572, %swap3A_573] {strides = array<i32>} : memref<40x128xf32, #tpu.memory_space<vmem>>, vector<1x16xf32>,
        %swap3A_575 = vector.shape_cast %swap3A_574 : vector<1x16xf32> to vector<16xf32>
        %swap3A_576 = vector.shape_cast %get3A_571 : vector<16xf32> to vector<1x16xf32>
        tpu.vector_store %arg7[%swap3A_572, %swap3A_573], %swap3A_576 {add = true, strides = array<i32>} : memref<40x128xf32, #tpu.memory_space<vmem>>, vector<1x16xf32>,
        %mul3A_577 = arith.constant 2 : i32
        %mul3A_578 = arith.muli %mul3A_577, %scan3A_350 : i32
        %add3A_579 = arith.constant 1 : i32
        %add3A_580 = arith.addi %mul3A_578, %add3A_579 : i32
        %mul3A_581 = arith.constant 2 : i32
        %mul3A_582 = arith.muli %mul3A_581, %scan3A_350 : i32
        %add3A_583 = arith.constant 0 : i32
        %add3A_584 = arith.addi %add3A_583, %mul3A_582 : i32
        %add3A_585 = arith.constant 1 : i32
        %add3A_586 = arith.addi %add3A_584, %add3A_585 : i32
        %get3A_587 = arith.index_cast %add3A_586 : i32 to index
        %get3A_588 = arith.constant 64 : index
        %get3A_589 = tpu.vector_load %arg12[%get3A_587, %get3A_588] {strides = array<i32>} : memref<200x128xf32, #tpu.memory_space<vmem>>, vector<1x16xf32>,
        %get3A_590 = vector.shape_cast %get3A_589 : vector<1x16xf32> to vector<16xf32>
        %swap3A_591 = arith.index_cast %add3A_580 : i32 to index
        %swap3A_592 = arith.constant 64 : index
        %swap3A_593 = tpu.vector_load %arg7[%swap3A_591, %swap3A_592] {strides = array<i32>} : memref<40x128xf32, #tpu.memory_space<vmem>>, vector<1x16xf32>,
        %swap3A_594 = vector.shape_cast %swap3A_593 : vector<1x16xf32> to vector<16xf32>
        %swap3A_595 = vector.shape_cast %get3A_590 : vector<16xf32> to vector<1x16xf32>
        tpu.vector_store %arg7[%swap3A_591, %swap3A_592], %swap3A_595 {add = true, strides = array<i32>} : memref<40x128xf32, #tpu.memory_space<vmem>>, vector<1x16xf32>,
        %mul3A_596 = arith.constant 2 : i32
        %mul3A_597 = arith.muli %mul3A_596, %scan3A_350 : i32
        %add3A_598 = arith.constant 1 : i32
        %add3A_599 = arith.addi %mul3A_597, %add3A_598 : i32
        %mul3A_600 = arith.constant 2 : i32
        %mul3A_601 = arith.muli %mul3A_600, %scan3A_350 : i32
        %add3A_602 = arith.constant 0 : i32
        %add3A_603 = arith.addi %add3A_602, %mul3A_601 : i32
        %add3A_604 = arith.constant 1 : i32
        %add3A_605 = arith.addi %add3A_603, %add3A_604 : i32
        %get3A_606 = arith.index_cast %add3A_605 : i32 to index
        %get3A_607 = arith.constant 80 : index
        %get3A_608 = tpu.vector_load %arg12[%get3A_606, %get3A_607] {strides = array<i32>} : memref<200x128xf32, #tpu.memory_space<vmem>>, vector<1x16xf32>,
        %get3A_609 = vector.shape_cast %get3A_608 : vector<1x16xf32> to vector<16xf32>
        %swap3A_610 = arith.index_cast %add3A_599 : i32 to index
        %swap3A_611 = arith.constant 80 : index
        %swap3A_612 = tpu.vector_load %arg7[%swap3A_610, %swap3A_611] {strides = array<i32>} : memref<40x128xf32, #tpu.memory_space<vmem>>, vector<1x16xf32>,
        %swap3A_613 = vector.shape_cast %swap3A_612 : vector<1x16xf32> to vector<16xf32>
        %swap3A_614 = vector.shape_cast %get3A_609 : vector<16xf32> to vector<1x16xf32>
        tpu.vector_store %arg7[%swap3A_610, %swap3A_611], %swap3A_614 {add = true, strides = array<i32>} : memref<40x128xf32, #tpu.memory_space<vmem>>, vector<1x16xf32>,
        %mul3A_615 = arith.constant 2 : i32
        %mul3A_616 = arith.muli %mul3A_615, %scan3A_350 : i32
        %add3A_617 = arith.constant 1 : i32
        %add3A_618 = arith.addi %mul3A_616, %add3A_617 : i32
        %mul3A_619 = arith.constant 2 : i32
        %mul3A_620 = arith.muli %mul3A_619, %scan3A_350 : i32
        %add3A_621 = arith.constant 0 : i32
        %add3A_622 = arith.addi %add3A_621, %mul3A_620 : i32
        %add3A_623 = arith.constant 1 : i32
        %add3A_624 = arith.addi %add3A_622, %add3A_623 : i32
        %get3A_625 = arith.index_cast %add3A_624 : i32 to index
        %get3A_626 = arith.constant 96 : index
        %get3A_627 = tpu.vector_load %arg12[%get3A_625, %get3A_626] {strides = array<i32>} : memref<200x128xf32, #tpu.memory_space<vmem>>, vector<1x16xf32>,
        %get3A_628 = vector.shape_cast %get3A_627 : vector<1x16xf32> to vector<16xf32>
        %swap3A_629 = arith.index_cast %add3A_618 : i32 to index
        %swap3A_630 = arith.constant 96 : index
        %swap3A_631 = tpu.vector_load %arg7[%swap3A_629, %swap3A_630] {strides = array<i32>} : memref<40x128xf32, #tpu.memory_space<vmem>>, vector<1x16xf32>,
        %swap3A_632 = vector.shape_cast %swap3A_631 : vector<1x16xf32> to vector<16xf32>
        %swap3A_633 = vector.shape_cast %get3A_628 : vector<16xf32> to vector<1x16xf32>
        tpu.vector_store %arg7[%swap3A_629, %swap3A_630], %swap3A_633 {add = true, strides = array<i32>} : memref<40x128xf32, #tpu.memory_space<vmem>>, vector<1x16xf32>,
        %mul3A_634 = arith.constant 2 : i32
        %mul3A_635 = arith.muli %mul3A_634, %scan3A_350 : i32
        %add3A_636 = arith.constant 1 : i32
        %add3A_637 = arith.addi %mul3A_635, %add3A_636 : i32
        %mul3A_638 = arith.constant 2 : i32
        %mul3A_639 = arith.muli %mul3A_638, %scan3A_350 : i32
        %add3A_640 = arith.constant 0 : i32
        %add3A_641 = arith.addi %add3A_640, %mul3A_639 : i32
        %add3A_642 = arith.constant 1 : i32
        %add3A_643 = arith.addi %add3A_641, %add3A_642 : i32
        %get3A_644 = arith.index_cast %add3A_643 : i32 to index
        %get3A_645 = arith.constant 112 : index
        %get3A_646 = tpu.vector_load %arg12[%get3A_644, %get3A_645] {strides = array<i32>} : memref<200x128xf32, #tpu.memory_space<vmem>>, vector<1x16xf32>,
        %get3A_647 = vector.shape_cast %get3A_646 : vector<1x16xf32> to vector<16xf32>
        %swap3A_648 = arith.index_cast %add3A_637 : i32 to index
        %swap3A_649 = arith.constant 112 : index
        %swap3A_650 = tpu.vector_load %arg7[%swap3A_648, %swap3A_649] {strides = array<i32>} : memref<40x128xf32, #tpu.memory_space<vmem>>, vector<1x16xf32>,
        %swap3A_651 = vector.shape_cast %swap3A_650 : vector<1x16xf32> to vector<16xf32>
        %swap3A_652 = vector.shape_cast %get3A_647 : vector<16xf32> to vector<1x16xf32>
        tpu.vector_store %arg7[%swap3A_648, %swap3A_649], %swap3A_652 {add = true, strides = array<i32>} : memref<40x128xf32, #tpu.memory_space<vmem>>, vector<1x16xf32>,
      }
      %scan3A_150 = arith.constant 20 : i32
      %mul3A_151 = arith.constant 128 : i32
      %mul3A_152 = arith.muli %add3A, %mul3A_151 : i32
      %add3A_153 = arith.constant 64 : i32
      %add3A_154 = arith.addi %mul3A_152, %add3A_153 : i32
      %add3A_155 = arith.addi %add3A_154, %scan3A_134 : i32
      %dma_start3A_156 = arith.constant 0 : i32
      %dma_start3A_157 = arith.constant 0 : i32
      %dma_start3A_158 = tpu.memref_slice %arg5[%add3A_155, %dma_start3A_156, %dma_start3A_157] : memref<4096x200x128xf32, #tpu.memory_space<hbm>> -> memref<1x40x128xf32, #tpu.memory_space<hbm>>
      %dma_start3A_159 = tpu.memref_squeeze %dma_start3A_158 : memref<1x40x128xf32, #tpu.memory_space<hbm>> -> memref<40x128xf32, #tpu.memory_space<hbm>>
      %dma_start3A_160 = arith.constant 0 : i32
      %dma_start3A_161 = arith.constant 0 : i32
      %dma_start3A_162 = tpu.memref_slice %arg5[%add3A_155, %dma_start3A_160, %dma_start3A_161] : memref<4096x200x128xf32, #tpu.memory_space<hbm>> -> memref<1x40x128xf32, #tpu.memory_space<hbm>>
      %dma_start3A_163 = tpu.memref_squeeze %dma_start3A_162 : memref<1x40x128xf32, #tpu.memory_space<hbm>> -> memref<40x128xf32, #tpu.memory_space<hbm>>
      tpu.enqueue_dma source(%arg7 : memref<40x128xf32, #tpu.memory_space<vmem>>) target(%dma_start3A_163 : memref<40x128xf32, #tpu.memory_space<hbm>>) target_semaphore(%arg18 : memref<!tpu.dma_semaphore, #tpu.memory_space<semaphore_mem>>)
      %add3A_164 = arith.constant 2 : i32
      %add3A_165 = arith.addi %add3A_138, %add3A_164 : i32
      %ge3A = arith.constant 5 : i32
      %ge3A_166 = arith.cmpi sge, %add3A_165, %ge3A : i32
      %lt3A = arith.constant 320 : i32
      %lt3A_167 = arith.cmpi slt, %add3A_165, %lt3A : i32
      %and3A = arith.andi %ge3A_166, %lt3A_167 : i1
      %convert_element_type3A = arith.extui %and3A : i1 to i32
      %cond3A = arith.constant 0 : i32
      %cond3A_168 = arith.cmpi ne, %convert_element_type3A, %cond3A : i32
      scf.if %cond3A_168 {
        %dma_wait3A_350 = arith.constant 0 : i32
        %dma_wait3A_351 = arith.constant 0 : i32
        %dma_wait3A_352 = arith.constant 0 : i32
        %dma_wait3A_353 = tpu.memref_slice %arg5[%dma_wait3A_350, %dma_wait3A_351, %dma_wait3A_352] : memref<4096x200x128xf32, #tpu.memory_space<hbm>> -> memref<1x40x128xf32, #tpu.memory_space<hbm>>
        %dma_wait3A_354 = tpu.memref_squeeze %dma_wait3A_353 : memref<1x40x128xf32, #tpu.memory_space<hbm>> -> memref<40x128xf32, #tpu.memory_space<hbm>>
        %dma_wait3A_355 = arith.constant 0 : i32
        %dma_wait3A_356 = arith.constant 0 : i32
        %dma_wait3A_357 = tpu.memref_slice %arg5[%dma_wait3A_350, %dma_wait3A_355, %dma_wait3A_356] : memref<4096x200x128xf32, #tpu.memory_space<hbm>> -> memref<1x40x128xf32, #tpu.memory_space<hbm>>
        %dma_wait3A_358 = tpu.memref_squeeze %dma_wait3A_357 : memref<1x40x128xf32, #tpu.memory_space<hbm>> -> memref<40x128xf32, #tpu.memory_space<hbm>>
        tpu.wait_dma2 semaphore(%arg20 : memref<!tpu.dma_semaphore, #tpu.memory_space<semaphore_mem>>) src(%arg9 : memref<40x128xf32, #tpu.memory_space<vmem>>) dst(%dma_wait3A_358 : memref<40x128xf32, #tpu.memory_space<hbm>>)
      } else {
      }
      %lt3A_169 = arith.constant 320 : i32
      %lt3A_170 = arith.cmpi slt, %add3A_165, %lt3A_169 : i32
      %convert_element_type3A_171 = arith.extui %lt3A_170 : i1 to i32
      %cond3A_172 = arith.constant 0 : i32
      %cond3A_173 = arith.cmpi ne, %convert_element_type3A_171, %cond3A_172 : i32
      scf.if %cond3A_173 {
        %dma_start3A_350 = arith.constant 0 : i32
        %dma_start3A_351 = tpu.memref_slice %arg6[%add3A_165, %dma_start3A_350] : memref<320x40xi32, #tpu.memory_space<vmem>> -> memref<1x40xi32, #tpu.memory_space<vmem>>
        %dma_start3A_352 = tpu.memref_squeeze %dma_start3A_351 : memref<1x40xi32, #tpu.memory_space<vmem>> -> memref<40xi32, #tpu.memory_space<vmem>>
        %dma_start3A_353 = arith.constant 0 : i32
        %dma_start3A_354 = arith.constant 0 : i32
        %dma_start3A_355 = tpu.memref_slice %arg3[%dma_start3A_353, %dma_start3A_354] : memref<100000x128xf32, #tpu.memory_space<hbm>> -> memref<100000x128xf32, #tpu.memory_space<hbm>>
        tpu.enqueue_indirect_dma source(%dma_start3A_355 : memref<100000x128xf32, #tpu.memory_space<hbm>>) target(%arg9 : memref<40x128xf32, #tpu.memory_space<vmem>>) offsets(%dma_start3A_352 : memref<40xi32, #tpu.memory_space<vmem>>) semaphore(%arg15 : memref<!tpu.dma_semaphore, #tpu.memory_space<semaphore_mem>>)
      } else {
      }
      %mul3A_174 = arith.constant 5 : i32
      %mul3A_175 = arith.muli %scan3A_134, %mul3A_174 : i32
      %add3A_176 = arith.constant 1 : i32
      %add3A_177 = arith.addi %mul3A_175, %add3A_176 : i32
      %dma_wait3A_178 = arith.constant 0 : i32
      %dma_wait3A_179 = tpu.memref_slice %arg6[%add3A_177, %dma_wait3A_178] : memref<320x40xi32, #tpu.memory_space<vmem>> -> memref<1x40xi32, #tpu.memory_space<vmem>>
      %dma_wait3A_180 = tpu.memref_squeeze %dma_wait3A_179 : memref<1x40xi32, #tpu.memory_space<vmem>> -> memref<40xi32, #tpu.memory_space<vmem>>
      %dma_wait3A_181 = arith.constant 0 : i32
      %dma_wait3A_182 = arith.constant 0 : i32
      %dma_wait3A_183 = tpu.memref_slice %arg3[%dma_wait3A_181, %dma_wait3A_182] : memref<100000x128xf32, #tpu.memory_space<hbm>> -> memref<100000x128xf32, #tpu.memory_space<hbm>>
      tpu.wait_indirect_dma semaphore(%arg14 : memref<!tpu.dma_semaphore, #tpu.memory_space<semaphore_mem>>) src(%dma_wait3A_183 : memref<100000x128xf32, #tpu.memory_space<hbm>>) dst(%arg8 : memref<40x128xf32, #tpu.memory_space<vmem>>)
      %scan3A_184 = arith.constant 0 : i32
      %scan3A_185 = arith.constant 0 : i32
      %scan3A_186 = arith.constant 20 : i32
      %scan3A_187 = arith.addi %scan3A_185, %scan3A_186 : i32
      %scan3A_188 = arith.constant 1 : i32
      scf.for %scan3A_350 = %scan3A_185 to %scan3A_187 step %scan3A_188  : i32 {
        %mul3A_351 = arith.constant 2 : i32
        %mul3A_352 = arith.muli %mul3A_351, %scan3A_350 : i32
        %add3A_353 = arith.constant 0 : i32
        %add3A_354 = arith.addi %mul3A_352, %add3A_353 : i32
        %mul3A_355 = arith.constant 2 : i32
        %mul3A_356 = arith.muli %mul3A_355, %scan3A_350 : i32
        %add3A_357 = arith.constant 40 : i32
        %add3A_358 = arith.addi %add3A_357, %mul3A_356 : i32
        %add3A_359 = arith.constant 0 : i32
        %add3A_360 = arith.addi %add3A_358, %add3A_359 : i32
        %get3A = arith.index_cast %add3A_360 : i32 to index
        %get3A_361 = arith.constant 0 : index
        %get3A_362 = tpu.vector_load %arg12[%get3A, %get3A_361] {strides = array<i32>} : memref<200x128xf32, #tpu.memory_space<vmem>>, vector<1x16xf32>,
        %get3A_363 = vector.shape_cast %get3A_362 : vector<1x16xf32> to vector<16xf32>
        %swap3A = arith.index_cast %add3A_354 : i32 to index
        %swap3A_364 = arith.constant 0 : index
        %swap3A_365 = tpu.vector_load %arg8[%swap3A, %swap3A_364] {strides = array<i32>} : memref<40x128xf32, #tpu.memory_space<vmem>>, vector<1x16xf32>,
        %swap3A_366 = vector.shape_cast %swap3A_365 : vector<1x16xf32> to vector<16xf32>
        %swap3A_367 = vector.shape_cast %get3A_363 : vector<16xf32> to vector<1x16xf32>
        tpu.vector_store %arg8[%swap3A, %swap3A_364], %swap3A_367 {add = true, strides = array<i32>} : memref<40x128xf32, #tpu.memory_space<vmem>>, vector<1x16xf32>,
        %mul3A_368 = arith.constant 2 : i32
        %mul3A_369 = arith.muli %mul3A_368, %scan3A_350 : i32
        %add3A_370 = arith.constant 0 : i32
        %add3A_371 = arith.addi %mul3A_369, %add3A_370 : i32
        %mul3A_372 = arith.constant 2 : i32
        %mul3A_373 = arith.muli %mul3A_372, %scan3A_350 : i32
        %add3A_374 = arith.constant 40 : i32
        %add3A_375 = arith.addi %add3A_374, %mul3A_373 : i32
        %add3A_376 = arith.constant 0 : i32
        %add3A_377 = arith.addi %add3A_375, %add3A_376 : i32
        %get3A_378 = arith.index_cast %add3A_377 : i32 to index
        %get3A_379 = arith.constant 16 : index
        %get3A_380 = tpu.vector_load %arg12[%get3A_378, %get3A_379] {strides = array<i32>} : memref<200x128xf32, #tpu.memory_space<vmem>>, vector<1x16xf32>,
        %get3A_381 = vector.shape_cast %get3A_380 : vector<1x16xf32> to vector<16xf32>
        %swap3A_382 = arith.index_cast %add3A_371 : i32 to index
        %swap3A_383 = arith.constant 16 : index
        %swap3A_384 = tpu.vector_load %arg8[%swap3A_382, %swap3A_383] {strides = array<i32>} : memref<40x128xf32, #tpu.memory_space<vmem>>, vector<1x16xf32>,
        %swap3A_385 = vector.shape_cast %swap3A_384 : vector<1x16xf32> to vector<16xf32>
        %swap3A_386 = vector.shape_cast %get3A_381 : vector<16xf32> to vector<1x16xf32>
        tpu.vector_store %arg8[%swap3A_382, %swap3A_383], %swap3A_386 {add = true, strides = array<i32>} : memref<40x128xf32, #tpu.memory_space<vmem>>, vector<1x16xf32>,
        %mul3A_387 = arith.constant 2 : i32
        %mul3A_388 = arith.muli %mul3A_387, %scan3A_350 : i32
        %add3A_389 = arith.constant 0 : i32
        %add3A_390 = arith.addi %mul3A_388, %add3A_389 : i32
        %mul3A_391 = arith.constant 2 : i32
        %mul3A_392 = arith.muli %mul3A_391, %scan3A_350 : i32
        %add3A_393 = arith.constant 40 : i32
        %add3A_394 = arith.addi %add3A_393, %mul3A_392 : i32
        %add3A_395 = arith.constant 0 : i32
        %add3A_396 = arith.addi %add3A_394, %add3A_395 : i32
        %get3A_397 = arith.index_cast %add3A_396 : i32 to index
        %get3A_398 = arith.constant 32 : index
        %get3A_399 = tpu.vector_load %arg12[%get3A_397, %get3A_398] {strides = array<i32>} : memref<200x128xf32, #tpu.memory_space<vmem>>, vector<1x16xf32>,
        %get3A_400 = vector.shape_cast %get3A_399 : vector<1x16xf32> to vector<16xf32>
        %swap3A_401 = arith.index_cast %add3A_390 : i32 to index
        %swap3A_402 = arith.constant 32 : index
        %swap3A_403 = tpu.vector_load %arg8[%swap3A_401, %swap3A_402] {strides = array<i32>} : memref<40x128xf32, #tpu.memory_space<vmem>>, vector<1x16xf32>,
        %swap3A_404 = vector.shape_cast %swap3A_403 : vector<1x16xf32> to vector<16xf32>
        %swap3A_405 = vector.shape_cast %get3A_400 : vector<16xf32> to vector<1x16xf32>
        tpu.vector_store %arg8[%swap3A_401, %swap3A_402], %swap3A_405 {add = true, strides = array<i32>} : memref<40x128xf32, #tpu.memory_space<vmem>>, vector<1x16xf32>,
        %mul3A_406 = arith.constant 2 : i32
        %mul3A_407 = arith.muli %mul3A_406, %scan3A_350 : i32
        %add3A_408 = arith.constant 0 : i32
        %add3A_409 = arith.addi %mul3A_407, %add3A_408 : i32
        %mul3A_410 = arith.constant 2 : i32
        %mul3A_411 = arith.muli %mul3A_410, %scan3A_350 : i32
        %add3A_412 = arith.constant 40 : i32
        %add3A_413 = arith.addi %add3A_412, %mul3A_411 : i32
        %add3A_414 = arith.constant 0 : i32
        %add3A_415 = arith.addi %add3A_413, %add3A_414 : i32
        %get3A_416 = arith.index_cast %add3A_415 : i32 to index
        %get3A_417 = arith.constant 48 : index
        %get3A_418 = tpu.vector_load %arg12[%get3A_416, %get3A_417] {strides = array<i32>} : memref<200x128xf32, #tpu.memory_space<vmem>>, vector<1x16xf32>,
        %get3A_419 = vector.shape_cast %get3A_418 : vector<1x16xf32> to vector<16xf32>
        %swap3A_420 = arith.index_cast %add3A_409 : i32 to index
        %swap3A_421 = arith.constant 48 : index
        %swap3A_422 = tpu.vector_load %arg8[%swap3A_420, %swap3A_421] {strides = array<i32>} : memref<40x128xf32, #tpu.memory_space<vmem>>, vector<1x16xf32>,
        %swap3A_423 = vector.shape_cast %swap3A_422 : vector<1x16xf32> to vector<16xf32>
        %swap3A_424 = vector.shape_cast %get3A_419 : vector<16xf32> to vector<1x16xf32>
        tpu.vector_store %arg8[%swap3A_420, %swap3A_421], %swap3A_424 {add = true, strides = array<i32>} : memref<40x128xf32, #tpu.memory_space<vmem>>, vector<1x16xf32>,
        %mul3A_425 = arith.constant 2 : i32
        %mul3A_426 = arith.muli %mul3A_425, %scan3A_350 : i32
        %add3A_427 = arith.constant 0 : i32
        %add3A_428 = arith.addi %mul3A_426, %add3A_427 : i32
        %mul3A_429 = arith.constant 2 : i32
        %mul3A_430 = arith.muli %mul3A_429, %scan3A_350 : i32
        %add3A_431 = arith.constant 40 : i32
        %add3A_432 = arith.addi %add3A_431, %mul3A_430 : i32
        %add3A_433 = arith.constant 0 : i32
        %add3A_434 = arith.addi %add3A_432, %add3A_433 : i32
        %get3A_435 = arith.index_cast %add3A_434 : i32 to index
        %get3A_436 = arith.constant 64 : index
        %get3A_437 = tpu.vector_load %arg12[%get3A_435, %get3A_436] {strides = array<i32>} : memref<200x128xf32, #tpu.memory_space<vmem>>, vector<1x16xf32>,
        %get3A_438 = vector.shape_cast %get3A_437 : vector<1x16xf32> to vector<16xf32>
        %swap3A_439 = arith.index_cast %add3A_428 : i32 to index
        %swap3A_440 = arith.constant 64 : index
        %swap3A_441 = tpu.vector_load %arg8[%swap3A_439, %swap3A_440] {strides = array<i32>} : memref<40x128xf32, #tpu.memory_space<vmem>>, vector<1x16xf32>,
        %swap3A_442 = vector.shape_cast %swap3A_441 : vector<1x16xf32> to vector<16xf32>
        %swap3A_443 = vector.shape_cast %get3A_438 : vector<16xf32> to vector<1x16xf32>
        tpu.vector_store %arg8[%swap3A_439, %swap3A_440], %swap3A_443 {add = true, strides = array<i32>} : memref<40x128xf32, #tpu.memory_space<vmem>>, vector<1x16xf32>,
        %mul3A_444 = arith.constant 2 : i32
        %mul3A_445 = arith.muli %mul3A_444, %scan3A_350 : i32
        %add3A_446 = arith.constant 0 : i32
        %add3A_447 = arith.addi %mul3A_445, %add3A_446 : i32
        %mul3A_448 = arith.constant 2 : i32
        %mul3A_449 = arith.muli %mul3A_448, %scan3A_350 : i32
        %add3A_450 = arith.constant 40 : i32
        %add3A_451 = arith.addi %add3A_450, %mul3A_449 : i32
        %add3A_452 = arith.constant 0 : i32
        %add3A_453 = arith.addi %add3A_451, %add3A_452 : i32
        %get3A_454 = arith.index_cast %add3A_453 : i32 to index
        %get3A_455 = arith.constant 80 : index
        %get3A_456 = tpu.vector_load %arg12[%get3A_454, %get3A_455] {strides = array<i32>} : memref<200x128xf32, #tpu.memory_space<vmem>>, vector<1x16xf32>,
        %get3A_457 = vector.shape_cast %get3A_456 : vector<1x16xf32> to vector<16xf32>
        %swap3A_458 = arith.index_cast %add3A_447 : i32 to index
        %swap3A_459 = arith.constant 80 : index
        %swap3A_460 = tpu.vector_load %arg8[%swap3A_458, %swap3A_459] {strides = array<i32>} : memref<40x128xf32, #tpu.memory_space<vmem>>, vector<1x16xf32>,
        %swap3A_461 = vector.shape_cast %swap3A_460 : vector<1x16xf32> to vector<16xf32>
        %swap3A_462 = vector.shape_cast %get3A_457 : vector<16xf32> to vector<1x16xf32>
        tpu.vector_store %arg8[%swap3A_458, %swap3A_459], %swap3A_462 {add = true, strides = array<i32>} : memref<40x128xf32, #tpu.memory_space<vmem>>, vector<1x16xf32>,
        %mul3A_463 = arith.constant 2 : i32
        %mul3A_464 = arith.muli %mul3A_463, %scan3A_350 : i32
        %add3A_465 = arith.constant 0 : i32
        %add3A_466 = arith.addi %mul3A_464, %add3A_465 : i32
        %mul3A_467 = arith.constant 2 : i32
        %mul3A_468 = arith.muli %mul3A_467, %scan3A_350 : i32
        %add3A_469 = arith.constant 40 : i32
        %add3A_470 = arith.addi %add3A_469, %mul3A_468 : i32
        %add3A_471 = arith.constant 0 : i32
        %add3A_472 = arith.addi %add3A_470, %add3A_471 : i32
        %get3A_473 = arith.index_cast %add3A_472 : i32 to index
        %get3A_474 = arith.constant 96 : index
        %get3A_475 = tpu.vector_load %arg12[%get3A_473, %get3A_474] {strides = array<i32>} : memref<200x128xf32, #tpu.memory_space<vmem>>, vector<1x16xf32>,
        %get3A_476 = vector.shape_cast %get3A_475 : vector<1x16xf32> to vector<16xf32>
        %swap3A_477 = arith.index_cast %add3A_466 : i32 to index
        %swap3A_478 = arith.constant 96 : index
        %swap3A_479 = tpu.vector_load %arg8[%swap3A_477, %swap3A_478] {strides = array<i32>} : memref<40x128xf32, #tpu.memory_space<vmem>>, vector<1x16xf32>,
        %swap3A_480 = vector.shape_cast %swap3A_479 : vector<1x16xf32> to vector<16xf32>
        %swap3A_481 = vector.shape_cast %get3A_476 : vector<16xf32> to vector<1x16xf32>
        tpu.vector_store %arg8[%swap3A_477, %swap3A_478], %swap3A_481 {add = true, strides = array<i32>} : memref<40x128xf32, #tpu.memory_space<vmem>>, vector<1x16xf32>,
        %mul3A_482 = arith.constant 2 : i32
        %mul3A_483 = arith.muli %mul3A_482, %scan3A_350 : i32
        %add3A_484 = arith.constant 0 : i32
        %add3A_485 = arith.addi %mul3A_483, %add3A_484 : i32
        %mul3A_486 = arith.constant 2 : i32
        %mul3A_487 = arith.muli %mul3A_486, %scan3A_350 : i32
        %add3A_488 = arith.constant 40 : i32
        %add3A_489 = arith.addi %add3A_488, %mul3A_487 : i32
        %add3A_490 = arith.constant 0 : i32
        %add3A_491 = arith.addi %add3A_489, %add3A_490 : i32
        %get3A_492 = arith.index_cast %add3A_491 : i32 to index
        %get3A_493 = arith.constant 112 : index
        %get3A_494 = tpu.vector_load %arg12[%get3A_492, %get3A_493] {strides = array<i32>} : memref<200x128xf32, #tpu.memory_space<vmem>>, vector<1x16xf32>,
        %get3A_495 = vector.shape_cast %get3A_494 : vector<1x16xf32> to vector<16xf32>
        %swap3A_496 = arith.index_cast %add3A_485 : i32 to index
        %swap3A_497 = arith.constant 112 : index
        %swap3A_498 = tpu.vector_load %arg8[%swap3A_496, %swap3A_497] {strides = array<i32>} : memref<40x128xf32, #tpu.memory_space<vmem>>, vector<1x16xf32>,
        %swap3A_499 = vector.shape_cast %swap3A_498 : vector<1x16xf32> to vector<16xf32>
        %swap3A_500 = vector.shape_cast %get3A_495 : vector<16xf32> to vector<1x16xf32>
        tpu.vector_store %arg8[%swap3A_496, %swap3A_497], %swap3A_500 {add = true, strides = array<i32>} : memref<40x128xf32, #tpu.memory_space<vmem>>, vector<1x16xf32>,
        %mul3A_501 = arith.constant 2 : i32
        %mul3A_502 = arith.muli %mul3A_501, %scan3A_350 : i32
        %add3A_503 = arith.constant 1 : i32
        %add3A_504 = arith.addi %mul3A_502, %add3A_503 : i32
        %mul3A_505 = arith.constant 2 : i32
        %mul3A_506 = arith.muli %mul3A_505, %scan3A_350 : i32
        %add3A_507 = arith.constant 40 : i32
        %add3A_508 = arith.addi %add3A_507, %mul3A_506 : i32
        %add3A_509 = arith.constant 1 : i32
        %add3A_510 = arith.addi %add3A_508, %add3A_509 : i32
        %get3A_511 = arith.index_cast %add3A_510 : i32 to index
        %get3A_512 = arith.constant 0 : index
        %get3A_513 = tpu.vector_load %arg12[%get3A_511, %get3A_512] {strides = array<i32>} : memref<200x128xf32, #tpu.memory_space<vmem>>, vector<1x16xf32>,
        %get3A_514 = vector.shape_cast %get3A_513 : vector<1x16xf32> to vector<16xf32>
        %swap3A_515 = arith.index_cast %add3A_504 : i32 to index
        %swap3A_516 = arith.constant 0 : index
        %swap3A_517 = tpu.vector_load %arg8[%swap3A_515, %swap3A_516] {strides = array<i32>} : memref<40x128xf32, #tpu.memory_space<vmem>>, vector<1x16xf32>,
        %swap3A_518 = vector.shape_cast %swap3A_517 : vector<1x16xf32> to vector<16xf32>
        %swap3A_519 = vector.shape_cast %get3A_514 : vector<16xf32> to vector<1x16xf32>
        tpu.vector_store %arg8[%swap3A_515, %swap3A_516], %swap3A_519 {add = true, strides = array<i32>} : memref<40x128xf32, #tpu.memory_space<vmem>>, vector<1x16xf32>,
        %mul3A_520 = arith.constant 2 : i32
        %mul3A_521 = arith.muli %mul3A_520, %scan3A_350 : i32
        %add3A_522 = arith.constant 1 : i32
        %add3A_523 = arith.addi %mul3A_521, %add3A_522 : i32
        %mul3A_524 = arith.constant 2 : i32
        %mul3A_525 = arith.muli %mul3A_524, %scan3A_350 : i32
        %add3A_526 = arith.constant 40 : i32
        %add3A_527 = arith.addi %add3A_526, %mul3A_525 : i32
        %add3A_528 = arith.constant 1 : i32
        %add3A_529 = arith.addi %add3A_527, %add3A_528 : i32
        %get3A_530 = arith.index_cast %add3A_529 : i32 to index
        %get3A_531 = arith.constant 16 : index
        %get3A_532 = tpu.vector_load %arg12[%get3A_530, %get3A_531] {strides = array<i32>} : memref<200x128xf32, #tpu.memory_space<vmem>>, vector<1x16xf32>,
        %get3A_533 = vector.shape_cast %get3A_532 : vector<1x16xf32> to vector<16xf32>
        %swap3A_534 = arith.index_cast %add3A_523 : i32 to index
        %swap3A_535 = arith.constant 16 : index
        %swap3A_536 = tpu.vector_load %arg8[%swap3A_534, %swap3A_535] {strides = array<i32>} : memref<40x128xf32, #tpu.memory_space<vmem>>, vector<1x16xf32>,
        %swap3A_537 = vector.shape_cast %swap3A_536 : vector<1x16xf32> to vector<16xf32>
        %swap3A_538 = vector.shape_cast %get3A_533 : vector<16xf32> to vector<1x16xf32>
        tpu.vector_store %arg8[%swap3A_534, %swap3A_535], %swap3A_538 {add = true, strides = array<i32>} : memref<40x128xf32, #tpu.memory_space<vmem>>, vector<1x16xf32>,
        %mul3A_539 = arith.constant 2 : i32
        %mul3A_540 = arith.muli %mul3A_539, %scan3A_350 : i32
        %add3A_541 = arith.constant 1 : i32
        %add3A_542 = arith.addi %mul3A_540, %add3A_541 : i32
        %mul3A_543 = arith.constant 2 : i32
        %mul3A_544 = arith.muli %mul3A_543, %scan3A_350 : i32
        %add3A_545 = arith.constant 40 : i32
        %add3A_546 = arith.addi %add3A_545, %mul3A_544 : i32
        %add3A_547 = arith.constant 1 : i32
        %add3A_548 = arith.addi %add3A_546, %add3A_547 : i32
        %get3A_549 = arith.index_cast %add3A_548 : i32 to index
        %get3A_550 = arith.constant 32 : index
        %get3A_551 = tpu.vector_load %arg12[%get3A_549, %get3A_550] {strides = array<i32>} : memref<200x128xf32, #tpu.memory_space<vmem>>, vector<1x16xf32>,
        %get3A_552 = vector.shape_cast %get3A_551 : vector<1x16xf32> to vector<16xf32>
        %swap3A_553 = arith.index_cast %add3A_542 : i32 to index
        %swap3A_554 = arith.constant 32 : index
        %swap3A_555 = tpu.vector_load %arg8[%swap3A_553, %swap3A_554] {strides = array<i32>} : memref<40x128xf32, #tpu.memory_space<vmem>>, vector<1x16xf32>,
        %swap3A_556 = vector.shape_cast %swap3A_555 : vector<1x16xf32> to vector<16xf32>
        %swap3A_557 = vector.shape_cast %get3A_552 : vector<16xf32> to vector<1x16xf32>
        tpu.vector_store %arg8[%swap3A_553, %swap3A_554], %swap3A_557 {add = true, strides = array<i32>} : memref<40x128xf32, #tpu.memory_space<vmem>>, vector<1x16xf32>,
        %mul3A_558 = arith.constant 2 : i32
        %mul3A_559 = arith.muli %mul3A_558, %scan3A_350 : i32
        %add3A_560 = arith.constant 1 : i32
        %add3A_561 = arith.addi %mul3A_559, %add3A_560 : i32
        %mul3A_562 = arith.constant 2 : i32
        %mul3A_563 = arith.muli %mul3A_562, %scan3A_350 : i32
        %add3A_564 = arith.constant 40 : i32
        %add3A_565 = arith.addi %add3A_564, %mul3A_563 : i32
        %add3A_566 = arith.constant 1 : i32
        %add3A_567 = arith.addi %add3A_565, %add3A_566 : i32
        %get3A_568 = arith.index_cast %add3A_567 : i32 to index
        %get3A_569 = arith.constant 48 : index
        %get3A_570 = tpu.vector_load %arg12[%get3A_568, %get3A_569] {strides = array<i32>} : memref<200x128xf32, #tpu.memory_space<vmem>>, vector<1x16xf32>,
        %get3A_571 = vector.shape_cast %get3A_570 : vector<1x16xf32> to vector<16xf32>
        %swap3A_572 = arith.index_cast %add3A_561 : i32 to index
        %swap3A_573 = arith.constant 48 : index
        %swap3A_574 = tpu.vector_load %arg8[%swap3A_572, %swap3A_573] {strides = array<i32>} : memref<40x128xf32, #tpu.memory_space<vmem>>, vector<1x16xf32>,
        %swap3A_575 = vector.shape_cast %swap3A_574 : vector<1x16xf32> to vector<16xf32>
        %swap3A_576 = vector.shape_cast %get3A_571 : vector<16xf32> to vector<1x16xf32>
        tpu.vector_store %arg8[%swap3A_572, %swap3A_573], %swap3A_576 {add = true, strides = array<i32>} : memref<40x128xf32, #tpu.memory_space<vmem>>, vector<1x16xf32>,
        %mul3A_577 = arith.constant 2 : i32
        %mul3A_578 = arith.muli %mul3A_577, %scan3A_350 : i32
        %add3A_579 = arith.constant 1 : i32
        %add3A_580 = arith.addi %mul3A_578, %add3A_579 : i32
        %mul3A_581 = arith.constant 2 : i32
        %mul3A_582 = arith.muli %mul3A_581, %scan3A_350 : i32
        %add3A_583 = arith.constant 40 : i32
        %add3A_584 = arith.addi %add3A_583, %mul3A_582 : i32
        %add3A_585 = arith.constant 1 : i32
        %add3A_586 = arith.addi %add3A_584, %add3A_585 : i32
        %get3A_587 = arith.index_cast %add3A_586 : i32 to index
        %get3A_588 = arith.constant 64 : index
        %get3A_589 = tpu.vector_load %arg12[%get3A_587, %get3A_588] {strides = array<i32>} : memref<200x128xf32, #tpu.memory_space<vmem>>, vector<1x16xf32>,
        %get3A_590 = vector.shape_cast %get3A_589 : vector<1x16xf32> to vector<16xf32>
        %swap3A_591 = arith.index_cast %add3A_580 : i32 to index
        %swap3A_592 = arith.constant 64 : index
        %swap3A_593 = tpu.vector_load %arg8[%swap3A_591, %swap3A_592] {strides = array<i32>} : memref<40x128xf32, #tpu.memory_space<vmem>>, vector<1x16xf32>,
        %swap3A_594 = vector.shape_cast %swap3A_593 : vector<1x16xf32> to vector<16xf32>
        %swap3A_595 = vector.shape_cast %get3A_590 : vector<16xf32> to vector<1x16xf32>
        tpu.vector_store %arg8[%swap3A_591, %swap3A_592], %swap3A_595 {add = true, strides = array<i32>} : memref<40x128xf32, #tpu.memory_space<vmem>>, vector<1x16xf32>,
        %mul3A_596 = arith.constant 2 : i32
        %mul3A_597 = arith.muli %mul3A_596, %scan3A_350 : i32
        %add3A_598 = arith.constant 1 : i32
        %add3A_599 = arith.addi %mul3A_597, %add3A_598 : i32
        %mul3A_600 = arith.constant 2 : i32
        %mul3A_601 = arith.muli %mul3A_600, %scan3A_350 : i32
        %add3A_602 = arith.constant 40 : i32
        %add3A_603 = arith.addi %add3A_602, %mul3A_601 : i32
        %add3A_604 = arith.constant 1 : i32
        %add3A_605 = arith.addi %add3A_603, %add3A_604 : i32
        %get3A_606 = arith.index_cast %add3A_605 : i32 to index
        %get3A_607 = arith.constant 80 : index
        %get3A_608 = tpu.vector_load %arg12[%get3A_606, %get3A_607] {strides = array<i32>} : memref<200x128xf32, #tpu.memory_space<vmem>>, vector<1x16xf32>,
        %get3A_609 = vector.shape_cast %get3A_608 : vector<1x16xf32> to vector<16xf32>
        %swap3A_610 = arith.index_cast %add3A_599 : i32 to index
        %swap3A_611 = arith.constant 80 : index
        %swap3A_612 = tpu.vector_load %arg8[%swap3A_610, %swap3A_611] {strides = array<i32>} : memref<40x128xf32, #tpu.memory_space<vmem>>, vector<1x16xf32>,
        %swap3A_613 = vector.shape_cast %swap3A_612 : vector<1x16xf32> to vector<16xf32>
        %swap3A_614 = vector.shape_cast %get3A_609 : vector<16xf32> to vector<1x16xf32>
        tpu.vector_store %arg8[%swap3A_610, %swap3A_611], %swap3A_614 {add = true, strides = array<i32>} : memref<40x128xf32, #tpu.memory_space<vmem>>, vector<1x16xf32>,
        %mul3A_615 = arith.constant 2 : i32
        %mul3A_616 = arith.muli %mul3A_615, %scan3A_350 : i32
        %add3A_617 = arith.constant 1 : i32
        %add3A_618 = arith.addi %mul3A_616, %add3A_617 : i32
        %mul3A_619 = arith.constant 2 : i32
        %mul3A_620 = arith.muli %mul3A_619, %scan3A_350 : i32
        %add3A_621 = arith.constant 40 : i32
        %add3A_622 = arith.addi %add3A_621, %mul3A_620 : i32
        %add3A_623 = arith.constant 1 : i32
        %add3A_624 = arith.addi %add3A_622, %add3A_623 : i32
        %get3A_625 = arith.index_cast %add3A_624 : i32 to index
        %get3A_626 = arith.constant 96 : index
        %get3A_627 = tpu.vector_load %arg12[%get3A_625, %get3A_626] {strides = array<i32>} : memref<200x128xf32, #tpu.memory_space<vmem>>, vector<1x16xf32>,
        %get3A_628 = vector.shape_cast %get3A_627 : vector<1x16xf32> to vector<16xf32>
        %swap3A_629 = arith.index_cast %add3A_618 : i32 to index
        %swap3A_630 = arith.constant 96 : index
        %swap3A_631 = tpu.vector_load %arg8[%swap3A_629, %swap3A_630] {strides = array<i32>} : memref<40x128xf32, #tpu.memory_space<vmem>>, vector<1x16xf32>,
        %swap3A_632 = vector.shape_cast %swap3A_631 : vector<1x16xf32> to vector<16xf32>
        %swap3A_633 = vector.shape_cast %get3A_628 : vector<16xf32> to vector<1x16xf32>
        tpu.vector_store %arg8[%swap3A_629, %swap3A_630], %swap3A_633 {add = true, strides = array<i32>} : memref<40x128xf32, #tpu.memory_space<vmem>>, vector<1x16xf32>,
        %mul3A_634 = arith.constant 2 : i32
        %mul3A_635 = arith.muli %mul3A_634, %scan3A_350 : i32
        %add3A_636 = arith.constant 1 : i32
        %add3A_637 = arith.addi %mul3A_635, %add3A_636 : i32
        %mul3A_638 = arith.constant 2 : i32
        %mul3A_639 = arith.muli %mul3A_638, %scan3A_350 : i32
        %add3A_640 = arith.constant 40 : i32
        %add3A_641 = arith.addi %add3A_640, %mul3A_639 : i32
        %add3A_642 = arith.constant 1 : i32
        %add3A_643 = arith.addi %add3A_641, %add3A_642 : i32
        %get3A_644 = arith.index_cast %add3A_643 : i32 to index
        %get3A_645 = arith.constant 112 : index
        %get3A_646 = tpu.vector_load %arg12[%get3A_644, %get3A_645] {strides = array<i32>} : memref<200x128xf32, #tpu.memory_space<vmem>>, vector<1x16xf32>,
        %get3A_647 = vector.shape_cast %get3A_646 : vector<1x16xf32> to vector<16xf32>
        %swap3A_648 = arith.index_cast %add3A_637 : i32 to index
        %swap3A_649 = arith.constant 112 : index
        %swap3A_650 = tpu.vector_load %arg8[%swap3A_648, %swap3A_649] {strides = array<i32>} : memref<40x128xf32, #tpu.memory_space<vmem>>, vector<1x16xf32>,
        %swap3A_651 = vector.shape_cast %swap3A_650 : vector<1x16xf32> to vector<16xf32>
        %swap3A_652 = vector.shape_cast %get3A_647 : vector<16xf32> to vector<1x16xf32>
        tpu.vector_store %arg8[%swap3A_648, %swap3A_649], %swap3A_652 {add = true, strides = array<i32>} : memref<40x128xf32, #tpu.memory_space<vmem>>, vector<1x16xf32>,
      }
      %scan3A_189 = arith.constant 20 : i32
      %mul3A_190 = arith.constant 128 : i32
      %mul3A_191 = arith.muli %add3A, %mul3A_190 : i32
      %add3A_192 = arith.constant 64 : i32
      %add3A_193 = arith.addi %mul3A_191, %add3A_192 : i32
      %add3A_194 = arith.addi %add3A_193, %scan3A_134 : i32
      %dma_start3A_195 = arith.constant 40 : i32
      %dma_start3A_196 = arith.constant 0 : i32
      %dma_start3A_197 = tpu.memref_slice %arg5[%add3A_194, %dma_start3A_195, %dma_start3A_196] : memref<4096x200x128xf32, #tpu.memory_space<hbm>> -> memref<1x40x128xf32, #tpu.memory_space<hbm>>
      %dma_start3A_198 = tpu.memref_squeeze %dma_start3A_197 : memref<1x40x128xf32, #tpu.memory_space<hbm>> -> memref<40x128xf32, #tpu.memory_space<hbm>>
      %dma_start3A_199 = arith.constant 40 : i32
      %dma_start3A_200 = arith.constant 0 : i32
      %dma_start3A_201 = tpu.memref_slice %arg5[%add3A_194, %dma_start3A_199, %dma_start3A_200] : memref<4096x200x128xf32, #tpu.memory_space<hbm>> -> memref<1x40x128xf32, #tpu.memory_space<hbm>>
      %dma_start3A_202 = tpu.memref_squeeze %dma_start3A_201 : memref<1x40x128xf32, #tpu.memory_space<hbm>> -> memref<40x128xf32, #tpu.memory_space<hbm>>
      tpu.enqueue_dma source(%arg8 : memref<40x128xf32, #tpu.memory_space<vmem>>) target(%dma_start3A_202 : memref<40x128xf32, #tpu.memory_space<hbm>>) target_semaphore(%arg19 : memref<!tpu.dma_semaphore, #tpu.memory_space<semaphore_mem>>)
      %add3A_203 = arith.constant 2 : i32
      %add3A_204 = arith.addi %add3A_177, %add3A_203 : i32
      %ge3A_205 = arith.constant 5 : i32
      %ge3A_206 = arith.cmpi sge, %add3A_204, %ge3A_205 : i32
      %lt3A_207 = arith.constant 320 : i32
      %lt3A_208 = arith.cmpi slt, %add3A_204, %lt3A_207 : i32
      %and3A_209 = arith.andi %ge3A_206, %lt3A_208 : i1
      %convert_element_type3A_210 = arith.extui %and3A_209 : i1 to i32
      %cond3A_211 = arith.constant 0 : i32
      %cond3A_212 = arith.cmpi ne, %convert_element_type3A_210, %cond3A_211 : i32
      scf.if %cond3A_212 {
        %dma_wait3A_350 = arith.constant 0 : i32
        %dma_wait3A_351 = arith.constant 0 : i32
        %dma_wait3A_352 = arith.constant 0 : i32
        %dma_wait3A_353 = tpu.memref_slice %arg5[%dma_wait3A_350, %dma_wait3A_351, %dma_wait3A_352] : memref<4096x200x128xf32, #tpu.memory_space<hbm>> -> memref<1x40x128xf32, #tpu.memory_space<hbm>>
        %dma_wait3A_354 = tpu.memref_squeeze %dma_wait3A_353 : memref<1x40x128xf32, #tpu.memory_space<hbm>> -> memref<40x128xf32, #tpu.memory_space<hbm>>
        %dma_wait3A_355 = arith.constant 0 : i32
        %dma_wait3A_356 = arith.constant 0 : i32
        %dma_wait3A_357 = tpu.memref_slice %arg5[%dma_wait3A_350, %dma_wait3A_355, %dma_wait3A_356] : memref<4096x200x128xf32, #tpu.memory_space<hbm>> -> memref<1x40x128xf32, #tpu.memory_space<hbm>>
        %dma_wait3A_358 = tpu.memref_squeeze %dma_wait3A_357 : memref<1x40x128xf32, #tpu.memory_space<hbm>> -> memref<40x128xf32, #tpu.memory_space<hbm>>
        tpu.wait_dma2 semaphore(%arg21 : memref<!tpu.dma_semaphore, #tpu.memory_space<semaphore_mem>>) src(%arg10 : memref<40x128xf32, #tpu.memory_space<vmem>>) dst(%dma_wait3A_358 : memref<40x128xf32, #tpu.memory_space<hbm>>)
      } else {
      }
      %lt3A_213 = arith.constant 320 : i32
      %lt3A_214 = arith.cmpi slt, %add3A_204, %lt3A_213 : i32
      %convert_element_type3A_215 = arith.extui %lt3A_214 : i1 to i32
      %cond3A_216 = arith.constant 0 : i32
      %cond3A_217 = arith.cmpi ne, %convert_element_type3A_215, %cond3A_216 : i32
      scf.if %cond3A_217 {
        %dma_start3A_350 = arith.constant 0 : i32
        %dma_start3A_351 = tpu.memref_slice %arg6[%add3A_204, %dma_start3A_350] : memref<320x40xi32, #tpu.memory_space<vmem>> -> memref<1x40xi32, #tpu.memory_space<vmem>>
        %dma_start3A_352 = tpu.memref_squeeze %dma_start3A_351 : memref<1x40xi32, #tpu.memory_space<vmem>> -> memref<40xi32, #tpu.memory_space<vmem>>
        %dma_start3A_353 = arith.constant 0 : i32
        %dma_start3A_354 = arith.constant 0 : i32
        %dma_start3A_355 = tpu.memref_slice %arg3[%dma_start3A_353, %dma_start3A_354] : memref<100000x128xf32, #tpu.memory_space<hbm>> -> memref<100000x128xf32, #tpu.memory_space<hbm>>
        tpu.enqueue_indirect_dma source(%dma_start3A_355 : memref<100000x128xf32, #tpu.memory_space<hbm>>) target(%arg10 : memref<40x128xf32, #tpu.memory_space<vmem>>) offsets(%dma_start3A_352 : memref<40xi32, #tpu.memory_space<vmem>>) semaphore(%arg16 : memref<!tpu.dma_semaphore, #tpu.memory_space<semaphore_mem>>)
      } else {
      }
      %mul3A_218 = arith.constant 5 : i32
      %mul3A_219 = arith.muli %scan3A_134, %mul3A_218 : i32
      %add3A_220 = arith.constant 2 : i32
      %add3A_221 = arith.addi %mul3A_219, %add3A_220 : i32
      %dma_wait3A_222 = arith.constant 0 : i32
      %dma_wait3A_223 = tpu.memref_slice %arg6[%add3A_221, %dma_wait3A_222] : memref<320x40xi32, #tpu.memory_space<vmem>> -> memref<1x40xi32, #tpu.memory_space<vmem>>
      %dma_wait3A_224 = tpu.memref_squeeze %dma_wait3A_223 : memref<1x40xi32, #tpu.memory_space<vmem>> -> memref<40xi32, #tpu.memory_space<vmem>>
      %dma_wait3A_225 = arith.constant 0 : i32
      %dma_wait3A_226 = arith.constant 0 : i32
      %dma_wait3A_227 = tpu.memref_slice %arg3[%dma_wait3A_225, %dma_wait3A_226] : memref<100000x128xf32, #tpu.memory_space<hbm>> -> memref<100000x128xf32, #tpu.memory_space<hbm>>
      tpu.wait_indirect_dma semaphore(%arg15 : memref<!tpu.dma_semaphore, #tpu.memory_space<semaphore_mem>>) src(%dma_wait3A_227 : memref<100000x128xf32, #tpu.memory_space<hbm>>) dst(%arg9 : memref<40x128xf32, #tpu.memory_space<vmem>>)
      %scan3A_228 = arith.constant 0 : i32
      %scan3A_229 = arith.constant 0 : i32
      %scan3A_230 = arith.constant 20 : i32
      %scan3A_231 = arith.addi %scan3A_229, %scan3A_230 : i32
      %scan3A_232 = arith.constant 1 : i32
      scf.for %scan3A_350 = %scan3A_229 to %scan3A_231 step %scan3A_232  : i32 {
        %mul3A_351 = arith.constant 2 : i32
        %mul3A_352 = arith.muli %mul3A_351, %scan3A_350 : i32
        %add3A_353 = arith.constant 0 : i32
        %add3A_354 = arith.addi %mul3A_352, %add3A_353 : i32
        %mul3A_355 = arith.constant 2 : i32
        %mul3A_356 = arith.muli %mul3A_355, %scan3A_350 : i32
        %add3A_357 = arith.constant 80 : i32
        %add3A_358 = arith.addi %add3A_357, %mul3A_356 : i32
        %add3A_359 = arith.constant 0 : i32
        %add3A_360 = arith.addi %add3A_358, %add3A_359 : i32
        %get3A = arith.index_cast %add3A_360 : i32 to index
        %get3A_361 = arith.constant 0 : index
        %get3A_362 = tpu.vector_load %arg12[%get3A, %get3A_361] {strides = array<i32>} : memref<200x128xf32, #tpu.memory_space<vmem>>, vector<1x16xf32>,
        %get3A_363 = vector.shape_cast %get3A_362 : vector<1x16xf32> to vector<16xf32>
        %swap3A = arith.index_cast %add3A_354 : i32 to index
        %swap3A_364 = arith.constant 0 : index
        %swap3A_365 = tpu.vector_load %arg9[%swap3A, %swap3A_364] {strides = array<i32>} : memref<40x128xf32, #tpu.memory_space<vmem>>, vector<1x16xf32>,
        %swap3A_366 = vector.shape_cast %swap3A_365 : vector<1x16xf32> to vector<16xf32>
        %swap3A_367 = vector.shape_cast %get3A_363 : vector<16xf32> to vector<1x16xf32>
        tpu.vector_store %arg9[%swap3A, %swap3A_364], %swap3A_367 {add = true, strides = array<i32>} : memref<40x128xf32, #tpu.memory_space<vmem>>, vector<1x16xf32>,
        %mul3A_368 = arith.constant 2 : i32
        %mul3A_369 = arith.muli %mul3A_368, %scan3A_350 : i32
        %add3A_370 = arith.constant 0 : i32
        %add3A_371 = arith.addi %mul3A_369, %add3A_370 : i32
        %mul3A_372 = arith.constant 2 : i32
        %mul3A_373 = arith.muli %mul3A_372, %scan3A_350 : i32
        %add3A_374 = arith.constant 80 : i32
        %add3A_375 = arith.addi %add3A_374, %mul3A_373 : i32
        %add3A_376 = arith.constant 0 : i32
        %add3A_377 = arith.addi %add3A_375, %add3A_376 : i32
        %get3A_378 = arith.index_cast %add3A_377 : i32 to index
        %get3A_379 = arith.constant 16 : index
        %get3A_380 = tpu.vector_load %arg12[%get3A_378, %get3A_379] {strides = array<i32>} : memref<200x128xf32, #tpu.memory_space<vmem>>, vector<1x16xf32>,
        %get3A_381 = vector.shape_cast %get3A_380 : vector<1x16xf32> to vector<16xf32>
        %swap3A_382 = arith.index_cast %add3A_371 : i32 to index
        %swap3A_383 = arith.constant 16 : index
        %swap3A_384 = tpu.vector_load %arg9[%swap3A_382, %swap3A_383] {strides = array<i32>} : memref<40x128xf32, #tpu.memory_space<vmem>>, vector<1x16xf32>,
        %swap3A_385 = vector.shape_cast %swap3A_384 : vector<1x16xf32> to vector<16xf32>
        %swap3A_386 = vector.shape_cast %get3A_381 : vector<16xf32> to vector<1x16xf32>
        tpu.vector_store %arg9[%swap3A_382, %swap3A_383], %swap3A_386 {add = true, strides = array<i32>} : memref<40x128xf32, #tpu.memory_space<vmem>>, vector<1x16xf32>,
        %mul3A_387 = arith.constant 2 : i32
        %mul3A_388 = arith.muli %mul3A_387, %scan3A_350 : i32
        %add3A_389 = arith.constant 0 : i32
        %add3A_390 = arith.addi %mul3A_388, %add3A_389 : i32
        %mul3A_391 = arith.constant 2 : i32
        %mul3A_392 = arith.muli %mul3A_391, %scan3A_350 : i32
        %add3A_393 = arith.constant 80 : i32
        %add3A_394 = arith.addi %add3A_393, %mul3A_392 : i32
        %add3A_395 = arith.constant 0 : i32
        %add3A_396 = arith.addi %add3A_394, %add3A_395 : i32
        %get3A_397 = arith.index_cast %add3A_396 : i32 to index
        %get3A_398 = arith.constant 32 : index
        %get3A_399 = tpu.vector_load %arg12[%get3A_397, %get3A_398] {strides = array<i32>} : memref<200x128xf32, #tpu.memory_space<vmem>>, vector<1x16xf32>,
        %get3A_400 = vector.shape_cast %get3A_399 : vector<1x16xf32> to vector<16xf32>
        %swap3A_401 = arith.index_cast %add3A_390 : i32 to index
        %swap3A_402 = arith.constant 32 : index
        %swap3A_403 = tpu.vector_load %arg9[%swap3A_401, %swap3A_402] {strides = array<i32>} : memref<40x128xf32, #tpu.memory_space<vmem>>, vector<1x16xf32>,
        %swap3A_404 = vector.shape_cast %swap3A_403 : vector<1x16xf32> to vector<16xf32>
        %swap3A_405 = vector.shape_cast %get3A_400 : vector<16xf32> to vector<1x16xf32>
        tpu.vector_store %arg9[%swap3A_401, %swap3A_402], %swap3A_405 {add = true, strides = array<i32>} : memref<40x128xf32, #tpu.memory_space<vmem>>, vector<1x16xf32>,
        %mul3A_406 = arith.constant 2 : i32
        %mul3A_407 = arith.muli %mul3A_406, %scan3A_350 : i32
        %add3A_408 = arith.constant 0 : i32
        %add3A_409 = arith.addi %mul3A_407, %add3A_408 : i32
        %mul3A_410 = arith.constant 2 : i32
        %mul3A_411 = arith.muli %mul3A_410, %scan3A_350 : i32
        %add3A_412 = arith.constant 80 : i32
        %add3A_413 = arith.addi %add3A_412, %mul3A_411 : i32
        %add3A_414 = arith.constant 0 : i32
        %add3A_415 = arith.addi %add3A_413, %add3A_414 : i32
        %get3A_416 = arith.index_cast %add3A_415 : i32 to index
        %get3A_417 = arith.constant 48 : index
        %get3A_418 = tpu.vector_load %arg12[%get3A_416, %get3A_417] {strides = array<i32>} : memref<200x128xf32, #tpu.memory_space<vmem>>, vector<1x16xf32>,
        %get3A_419 = vector.shape_cast %get3A_418 : vector<1x16xf32> to vector<16xf32>
        %swap3A_420 = arith.index_cast %add3A_409 : i32 to index
        %swap3A_421 = arith.constant 48 : index
        %swap3A_422 = tpu.vector_load %arg9[%swap3A_420, %swap3A_421] {strides = array<i32>} : memref<40x128xf32, #tpu.memory_space<vmem>>, vector<1x16xf32>,
        %swap3A_423 = vector.shape_cast %swap3A_422 : vector<1x16xf32> to vector<16xf32>
        %swap3A_424 = vector.shape_cast %get3A_419 : vector<16xf32> to vector<1x16xf32>
        tpu.vector_store %arg9[%swap3A_420, %swap3A_421], %swap3A_424 {add = true, strides = array<i32>} : memref<40x128xf32, #tpu.memory_space<vmem>>, vector<1x16xf32>,
        %mul3A_425 = arith.constant 2 : i32
        %mul3A_426 = arith.muli %mul3A_425, %scan3A_350 : i32
        %add3A_427 = arith.constant 0 : i32
        %add3A_428 = arith.addi %mul3A_426, %add3A_427 : i32
        %mul3A_429 = arith.constant 2 : i32
        %mul3A_430 = arith.muli %mul3A_429, %scan3A_350 : i32
        %add3A_431 = arith.constant 80 : i32
        %add3A_432 = arith.addi %add3A_431, %mul3A_430 : i32
        %add3A_433 = arith.constant 0 : i32
        %add3A_434 = arith.addi %add3A_432, %add3A_433 : i32
        %get3A_435 = arith.index_cast %add3A_434 : i32 to index
        %get3A_436 = arith.constant 64 : index
        %get3A_437 = tpu.vector_load %arg12[%get3A_435, %get3A_436] {strides = array<i32>} : memref<200x128xf32, #tpu.memory_space<vmem>>, vector<1x16xf32>,
        %get3A_438 = vector.shape_cast %get3A_437 : vector<1x16xf32> to vector<16xf32>
        %swap3A_439 = arith.index_cast %add3A_428 : i32 to index
        %swap3A_440 = arith.constant 64 : index
        %swap3A_441 = tpu.vector_load %arg9[%swap3A_439, %swap3A_440] {strides = array<i32>} : memref<40x128xf32, #tpu.memory_space<vmem>>, vector<1x16xf32>,
        %swap3A_442 = vector.shape_cast %swap3A_441 : vector<1x16xf32> to vector<16xf32>
        %swap3A_443 = vector.shape_cast %get3A_438 : vector<16xf32> to vector<1x16xf32>
        tpu.vector_store %arg9[%swap3A_439, %swap3A_440], %swap3A_443 {add = true, strides = array<i32>} : memref<40x128xf32, #tpu.memory_space<vmem>>, vector<1x16xf32>,
        %mul3A_444 = arith.constant 2 : i32
        %mul3A_445 = arith.muli %mul3A_444, %scan3A_350 : i32
        %add3A_446 = arith.constant 0 : i32
        %add3A_447 = arith.addi %mul3A_445, %add3A_446 : i32
        %mul3A_448 = arith.constant 2 : i32
        %mul3A_449 = arith.muli %mul3A_448, %scan3A_350 : i32
        %add3A_450 = arith.constant 80 : i32
        %add3A_451 = arith.addi %add3A_450, %mul3A_449 : i32
        %add3A_452 = arith.constant 0 : i32
        %add3A_453 = arith.addi %add3A_451, %add3A_452 : i32
        %get3A_454 = arith.index_cast %add3A_453 : i32 to index
        %get3A_455 = arith.constant 80 : index
        %get3A_456 = tpu.vector_load %arg12[%get3A_454, %get3A_455] {strides = array<i32>} : memref<200x128xf32, #tpu.memory_space<vmem>>, vector<1x16xf32>,
        %get3A_457 = vector.shape_cast %get3A_456 : vector<1x16xf32> to vector<16xf32>
        %swap3A_458 = arith.index_cast %add3A_447 : i32 to index
        %swap3A_459 = arith.constant 80 : index
        %swap3A_460 = tpu.vector_load %arg9[%swap3A_458, %swap3A_459] {strides = array<i32>} : memref<40x128xf32, #tpu.memory_space<vmem>>, vector<1x16xf32>,
        %swap3A_461 = vector.shape_cast %swap3A_460 : vector<1x16xf32> to vector<16xf32>
        %swap3A_462 = vector.shape_cast %get3A_457 : vector<16xf32> to vector<1x16xf32>
        tpu.vector_store %arg9[%swap3A_458, %swap3A_459], %swap3A_462 {add = true, strides = array<i32>} : memref<40x128xf32, #tpu.memory_space<vmem>>, vector<1x16xf32>,
        %mul3A_463 = arith.constant 2 : i32
        %mul3A_464 = arith.muli %mul3A_463, %scan3A_350 : i32
        %add3A_465 = arith.constant 0 : i32
        %add3A_466 = arith.addi %mul3A_464, %add3A_465 : i32
        %mul3A_467 = arith.constant 2 : i32
        %mul3A_468 = arith.muli %mul3A_467, %scan3A_350 : i32
        %add3A_469 = arith.constant 80 : i32
        %add3A_470 = arith.addi %add3A_469, %mul3A_468 : i32
        %add3A_471 = arith.constant 0 : i32
        %add3A_472 = arith.addi %add3A_470, %add3A_471 : i32
        %get3A_473 = arith.index_cast %add3A_472 : i32 to index
        %get3A_474 = arith.constant 96 : index
        %get3A_475 = tpu.vector_load %arg12[%get3A_473, %get3A_474] {strides = array<i32>} : memref<200x128xf32, #tpu.memory_space<vmem>>, vector<1x16xf32>,
        %get3A_476 = vector.shape_cast %get3A_475 : vector<1x16xf32> to vector<16xf32>
        %swap3A_477 = arith.index_cast %add3A_466 : i32 to index
        %swap3A_478 = arith.constant 96 : index
        %swap3A_479 = tpu.vector_load %arg9[%swap3A_477, %swap3A_478] {strides = array<i32>} : memref<40x128xf32, #tpu.memory_space<vmem>>, vector<1x16xf32>,
        %swap3A_480 = vector.shape_cast %swap3A_479 : vector<1x16xf32> to vector<16xf32>
        %swap3A_481 = vector.shape_cast %get3A_476 : vector<16xf32> to vector<1x16xf32>
        tpu.vector_store %arg9[%swap3A_477, %swap3A_478], %swap3A_481 {add = true, strides = array<i32>} : memref<40x128xf32, #tpu.memory_space<vmem>>, vector<1x16xf32>,
        %mul3A_482 = arith.constant 2 : i32
        %mul3A_483 = arith.muli %mul3A_482, %scan3A_350 : i32
        %add3A_484 = arith.constant 0 : i32
        %add3A_485 = arith.addi %mul3A_483, %add3A_484 : i32
        %mul3A_486 = arith.constant 2 : i32
        %mul3A_487 = arith.muli %mul3A_486, %scan3A_350 : i32
        %add3A_488 = arith.constant 80 : i32
        %add3A_489 = arith.addi %add3A_488, %mul3A_487 : i32
        %add3A_490 = arith.constant 0 : i32
        %add3A_491 = arith.addi %add3A_489, %add3A_490 : i32
        %get3A_492 = arith.index_cast %add3A_491 : i32 to index
        %get3A_493 = arith.constant 112 : index
        %get3A_494 = tpu.vector_load %arg12[%get3A_492, %get3A_493] {strides = array<i32>} : memref<200x128xf32, #tpu.memory_space<vmem>>, vector<1x16xf32>,
        %get3A_495 = vector.shape_cast %get3A_494 : vector<1x16xf32> to vector<16xf32>
        %swap3A_496 = arith.index_cast %add3A_485 : i32 to index
        %swap3A_497 = arith.constant 112 : index
        %swap3A_498 = tpu.vector_load %arg9[%swap3A_496, %swap3A_497] {strides = array<i32>} : memref<40x128xf32, #tpu.memory_space<vmem>>, vector<1x16xf32>,
        %swap3A_499 = vector.shape_cast %swap3A_498 : vector<1x16xf32> to vector<16xf32>
        %swap3A_500 = vector.shape_cast %get3A_495 : vector<16xf32> to vector<1x16xf32>
        tpu.vector_store %arg9[%swap3A_496, %swap3A_497], %swap3A_500 {add = true, strides = array<i32>} : memref<40x128xf32, #tpu.memory_space<vmem>>, vector<1x16xf32>,
        %mul3A_501 = arith.constant 2 : i32
        %mul3A_502 = arith.muli %mul3A_501, %scan3A_350 : i32
        %add3A_503 = arith.constant 1 : i32
        %add3A_504 = arith.addi %mul3A_502, %add3A_503 : i32
        %mul3A_505 = arith.constant 2 : i32
        %mul3A_506 = arith.muli %mul3A_505, %scan3A_350 : i32
        %add3A_507 = arith.constant 80 : i32
        %add3A_508 = arith.addi %add3A_507, %mul3A_506 : i32
        %add3A_509 = arith.constant 1 : i32
        %add3A_510 = arith.addi %add3A_508, %add3A_509 : i32
        %get3A_511 = arith.index_cast %add3A_510 : i32 to index
        %get3A_512 = arith.constant 0 : index
        %get3A_513 = tpu.vector_load %arg12[%get3A_511, %get3A_512] {strides = array<i32>} : memref<200x128xf32, #tpu.memory_space<vmem>>, vector<1x16xf32>,
        %get3A_514 = vector.shape_cast %get3A_513 : vector<1x16xf32> to vector<16xf32>
        %swap3A_515 = arith.index_cast %add3A_504 : i32 to index
        %swap3A_516 = arith.constant 0 : index
        %swap3A_517 = tpu.vector_load %arg9[%swap3A_515, %swap3A_516] {strides = array<i32>} : memref<40x128xf32, #tpu.memory_space<vmem>>, vector<1x16xf32>,
        %swap3A_518 = vector.shape_cast %swap3A_517 : vector<1x16xf32> to vector<16xf32>
        %swap3A_519 = vector.shape_cast %get3A_514 : vector<16xf32> to vector<1x16xf32>
        tpu.vector_store %arg9[%swap3A_515, %swap3A_516], %swap3A_519 {add = true, strides = array<i32>} : memref<40x128xf32, #tpu.memory_space<vmem>>, vector<1x16xf32>,
        %mul3A_520 = arith.constant 2 : i32
        %mul3A_521 = arith.muli %mul3A_520, %scan3A_350 : i32
        %add3A_522 = arith.constant 1 : i32
        %add3A_523 = arith.addi %mul3A_521, %add3A_522 : i32
        %mul3A_524 = arith.constant 2 : i32
        %mul3A_525 = arith.muli %mul3A_524, %scan3A_350 : i32
        %add3A_526 = arith.constant 80 : i32
        %add3A_527 = arith.addi %add3A_526, %mul3A_525 : i32
        %add3A_528 = arith.constant 1 : i32
        %add3A_529 = arith.addi %add3A_527, %add3A_528 : i32
        %get3A_530 = arith.index_cast %add3A_529 : i32 to index
        %get3A_531 = arith.constant 16 : index
        %get3A_532 = tpu.vector_load %arg12[%get3A_530, %get3A_531] {strides = array<i32>} : memref<200x128xf32, #tpu.memory_space<vmem>>, vector<1x16xf32>,
        %get3A_533 = vector.shape_cast %get3A_532 : vector<1x16xf32> to vector<16xf32>
        %swap3A_534 = arith.index_cast %add3A_523 : i32 to index
        %swap3A_535 = arith.constant 16 : index
        %swap3A_536 = tpu.vector_load %arg9[%swap3A_534, %swap3A_535] {strides = array<i32>} : memref<40x128xf32, #tpu.memory_space<vmem>>, vector<1x16xf32>,
        %swap3A_537 = vector.shape_cast %swap3A_536 : vector<1x16xf32> to vector<16xf32>
        %swap3A_538 = vector.shape_cast %get3A_533 : vector<16xf32> to vector<1x16xf32>
        tpu.vector_store %arg9[%swap3A_534, %swap3A_535], %swap3A_538 {add = true, strides = array<i32>} : memref<40x128xf32, #tpu.memory_space<vmem>>, vector<1x16xf32>,
        %mul3A_539 = arith.constant 2 : i32
        %mul3A_540 = arith.muli %mul3A_539, %scan3A_350 : i32
        %add3A_541 = arith.constant 1 : i32
        %add3A_542 = arith.addi %mul3A_540, %add3A_541 : i32
        %mul3A_543 = arith.constant 2 : i32
        %mul3A_544 = arith.muli %mul3A_543, %scan3A_350 : i32
        %add3A_545 = arith.constant 80 : i32
        %add3A_546 = arith.addi %add3A_545, %mul3A_544 : i32
        %add3A_547 = arith.constant 1 : i32
        %add3A_548 = arith.addi %add3A_546, %add3A_547 : i32
        %get3A_549 = arith.index_cast %add3A_548 : i32 to index
        %get3A_550 = arith.constant 32 : index
        %get3A_551 = tpu.vector_load %arg12[%get3A_549, %get3A_550] {strides = array<i32>} : memref<200x128xf32, #tpu.memory_space<vmem>>, vector<1x16xf32>,
        %get3A_552 = vector.shape_cast %get3A_551 : vector<1x16xf32> to vector<16xf32>
        %swap3A_553 = arith.index_cast %add3A_542 : i32 to index
        %swap3A_554 = arith.constant 32 : index
        %swap3A_555 = tpu.vector_load %arg9[%swap3A_553, %swap3A_554] {strides = array<i32>} : memref<40x128xf32, #tpu.memory_space<vmem>>, vector<1x16xf32>,
        %swap3A_556 = vector.shape_cast %swap3A_555 : vector<1x16xf32> to vector<16xf32>
        %swap3A_557 = vector.shape_cast %get3A_552 : vector<16xf32> to vector<1x16xf32>
        tpu.vector_store %arg9[%swap3A_553, %swap3A_554], %swap3A_557 {add = true, strides = array<i32>} : memref<40x128xf32, #tpu.memory_space<vmem>>, vector<1x16xf32>,
        %mul3A_558 = arith.constant 2 : i32
        %mul3A_559 = arith.muli %mul3A_558, %scan3A_350 : i32
        %add3A_560 = arith.constant 1 : i32
        %add3A_561 = arith.addi %mul3A_559, %add3A_560 : i32
        %mul3A_562 = arith.constant 2 : i32
        %mul3A_563 = arith.muli %mul3A_562, %scan3A_350 : i32
        %add3A_564 = arith.constant 80 : i32
        %add3A_565 = arith.addi %add3A_564, %mul3A_563 : i32
        %add3A_566 = arith.constant 1 : i32
        %add3A_567 = arith.addi %add3A_565, %add3A_566 : i32
        %get3A_568 = arith.index_cast %add3A_567 : i32 to index
        %get3A_569 = arith.constant 48 : index
        %get3A_570 = tpu.vector_load %arg12[%get3A_568, %get3A_569] {strides = array<i32>} : memref<200x128xf32, #tpu.memory_space<vmem>>, vector<1x16xf32>,
        %get3A_571 = vector.shape_cast %get3A_570 : vector<1x16xf32> to vector<16xf32>
        %swap3A_572 = arith.index_cast %add3A_561 : i32 to index
        %swap3A_573 = arith.constant 48 : index
        %swap3A_574 = tpu.vector_load %arg9[%swap3A_572, %swap3A_573] {strides = array<i32>} : memref<40x128xf32, #tpu.memory_space<vmem>>, vector<1x16xf32>,
        %swap3A_575 = vector.shape_cast %swap3A_574 : vector<1x16xf32> to vector<16xf32>
        %swap3A_576 = vector.shape_cast %get3A_571 : vector<16xf32> to vector<1x16xf32>
        tpu.vector_store %arg9[%swap3A_572, %swap3A_573], %swap3A_576 {add = true, strides = array<i32>} : memref<40x128xf32, #tpu.memory_space<vmem>>, vector<1x16xf32>,
        %mul3A_577 = arith.constant 2 : i32
        %mul3A_578 = arith.muli %mul3A_577, %scan3A_350 : i32
        %add3A_579 = arith.constant 1 : i32
        %add3A_580 = arith.addi %mul3A_578, %add3A_579 : i32
        %mul3A_581 = arith.constant 2 : i32
        %mul3A_582 = arith.muli %mul3A_581, %scan3A_350 : i32
        %add3A_583 = arith.constant 80 : i32
        %add3A_584 = arith.addi %add3A_583, %mul3A_582 : i32
        %add3A_585 = arith.constant 1 : i32
        %add3A_586 = arith.addi %add3A_584, %add3A_585 : i32
        %get3A_587 = arith.index_cast %add3A_586 : i32 to index
        %get3A_588 = arith.constant 64 : index
        %get3A_589 = tpu.vector_load %arg12[%get3A_587, %get3A_588] {strides = array<i32>} : memref<200x128xf32, #tpu.memory_space<vmem>>, vector<1x16xf32>,
        %get3A_590 = vector.shape_cast %get3A_589 : vector<1x16xf32> to vector<16xf32>
        %swap3A_591 = arith.index_cast %add3A_580 : i32 to index
        %swap3A_592 = arith.constant 64 : index
        %swap3A_593 = tpu.vector_load %arg9[%swap3A_591, %swap3A_592] {strides = array<i32>} : memref<40x128xf32, #tpu.memory_space<vmem>>, vector<1x16xf32>,
        %swap3A_594 = vector.shape_cast %swap3A_593 : vector<1x16xf32> to vector<16xf32>
        %swap3A_595 = vector.shape_cast %get3A_590 : vector<16xf32> to vector<1x16xf32>
        tpu.vector_store %arg9[%swap3A_591, %swap3A_592], %swap3A_595 {add = true, strides = array<i32>} : memref<40x128xf32, #tpu.memory_space<vmem>>, vector<1x16xf32>,
        %mul3A_596 = arith.constant 2 : i32
        %mul3A_597 = arith.muli %mul3A_596, %scan3A_350 : i32
        %add3A_598 = arith.constant 1 : i32
        %add3A_599 = arith.addi %mul3A_597, %add3A_598 : i32
        %mul3A_600 = arith.constant 2 : i32
        %mul3A_601 = arith.muli %mul3A_600, %scan3A_350 : i32
        %add3A_602 = arith.constant 80 : i32
        %add3A_603 = arith.addi %add3A_602, %mul3A_601 : i32
        %add3A_604 = arith.constant 1 : i32
        %add3A_605 = arith.addi %add3A_603, %add3A_604 : i32
        %get3A_606 = arith.index_cast %add3A_605 : i32 to index
        %get3A_607 = arith.constant 80 : index
        %get3A_608 = tpu.vector_load %arg12[%get3A_606, %get3A_607] {strides = array<i32>} : memref<200x128xf32, #tpu.memory_space<vmem>>, vector<1x16xf32>,
        %get3A_609 = vector.shape_cast %get3A_608 : vector<1x16xf32> to vector<16xf32>
        %swap3A_610 = arith.index_cast %add3A_599 : i32 to index
        %swap3A_611 = arith.constant 80 : index
        %swap3A_612 = tpu.vector_load %arg9[%swap3A_610, %swap3A_611] {strides = array<i32>} : memref<40x128xf32, #tpu.memory_space<vmem>>, vector<1x16xf32>,
        %swap3A_613 = vector.shape_cast %swap3A_612 : vector<1x16xf32> to vector<16xf32>
        %swap3A_614 = vector.shape_cast %get3A_609 : vector<16xf32> to vector<1x16xf32>
        tpu.vector_store %arg9[%swap3A_610, %swap3A_611], %swap3A_614 {add = true, strides = array<i32>} : memref<40x128xf32, #tpu.memory_space<vmem>>, vector<1x16xf32>,
        %mul3A_615 = arith.constant 2 : i32
        %mul3A_616 = arith.muli %mul3A_615, %scan3A_350 : i32
        %add3A_617 = arith.constant 1 : i32
        %add3A_618 = arith.addi %mul3A_616, %add3A_617 : i32
        %mul3A_619 = arith.constant 2 : i32
        %mul3A_620 = arith.muli %mul3A_619, %scan3A_350 : i32
        %add3A_621 = arith.constant 80 : i32
        %add3A_622 = arith.addi %add3A_621, %mul3A_620 : i32
        %add3A_623 = arith.constant 1 : i32
        %add3A_624 = arith.addi %add3A_622, %add3A_623 : i32
        %get3A_625 = arith.index_cast %add3A_624 : i32 to index
        %get3A_626 = arith.constant 96 : index
        %get3A_627 = tpu.vector_load %arg12[%get3A_625, %get3A_626] {strides = array<i32>} : memref<200x128xf32, #tpu.memory_space<vmem>>, vector<1x16xf32>,
        %get3A_628 = vector.shape_cast %get3A_627 : vector<1x16xf32> to vector<16xf32>
        %swap3A_629 = arith.index_cast %add3A_618 : i32 to index
        %swap3A_630 = arith.constant 96 : index
        %swap3A_631 = tpu.vector_load %arg9[%swap3A_629, %swap3A_630] {strides = array<i32>} : memref<40x128xf32, #tpu.memory_space<vmem>>, vector<1x16xf32>,
        %swap3A_632 = vector.shape_cast %swap3A_631 : vector<1x16xf32> to vector<16xf32>
        %swap3A_633 = vector.shape_cast %get3A_628 : vector<16xf32> to vector<1x16xf32>
        tpu.vector_store %arg9[%swap3A_629, %swap3A_630], %swap3A_633 {add = true, strides = array<i32>} : memref<40x128xf32, #tpu.memory_space<vmem>>, vector<1x16xf32>,
        %mul3A_634 = arith.constant 2 : i32
        %mul3A_635 = arith.muli %mul3A_634, %scan3A_350 : i32
        %add3A_636 = arith.constant 1 : i32
        %add3A_637 = arith.addi %mul3A_635, %add3A_636 : i32
        %mul3A_638 = arith.constant 2 : i32
        %mul3A_639 = arith.muli %mul3A_638, %scan3A_350 : i32
        %add3A_640 = arith.constant 80 : i32
        %add3A_641 = arith.addi %add3A_640, %mul3A_639 : i32
        %add3A_642 = arith.constant 1 : i32
        %add3A_643 = arith.addi %add3A_641, %add3A_642 : i32
        %get3A_644 = arith.index_cast %add3A_643 : i32 to index
        %get3A_645 = arith.constant 112 : index
        %get3A_646 = tpu.vector_load %arg12[%get3A_644, %get3A_645] {strides = array<i32>} : memref<200x128xf32, #tpu.memory_space<vmem>>, vector<1x16xf32>,
        %get3A_647 = vector.shape_cast %get3A_646 : vector<1x16xf32> to vector<16xf32>
        %swap3A_648 = arith.index_cast %add3A_637 : i32 to index
        %swap3A_649 = arith.constant 112 : index
        %swap3A_650 = tpu.vector_load %arg9[%swap3A_648, %swap3A_649] {strides = array<i32>} : memref<40x128xf32, #tpu.memory_space<vmem>>, vector<1x16xf32>,
        %swap3A_651 = vector.shape_cast %swap3A_650 : vector<1x16xf32> to vector<16xf32>
        %swap3A_652 = vector.shape_cast %get3A_647 : vector<16xf32> to vector<1x16xf32>
        tpu.vector_store %arg9[%swap3A_648, %swap3A_649], %swap3A_652 {add = true, strides = array<i32>} : memref<40x128xf32, #tpu.memory_space<vmem>>, vector<1x16xf32>,
      }
      %scan3A_233 = arith.constant 20 : i32
      %mul3A_234 = arith.constant 128 : i32
      %mul3A_235 = arith.muli %add3A, %mul3A_234 : i32
      %add3A_236 = arith.constant 64 : i32
      %add3A_237 = arith.addi %mul3A_235, %add3A_236 : i32
      %add3A_238 = arith.addi %add3A_237, %scan3A_134 : i32
      %dma_start3A_239 = arith.constant 80 : i32
      %dma_start3A_240 = arith.constant 0 : i32
      %dma_start3A_241 = tpu.memref_slice %arg5[%add3A_238, %dma_start3A_239, %dma_start3A_240] : memref<4096x200x128xf32, #tpu.memory_space<hbm>> -> memref<1x40x128xf32, #tpu.memory_space<hbm>>
      %dma_start3A_242 = tpu.memref_squeeze %dma_start3A_241 : memref<1x40x128xf32, #tpu.memory_space<hbm>> -> memref<40x128xf32, #tpu.memory_space<hbm>>
      %dma_start3A_243 = arith.constant 80 : i32
      %dma_start3A_244 = arith.constant 0 : i32
      %dma_start3A_245 = tpu.memref_slice %arg5[%add3A_238, %dma_start3A_243, %dma_start3A_244] : memref<4096x200x128xf32, #tpu.memory_space<hbm>> -> memref<1x40x128xf32, #tpu.memory_space<hbm>>
      %dma_start3A_246 = tpu.memref_squeeze %dma_start3A_245 : memref<1x40x128xf32, #tpu.memory_space<hbm>> -> memref<40x128xf32, #tpu.memory_space<hbm>>
      tpu.enqueue_dma source(%arg9 : memref<40x128xf32, #tpu.memory_space<vmem>>) target(%dma_start3A_246 : memref<40x128xf32, #tpu.memory_space<hbm>>) target_semaphore(%arg20 : memref<!tpu.dma_semaphore, #tpu.memory_space<semaphore_mem>>)
      %add3A_247 = arith.constant 2 : i32
      %add3A_248 = arith.addi %add3A_221, %add3A_247 : i32
      %ge3A_249 = arith.constant 5 : i32
      %ge3A_250 = arith.cmpi sge, %add3A_248, %ge3A_249 : i32
      %lt3A_251 = arith.constant 320 : i32
      %lt3A_252 = arith.cmpi slt, %add3A_248, %lt3A_251 : i32
      %and3A_253 = arith.andi %ge3A_250, %lt3A_252 : i1
      %convert_element_type3A_254 = arith.extui %and3A_253 : i1 to i32
      %cond3A_255 = arith.constant 0 : i32
      %cond3A_256 = arith.cmpi ne, %convert_element_type3A_254, %cond3A_255 : i32
      scf.if %cond3A_256 {
        %dma_wait3A_350 = arith.constant 0 : i32
        %dma_wait3A_351 = arith.constant 0 : i32
        %dma_wait3A_352 = arith.constant 0 : i32
        %dma_wait3A_353 = tpu.memref_slice %arg5[%dma_wait3A_350, %dma_wait3A_351, %dma_wait3A_352] : memref<4096x200x128xf32, #tpu.memory_space<hbm>> -> memref<1x40x128xf32, #tpu.memory_space<hbm>>
        %dma_wait3A_354 = tpu.memref_squeeze %dma_wait3A_353 : memref<1x40x128xf32, #tpu.memory_space<hbm>> -> memref<40x128xf32, #tpu.memory_space<hbm>>
        %dma_wait3A_355 = arith.constant 0 : i32
        %dma_wait3A_356 = arith.constant 0 : i32
        %dma_wait3A_357 = tpu.memref_slice %arg5[%dma_wait3A_350, %dma_wait3A_355, %dma_wait3A_356] : memref<4096x200x128xf32, #tpu.memory_space<hbm>> -> memref<1x40x128xf32, #tpu.memory_space<hbm>>
        %dma_wait3A_358 = tpu.memref_squeeze %dma_wait3A_357 : memref<1x40x128xf32, #tpu.memory_space<hbm>> -> memref<40x128xf32, #tpu.memory_space<hbm>>
        tpu.wait_dma2 semaphore(%arg22 : memref<!tpu.dma_semaphore, #tpu.memory_space<semaphore_mem>>) src(%arg11 : memref<40x128xf32, #tpu.memory_space<vmem>>) dst(%dma_wait3A_358 : memref<40x128xf32, #tpu.memory_space<hbm>>)
      } else {
      }
      %lt3A_257 = arith.constant 320 : i32
      %lt3A_258 = arith.cmpi slt, %add3A_248, %lt3A_257 : i32
      %convert_element_type3A_259 = arith.extui %lt3A_258 : i1 to i32
      %cond3A_260 = arith.constant 0 : i32
      %cond3A_261 = arith.cmpi ne, %convert_element_type3A_259, %cond3A_260 : i32
      scf.if %cond3A_261 {
        %dma_start3A_350 = arith.constant 0 : i32
        %dma_start3A_351 = tpu.memref_slice %arg6[%add3A_248, %dma_start3A_350] : memref<320x40xi32, #tpu.memory_space<vmem>> -> memref<1x40xi32, #tpu.memory_space<vmem>>
        %dma_start3A_352 = tpu.memref_squeeze %dma_start3A_351 : memref<1x40xi32, #tpu.memory_space<vmem>> -> memref<40xi32, #tpu.memory_space<vmem>>
        %dma_start3A_353 = arith.constant 0 : i32
        %dma_start3A_354 = arith.constant 0 : i32
        %dma_start3A_355 = tpu.memref_slice %arg3[%dma_start3A_353, %dma_start3A_354] : memref<100000x128xf32, #tpu.memory_space<hbm>> -> memref<100000x128xf32, #tpu.memory_space<hbm>>
        tpu.enqueue_indirect_dma source(%dma_start3A_355 : memref<100000x128xf32, #tpu.memory_space<hbm>>) target(%arg11 : memref<40x128xf32, #tpu.memory_space<vmem>>) offsets(%dma_start3A_352 : memref<40xi32, #tpu.memory_space<vmem>>) semaphore(%arg17 : memref<!tpu.dma_semaphore, #tpu.memory_space<semaphore_mem>>)
      } else {
      }
      %mul3A_262 = arith.constant 5 : i32
      %mul3A_263 = arith.muli %scan3A_134, %mul3A_262 : i32
      %add3A_264 = arith.constant 3 : i32
      %add3A_265 = arith.addi %mul3A_263, %add3A_264 : i32
      %dma_wait3A_266 = arith.constant 0 : i32
      %dma_wait3A_267 = tpu.memref_slice %arg6[%add3A_265, %dma_wait3A_266] : memref<320x40xi32, #tpu.memory_space<vmem>> -> memref<1x40xi32, #tpu.memory_space<vmem>>
      %dma_wait3A_268 = tpu.memref_squeeze %dma_wait3A_267 : memref<1x40xi32, #tpu.memory_space<vmem>> -> memref<40xi32, #tpu.memory_space<vmem>>
      %dma_wait3A_269 = arith.constant 0 : i32
      %dma_wait3A_270 = arith.constant 0 : i32
      %dma_wait3A_271 = tpu.memref_slice %arg3[%dma_wait3A_269, %dma_wait3A_270] : memref<100000x128xf32, #tpu.memory_space<hbm>> -> memref<100000x128xf32, #tpu.memory_space<hbm>>
      tpu.wait_indirect_dma semaphore(%arg16 : memref<!tpu.dma_semaphore, #tpu.memory_space<semaphore_mem>>) src(%dma_wait3A_271 : memref<100000x128xf32, #tpu.memory_space<hbm>>) dst(%arg10 : memref<40x128xf32, #tpu.memory_space<vmem>>)
      %scan3A_272 = arith.constant 0 : i32
      %scan3A_273 = arith.constant 0 : i32
      %scan3A_274 = arith.constant 20 : i32
      %scan3A_275 = arith.addi %scan3A_273, %scan3A_274 : i32
      %scan3A_276 = arith.constant 1 : i32
      scf.for %scan3A_350 = %scan3A_273 to %scan3A_275 step %scan3A_276  : i32 {
        %mul3A_351 = arith.constant 2 : i32
        %mul3A_352 = arith.muli %mul3A_351, %scan3A_350 : i32
        %add3A_353 = arith.constant 0 : i32
        %add3A_354 = arith.addi %mul3A_352, %add3A_353 : i32
        %mul3A_355 = arith.constant 2 : i32
        %mul3A_356 = arith.muli %mul3A_355, %scan3A_350 : i32
        %add3A_357 = arith.constant 120 : i32
        %add3A_358 = arith.addi %add3A_357, %mul3A_356 : i32
        %add3A_359 = arith.constant 0 : i32
        %add3A_360 = arith.addi %add3A_358, %add3A_359 : i32
        %get3A = arith.index_cast %add3A_360 : i32 to index
        %get3A_361 = arith.constant 0 : index
        %get3A_362 = tpu.vector_load %arg12[%get3A, %get3A_361] {strides = array<i32>} : memref<200x128xf32, #tpu.memory_space<vmem>>, vector<1x16xf32>,
        %get3A_363 = vector.shape_cast %get3A_362 : vector<1x16xf32> to vector<16xf32>
        %swap3A = arith.index_cast %add3A_354 : i32 to index
        %swap3A_364 = arith.constant 0 : index
        %swap3A_365 = tpu.vector_load %arg10[%swap3A, %swap3A_364] {strides = array<i32>} : memref<40x128xf32, #tpu.memory_space<vmem>>, vector<1x16xf32>,
        %swap3A_366 = vector.shape_cast %swap3A_365 : vector<1x16xf32> to vector<16xf32>
        %swap3A_367 = vector.shape_cast %get3A_363 : vector<16xf32> to vector<1x16xf32>
        tpu.vector_store %arg10[%swap3A, %swap3A_364], %swap3A_367 {add = true, strides = array<i32>} : memref<40x128xf32, #tpu.memory_space<vmem>>, vector<1x16xf32>,
        %mul3A_368 = arith.constant 2 : i32
        %mul3A_369 = arith.muli %mul3A_368, %scan3A_350 : i32
        %add3A_370 = arith.constant 0 : i32
        %add3A_371 = arith.addi %mul3A_369, %add3A_370 : i32
        %mul3A_372 = arith.constant 2 : i32
        %mul3A_373 = arith.muli %mul3A_372, %scan3A_350 : i32
        %add3A_374 = arith.constant 120 : i32
        %add3A_375 = arith.addi %add3A_374, %mul3A_373 : i32
        %add3A_376 = arith.constant 0 : i32
        %add3A_377 = arith.addi %add3A_375, %add3A_376 : i32
        %get3A_378 = arith.index_cast %add3A_377 : i32 to index
        %get3A_379 = arith.constant 16 : index
        %get3A_380 = tpu.vector_load %arg12[%get3A_378, %get3A_379] {strides = array<i32>} : memref<200x128xf32, #tpu.memory_space<vmem>>, vector<1x16xf32>,
        %get3A_381 = vector.shape_cast %get3A_380 : vector<1x16xf32> to vector<16xf32>
        %swap3A_382 = arith.index_cast %add3A_371 : i32 to index
        %swap3A_383 = arith.constant 16 : index
        %swap3A_384 = tpu.vector_load %arg10[%swap3A_382, %swap3A_383] {strides = array<i32>} : memref<40x128xf32, #tpu.memory_space<vmem>>, vector<1x16xf32>,
        %swap3A_385 = vector.shape_cast %swap3A_384 : vector<1x16xf32> to vector<16xf32>
        %swap3A_386 = vector.shape_cast %get3A_381 : vector<16xf32> to vector<1x16xf32>
        tpu.vector_store %arg10[%swap3A_382, %swap3A_383], %swap3A_386 {add = true, strides = array<i32>} : memref<40x128xf32, #tpu.memory_space<vmem>>, vector<1x16xf32>,
        %mul3A_387 = arith.constant 2 : i32
        %mul3A_388 = arith.muli %mul3A_387, %scan3A_350 : i32
        %add3A_389 = arith.constant 0 : i32
        %add3A_390 = arith.addi %mul3A_388, %add3A_389 : i32
        %mul3A_391 = arith.constant 2 : i32
        %mul3A_392 = arith.muli %mul3A_391, %scan3A_350 : i32
        %add3A_393 = arith.constant 120 : i32
        %add3A_394 = arith.addi %add3A_393, %mul3A_392 : i32
        %add3A_395 = arith.constant 0 : i32
        %add3A_396 = arith.addi %add3A_394, %add3A_395 : i32
        %get3A_397 = arith.index_cast %add3A_396 : i32 to index
        %get3A_398 = arith.constant 32 : index
        %get3A_399 = tpu.vector_load %arg12[%get3A_397, %get3A_398] {strides = array<i32>} : memref<200x128xf32, #tpu.memory_space<vmem>>, vector<1x16xf32>,
        %get3A_400 = vector.shape_cast %get3A_399 : vector<1x16xf32> to vector<16xf32>
        %swap3A_401 = arith.index_cast %add3A_390 : i32 to index
        %swap3A_402 = arith.constant 32 : index
        %swap3A_403 = tpu.vector_load %arg10[%swap3A_401, %swap3A_402] {strides = array<i32>} : memref<40x128xf32, #tpu.memory_space<vmem>>, vector<1x16xf32>,
        %swap3A_404 = vector.shape_cast %swap3A_403 : vector<1x16xf32> to vector<16xf32>
        %swap3A_405 = vector.shape_cast %get3A_400 : vector<16xf32> to vector<1x16xf32>
        tpu.vector_store %arg10[%swap3A_401, %swap3A_402], %swap3A_405 {add = true, strides = array<i32>} : memref<40x128xf32, #tpu.memory_space<vmem>>, vector<1x16xf32>,
        %mul3A_406 = arith.constant 2 : i32
        %mul3A_407 = arith.muli %mul3A_406, %scan3A_350 : i32
        %add3A_408 = arith.constant 0 : i32
        %add3A_409 = arith.addi %mul3A_407, %add3A_408 : i32
        %mul3A_410 = arith.constant 2 : i32
        %mul3A_411 = arith.muli %mul3A_410, %scan3A_350 : i32
        %add3A_412 = arith.constant 120 : i32
        %add3A_413 = arith.addi %add3A_412, %mul3A_411 : i32
        %add3A_414 = arith.constant 0 : i32
        %add3A_415 = arith.addi %add3A_413, %add3A_414 : i32
        %get3A_416 = arith.index_cast %add3A_415 : i32 to index
        %get3A_417 = arith.constant 48 : index
        %get3A_418 = tpu.vector_load %arg12[%get3A_416, %get3A_417] {strides = array<i32>} : memref<200x128xf32, #tpu.memory_space<vmem>>, vector<1x16xf32>,
        %get3A_419 = vector.shape_cast %get3A_418 : vector<1x16xf32> to vector<16xf32>
        %swap3A_420 = arith.index_cast %add3A_409 : i32 to index
        %swap3A_421 = arith.constant 48 : index
        %swap3A_422 = tpu.vector_load %arg10[%swap3A_420, %swap3A_421] {strides = array<i32>} : memref<40x128xf32, #tpu.memory_space<vmem>>, vector<1x16xf32>,
        %swap3A_423 = vector.shape_cast %swap3A_422 : vector<1x16xf32> to vector<16xf32>
        %swap3A_424 = vector.shape_cast %get3A_419 : vector<16xf32> to vector<1x16xf32>
        tpu.vector_store %arg10[%swap3A_420, %swap3A_421], %swap3A_424 {add = true, strides = array<i32>} : memref<40x128xf32, #tpu.memory_space<vmem>>, vector<1x16xf32>,
        %mul3A_425 = arith.constant 2 : i32
        %mul3A_426 = arith.muli %mul3A_425, %scan3A_350 : i32
        %add3A_427 = arith.constant 0 : i32
        %add3A_428 = arith.addi %mul3A_426, %add3A_427 : i32
        %mul3A_429 = arith.constant 2 : i32
        %mul3A_430 = arith.muli %mul3A_429, %scan3A_350 : i32
        %add3A_431 = arith.constant 120 : i32
        %add3A_432 = arith.addi %add3A_431, %mul3A_430 : i32
        %add3A_433 = arith.constant 0 : i32
        %add3A_434 = arith.addi %add3A_432, %add3A_433 : i32
        %get3A_435 = arith.index_cast %add3A_434 : i32 to index
        %get3A_436 = arith.constant 64 : index
        %get3A_437 = tpu.vector_load %arg12[%get3A_435, %get3A_436] {strides = array<i32>} : memref<200x128xf32, #tpu.memory_space<vmem>>, vector<1x16xf32>,
        %get3A_438 = vector.shape_cast %get3A_437 : vector<1x16xf32> to vector<16xf32>
        %swap3A_439 = arith.index_cast %add3A_428 : i32 to index
        %swap3A_440 = arith.constant 64 : index
        %swap3A_441 = tpu.vector_load %arg10[%swap3A_439, %swap3A_440] {strides = array<i32>} : memref<40x128xf32, #tpu.memory_space<vmem>>, vector<1x16xf32>,
        %swap3A_442 = vector.shape_cast %swap3A_441 : vector<1x16xf32> to vector<16xf32>
        %swap3A_443 = vector.shape_cast %get3A_438 : vector<16xf32> to vector<1x16xf32>
        tpu.vector_store %arg10[%swap3A_439, %swap3A_440], %swap3A_443 {add = true, strides = array<i32>} : memref<40x128xf32, #tpu.memory_space<vmem>>, vector<1x16xf32>,
        %mul3A_444 = arith.constant 2 : i32
        %mul3A_445 = arith.muli %mul3A_444, %scan3A_350 : i32
        %add3A_446 = arith.constant 0 : i32
        %add3A_447 = arith.addi %mul3A_445, %add3A_446 : i32
        %mul3A_448 = arith.constant 2 : i32
        %mul3A_449 = arith.muli %mul3A_448, %scan3A_350 : i32
        %add3A_450 = arith.constant 120 : i32
        %add3A_451 = arith.addi %add3A_450, %mul3A_449 : i32
        %add3A_452 = arith.constant 0 : i32
        %add3A_453 = arith.addi %add3A_451, %add3A_452 : i32
        %get3A_454 = arith.index_cast %add3A_453 : i32 to index
        %get3A_455 = arith.constant 80 : index
        %get3A_456 = tpu.vector_load %arg12[%get3A_454, %get3A_455] {strides = array<i32>} : memref<200x128xf32, #tpu.memory_space<vmem>>, vector<1x16xf32>,
        %get3A_457 = vector.shape_cast %get3A_456 : vector<1x16xf32> to vector<16xf32>
        %swap3A_458 = arith.index_cast %add3A_447 : i32 to index
        %swap3A_459 = arith.constant 80 : index
        %swap3A_460 = tpu.vector_load %arg10[%swap3A_458, %swap3A_459] {strides = array<i32>} : memref<40x128xf32, #tpu.memory_space<vmem>>, vector<1x16xf32>,
        %swap3A_461 = vector.shape_cast %swap3A_460 : vector<1x16xf32> to vector<16xf32>
        %swap3A_462 = vector.shape_cast %get3A_457 : vector<16xf32> to vector<1x16xf32>
        tpu.vector_store %arg10[%swap3A_458, %swap3A_459], %swap3A_462 {add = true, strides = array<i32>} : memref<40x128xf32, #tpu.memory_space<vmem>>, vector<1x16xf32>,
        %mul3A_463 = arith.constant 2 : i32
        %mul3A_464 = arith.muli %mul3A_463, %scan3A_350 : i32
        %add3A_465 = arith.constant 0 : i32
        %add3A_466 = arith.addi %mul3A_464, %add3A_465 : i32
        %mul3A_467 = arith.constant 2 : i32
        %mul3A_468 = arith.muli %mul3A_467, %scan3A_350 : i32
        %add3A_469 = arith.constant 120 : i32
        %add3A_470 = arith.addi %add3A_469, %mul3A_468 : i32
        %add3A_471 = arith.constant 0 : i32
        %add3A_472 = arith.addi %add3A_470, %add3A_471 : i32
        %get3A_473 = arith.index_cast %add3A_472 : i32 to index
        %get3A_474 = arith.constant 96 : index
        %get3A_475 = tpu.vector_load %arg12[%get3A_473, %get3A_474] {strides = array<i32>} : memref<200x128xf32, #tpu.memory_space<vmem>>, vector<1x16xf32>,
        %get3A_476 = vector.shape_cast %get3A_475 : vector<1x16xf32> to vector<16xf32>
        %swap3A_477 = arith.index_cast %add3A_466 : i32 to index
        %swap3A_478 = arith.constant 96 : index
        %swap3A_479 = tpu.vector_load %arg10[%swap3A_477, %swap3A_478] {strides = array<i32>} : memref<40x128xf32, #tpu.memory_space<vmem>>, vector<1x16xf32>,
        %swap3A_480 = vector.shape_cast %swap3A_479 : vector<1x16xf32> to vector<16xf32>
        %swap3A_481 = vector.shape_cast %get3A_476 : vector<16xf32> to vector<1x16xf32>
        tpu.vector_store %arg10[%swap3A_477, %swap3A_478], %swap3A_481 {add = true, strides = array<i32>} : memref<40x128xf32, #tpu.memory_space<vmem>>, vector<1x16xf32>,
        %mul3A_482 = arith.constant 2 : i32
        %mul3A_483 = arith.muli %mul3A_482, %scan3A_350 : i32
        %add3A_484 = arith.constant 0 : i32
        %add3A_485 = arith.addi %mul3A_483, %add3A_484 : i32
        %mul3A_486 = arith.constant 2 : i32
        %mul3A_487 = arith.muli %mul3A_486, %scan3A_350 : i32
        %add3A_488 = arith.constant 120 : i32
        %add3A_489 = arith.addi %add3A_488, %mul3A_487 : i32
        %add3A_490 = arith.constant 0 : i32
        %add3A_491 = arith.addi %add3A_489, %add3A_490 : i32
        %get3A_492 = arith.index_cast %add3A_491 : i32 to index
        %get3A_493 = arith.constant 112 : index
        %get3A_494 = tpu.vector_load %arg12[%get3A_492, %get3A_493] {strides = array<i32>} : memref<200x128xf32, #tpu.memory_space<vmem>>, vector<1x16xf32>,
        %get3A_495 = vector.shape_cast %get3A_494 : vector<1x16xf32> to vector<16xf32>
        %swap3A_496 = arith.index_cast %add3A_485 : i32 to index
        %swap3A_497 = arith.constant 112 : index
        %swap3A_498 = tpu.vector_load %arg10[%swap3A_496, %swap3A_497] {strides = array<i32>} : memref<40x128xf32, #tpu.memory_space<vmem>>, vector<1x16xf32>,
        %swap3A_499 = vector.shape_cast %swap3A_498 : vector<1x16xf32> to vector<16xf32>
        %swap3A_500 = vector.shape_cast %get3A_495 : vector<16xf32> to vector<1x16xf32>
        tpu.vector_store %arg10[%swap3A_496, %swap3A_497], %swap3A_500 {add = true, strides = array<i32>} : memref<40x128xf32, #tpu.memory_space<vmem>>, vector<1x16xf32>,
        %mul3A_501 = arith.constant 2 : i32
        %mul3A_502 = arith.muli %mul3A_501, %scan3A_350 : i32
        %add3A_503 = arith.constant 1 : i32
        %add3A_504 = arith.addi %mul3A_502, %add3A_503 : i32
        %mul3A_505 = arith.constant 2 : i32
        %mul3A_506 = arith.muli %mul3A_505, %scan3A_350 : i32
        %add3A_507 = arith.constant 120 : i32
        %add3A_508 = arith.addi %add3A_507, %mul3A_506 : i32
        %add3A_509 = arith.constant 1 : i32
        %add3A_510 = arith.addi %add3A_508, %add3A_509 : i32
        %get3A_511 = arith.index_cast %add3A_510 : i32 to index
        %get3A_512 = arith.constant 0 : index
        %get3A_513 = tpu.vector_load %arg12[%get3A_511, %get3A_512] {strides = array<i32>} : memref<200x128xf32, #tpu.memory_space<vmem>>, vector<1x16xf32>,
        %get3A_514 = vector.shape_cast %get3A_513 : vector<1x16xf32> to vector<16xf32>
        %swap3A_515 = arith.index_cast %add3A_504 : i32 to index
        %swap3A_516 = arith.constant 0 : index
        %swap3A_517 = tpu.vector_load %arg10[%swap3A_515, %swap3A_516] {strides = array<i32>} : memref<40x128xf32, #tpu.memory_space<vmem>>, vector<1x16xf32>,
        %swap3A_518 = vector.shape_cast %swap3A_517 : vector<1x16xf32> to vector<16xf32>
        %swap3A_519 = vector.shape_cast %get3A_514 : vector<16xf32> to vector<1x16xf32>
        tpu.vector_store %arg10[%swap3A_515, %swap3A_516], %swap3A_519 {add = true, strides = array<i32>} : memref<40x128xf32, #tpu.memory_space<vmem>>, vector<1x16xf32>,
        %mul3A_520 = arith.constant 2 : i32
        %mul3A_521 = arith.muli %mul3A_520, %scan3A_350 : i32
        %add3A_522 = arith.constant 1 : i32
        %add3A_523 = arith.addi %mul3A_521, %add3A_522 : i32
        %mul3A_524 = arith.constant 2 : i32
        %mul3A_525 = arith.muli %mul3A_524, %scan3A_350 : i32
        %add3A_526 = arith.constant 120 : i32
        %add3A_527 = arith.addi %add3A_526, %mul3A_525 : i32
        %add3A_528 = arith.constant 1 : i32
        %add3A_529 = arith.addi %add3A_527, %add3A_528 : i32
        %get3A_530 = arith.index_cast %add3A_529 : i32 to index
        %get3A_531 = arith.constant 16 : index
        %get3A_532 = tpu.vector_load %arg12[%get3A_530, %get3A_531] {strides = array<i32>} : memref<200x128xf32, #tpu.memory_space<vmem>>, vector<1x16xf32>,
        %get3A_533 = vector.shape_cast %get3A_532 : vector<1x16xf32> to vector<16xf32>
        %swap3A_534 = arith.index_cast %add3A_523 : i32 to index
        %swap3A_535 = arith.constant 16 : index
        %swap3A_536 = tpu.vector_load %arg10[%swap3A_534, %swap3A_535] {strides = array<i32>} : memref<40x128xf32, #tpu.memory_space<vmem>>, vector<1x16xf32>,
        %swap3A_537 = vector.shape_cast %swap3A_536 : vector<1x16xf32> to vector<16xf32>
        %swap3A_538 = vector.shape_cast %get3A_533 : vector<16xf32> to vector<1x16xf32>
        tpu.vector_store %arg10[%swap3A_534, %swap3A_535], %swap3A_538 {add = true, strides = array<i32>} : memref<40x128xf32, #tpu.memory_space<vmem>>, vector<1x16xf32>,
        %mul3A_539 = arith.constant 2 : i32
        %mul3A_540 = arith.muli %mul3A_539, %scan3A_350 : i32
        %add3A_541 = arith.constant 1 : i32
        %add3A_542 = arith.addi %mul3A_540, %add3A_541 : i32
        %mul3A_543 = arith.constant 2 : i32
        %mul3A_544 = arith.muli %mul3A_543, %scan3A_350 : i32
        %add3A_545 = arith.constant 120 : i32
        %add3A_546 = arith.addi %add3A_545, %mul3A_544 : i32
        %add3A_547 = arith.constant 1 : i32
        %add3A_548 = arith.addi %add3A_546, %add3A_547 : i32
        %get3A_549 = arith.index_cast %add3A_548 : i32 to index
        %get3A_550 = arith.constant 32 : index
        %get3A_551 = tpu.vector_load %arg12[%get3A_549, %get3A_550] {strides = array<i32>} : memref<200x128xf32, #tpu.memory_space<vmem>>, vector<1x16xf32>,
        %get3A_552 = vector.shape_cast %get3A_551 : vector<1x16xf32> to vector<16xf32>
        %swap3A_553 = arith.index_cast %add3A_542 : i32 to index
        %swap3A_554 = arith.constant 32 : index
        %swap3A_555 = tpu.vector_load %arg10[%swap3A_553, %swap3A_554] {strides = array<i32>} : memref<40x128xf32, #tpu.memory_space<vmem>>, vector<1x16xf32>,
        %swap3A_556 = vector.shape_cast %swap3A_555 : vector<1x16xf32> to vector<16xf32>
        %swap3A_557 = vector.shape_cast %get3A_552 : vector<16xf32> to vector<1x16xf32>
        tpu.vector_store %arg10[%swap3A_553, %swap3A_554], %swap3A_557 {add = true, strides = array<i32>} : memref<40x128xf32, #tpu.memory_space<vmem>>, vector<1x16xf32>,
        %mul3A_558 = arith.constant 2 : i32
        %mul3A_559 = arith.muli %mul3A_558, %scan3A_350 : i32
        %add3A_560 = arith.constant 1 : i32
        %add3A_561 = arith.addi %mul3A_559, %add3A_560 : i32
        %mul3A_562 = arith.constant 2 : i32
        %mul3A_563 = arith.muli %mul3A_562, %scan3A_350 : i32
        %add3A_564 = arith.constant 120 : i32
        %add3A_565 = arith.addi %add3A_564, %mul3A_563 : i32
        %add3A_566 = arith.constant 1 : i32
        %add3A_567 = arith.addi %add3A_565, %add3A_566 : i32
        %get3A_568 = arith.index_cast %add3A_567 : i32 to index
        %get3A_569 = arith.constant 48 : index
        %get3A_570 = tpu.vector_load %arg12[%get3A_568, %get3A_569] {strides = array<i32>} : memref<200x128xf32, #tpu.memory_space<vmem>>, vector<1x16xf32>,
        %get3A_571 = vector.shape_cast %get3A_570 : vector<1x16xf32> to vector<16xf32>
        %swap3A_572 = arith.index_cast %add3A_561 : i32 to index
        %swap3A_573 = arith.constant 48 : index
        %swap3A_574 = tpu.vector_load %arg10[%swap3A_572, %swap3A_573] {strides = array<i32>} : memref<40x128xf32, #tpu.memory_space<vmem>>, vector<1x16xf32>,
        %swap3A_575 = vector.shape_cast %swap3A_574 : vector<1x16xf32> to vector<16xf32>
        %swap3A_576 = vector.shape_cast %get3A_571 : vector<16xf32> to vector<1x16xf32>
        tpu.vector_store %arg10[%swap3A_572, %swap3A_573], %swap3A_576 {add = true, strides = array<i32>} : memref<40x128xf32, #tpu.memory_space<vmem>>, vector<1x16xf32>,
        %mul3A_577 = arith.constant 2 : i32
        %mul3A_578 = arith.muli %mul3A_577, %scan3A_350 : i32
        %add3A_579 = arith.constant 1 : i32
        %add3A_580 = arith.addi %mul3A_578, %add3A_579 : i32
        %mul3A_581 = arith.constant 2 : i32
        %mul3A_582 = arith.muli %mul3A_581, %scan3A_350 : i32
        %add3A_583 = arith.constant 120 : i32
        %add3A_584 = arith.addi %add3A_583, %mul3A_582 : i32
        %add3A_585 = arith.constant 1 : i32
        %add3A_586 = arith.addi %add3A_584, %add3A_585 : i32
        %get3A_587 = arith.index_cast %add3A_586 : i32 to index
        %get3A_588 = arith.constant 64 : index
        %get3A_589 = tpu.vector_load %arg12[%get3A_587, %get3A_588] {strides = array<i32>} : memref<200x128xf32, #tpu.memory_space<vmem>>, vector<1x16xf32>,
        %get3A_590 = vector.shape_cast %get3A_589 : vector<1x16xf32> to vector<16xf32>
        %swap3A_591 = arith.index_cast %add3A_580 : i32 to index
        %swap3A_592 = arith.constant 64 : index
        %swap3A_593 = tpu.vector_load %arg10[%swap3A_591, %swap3A_592] {strides = array<i32>} : memref<40x128xf32, #tpu.memory_space<vmem>>, vector<1x16xf32>,
        %swap3A_594 = vector.shape_cast %swap3A_593 : vector<1x16xf32> to vector<16xf32>
        %swap3A_595 = vector.shape_cast %get3A_590 : vector<16xf32> to vector<1x16xf32>
        tpu.vector_store %arg10[%swap3A_591, %swap3A_592], %swap3A_595 {add = true, strides = array<i32>} : memref<40x128xf32, #tpu.memory_space<vmem>>, vector<1x16xf32>,
        %mul3A_596 = arith.constant 2 : i32
        %mul3A_597 = arith.muli %mul3A_596, %scan3A_350 : i32
        %add3A_598 = arith.constant 1 : i32
        %add3A_599 = arith.addi %mul3A_597, %add3A_598 : i32
        %mul3A_600 = arith.constant 2 : i32
        %mul3A_601 = arith.muli %mul3A_600, %scan3A_350 : i32
        %add3A_602 = arith.constant 120 : i32
        %add3A_603 = arith.addi %add3A_602, %mul3A_601 : i32
        %add3A_604 = arith.constant 1 : i32
        %add3A_605 = arith.addi %add3A_603, %add3A_604 : i32
        %get3A_606 = arith.index_cast %add3A_605 : i32 to index
        %get3A_607 = arith.constant 80 : index
        %get3A_608 = tpu.vector_load %arg12[%get3A_606, %get3A_607] {strides = array<i32>} : memref<200x128xf32, #tpu.memory_space<vmem>>, vector<1x16xf32>,
        %get3A_609 = vector.shape_cast %get3A_608 : vector<1x16xf32> to vector<16xf32>
        %swap3A_610 = arith.index_cast %add3A_599 : i32 to index
        %swap3A_611 = arith.constant 80 : index
        %swap3A_612 = tpu.vector_load %arg10[%swap3A_610, %swap3A_611] {strides = array<i32>} : memref<40x128xf32, #tpu.memory_space<vmem>>, vector<1x16xf32>,
        %swap3A_613 = vector.shape_cast %swap3A_612 : vector<1x16xf32> to vector<16xf32>
        %swap3A_614 = vector.shape_cast %get3A_609 : vector<16xf32> to vector<1x16xf32>
        tpu.vector_store %arg10[%swap3A_610, %swap3A_611], %swap3A_614 {add = true, strides = array<i32>} : memref<40x128xf32, #tpu.memory_space<vmem>>, vector<1x16xf32>,
        %mul3A_615 = arith.constant 2 : i32
        %mul3A_616 = arith.muli %mul3A_615, %scan3A_350 : i32
        %add3A_617 = arith.constant 1 : i32
        %add3A_618 = arith.addi %mul3A_616, %add3A_617 : i32
        %mul3A_619 = arith.constant 2 : i32
        %mul3A_620 = arith.muli %mul3A_619, %scan3A_350 : i32
        %add3A_621 = arith.constant 120 : i32
        %add3A_622 = arith.addi %add3A_621, %mul3A_620 : i32
        %add3A_623 = arith.constant 1 : i32
        %add3A_624 = arith.addi %add3A_622, %add3A_623 : i32
        %get3A_625 = arith.index_cast %add3A_624 : i32 to index
        %get3A_626 = arith.constant 96 : index
        %get3A_627 = tpu.vector_load %arg12[%get3A_625, %get3A_626] {strides = array<i32>} : memref<200x128xf32, #tpu.memory_space<vmem>>, vector<1x16xf32>,
        %get3A_628 = vector.shape_cast %get3A_627 : vector<1x16xf32> to vector<16xf32>
        %swap3A_629 = arith.index_cast %add3A_618 : i32 to index
        %swap3A_630 = arith.constant 96 : index
        %swap3A_631 = tpu.vector_load %arg10[%swap3A_629, %swap3A_630] {strides = array<i32>} : memref<40x128xf32, #tpu.memory_space<vmem>>, vector<1x16xf32>,
        %swap3A_632 = vector.shape_cast %swap3A_631 : vector<1x16xf32> to vector<16xf32>
        %swap3A_633 = vector.shape_cast %get3A_628 : vector<16xf32> to vector<1x16xf32>
        tpu.vector_store %arg10[%swap3A_629, %swap3A_630], %swap3A_633 {add = true, strides = array<i32>} : memref<40x128xf32, #tpu.memory_space<vmem>>, vector<1x16xf32>,
        %mul3A_634 = arith.constant 2 : i32
        %mul3A_635 = arith.muli %mul3A_634, %scan3A_350 : i32
        %add3A_636 = arith.constant 1 : i32
        %add3A_637 = arith.addi %mul3A_635, %add3A_636 : i32
        %mul3A_638 = arith.constant 2 : i32
        %mul3A_639 = arith.muli %mul3A_638, %scan3A_350 : i32
        %add3A_640 = arith.constant 120 : i32
        %add3A_641 = arith.addi %add3A_640, %mul3A_639 : i32
        %add3A_642 = arith.constant 1 : i32
        %add3A_643 = arith.addi %add3A_641, %add3A_642 : i32
        %get3A_644 = arith.index_cast %add3A_643 : i32 to index
        %get3A_645 = arith.constant 112 : index
        %get3A_646 = tpu.vector_load %arg12[%get3A_644, %get3A_645] {strides = array<i32>} : memref<200x128xf32, #tpu.memory_space<vmem>>, vector<1x16xf32>,
        %get3A_647 = vector.shape_cast %get3A_646 : vector<1x16xf32> to vector<16xf32>
        %swap3A_648 = arith.index_cast %add3A_637 : i32 to index
        %swap3A_649 = arith.constant 112 : index
        %swap3A_650 = tpu.vector_load %arg10[%swap3A_648, %swap3A_649] {strides = array<i32>} : memref<40x128xf32, #tpu.memory_space<vmem>>, vector<1x16xf32>,
        %swap3A_651 = vector.shape_cast %swap3A_650 : vector<1x16xf32> to vector<16xf32>
        %swap3A_652 = vector.shape_cast %get3A_647 : vector<16xf32> to vector<1x16xf32>
        tpu.vector_store %arg10[%swap3A_648, %swap3A_649], %swap3A_652 {add = true, strides = array<i32>} : memref<40x128xf32, #tpu.memory_space<vmem>>, vector<1x16xf32>,
      }
      %scan3A_277 = arith.constant 20 : i32
      %mul3A_278 = arith.constant 128 : i32
      %mul3A_279 = arith.muli %add3A, %mul3A_278 : i32
      %add3A_280 = arith.constant 64 : i32
      %add3A_281 = arith.addi %mul3A_279, %add3A_280 : i32
      %add3A_282 = arith.addi %add3A_281, %scan3A_134 : i32
      %dma_start3A_283 = arith.constant 120 : i32
      %dma_start3A_284 = arith.constant 0 : i32
      %dma_start3A_285 = tpu.memref_slice %arg5[%add3A_282, %dma_start3A_283, %dma_start3A_284] : memref<4096x200x128xf32, #tpu.memory_space<hbm>> -> memref<1x40x128xf32, #tpu.memory_space<hbm>>
      %dma_start3A_286 = tpu.memref_squeeze %dma_start3A_285 : memref<1x40x128xf32, #tpu.memory_space<hbm>> -> memref<40x128xf32, #tpu.memory_space<hbm>>
      %dma_start3A_287 = arith.constant 120 : i32
      %dma_start3A_288 = arith.constant 0 : i32
      %dma_start3A_289 = tpu.memref_slice %arg5[%add3A_282, %dma_start3A_287, %dma_start3A_288] : memref<4096x200x128xf32, #tpu.memory_space<hbm>> -> memref<1x40x128xf32, #tpu.memory_space<hbm>>
      %dma_start3A_290 = tpu.memref_squeeze %dma_start3A_289 : memref<1x40x128xf32, #tpu.memory_space<hbm>> -> memref<40x128xf32, #tpu.memory_space<hbm>>
      tpu.enqueue_dma source(%arg10 : memref<40x128xf32, #tpu.memory_space<vmem>>) target(%dma_start3A_290 : memref<40x128xf32, #tpu.memory_space<hbm>>) target_semaphore(%arg21 : memref<!tpu.dma_semaphore, #tpu.memory_space<semaphore_mem>>)
      %add3A_291 = arith.constant 2 : i32
      %add3A_292 = arith.addi %add3A_265, %add3A_291 : i32
      %ge3A_293 = arith.constant 5 : i32
      %ge3A_294 = arith.cmpi sge, %add3A_292, %ge3A_293 : i32
      %lt3A_295 = arith.constant 320 : i32
      %lt3A_296 = arith.cmpi slt, %add3A_292, %lt3A_295 : i32
      %and3A_297 = arith.andi %ge3A_294, %lt3A_296 : i1
      %convert_element_type3A_298 = arith.extui %and3A_297 : i1 to i32
      %cond3A_299 = arith.constant 0 : i32
      %cond3A_300 = arith.cmpi ne, %convert_element_type3A_298, %cond3A_299 : i32
      scf.if %cond3A_300 {
        %dma_wait3A_350 = arith.constant 0 : i32
        %dma_wait3A_351 = arith.constant 0 : i32
        %dma_wait3A_352 = arith.constant 0 : i32
        %dma_wait3A_353 = tpu.memref_slice %arg5[%dma_wait3A_350, %dma_wait3A_351, %dma_wait3A_352] : memref<4096x200x128xf32, #tpu.memory_space<hbm>> -> memref<1x40x128xf32, #tpu.memory_space<hbm>>
        %dma_wait3A_354 = tpu.memref_squeeze %dma_wait3A_353 : memref<1x40x128xf32, #tpu.memory_space<hbm>> -> memref<40x128xf32, #tpu.memory_space<hbm>>
        %dma_wait3A_355 = arith.constant 0 : i32
        %dma_wait3A_356 = arith.constant 0 : i32
        %dma_wait3A_357 = tpu.memref_slice %arg5[%dma_wait3A_350, %dma_wait3A_355, %dma_wait3A_356] : memref<4096x200x128xf32, #tpu.memory_space<hbm>> -> memref<1x40x128xf32, #tpu.memory_space<hbm>>
        %dma_wait3A_358 = tpu.memref_squeeze %dma_wait3A_357 : memref<1x40x128xf32, #tpu.memory_space<hbm>> -> memref<40x128xf32, #tpu.memory_space<hbm>>
        tpu.wait_dma2 semaphore(%arg18 : memref<!tpu.dma_semaphore, #tpu.memory_space<semaphore_mem>>) src(%arg7 : memref<40x128xf32, #tpu.memory_space<vmem>>) dst(%dma_wait3A_358 : memref<40x128xf32, #tpu.memory_space<hbm>>)
      } else {
      }
      %lt3A_301 = arith.constant 320 : i32
      %lt3A_302 = arith.cmpi slt, %add3A_292, %lt3A_301 : i32
      %convert_element_type3A_303 = arith.extui %lt3A_302 : i1 to i32
      %cond3A_304 = arith.constant 0 : i32
      %cond3A_305 = arith.cmpi ne, %convert_element_type3A_303, %cond3A_304 : i32
      scf.if %cond3A_305 {
        %dma_start3A_350 = arith.constant 0 : i32
        %dma_start3A_351 = tpu.memref_slice %arg6[%add3A_292, %dma_start3A_350] : memref<320x40xi32, #tpu.memory_space<vmem>> -> memref<1x40xi32, #tpu.memory_space<vmem>>
        %dma_start3A_352 = tpu.memref_squeeze %dma_start3A_351 : memref<1x40xi32, #tpu.memory_space<vmem>> -> memref<40xi32, #tpu.memory_space<vmem>>
        %dma_start3A_353 = arith.constant 0 : i32
        %dma_start3A_354 = arith.constant 0 : i32
        %dma_start3A_355 = tpu.memref_slice %arg3[%dma_start3A_353, %dma_start3A_354] : memref<100000x128xf32, #tpu.memory_space<hbm>> -> memref<100000x128xf32, #tpu.memory_space<hbm>>
        tpu.enqueue_indirect_dma source(%dma_start3A_355 : memref<100000x128xf32, #tpu.memory_space<hbm>>) target(%arg7 : memref<40x128xf32, #tpu.memory_space<vmem>>) offsets(%dma_start3A_352 : memref<40xi32, #tpu.memory_space<vmem>>) semaphore(%arg13 : memref<!tpu.dma_semaphore, #tpu.memory_space<semaphore_mem>>)
      } else {
      }
      %mul3A_306 = arith.constant 5 : i32
      %mul3A_307 = arith.muli %scan3A_134, %mul3A_306 : i32
      %add3A_308 = arith.constant 4 : i32
      %add3A_309 = arith.addi %mul3A_307, %add3A_308 : i32
      %dma_wait3A_310 = arith.constant 0 : i32
      %dma_wait3A_311 = tpu.memref_slice %arg6[%add3A_309, %dma_wait3A_310] : memref<320x40xi32, #tpu.memory_space<vmem>> -> memref<1x40xi32, #tpu.memory_space<vmem>>
      %dma_wait3A_312 = tpu.memref_squeeze %dma_wait3A_311 : memref<1x40xi32, #tpu.memory_space<vmem>> -> memref<40xi32, #tpu.memory_space<vmem>>
      %dma_wait3A_313 = arith.constant 0 : i32
      %dma_wait3A_314 = arith.constant 0 : i32
      %dma_wait3A_315 = tpu.memref_slice %arg3[%dma_wait3A_313, %dma_wait3A_314] : memref<100000x128xf32, #tpu.memory_space<hbm>> -> memref<100000x128xf32, #tpu.memory_space<hbm>>
      tpu.wait_indirect_dma semaphore(%arg17 : memref<!tpu.dma_semaphore, #tpu.memory_space<semaphore_mem>>) src(%dma_wait3A_315 : memref<100000x128xf32, #tpu.memory_space<hbm>>) dst(%arg11 : memref<40x128xf32, #tpu.memory_space<vmem>>)
      %scan3A_316 = arith.constant 0 : i32
      %scan3A_317 = arith.constant 0 : i32
      %scan3A_318 = arith.constant 20 : i32
      %scan3A_319 = arith.addi %scan3A_317, %scan3A_318 : i32
      %scan3A_320 = arith.constant 1 : i32
      scf.for %scan3A_350 = %scan3A_317 to %scan3A_319 step %scan3A_320  : i32 {
        %mul3A_351 = arith.constant 2 : i32
        %mul3A_352 = arith.muli %mul3A_351, %scan3A_350 : i32
        %add3A_353 = arith.constant 0 : i32
        %add3A_354 = arith.addi %mul3A_352, %add3A_353 : i32
        %mul3A_355 = arith.constant 2 : i32
        %mul3A_356 = arith.muli %mul3A_355, %scan3A_350 : i32
        %add3A_357 = arith.constant 160 : i32
        %add3A_358 = arith.addi %add3A_357, %mul3A_356 : i32
        %add3A_359 = arith.constant 0 : i32
        %add3A_360 = arith.addi %add3A_358, %add3A_359 : i32
        %get3A = arith.index_cast %add3A_360 : i32 to index
        %get3A_361 = arith.constant 0 : index
        %get3A_362 = tpu.vector_load %arg12[%get3A, %get3A_361] {strides = array<i32>} : memref<200x128xf32, #tpu.memory_space<vmem>>, vector<1x16xf32>,
        %get3A_363 = vector.shape_cast %get3A_362 : vector<1x16xf32> to vector<16xf32>
        %swap3A = arith.index_cast %add3A_354 : i32 to index
        %swap3A_364 = arith.constant 0 : index
        %swap3A_365 = tpu.vector_load %arg11[%swap3A, %swap3A_364] {strides = array<i32>} : memref<40x128xf32, #tpu.memory_space<vmem>>, vector<1x16xf32>,
        %swap3A_366 = vector.shape_cast %swap3A_365 : vector<1x16xf32> to vector<16xf32>
        %swap3A_367 = vector.shape_cast %get3A_363 : vector<16xf32> to vector<1x16xf32>
        tpu.vector_store %arg11[%swap3A, %swap3A_364], %swap3A_367 {add = true, strides = array<i32>} : memref<40x128xf32, #tpu.memory_space<vmem>>, vector<1x16xf32>,
        %mul3A_368 = arith.constant 2 : i32
        %mul3A_369 = arith.muli %mul3A_368, %scan3A_350 : i32
        %add3A_370 = arith.constant 0 : i32
        %add3A_371 = arith.addi %mul3A_369, %add3A_370 : i32
        %mul3A_372 = arith.constant 2 : i32
        %mul3A_373 = arith.muli %mul3A_372, %scan3A_350 : i32
        %add3A_374 = arith.constant 160 : i32
        %add3A_375 = arith.addi %add3A_374, %mul3A_373 : i32
        %add3A_376 = arith.constant 0 : i32
        %add3A_377 = arith.addi %add3A_375, %add3A_376 : i32
        %get3A_378 = arith.index_cast %add3A_377 : i32 to index
        %get3A_379 = arith.constant 16 : index
        %get3A_380 = tpu.vector_load %arg12[%get3A_378, %get3A_379] {strides = array<i32>} : memref<200x128xf32, #tpu.memory_space<vmem>>, vector<1x16xf32>,
        %get3A_381 = vector.shape_cast %get3A_380 : vector<1x16xf32> to vector<16xf32>
        %swap3A_382 = arith.index_cast %add3A_371 : i32 to index
        %swap3A_383 = arith.constant 16 : index
        %swap3A_384 = tpu.vector_load %arg11[%swap3A_382, %swap3A_383] {strides = array<i32>} : memref<40x128xf32, #tpu.memory_space<vmem>>, vector<1x16xf32>,
        %swap3A_385 = vector.shape_cast %swap3A_384 : vector<1x16xf32> to vector<16xf32>
        %swap3A_386 = vector.shape_cast %get3A_381 : vector<16xf32> to vector<1x16xf32>
        tpu.vector_store %arg11[%swap3A_382, %swap3A_383], %swap3A_386 {add = true, strides = array<i32>} : memref<40x128xf32, #tpu.memory_space<vmem>>, vector<1x16xf32>,
        %mul3A_387 = arith.constant 2 : i32
        %mul3A_388 = arith.muli %mul3A_387, %scan3A_350 : i32
        %add3A_389 = arith.constant 0 : i32
        %add3A_390 = arith.addi %mul3A_388, %add3A_389 : i32
        %mul3A_391 = arith.constant 2 : i32
        %mul3A_392 = arith.muli %mul3A_391, %scan3A_350 : i32
        %add3A_393 = arith.constant 160 : i32
        %add3A_394 = arith.addi %add3A_393, %mul3A_392 : i32
        %add3A_395 = arith.constant 0 : i32
        %add3A_396 = arith.addi %add3A_394, %add3A_395 : i32
        %get3A_397 = arith.index_cast %add3A_396 : i32 to index
        %get3A_398 = arith.constant 32 : index
        %get3A_399 = tpu.vector_load %arg12[%get3A_397, %get3A_398] {strides = array<i32>} : memref<200x128xf32, #tpu.memory_space<vmem>>, vector<1x16xf32>,
        %get3A_400 = vector.shape_cast %get3A_399 : vector<1x16xf32> to vector<16xf32>
        %swap3A_401 = arith.index_cast %add3A_390 : i32 to index
        %swap3A_402 = arith.constant 32 : index
        %swap3A_403 = tpu.vector_load %arg11[%swap3A_401, %swap3A_402] {strides = array<i32>} : memref<40x128xf32, #tpu.memory_space<vmem>>, vector<1x16xf32>,
        %swap3A_404 = vector.shape_cast %swap3A_403 : vector<1x16xf32> to vector<16xf32>
        %swap3A_405 = vector.shape_cast %get3A_400 : vector<16xf32> to vector<1x16xf32>
        tpu.vector_store %arg11[%swap3A_401, %swap3A_402], %swap3A_405 {add = true, strides = array<i32>} : memref<40x128xf32, #tpu.memory_space<vmem>>, vector<1x16xf32>,
        %mul3A_406 = arith.constant 2 : i32
        %mul3A_407 = arith.muli %mul3A_406, %scan3A_350 : i32
        %add3A_408 = arith.constant 0 : i32
        %add3A_409 = arith.addi %mul3A_407, %add3A_408 : i32
        %mul3A_410 = arith.constant 2 : i32
        %mul3A_411 = arith.muli %mul3A_410, %scan3A_350 : i32
        %add3A_412 = arith.constant 160 : i32
        %add3A_413 = arith.addi %add3A_412, %mul3A_411 : i32
        %add3A_414 = arith.constant 0 : i32
        %add3A_415 = arith.addi %add3A_413, %add3A_414 : i32
        %get3A_416 = arith.index_cast %add3A_415 : i32 to index
        %get3A_417 = arith.constant 48 : index
        %get3A_418 = tpu.vector_load %arg12[%get3A_416, %get3A_417] {strides = array<i32>} : memref<200x128xf32, #tpu.memory_space<vmem>>, vector<1x16xf32>,
        %get3A_419 = vector.shape_cast %get3A_418 : vector<1x16xf32> to vector<16xf32>
        %swap3A_420 = arith.index_cast %add3A_409 : i32 to index
        %swap3A_421 = arith.constant 48 : index
        %swap3A_422 = tpu.vector_load %arg11[%swap3A_420, %swap3A_421] {strides = array<i32>} : memref<40x128xf32, #tpu.memory_space<vmem>>, vector<1x16xf32>,
        %swap3A_423 = vector.shape_cast %swap3A_422 : vector<1x16xf32> to vector<16xf32>
        %swap3A_424 = vector.shape_cast %get3A_419 : vector<16xf32> to vector<1x16xf32>
        tpu.vector_store %arg11[%swap3A_420, %swap3A_421], %swap3A_424 {add = true, strides = array<i32>} : memref<40x128xf32, #tpu.memory_space<vmem>>, vector<1x16xf32>,
        %mul3A_425 = arith.constant 2 : i32
        %mul3A_426 = arith.muli %mul3A_425, %scan3A_350 : i32
        %add3A_427 = arith.constant 0 : i32
        %add3A_428 = arith.addi %mul3A_426, %add3A_427 : i32
        %mul3A_429 = arith.constant 2 : i32
        %mul3A_430 = arith.muli %mul3A_429, %scan3A_350 : i32
        %add3A_431 = arith.constant 160 : i32
        %add3A_432 = arith.addi %add3A_431, %mul3A_430 : i32
        %add3A_433 = arith.constant 0 : i32
        %add3A_434 = arith.addi %add3A_432, %add3A_433 : i32
        %get3A_435 = arith.index_cast %add3A_434 : i32 to index
        %get3A_436 = arith.constant 64 : index
        %get3A_437 = tpu.vector_load %arg12[%get3A_435, %get3A_436] {strides = array<i32>} : memref<200x128xf32, #tpu.memory_space<vmem>>, vector<1x16xf32>,
        %get3A_438 = vector.shape_cast %get3A_437 : vector<1x16xf32> to vector<16xf32>
        %swap3A_439 = arith.index_cast %add3A_428 : i32 to index
        %swap3A_440 = arith.constant 64 : index
        %swap3A_441 = tpu.vector_load %arg11[%swap3A_439, %swap3A_440] {strides = array<i32>} : memref<40x128xf32, #tpu.memory_space<vmem>>, vector<1x16xf32>,
        %swap3A_442 = vector.shape_cast %swap3A_441 : vector<1x16xf32> to vector<16xf32>
        %swap3A_443 = vector.shape_cast %get3A_438 : vector<16xf32> to vector<1x16xf32>
        tpu.vector_store %arg11[%swap3A_439, %swap3A_440], %swap3A_443 {add = true, strides = array<i32>} : memref<40x128xf32, #tpu.memory_space<vmem>>, vector<1x16xf32>,
        %mul3A_444 = arith.constant 2 : i32
        %mul3A_445 = arith.muli %mul3A_444, %scan3A_350 : i32
        %add3A_446 = arith.constant 0 : i32
        %add3A_447 = arith.addi %mul3A_445, %add3A_446 : i32
        %mul3A_448 = arith.constant 2 : i32
        %mul3A_449 = arith.muli %mul3A_448, %scan3A_350 : i32
        %add3A_450 = arith.constant 160 : i32
        %add3A_451 = arith.addi %add3A_450, %mul3A_449 : i32
        %add3A_452 = arith.constant 0 : i32
        %add3A_453 = arith.addi %add3A_451, %add3A_452 : i32
        %get3A_454 = arith.index_cast %add3A_453 : i32 to index
        %get3A_455 = arith.constant 80 : index
        %get3A_456 = tpu.vector_load %arg12[%get3A_454, %get3A_455] {strides = array<i32>} : memref<200x128xf32, #tpu.memory_space<vmem>>, vector<1x16xf32>,
        %get3A_457 = vector.shape_cast %get3A_456 : vector<1x16xf32> to vector<16xf32>
        %swap3A_458 = arith.index_cast %add3A_447 : i32 to index
        %swap3A_459 = arith.constant 80 : index
        %swap3A_460 = tpu.vector_load %arg11[%swap3A_458, %swap3A_459] {strides = array<i32>} : memref<40x128xf32, #tpu.memory_space<vmem>>, vector<1x16xf32>,
        %swap3A_461 = vector.shape_cast %swap3A_460 : vector<1x16xf32> to vector<16xf32>
        %swap3A_462 = vector.shape_cast %get3A_457 : vector<16xf32> to vector<1x16xf32>
        tpu.vector_store %arg11[%swap3A_458, %swap3A_459], %swap3A_462 {add = true, strides = array<i32>} : memref<40x128xf32, #tpu.memory_space<vmem>>, vector<1x16xf32>,
        %mul3A_463 = arith.constant 2 : i32
        %mul3A_464 = arith.muli %mul3A_463, %scan3A_350 : i32
        %add3A_465 = arith.constant 0 : i32
        %add3A_466 = arith.addi %mul3A_464, %add3A_465 : i32
        %mul3A_467 = arith.constant 2 : i32
        %mul3A_468 = arith.muli %mul3A_467, %scan3A_350 : i32
        %add3A_469 = arith.constant 160 : i32
        %add3A_470 = arith.addi %add3A_469, %mul3A_468 : i32
        %add3A_471 = arith.constant 0 : i32
        %add3A_472 = arith.addi %add3A_470, %add3A_471 : i32
        %get3A_473 = arith.index_cast %add3A_472 : i32 to index
        %get3A_474 = arith.constant 96 : index
        %get3A_475 = tpu.vector_load %arg12[%get3A_473, %get3A_474] {strides = array<i32>} : memref<200x128xf32, #tpu.memory_space<vmem>>, vector<1x16xf32>,
        %get3A_476 = vector.shape_cast %get3A_475 : vector<1x16xf32> to vector<16xf32>
        %swap3A_477 = arith.index_cast %add3A_466 : i32 to index
        %swap3A_478 = arith.constant 96 : index
        %swap3A_479 = tpu.vector_load %arg11[%swap3A_477, %swap3A_478] {strides = array<i32>} : memref<40x128xf32, #tpu.memory_space<vmem>>, vector<1x16xf32>,
        %swap3A_480 = vector.shape_cast %swap3A_479 : vector<1x16xf32> to vector<16xf32>
        %swap3A_481 = vector.shape_cast %get3A_476 : vector<16xf32> to vector<1x16xf32>
        tpu.vector_store %arg11[%swap3A_477, %swap3A_478], %swap3A_481 {add = true, strides = array<i32>} : memref<40x128xf32, #tpu.memory_space<vmem>>, vector<1x16xf32>,
        %mul3A_482 = arith.constant 2 : i32
        %mul3A_483 = arith.muli %mul3A_482, %scan3A_350 : i32
        %add3A_484 = arith.constant 0 : i32
        %add3A_485 = arith.addi %mul3A_483, %add3A_484 : i32
        %mul3A_486 = arith.constant 2 : i32
        %mul3A_487 = arith.muli %mul3A_486, %scan3A_350 : i32
        %add3A_488 = arith.constant 160 : i32
        %add3A_489 = arith.addi %add3A_488, %mul3A_487 : i32
        %add3A_490 = arith.constant 0 : i32
        %add3A_491 = arith.addi %add3A_489, %add3A_490 : i32
        %get3A_492 = arith.index_cast %add3A_491 : i32 to index
        %get3A_493 = arith.constant 112 : index
        %get3A_494 = tpu.vector_load %arg12[%get3A_492, %get3A_493] {strides = array<i32>} : memref<200x128xf32, #tpu.memory_space<vmem>>, vector<1x16xf32>,
        %get3A_495 = vector.shape_cast %get3A_494 : vector<1x16xf32> to vector<16xf32>
        %swap3A_496 = arith.index_cast %add3A_485 : i32 to index
        %swap3A_497 = arith.constant 112 : index
        %swap3A_498 = tpu.vector_load %arg11[%swap3A_496, %swap3A_497] {strides = array<i32>} : memref<40x128xf32, #tpu.memory_space<vmem>>, vector<1x16xf32>,
        %swap3A_499 = vector.shape_cast %swap3A_498 : vector<1x16xf32> to vector<16xf32>
        %swap3A_500 = vector.shape_cast %get3A_495 : vector<16xf32> to vector<1x16xf32>
        tpu.vector_store %arg11[%swap3A_496, %swap3A_497], %swap3A_500 {add = true, strides = array<i32>} : memref<40x128xf32, #tpu.memory_space<vmem>>, vector<1x16xf32>,
        %mul3A_501 = arith.constant 2 : i32
        %mul3A_502 = arith.muli %mul3A_501, %scan3A_350 : i32
        %add3A_503 = arith.constant 1 : i32
        %add3A_504 = arith.addi %mul3A_502, %add3A_503 : i32
        %mul3A_505 = arith.constant 2 : i32
        %mul3A_506 = arith.muli %mul3A_505, %scan3A_350 : i32
        %add3A_507 = arith.constant 160 : i32
        %add3A_508 = arith.addi %add3A_507, %mul3A_506 : i32
        %add3A_509 = arith.constant 1 : i32
        %add3A_510 = arith.addi %add3A_508, %add3A_509 : i32
        %get3A_511 = arith.index_cast %add3A_510 : i32 to index
        %get3A_512 = arith.constant 0 : index
        %get3A_513 = tpu.vector_load %arg12[%get3A_511, %get3A_512] {strides = array<i32>} : memref<200x128xf32, #tpu.memory_space<vmem>>, vector<1x16xf32>,
        %get3A_514 = vector.shape_cast %get3A_513 : vector<1x16xf32> to vector<16xf32>
        %swap3A_515 = arith.index_cast %add3A_504 : i32 to index
        %swap3A_516 = arith.constant 0 : index
        %swap3A_517 = tpu.vector_load %arg11[%swap3A_515, %swap3A_516] {strides = array<i32>} : memref<40x128xf32, #tpu.memory_space<vmem>>, vector<1x16xf32>,
        %swap3A_518 = vector.shape_cast %swap3A_517 : vector<1x16xf32> to vector<16xf32>
        %swap3A_519 = vector.shape_cast %get3A_514 : vector<16xf32> to vector<1x16xf32>
        tpu.vector_store %arg11[%swap3A_515, %swap3A_516], %swap3A_519 {add = true, strides = array<i32>} : memref<40x128xf32, #tpu.memory_space<vmem>>, vector<1x16xf32>,
        %mul3A_520 = arith.constant 2 : i32
        %mul3A_521 = arith.muli %mul3A_520, %scan3A_350 : i32
        %add3A_522 = arith.constant 1 : i32
        %add3A_523 = arith.addi %mul3A_521, %add3A_522 : i32
        %mul3A_524 = arith.constant 2 : i32
        %mul3A_525 = arith.muli %mul3A_524, %scan3A_350 : i32
        %add3A_526 = arith.constant 160 : i32
        %add3A_527 = arith.addi %add3A_526, %mul3A_525 : i32
        %add3A_528 = arith.constant 1 : i32
        %add3A_529 = arith.addi %add3A_527, %add3A_528 : i32
        %get3A_530 = arith.index_cast %add3A_529 : i32 to index
        %get3A_531 = arith.constant 16 : index
        %get3A_532 = tpu.vector_load %arg12[%get3A_530, %get3A_531] {strides = array<i32>} : memref<200x128xf32, #tpu.memory_space<vmem>>, vector<1x16xf32>,
        %get3A_533 = vector.shape_cast %get3A_532 : vector<1x16xf32> to vector<16xf32>
        %swap3A_534 = arith.index_cast %add3A_523 : i32 to index
        %swap3A_535 = arith.constant 16 : index
        %swap3A_536 = tpu.vector_load %arg11[%swap3A_534, %swap3A_535] {strides = array<i32>} : memref<40x128xf32, #tpu.memory_space<vmem>>, vector<1x16xf32>,
        %swap3A_537 = vector.shape_cast %swap3A_536 : vector<1x16xf32> to vector<16xf32>
        %swap3A_538 = vector.shape_cast %get3A_533 : vector<16xf32> to vector<1x16xf32>
        tpu.vector_store %arg11[%swap3A_534, %swap3A_535], %swap3A_538 {add = true, strides = array<i32>} : memref<40x128xf32, #tpu.memory_space<vmem>>, vector<1x16xf32>,
        %mul3A_539 = arith.constant 2 : i32
        %mul3A_540 = arith.muli %mul3A_539, %scan3A_350 : i32
        %add3A_541 = arith.constant 1 : i32
        %add3A_542 = arith.addi %mul3A_540, %add3A_541 : i32
        %mul3A_543 = arith.constant 2 : i32
        %mul3A_544 = arith.muli %mul3A_543, %scan3A_350 : i32
        %add3A_545 = arith.constant 160 : i32
        %add3A_546 = arith.addi %add3A_545, %mul3A_544 : i32
        %add3A_547 = arith.constant 1 : i32
        %add3A_548 = arith.addi %add3A_546, %add3A_547 : i32
        %get3A_549 = arith.index_cast %add3A_548 : i32 to index
        %get3A_550 = arith.constant 32 : index
        %get3A_551 = tpu.vector_load %arg12[%get3A_549, %get3A_550] {strides = array<i32>} : memref<200x128xf32, #tpu.memory_space<vmem>>, vector<1x16xf32>,
        %get3A_552 = vector.shape_cast %get3A_551 : vector<1x16xf32> to vector<16xf32>
        %swap3A_553 = arith.index_cast %add3A_542 : i32 to index
        %swap3A_554 = arith.constant 32 : index
        %swap3A_555 = tpu.vector_load %arg11[%swap3A_553, %swap3A_554] {strides = array<i32>} : memref<40x128xf32, #tpu.memory_space<vmem>>, vector<1x16xf32>,
        %swap3A_556 = vector.shape_cast %swap3A_555 : vector<1x16xf32> to vector<16xf32>
        %swap3A_557 = vector.shape_cast %get3A_552 : vector<16xf32> to vector<1x16xf32>
        tpu.vector_store %arg11[%swap3A_553, %swap3A_554], %swap3A_557 {add = true, strides = array<i32>} : memref<40x128xf32, #tpu.memory_space<vmem>>, vector<1x16xf32>,
        %mul3A_558 = arith.constant 2 : i32
        %mul3A_559 = arith.muli %mul3A_558, %scan3A_350 : i32
        %add3A_560 = arith.constant 1 : i32
        %add3A_561 = arith.addi %mul3A_559, %add3A_560 : i32
        %mul3A_562 = arith.constant 2 : i32
        %mul3A_563 = arith.muli %mul3A_562, %scan3A_350 : i32
        %add3A_564 = arith.constant 160 : i32
        %add3A_565 = arith.addi %add3A_564, %mul3A_563 : i32
        %add3A_566 = arith.constant 1 : i32
        %add3A_567 = arith.addi %add3A_565, %add3A_566 : i32
        %get3A_568 = arith.index_cast %add3A_567 : i32 to index
        %get3A_569 = arith.constant 48 : index
        %get3A_570 = tpu.vector_load %arg12[%get3A_568, %get3A_569] {strides = array<i32>} : memref<200x128xf32, #tpu.memory_space<vmem>>, vector<1x16xf32>,
        %get3A_571 = vector.shape_cast %get3A_570 : vector<1x16xf32> to vector<16xf32>
        %swap3A_572 = arith.index_cast %add3A_561 : i32 to index
        %swap3A_573 = arith.constant 48 : index
        %swap3A_574 = tpu.vector_load %arg11[%swap3A_572, %swap3A_573] {strides = array<i32>} : memref<40x128xf32, #tpu.memory_space<vmem>>, vector<1x16xf32>,
        %swap3A_575 = vector.shape_cast %swap3A_574 : vector<1x16xf32> to vector<16xf32>
        %swap3A_576 = vector.shape_cast %get3A_571 : vector<16xf32> to vector<1x16xf32>
        tpu.vector_store %arg11[%swap3A_572, %swap3A_573], %swap3A_576 {add = true, strides = array<i32>} : memref<40x128xf32, #tpu.memory_space<vmem>>, vector<1x16xf32>,
        %mul3A_577 = arith.constant 2 : i32
        %mul3A_578 = arith.muli %mul3A_577, %scan3A_350 : i32
        %add3A_579 = arith.constant 1 : i32
        %add3A_580 = arith.addi %mul3A_578, %add3A_579 : i32
        %mul3A_581 = arith.constant 2 : i32
        %mul3A_582 = arith.muli %mul3A_581, %scan3A_350 : i32
        %add3A_583 = arith.constant 160 : i32
        %add3A_584 = arith.addi %add3A_583, %mul3A_582 : i32
        %add3A_585 = arith.constant 1 : i32
        %add3A_586 = arith.addi %add3A_584, %add3A_585 : i32
        %get3A_587 = arith.index_cast %add3A_586 : i32 to index
        %get3A_588 = arith.constant 64 : index
        %get3A_589 = tpu.vector_load %arg12[%get3A_587, %get3A_588] {strides = array<i32>} : memref<200x128xf32, #tpu.memory_space<vmem>>, vector<1x16xf32>,
        %get3A_590 = vector.shape_cast %get3A_589 : vector<1x16xf32> to vector<16xf32>
        %swap3A_591 = arith.index_cast %add3A_580 : i32 to index
        %swap3A_592 = arith.constant 64 : index
        %swap3A_593 = tpu.vector_load %arg11[%swap3A_591, %swap3A_592] {strides = array<i32>} : memref<40x128xf32, #tpu.memory_space<vmem>>, vector<1x16xf32>,
        %swap3A_594 = vector.shape_cast %swap3A_593 : vector<1x16xf32> to vector<16xf32>
        %swap3A_595 = vector.shape_cast %get3A_590 : vector<16xf32> to vector<1x16xf32>
        tpu.vector_store %arg11[%swap3A_591, %swap3A_592], %swap3A_595 {add = true, strides = array<i32>} : memref<40x128xf32, #tpu.memory_space<vmem>>, vector<1x16xf32>,
        %mul3A_596 = arith.constant 2 : i32
        %mul3A_597 = arith.muli %mul3A_596, %scan3A_350 : i32
        %add3A_598 = arith.constant 1 : i32
        %add3A_599 = arith.addi %mul3A_597, %add3A_598 : i32
        %mul3A_600 = arith.constant 2 : i32
        %mul3A_601 = arith.muli %mul3A_600, %scan3A_350 : i32
        %add3A_602 = arith.constant 160 : i32
        %add3A_603 = arith.addi %add3A_602, %mul3A_601 : i32
        %add3A_604 = arith.constant 1 : i32
        %add3A_605 = arith.addi %add3A_603, %add3A_604 : i32
        %get3A_606 = arith.index_cast %add3A_605 : i32 to index
        %get3A_607 = arith.constant 80 : index
        %get3A_608 = tpu.vector_load %arg12[%get3A_606, %get3A_607] {strides = array<i32>} : memref<200x128xf32, #tpu.memory_space<vmem>>, vector<1x16xf32>,
        %get3A_609 = vector.shape_cast %get3A_608 : vector<1x16xf32> to vector<16xf32>
        %swap3A_610 = arith.index_cast %add3A_599 : i32 to index
        %swap3A_611 = arith.constant 80 : index
        %swap3A_612 = tpu.vector_load %arg11[%swap3A_610, %swap3A_611] {strides = array<i32>} : memref<40x128xf32, #tpu.memory_space<vmem>>, vector<1x16xf32>,
        %swap3A_613 = vector.shape_cast %swap3A_612 : vector<1x16xf32> to vector<16xf32>
        %swap3A_614 = vector.shape_cast %get3A_609 : vector<16xf32> to vector<1x16xf32>
        tpu.vector_store %arg11[%swap3A_610, %swap3A_611], %swap3A_614 {add = true, strides = array<i32>} : memref<40x128xf32, #tpu.memory_space<vmem>>, vector<1x16xf32>,
        %mul3A_615 = arith.constant 2 : i32
        %mul3A_616 = arith.muli %mul3A_615, %scan3A_350 : i32
        %add3A_617 = arith.constant 1 : i32
        %add3A_618 = arith.addi %mul3A_616, %add3A_617 : i32
        %mul3A_619 = arith.constant 2 : i32
        %mul3A_620 = arith.muli %mul3A_619, %scan3A_350 : i32
        %add3A_621 = arith.constant 160 : i32
        %add3A_622 = arith.addi %add3A_621, %mul3A_620 : i32
        %add3A_623 = arith.constant 1 : i32
        %add3A_624 = arith.addi %add3A_622, %add3A_623 : i32
        %get3A_625 = arith.index_cast %add3A_624 : i32 to index
        %get3A_626 = arith.constant 96 : index
        %get3A_627 = tpu.vector_load %arg12[%get3A_625, %get3A_626] {strides = array<i32>} : memref<200x128xf32, #tpu.memory_space<vmem>>, vector<1x16xf32>,
        %get3A_628 = vector.shape_cast %get3A_627 : vector<1x16xf32> to vector<16xf32>
        %swap3A_629 = arith.index_cast %add3A_618 : i32 to index
        %swap3A_630 = arith.constant 96 : index
        %swap3A_631 = tpu.vector_load %arg11[%swap3A_629, %swap3A_630] {strides = array<i32>} : memref<40x128xf32, #tpu.memory_space<vmem>>, vector<1x16xf32>,
        %swap3A_632 = vector.shape_cast %swap3A_631 : vector<1x16xf32> to vector<16xf32>
        %swap3A_633 = vector.shape_cast %get3A_628 : vector<16xf32> to vector<1x16xf32>
        tpu.vector_store %arg11[%swap3A_629, %swap3A_630], %swap3A_633 {add = true, strides = array<i32>} : memref<40x128xf32, #tpu.memory_space<vmem>>, vector<1x16xf32>,
        %mul3A_634 = arith.constant 2 : i32
        %mul3A_635 = arith.muli %mul3A_634, %scan3A_350 : i32
        %add3A_636 = arith.constant 1 : i32
        %add3A_637 = arith.addi %mul3A_635, %add3A_636 : i32
        %mul3A_638 = arith.constant 2 : i32
        %mul3A_639 = arith.muli %mul3A_638, %scan3A_350 : i32
        %add3A_640 = arith.constant 160 : i32
        %add3A_641 = arith.addi %add3A_640, %mul3A_639 : i32
        %add3A_642 = arith.constant 1 : i32
        %add3A_643 = arith.addi %add3A_641, %add3A_642 : i32
        %get3A_644 = arith.index_cast %add3A_643 : i32 to index
        %get3A_645 = arith.constant 112 : index
        %get3A_646 = tpu.vector_load %arg12[%get3A_644, %get3A_645] {strides = array<i32>} : memref<200x128xf32, #tpu.memory_space<vmem>>, vector<1x16xf32>,
        %get3A_647 = vector.shape_cast %get3A_646 : vector<1x16xf32> to vector<16xf32>
        %swap3A_648 = arith.index_cast %add3A_637 : i32 to index
        %swap3A_649 = arith.constant 112 : index
        %swap3A_650 = tpu.vector_load %arg11[%swap3A_648, %swap3A_649] {strides = array<i32>} : memref<40x128xf32, #tpu.memory_space<vmem>>, vector<1x16xf32>,
        %swap3A_651 = vector.shape_cast %swap3A_650 : vector<1x16xf32> to vector<16xf32>
        %swap3A_652 = vector.shape_cast %get3A_647 : vector<16xf32> to vector<1x16xf32>
        tpu.vector_store %arg11[%swap3A_648, %swap3A_649], %swap3A_652 {add = true, strides = array<i32>} : memref<40x128xf32, #tpu.memory_space<vmem>>, vector<1x16xf32>,
      }
      %scan3A_321 = arith.constant 20 : i32
      %mul3A_322 = arith.constant 128 : i32
      %mul3A_323 = arith.muli %add3A, %mul3A_322 : i32
      %add3A_324 = arith.constant 64 : i32
      %add3A_325 = arith.addi %mul3A_323, %add3A_324 : i32
      %add3A_326 = arith.addi %add3A_325, %scan3A_134 : i32
      %dma_start3A_327 = arith.constant 160 : i32
      %dma_start3A_328 = arith.constant 0 : i32
      %dma_start3A_329 = tpu.memref_slice %arg5[%add3A_326, %dma_start3A_327, %dma_start3A_328] : memref<4096x200x128xf32, #tpu.memory_space<hbm>> -> memref<1x40x128xf32, #tpu.memory_space<hbm>>
      %dma_start3A_330 = tpu.memref_squeeze %dma_start3A_329 : memref<1x40x128xf32, #tpu.memory_space<hbm>> -> memref<40x128xf32, #tpu.memory_space<hbm>>
      %dma_start3A_331 = arith.constant 160 : i32
      %dma_start3A_332 = arith.constant 0 : i32
      %dma_start3A_333 = tpu.memref_slice %arg5[%add3A_326, %dma_start3A_331, %dma_start3A_332] : memref<4096x200x128xf32, #tpu.memory_space<hbm>> -> memref<1x40x128xf32, #tpu.memory_space<hbm>>
      %dma_start3A_334 = tpu.memref_squeeze %dma_start3A_333 : memref<1x40x128xf32, #tpu.memory_space<hbm>> -> memref<40x128xf32, #tpu.memory_space<hbm>>
      tpu.enqueue_dma source(%arg11 : memref<40x128xf32, #tpu.memory_space<vmem>>) target(%dma_start3A_334 : memref<40x128xf32, #tpu.memory_space<hbm>>) target_semaphore(%arg22 : memref<!tpu.dma_semaphore, #tpu.memory_space<semaphore_mem>>)
      %add3A_335 = arith.constant 2 : i32
      %add3A_336 = arith.addi %add3A_309, %add3A_335 : i32
      %ge3A_337 = arith.constant 5 : i32
      %ge3A_338 = arith.cmpi sge, %add3A_336, %ge3A_337 : i32
      %lt3A_339 = arith.constant 320 : i32
      %lt3A_340 = arith.cmpi slt, %add3A_336, %lt3A_339 : i32
      %and3A_341 = arith.andi %ge3A_338, %lt3A_340 : i1
      %convert_element_type3A_342 = arith.extui %and3A_341 : i1 to i32
      %cond3A_343 = arith.constant 0 : i32
      %cond3A_344 = arith.cmpi ne, %convert_element_type3A_342, %cond3A_343 : i32
      scf.if %cond3A_344 {
        %dma_wait3A_350 = arith.constant 0 : i32
        %dma_wait3A_351 = arith.constant 0 : i32
        %dma_wait3A_352 = arith.constant 0 : i32
        %dma_wait3A_353 = tpu.memref_slice %arg5[%dma_wait3A_350, %dma_wait3A_351, %dma_wait3A_352] : memref<4096x200x128xf32, #tpu.memory_space<hbm>> -> memref<1x40x128xf32, #tpu.memory_space<hbm>>
        %dma_wait3A_354 = tpu.memref_squeeze %dma_wait3A_353 : memref<1x40x128xf32, #tpu.memory_space<hbm>> -> memref<40x128xf32, #tpu.memory_space<hbm>>
        %dma_wait3A_355 = arith.constant 0 : i32
        %dma_wait3A_356 = arith.constant 0 : i32
        %dma_wait3A_357 = tpu.memref_slice %arg5[%dma_wait3A_350, %dma_wait3A_355, %dma_wait3A_356] : memref<4096x200x128xf32, #tpu.memory_space<hbm>> -> memref<1x40x128xf32, #tpu.memory_space<hbm>>
        %dma_wait3A_358 = tpu.memref_squeeze %dma_wait3A_357 : memref<1x40x128xf32, #tpu.memory_space<hbm>> -> memref<40x128xf32, #tpu.memory_space<hbm>>
        tpu.wait_dma2 semaphore(%arg19 : memref<!tpu.dma_semaphore, #tpu.memory_space<semaphore_mem>>) src(%arg8 : memref<40x128xf32, #tpu.memory_space<vmem>>) dst(%dma_wait3A_358 : memref<40x128xf32, #tpu.memory_space<hbm>>)
      } else {
      }
      %lt3A_345 = arith.constant 320 : i32
      %lt3A_346 = arith.cmpi slt, %add3A_336, %lt3A_345 : i32
      %convert_element_type3A_347 = arith.extui %lt3A_346 : i1 to i32
      %cond3A_348 = arith.constant 0 : i32
      %cond3A_349 = arith.cmpi ne, %convert_element_type3A_347, %cond3A_348 : i32
      scf.if %cond3A_349 {
        %dma_start3A_350 = arith.constant 0 : i32
        %dma_start3A_351 = tpu.memref_slice %arg6[%add3A_336, %dma_start3A_350] : memref<320x40xi32, #tpu.memory_space<vmem>> -> memref<1x40xi32, #tpu.memory_space<vmem>>
        %dma_start3A_352 = tpu.memref_squeeze %dma_start3A_351 : memref<1x40xi32, #tpu.memory_space<vmem>> -> memref<40xi32, #tpu.memory_space<vmem>>
        %dma_start3A_353 = arith.constant 0 : i32
        %dma_start3A_354 = arith.constant 0 : i32
        %dma_start3A_355 = tpu.memref_slice %arg3[%dma_start3A_353, %dma_start3A_354] : memref<100000x128xf32, #tpu.memory_space<hbm>> -> memref<100000x128xf32, #tpu.memory_space<hbm>>
        tpu.enqueue_indirect_dma source(%dma_start3A_355 : memref<100000x128xf32, #tpu.memory_space<hbm>>) target(%arg8 : memref<40x128xf32, #tpu.memory_space<vmem>>) offsets(%dma_start3A_352 : memref<40xi32, #tpu.memory_space<vmem>>) semaphore(%arg14 : memref<!tpu.dma_semaphore, #tpu.memory_space<semaphore_mem>>)
      } else {
      }
    }
    %scan3A_88 = arith.constant 64 : i32
    %dma_wait3A_89 = arith.constant 0 : i32
    %dma_wait3A_90 = arith.constant 0 : i32
    %dma_wait3A_91 = arith.constant 0 : i32
    %dma_wait3A_92 = tpu.memref_slice %arg5[%dma_wait3A_89, %dma_wait3A_90, %dma_wait3A_91] : memref<4096x200x128xf32, #tpu.memory_space<hbm>> -> memref<1x40x128xf32, #tpu.memory_space<hbm>>
    %dma_wait3A_93 = tpu.memref_squeeze %dma_wait3A_92 : memref<1x40x128xf32, #tpu.memory_space<hbm>> -> memref<40x128xf32, #tpu.memory_space<hbm>>
    %dma_wait3A_94 = arith.constant 0 : i32
    %dma_wait3A_95 = arith.constant 0 : i32
    %dma_wait3A_96 = tpu.memref_slice %arg5[%dma_wait3A_89, %dma_wait3A_94, %dma_wait3A_95] : memref<4096x200x128xf32, #tpu.memory_space<hbm>> -> memref<1x40x128xf32, #tpu.memory_space<hbm>>
    %dma_wait3A_97 = tpu.memref_squeeze %dma_wait3A_96 : memref<1x40x128xf32, #tpu.memory_space<hbm>> -> memref<40x128xf32, #tpu.memory_space<hbm>>
    tpu.wait_dma2 semaphore(%arg18 : memref<!tpu.dma_semaphore, #tpu.memory_space<semaphore_mem>>) src(%arg7 : memref<40x128xf32, #tpu.memory_space<vmem>>) dst(%dma_wait3A_97 : memref<40x128xf32, #tpu.memory_space<hbm>>)
    %dma_wait3A_98 = arith.constant 0 : i32
    %dma_wait3A_99 = arith.constant 0 : i32
    %dma_wait3A_100 = arith.constant 0 : i32
    %dma_wait3A_101 = tpu.memref_slice %arg5[%dma_wait3A_98, %dma_wait3A_99, %dma_wait3A_100] : memref<4096x200x128xf32, #tpu.memory_space<hbm>> -> memref<1x40x128xf32, #tpu.memory_space<hbm>>
    %dma_wait3A_102 = tpu.memref_squeeze %dma_wait3A_101 : memref<1x40x128xf32, #tpu.memory_space<hbm>> -> memref<40x128xf32, #tpu.memory_space<hbm>>
    %dma_wait3A_103 = arith.constant 0 : i32
    %dma_wait3A_104 = arith.constant 0 : i32
    %dma_wait3A_105 = tpu.memref_slice %arg5[%dma_wait3A_98, %dma_wait3A_103, %dma_wait3A_104] : memref<4096x200x128xf32, #tpu.memory_space<hbm>> -> memref<1x40x128xf32, #tpu.memory_space<hbm>>
    %dma_wait3A_106 = tpu.memref_squeeze %dma_wait3A_105 : memref<1x40x128xf32, #tpu.memory_space<hbm>> -> memref<40x128xf32, #tpu.memory_space<hbm>>
    tpu.wait_dma2 semaphore(%arg19 : memref<!tpu.dma_semaphore, #tpu.memory_space<semaphore_mem>>) src(%arg8 : memref<40x128xf32, #tpu.memory_space<vmem>>) dst(%dma_wait3A_106 : memref<40x128xf32, #tpu.memory_space<hbm>>)
    %dma_wait3A_107 = arith.constant 0 : i32
    %dma_wait3A_108 = arith.constant 0 : i32
    %dma_wait3A_109 = arith.constant 0 : i32
    %dma_wait3A_110 = tpu.memref_slice %arg5[%dma_wait3A_107, %dma_wait3A_108, %dma_wait3A_109] : memref<4096x200x128xf32, #tpu.memory_space<hbm>> -> memref<1x40x128xf32, #tpu.memory_space<hbm>>
    %dma_wait3A_111 = tpu.memref_squeeze %dma_wait3A_110 : memref<1x40x128xf32, #tpu.memory_space<hbm>> -> memref<40x128xf32, #tpu.memory_space<hbm>>
    %dma_wait3A_112 = arith.constant 0 : i32
    %dma_wait3A_113 = arith.constant 0 : i32
    %dma_wait3A_114 = tpu.memref_slice %arg5[%dma_wait3A_107, %dma_wait3A_112, %dma_wait3A_113] : memref<4096x200x128xf32, #tpu.memory_space<hbm>> -> memref<1x40x128xf32, #tpu.memory_space<hbm>>
    %dma_wait3A_115 = tpu.memref_squeeze %dma_wait3A_114 : memref<1x40x128xf32, #tpu.memory_space<hbm>> -> memref<40x128xf32, #tpu.memory_space<hbm>>
    tpu.wait_dma2 semaphore(%arg20 : memref<!tpu.dma_semaphore, #tpu.memory_space<semaphore_mem>>) src(%arg9 : memref<40x128xf32, #tpu.memory_space<vmem>>) dst(%dma_wait3A_115 : memref<40x128xf32, #tpu.memory_space<hbm>>)
    %dma_wait3A_116 = arith.constant 0 : i32
    %dma_wait3A_117 = arith.constant 0 : i32
    %dma_wait3A_118 = arith.constant 0 : i32
    %dma_wait3A_119 = tpu.memref_slice %arg5[%dma_wait3A_116, %dma_wait3A_117, %dma_wait3A_118] : memref<4096x200x128xf32, #tpu.memory_space<hbm>> -> memref<1x40x128xf32, #tpu.memory_space<hbm>>
    %dma_wait3A_120 = tpu.memref_squeeze %dma_wait3A_119 : memref<1x40x128xf32, #tpu.memory_space<hbm>> -> memref<40x128xf32, #tpu.memory_space<hbm>>
    %dma_wait3A_121 = arith.constant 0 : i32
    %dma_wait3A_122 = arith.constant 0 : i32
    %dma_wait3A_123 = tpu.memref_slice %arg5[%dma_wait3A_116, %dma_wait3A_121, %dma_wait3A_122] : memref<4096x200x128xf32, #tpu.memory_space<hbm>> -> memref<1x40x128xf32, #tpu.memory_space<hbm>>
    %dma_wait3A_124 = tpu.memref_squeeze %dma_wait3A_123 : memref<1x40x128xf32, #tpu.memory_space<hbm>> -> memref<40x128xf32, #tpu.memory_space<hbm>>
    tpu.wait_dma2 semaphore(%arg21 : memref<!tpu.dma_semaphore, #tpu.memory_space<semaphore_mem>>) src(%arg10 : memref<40x128xf32, #tpu.memory_space<vmem>>) dst(%dma_wait3A_124 : memref<40x128xf32, #tpu.memory_space<hbm>>)
    %dma_wait3A_125 = arith.constant 0 : i32
    %dma_wait3A_126 = arith.constant 0 : i32
    %dma_wait3A_127 = arith.constant 0 : i32
    %dma_wait3A_128 = tpu.memref_slice %arg5[%dma_wait3A_125, %dma_wait3A_126, %dma_wait3A_127] : memref<4096x200x128xf32, #tpu.memory_space<hbm>> -> memref<1x40x128xf32, #tpu.memory_space<hbm>>
    %dma_wait3A_129 = tpu.memref_squeeze %dma_wait3A_128 : memref<1x40x128xf32, #tpu.memory_space<hbm>> -> memref<40x128xf32, #tpu.memory_space<hbm>>
    %dma_wait3A_130 = arith.constant 0 : i32
    %dma_wait3A_131 = arith.constant 0 : i32
    %dma_wait3A_132 = tpu.memref_slice %arg5[%dma_wait3A_125, %dma_wait3A_130, %dma_wait3A_131] : memref<4096x200x128xf32, #tpu.memory_space<hbm>> -> memref<1x40x128xf32, #tpu.memory_space<hbm>>
    %dma_wait3A_133 = tpu.memref_squeeze %dma_wait3A_132 : memref<1x40x128xf32, #tpu.memory_space<hbm>> -> memref<40x128xf32, #tpu.memory_space<hbm>>
    tpu.wait_dma2 semaphore(%arg22 : memref<!tpu.dma_semaphore, #tpu.memory_space<semaphore_mem>>) src(%arg11 : memref<40x128xf32, #tpu.memory_space<vmem>>) dst(%dma_wait3A_133 : memref<40x128xf32, #tpu.memory_space<hbm>>)
    return
  }
}

module attributes {stable_mosaic.version = 14 : i64} {
  func.func @_pos_body(%arg0: memref<200x128xf32, #tpu.memory_space<vmem>>) attributes {dimension_semantics = [], scalar_prefetch = 0 : i64, scratch_operands = 0 : i64, tpu.core_type = #tpu.core_type<tc>} {
    %iota3A = tpu.iota {dimensions = array<i32: 0>} : vector<200x128xi32>
    %convert_element_type3A = arith.sitofp %iota3A : vector<200x128xi32> to vector<200x128xf32>
    %iota3A_0 = tpu.iota {dimensions = array<i32: 1>} : vector<200x128xi32>
    %jit3A = arith.constant 2 : i32
    %eq3A = arith.constant 0 : i32
    %eq3A_1 = arith.cmpi eq, %jit3A, %eq3A : i32
    %jit3A_2 = arith.constant 1 : i32
    %select_n3A = arith.select %eq3A_1, %jit3A_2, %jit3A : i32
    %rem3A = vector.broadcast %select_n3A : i32 to vector<200x128xi32>
    %rem3A_3 = arith.remsi %iota3A_0, %rem3A : vector<200x128xi32>
    %ne3A = arith.constant 0 : i32
    %ne3A_4 = vector.broadcast %ne3A : i32 to vector<200x128xi32>
    %ne3A_5 = arith.cmpi ne, %rem3A_3, %ne3A_4 : vector<200x128xi32>
    %lt3A = arith.constant 0 : i32
    %lt3A_6 = vector.broadcast %lt3A : i32 to vector<200x128xi32>
    %lt3A_7 = arith.cmpi slt, %rem3A_3, %lt3A_6 : vector<200x128xi32>
    %lt3A_8 = arith.constant 0 : i32
    %lt3A_9 = arith.cmpi slt, %select_n3A, %lt3A_8 : i32
    %ne3A_10 = vector.broadcast %lt3A_9 : i1 to vector<200x128xi1>
    %ne3A_11 = vector.broadcast %ne3A_10 : vector<200x128xi1> to vector<200x128xi1>
    %ne3A_12 = arith.xori %lt3A_7, %ne3A_11 : vector<200x128xi1>
    %and3A = arith.andi %ne3A_12, %ne3A_5 : vector<200x128xi1>
    %add3A = vector.broadcast %select_n3A : i32 to vector<200x128xi32>
    %add3A_13 = arith.addi %rem3A_3, %add3A : vector<200x128xi32>
    %select_n3A_14 = arith.select %and3A, %add3A_13, %rem3A_3 : vector<200x128xi1>, vector<200x128xi32>
    %sub3A = arith.subi %iota3A_0, %select_n3A_14 : vector<200x128xi32>
    %convert_element_type3A_15 = arith.sitofp %sub3A : vector<200x128xi32> to vector<200x128xf32>
    %mul3A = arith.constant -0.0719557852 : f32
    %mul3A_16 = vector.broadcast %mul3A : f32 to vector<200x128xf32>
    %mul3A_17 = arith.mulf %convert_element_type3A_15, %mul3A_16 : vector<200x128xf32>
    %exp3A = math.exp %mul3A_17 : vector<200x128xf32>
    %mul3A_18 = arith.mulf %convert_element_type3A, %exp3A : vector<200x128xf32>
    %jit3A_19 = arith.constant 2 : i32
    %eq3A_20 = arith.constant 0 : i32
    %eq3A_21 = arith.cmpi eq, %jit3A_19, %eq3A_20 : i32
    %jit3A_22 = arith.constant 1 : i32
    %select_n3A_23 = arith.select %eq3A_21, %jit3A_22, %jit3A_19 : i32
    %rem3A_24 = vector.broadcast %select_n3A_23 : i32 to vector<200x128xi32>
    %rem3A_25 = arith.remsi %iota3A_0, %rem3A_24 : vector<200x128xi32>
    %ne3A_26 = arith.constant 0 : i32
    %ne3A_27 = vector.broadcast %ne3A_26 : i32 to vector<200x128xi32>
    %ne3A_28 = arith.cmpi ne, %rem3A_25, %ne3A_27 : vector<200x128xi32>
    %lt3A_29 = arith.constant 0 : i32
    %lt3A_30 = vector.broadcast %lt3A_29 : i32 to vector<200x128xi32>
    %lt3A_31 = arith.cmpi slt, %rem3A_25, %lt3A_30 : vector<200x128xi32>
    %lt3A_32 = arith.constant 0 : i32
    %lt3A_33 = arith.cmpi slt, %select_n3A_23, %lt3A_32 : i32
    %ne3A_34 = vector.broadcast %lt3A_33 : i1 to vector<200x128xi1>
    %ne3A_35 = vector.broadcast %ne3A_34 : vector<200x128xi1> to vector<200x128xi1>
    %ne3A_36 = arith.xori %lt3A_31, %ne3A_35 : vector<200x128xi1>
    %and3A_37 = arith.andi %ne3A_36, %ne3A_28 : vector<200x128xi1>
    %add3A_38 = vector.broadcast %select_n3A_23 : i32 to vector<200x128xi32>
    %add3A_39 = arith.addi %rem3A_25, %add3A_38 : vector<200x128xi32>
    %select_n3A_40 = arith.select %and3A_37, %add3A_39, %rem3A_25 : vector<200x128xi1>, vector<200x128xi32>
    %eq3A_41 = arith.constant 0 : i32
    %eq3A_42 = vector.broadcast %eq3A_41 : i32 to vector<200x128xi32>
    %eq3A_43 = arith.cmpi eq, %select_n3A_40, %eq3A_42 : vector<200x128xi32>
    %sin3A = math.sin %mul3A_18 : vector<200x128xf32>
    %cos3A = math.cos %mul3A_18 : vector<200x128xf32>
    %select_n3A_44 = arith.select %eq3A_43, %sin3A, %cos3A : vector<200x128xi1>, vector<200x128xf32>
    %swap3A = arith.constant 0 : index
    %swap3A_45 = arith.constant 0 : index
    %swap3A_46 = vector.load %arg0[%swap3A, %swap3A_45] : memref<200x128xf32, #tpu.memory_space<vmem>>, vector<200x128xf32>
    tpu.vector_store %arg0[%swap3A, %swap3A_45], %select_n3A_44 {strides = array<i32>} : memref<200x128xf32, #tpu.memory_space<vmem>>, vector<200x128xf32>,
    return
  }
}

</mosaic_0001>

<sc_bundles>
// kernel: kernel.4.cloned.1.call-start
scs
__scs_entry_jumppad:
0x0: {  	(pc) =	sbr.rel $0x88, $3  }
0x1: {  	(tag) =	ssettag $0x0;
	lr =	simm.s32 $0x1  }
0x2: {  	[smem:$0x3F9F] =	sst lr;
	_ =	strace $0xD0000000  }
0x3: {  	_ = 	snop  }
0x4: {  	_ = 	snop  }
0x5: {  	_ = 	snop  }
0x6: {  	_ = 	snop  }
0x7: {  	_ = 	snop  }
__scs_overlays_trampoline_lowered:
0x8: {  	[smem:$0x3FAE] =	sst s0  }
0x9: {  	[smem:$0x3FAF] =	sst s1  }
0xa: {  	[smem:$0x3FB0] =	sst s2  }
0xb: {  	[smem:$0x3FB1] =	sst s3  }
0xc: {  	[smem:$0x3FB2] =	sst s4  }
0xd: {  	[smem:$0x3FB3] =	sst s5  }
0xe: {  	[smem:$0x3FB4] =	sst s6  }
0xf: {  	[smem:$0x3FB5] =	sst s7  }
0x10: {  	[smem:$0x3FB6] =	sst s8  }
0x11: {  	[smem:$0x3FB7] =	sst s9;
	s0 =	simm.s32 @!p0 $0x0  }
0x12: {  	s1 =	sld [smem:$0x3F9D];
	s0 =	simm.s32 @p0 $0x1  }
0x13: {  	[smem:$0x3FB8] =	sst s0;
	s0 =	simm.s32 @!p1 $0x0  }
0x14: {  	s2 =	sld [smem:$0x3F9C];
	s0 =	simm.s32 @p1 $0x1  }
0x15: {  	[smem:$0x3FB9] =	sst s0;
	s0 =	simm.s32 @!p2 $0x0  }
0x16: {  	s3 =	sld [smem:$0x3FDB];
	s0 =	simm.s32 @p2 $0x1  }
0x17: {  	s4 =	simm.s32 $0x1BF5;
	[smem:$0x3FBB] =	sst s0  }
0x18: {  	s0 =	sld [smem:$0x3F9E];
	_ =	swait.ge [sflag:s4], $0x0  }
0x19: {  	s7 =	sld [smem:$0x3F9F]  }
0x1a: {  	s8 =	sadd.s32 $0xFFFFE003, lr  }
0x1b: {  	s9 =	sadd.s32 $0xFFFFFEF7, lr;
	s5 =	simm.s32 $0xFFFFFFFF;
	p2 =	slt.u32 s8, $0xFFFFF086  }
0x1c: {  	p1 =	slt.u32 s9, $0xF7A;
	s5 =	simm.s32 @!p2 $0x0  }
0x1d: {  	s5 =	simm.s32 @p1 $0x1;
	p0 =	seq.s32 s7, s2  }
0x1e: {  	s7 =	smul.u32 @!p0 $0xF7A, s2;
	p2 =	seq.s32 @!p0 s5, $0x0  }
0x1f: {  	s9 =	smul.u32 $0xF7A, s1;
	s8 =	simm.s32 @!p0 $0x1BF5;
	p2 =	por !p2, p0  }
0x20: {  	[sflag:s8] =	ssyncset.s32 @!p0 $0xFFFFF086;
	s6 =	sadd.s32 @!p0 s3, s7;
	s7 =	simm.s32 @!p0 $0x108  }
0x21: {  	s3 =	sadd.s32 s3, s9;
	s6 =	sadd.s32 @!p0 $0x88, s6;
	s7 =	simm.s32 @p2 $0x1082  }
0x22: {  	[simem:s7], [sflag:s8] =	dma.local @!p0 [hbm:s6], $0xF7A  }
0x23: {  	s9 =	sor.u32 $0xD0000000, s2;
	s6 =	simm.s32 $0x108;
	_ =	swait.ge @!p0 [sflag:s8], $0x0  }
0x24: {  	s3 =	sadd.s32 $0x88, s3;
	s6 =	simm.s32 @!p1 $0x1082;
	[sflag:s4] =	ssyncset.s32 $0xFFFFF086  }
0x25: {  	[simem:s6], [sflag:s4] =	dma.local [hbm:s3], $0xF7A  }
0x26: {  	[smem:$0x3F9F] =	sst s1;
	(tag) =	ssettag s2;
	_ =	strace s9  }
0x27: {  	s1 =	sld [smem:$0x3FAF]  }
0x28: {  	s2 =	sld [smem:$0x3FB0]  }
0x29: {  	s4 =	sld [smem:$0x3FB2]  }
0x2a: {  	p0 =	seq.s32 s5, $0x0;
	s5 =	sld [smem:$0x3FB3]  }
0x2b: {  	s6 =	sld [smem:$0x3FB4]  }
0x2c: {  	s7 =	sld [smem:$0x3FB5]  }
0x2d: {  	s3 =	simm.s32 $0x108;
	s8 =	sld [smem:$0x3FB6]  }
0x2e: {  	s3 =	simm.s32 @!p0 $0x1082;
	s9 =	sld [smem:$0x3FB7]  }
0x2f: {  	lr =	sadd.s32 s0, s3;
	s0 =	sld [smem:$0x3FAE]  }
0x30: {  	s3 =	sld [smem:$0x3FB1]  }
0x31: {  	[smem:$0x3FBA] =	sst s10  }
0x32: {  	s10 =	sld [smem:$0x3FB8];
	_ =	sdelay $0x3  }
0x33: {  	p0 =	seq.s32 s10, $0x1;
	s10 =	sld [smem:$0x3FBA];
	_ =	sdelay $0x3  }
0x34: {  	[smem:$0x3FBA] =	sst s10  }
0x35: {  	s10 =	sld [smem:$0x3FB9];
	_ =	sdelay $0x3  }
0x36: {  	p1 =	seq.s32 s10, $0x1;
	s10 =	sld [smem:$0x3FBA];
	_ =	sdelay $0x3  }
0x37: {  	[smem:$0x3FBA] =	sst s10  }
0x38: {  	s10 =	sld [smem:$0x3FBB]  }
0x39: {  	_ = 	snop;
	(pc) =	sbr.ind lr, $3  }
0x3a: {  	_ = 	snop  }
0x3b: {  	_ = 	snop  }
0x3c: {  	p2 =	seq.s32 s10, $0x1;
	s10 =	sld [smem:$0x3FBA]  }
0x3d: {  	_ =	shalt  }
0x3e: {  	_ =	shalt  }
0x3f: {  	_ =	shalt  }
0x40: {  	_ =	shalt  }
0x41: {  	_ =	shalt  }
0x42: {  	_ =	shalt  }
0x43: {  	_ =	shalt  }
0x44: {  	_ =	shalt  }
0x45: {  	_ =	shalt  }
0x46: {  	_ =	shalt  }
0x47: {  	_ =	shalt  }
0x48: {  	_ =	shalt  }
0x49: {  	_ =	shalt  }
0x4a: {  	_ =	shalt  }
0x4b: {  	_ =	shalt  }
0x4c: {  	_ =	shalt  }
0x4d: {  	_ =	shalt  }
0x4e: {  	_ =	shalt  }
0x4f: {  	_ =	shalt  }
0x50: {  	_ =	shalt  }
0x51: {  	_ =	shalt  }
0x52: {  	_ =	shalt  }
0x53: {  	_ =	shalt  }
0x54: {  	_ =	shalt  }
0x55: {  	_ =	shalt  }
0x56: {  	_ =	shalt  }
0x57: {  	_ =	shalt  }
0x58: {  	_ =	shalt  }
0x59: {  	_ =	shalt  }
0x5a: {  	_ =	shalt  }
0x5b: {  	_ =	shalt  }
0x5c: {  	_ =	shalt  }
0x5d: {  	_ =	shalt  }
0x5e: {  	_ =	shalt  }
0x5f: {  	_ =	shalt  }
0x60: {  	_ =	shalt  }
0x61: {  	_ =	shalt  }
0x62: {  	_ =	shalt  }
0x63: {  	_ =	shalt  }
0x64: {  	_ =	shalt  }
0x65: {  	_ =	shalt  }
0x66: {  	_ =	shalt  }
0x67: {  	_ =	shalt  }
0x68: {  	_ =	shalt  }
0x69: {  	_ =	shalt  }
0x6a: {  	_ =	shalt  }
0x6b: {  	_ =	shalt  }
0x6c: {  	_ =	shalt  }
0x6d: {  	_ =	shalt  }
0x6e: {  	_ =	shalt  }
0x6f: {  	_ =	shalt  }
0x70: {  	_ =	shalt  }
0x71: {  	_ =	shalt  }
0x72: {  	_ =	shalt  }
0x73: {  	_ =	shalt  }
0x74: {  	_ =	shalt  }
0x75: {  	_ =	shalt  }
0x76: {  	_ =	shalt  }
0x77: {  	_ =	shalt  }
0x78: {  	_ =	shalt  }
0x79: {  	_ =	shalt  }
0x7a: {  	_ =	shalt  }
0x7b: {  	_ =	shalt  }
0x7c: {  	_ =	shalt  }
0x7d: {  	_ =	shalt  }
0x7e: {  	_ =	shalt  }
0x7f: {  	_ =	shalt  }
0x80: {  	_ =	shalt  }
0x81: {  	_ =	shalt  }
0x82: {  	_ =	shalt  }
0x83: {  	_ =	shalt  }
0x84: {  	_ =	shalt  }
0x85: {  	_ =	shalt  }
0x86: {  	_ =	shalt  }
0x87: {  	_ =	shalt  }
.Lfunc_end0:
.L_simem_size_0:
called_computation_lowered:
.L_overlay_start_0:
0x88: {  	s2 =	sld [smem:$0x3FD9]  }
0x89: {  	s3 =	sld [smem:$0x3FFE];
	_ =	sdelay $0x1  }
0x8a: {  	s1 =	srdreg.scid  }
0x8b: {  	s0 =	sand.u32 $0x1, s1  }
0x8c: {  	s17 =	sshll.u32 s0, $0xA;
	s2 =	sadd.s32 s3, s2  }
0x8d: {  	s2 =	sadd.s32 s2, s17  }
0x8e: {  	[smem:$0x3FC6] =	sst s2  }
0x8f: {  	_ = 	snop  }
0x90: {  	s2 =	sld [smem:$0x3FC8]  }
0x91: {  	s18 =	sld [smem:$0x3FD0];
	(tm) =	ssettm $0x1  }
0x92: {  	s4 =	sld [smem:$0x3FFB];
	_ =	sdelay $0x3  }
0x93: {  	_ =	strace s4  }
0x94: {  	s4 =	sld [smem:$0x3FFC];
	_ =	sdelay $0x3  }
0x95: {  	_ =	strace s4  }
0x96: {  	s4 =	sld [smem:$0x3FFD];
	_ =	sdelay $0x3  }
0x97: {  	_ =	strace s4  }
0x98: {  	_ =	strace $0x8FFFFFFF  }
0x99: {  	s19 =	sld [smem:$0x3FDB];
	_ =	sdelay $0x1  }
0x9a: {  	s5 =	simm.s32 $_scs_section_size  }
0x9b: {  	s6 =	simm.s32 $_size__tile_overlayer_lowered;
	s7 =	simm.s32 $_tile_overlayer_lowered  }
0x9c: {  	s22 =	simm.s32 $0x1BFF;
	s21 =	sshll.u32 s7, $0x1;
	s4 =	sadd.s32 s5, s19  }
0x9d: {  	s8 =	simm.s32 $0x0;
	s20 =	sshll.u32 s6, $0x1;
	s6 =	sadd.s32 s21, s4  }
0x9e: {  	[timem:s8], [sflag:s22] =	dma.local [hbm:s6], s20  }
0x9f: {  	_ =	swait.ge [sflag:s22], s20  }
0xa0: {  	s5 =	ssub.s32 $0x0, s20;
	[sflag:s22] =	ssyncset.done $0x0  }
0xa1: {  	[sflag:s22] =	ssyncadd.s32 s5;
	_ =	sdelay $0x1  }
0xa2: {  	s23 =	simm.s32 $0x1B8B  }
0xa3: {  	_ =	swait.ge [sflag:s23], $0x1  }
0xa4: {  	[sflag:s23] =	ssyncset.done $0x0  }
0xa5: {  	s25 =	simm.s32 $0x1B8E;
	s24 =	sld [smem:$0x3FFE];
	[sflag:s23] =	ssyncadd.s32 $0xFFFFFFFF  }
0xa6: {  	s26 =	simm.s32 $execute0_lowered;
	[smem:$0x3FD2] =	sst s25  }
0xa7: {  	s6 =	sshll.u32 s26, $0x1;
	_ =	strace $0x80000046;
	[dreg:$0x1] =	wrdreg $0xFFFFFFFF  }
0xa8: {  	s28 =	simm.s32 $_size_execute0_lowered;
	s4 =	sadd.s32 s4, s6;
	[dreg:$0x0] =	wrdreg $0x0  }
0xa9: {  	s6 =	sshll.u32 s28, $0x1;
	[dreg:$0x2] =	wrdreg s4  }
0xaa: {  	[dreg:$0x3] =	wrdreg s6  }
0xab: {  	[dreg:$0x4] =	wrdreg $0xC0  }
0xac: {  	_ =	task [dreg:s8], $0x5FFFF  }
0xad: {  	[dreg:$0x1] =	wrdreg $0xFFFFFFFF  }
0xae: {  	[dreg:$0x0] =	wrdreg $0x60  }
0xaf: {  	[dreg:$0x2] =	wrdreg s24  }
0xb0: {  	[dreg:$0x3] =	wrdreg s2  }
0xb1: {  	[dreg:$0x4] =	wrdreg s18  }
0xb2: {  	[dreg:$0x5] =	wrdreg $0x9  }
0xb3: {  	_ =	task.clear_ibuf [dreg:s8], $0x6FFFF;
	_ =	strace $0x90000046  }
0xb4: {  	s29 =	simm.s32 $0x9;
	_ =	strace $0x80000048  }
0xb5: {  	_ =	swait.ge [sflag:s29], $0x1  }
0xb6: {  	[sflag:s29] =	ssyncadd.s32 $0xFFFFFFFF  }
0xb7: {  	_ =	strace $0x90000048  }
0xb8: {  	_ =	sfence  }
0xb9: {  	s30 =	sld [smem:$0x0];
	_ =	sdelay $0x2  }
0xba: {  	s31 =	sshll.u32 s1, $0xD;
	s1 =	sshrl.u32 s1, $0x2  }
0xbb: {  	s3 =	sand.u32 $0x4000, s31;
	s1 =	sadd.s32 s1, s30  }
0xbc: {  	s0 =	sor.u32 s3, s0;
	s1 =	sshll.u32 s1, $0x11  }
0xbd: {  	s0 =	sor.u32 s1, s0  }
0xbe: {  	s0 =	sadd.s32 $0x8F2B, s0  }
0xbf: {  	[sflag:s0] =	ssyncadd.remote.s32 $0x1  }
0xc0: {  	_ =	sfence.sel $0xFFFF  }
0xc1: {  	[dreg:$0x0] =	wrdreg $0xFFFFFFFF;
	(pc) =	sbr.abs _section_cstart, $3  }
0xc2: {  	[dreg:$0x1] =	wrdreg $0xFFFFFFFF  }
0xc3: {  	_ =	task.clear_ibuf [dreg:s8], $0x2FFFF;
	_ =	strace $0x9FFFFFFF  }
0xc4: {  	(tm) =	ssettm $0x7FFFFFFF  }
0xc5: {  	_ =	shalt  }
tec
execute0_lowered:
.L_overlay_start_1:
0x0: {  	(tag) =	ssettag $0x1  }
0x1: {  	s0 =	rddreg [dreg:$0x0]  }
0x2: {  	s2 =	rddreg [dreg:$0x1];
	s1 =	srdreg.scid  }
0x3: {  	s4 =	stileid.u32;
	s3 =	rddreg [dreg:$0x2]  }
0x4: {  	s11 =	simm.s32 $0xB;
	s12 =	simm.s32 $0x28;
	s13 =	simm.s32 $0xA000  }
0x5: {  	s15 =	simm.s32 $0xB400;
	s16 =	simm.s32 $0x1;
	s17 =	simm.s32 $0xC800  }
0x6: {  	s18 =	simm.s32 $0x2;
	s19 =	simm.s32 $0xDC00;
	s20 =	simm.s32 $0x3  }
0x7: {  	s21 =	simm.s32 $0xF000;
	s22 =	simm.s32 $0x4;
	s23 =	simm.s32 $0x5  }
0x8: {  	s24 =	simm.s32 $0x6;
	s25 =	simm.s32 $0x7;
	s28 =	simm.s32 $0x9  }
0x9: {  	s29 =	simm.s32 $0xA;
	s1 =	sand.u32 $0x1, s1;
	s5 =	sshll.u32 s4, $0x1  }
0xa: {  	s30 =	simm.s32 $0x0;
	s4 =	simm.s32 $0x0;
	s5 =	sor.u32 s1, s5  }
0xb: {  	s7 =	sadd.s32 $0x1400, s0;
	s0 =	sadd.s32 $0x600, s0;
	s6 =	smul.u32 $0x14000, s5  }
.Ltmp0:
0xc: {  	[smem:$0x7FF] =	sst s4;
	s1 =	ssub.s32 $0x2, s1;
	(pc) =	sbr.rel .LBB2_1-.Ltmp0, $4  }
0xd: {  	_ =	strace $0x80000047;
	s8 =	sshrl.u32 s1, $0x1;
	s9 =	smul.u32 $0x2800, s5  }
0xe: {  	[dreg:$0x4] =	wrdreg s0;
	s26 =	ssub.s32 s1, s8;
	s6 =	sshrl.u32 s6, $0x3  }
0xf: {  	s31 =	sadd.s32 s7, s6;
	s6 =	sadd.s32 s7, s9;
	s7 =	sshll.u32 s5, $0x7  }
0x10: {  	s9 =	smax.u32 s26, $0x1;
	s26 =	simm.s32 $0x8;
	s8 =	sadd.s32 $0x1400, s31  }
.LBB2_27:
0x11: {  	_ =	swait.ge [sflag:s24], $0x1400  }
0x12: {  	[sflag:s24] =	ssyncset.done $0x0  }
0x13: {  	[sflag:s24] =	ssyncadd.s32 $0xFFFFEC00  }
0x14: {  	_ =	swait.ge [sflag:s25], $0x1400  }
0x15: {  	[sflag:s25] =	ssyncset.done $0x0  }
0x16: {  	[sflag:s25] =	ssyncadd.s32 $0xFFFFEC00  }
0x17: {  	_ =	swait.ge [sflag:s26], $0x1400  }
0x18: {  	[sflag:s26] =	ssyncset.done $0x0  }
0x19: {  	s30 =	sadd.s32 $0x1, s30;
	[sflag:s26] =	ssyncadd.s32 $0xFFFFEC00  }
0x1a: {  	p0 =	sne.s32 s30, s9;
	_ =	swait.ge [sflag:s28], $0x1400  }
.Ltmp1:
0x1b: {  	[sflag:s28] =	ssyncset.done $0x0;
	(pc) =	sbr.rel @!p0 .LBB2_28-.Ltmp1, $4  }
0x1c: {  	[sflag:s28] =	ssyncadd.s32 $0xFFFFEC00  }
0x1d: {  	_ =	swait.ge [sflag:s29], $0x1400  }
0x1e: {  	[sflag:s29] =	ssyncset.done $0x0  }
0x1f: {  	[sflag:s29] =	ssyncadd.s32 $0xFFFFEC00  }
.LBB2_1:
0x20: {  	s0 =	rddreg [dreg:$0x4];
	s1 =	simm.s32 $0x10400  }
0x21: {  	[tilespmem:s1], [sflag:$0xB] =	stream.linear.gather [hbm4b:s0+s4], $0x6400, $0x38;
	[tilespmem:$0x16800] =	vst v63  }
0x22: {  	_ =	swait.ge [sflag:s11], $0x6400  }
0x23: {  	[sflag:s11] =	ssyncset.done $0x0  }
0x24: {  	[sflag:s11] =	ssyncadd.s32 $0xFFFF9C00  }
0x25: {  	[tilespmem:s4], [sflag:$0xB] =	stream.linear.gather [hbm4b:s6+s4], $0xA000, $0x38;
	[tilespmem:$0x16800] =	vst v63  }
0x26: {  	_ =	swait.ge [sflag:s11], $0xA000  }
0x27: {  	[sflag:s11] =	ssyncset.done $0x0  }
0x28: {  	[sflag:s11] =	ssyncadd.s32 $0xFFFF6000  }
0x29: {  	[tilespmem:s13], [sflag:$0x1] =	stream.indirect.gather [hbm4b:s2+s12], $0x80, s4, s12, $0xb8;
	[tilespmem:$0x16800] =	vst v63  }
0x2a: {  	s14 =	simm.s32 $0x80;
	s31 =	simm.s32 $0x0  }
0x2b: {  	[tilespmem:s15], [sflag:$0x2] =	stream.indirect.gather [hbm4b:s2+s12], $0x80, s14, s12, $0xb8;
	[tilespmem:$0x16800] =	vst v63  }
.LBB2_2:
0x2c: {  	_ =	swait.ge [sflag:s16], $0x1400  }
0x2d: {  	[sflag:s16] =	ssyncset.done $0x0  }
0x2e: {  	s0 =	simm.s32 $0x0;
	s1 =	simm.s32 $0x400;
	[sflag:s16] =	ssyncadd.s32 $0xFFFFEC00  }
.LBB2_3:
0x2f: {  	p0 =	sne.s32 s1, $0x4C00;
	v0 =	vld [tilespmem:s0+$0x104F0]  }
0x30: {  	v1 =	vld [tilespmem:s0+$0x10400]  }
0x31: {  	v2 =	vld [tilespmem:s0+$0x10410]  }
0x32: {  	v3 =	vld [tilespmem:s0+$0x10420]  }
0x33: {  	v4 =	vld [tilespmem:s0+$0x10430]  }
0x34: {  	[tilespmem:s0+$0xA0F0] =	vst.add.f32.msk $0xffff, v0  }
0x35: {  	v0 =	vld [tilespmem:s0+$0x10440]  }
0x36: {  	v5 =	vld [tilespmem:s0+$0x10450]  }
0x37: {  	v6 =	vld [tilespmem:s0+$0x10460]  }
0x38: {  	v7 =	vld [tilespmem:s0+$0x10470]  }
0x39: {  	v8 =	vld [tilespmem:s0+$0x10480]  }
0x3a: {  	v9 =	vld [tilespmem:s0+$0x10490]  }
0x3b: {  	v10 =	vld [tilespmem:s0+$0x104A0]  }
0x3c: {  	v11 =	vld [tilespmem:s0+$0x104B0]  }
0x3d: {  	v12 =	vld [tilespmem:s0+$0x104C0]  }
0x3e: {  	v13 =	vld [tilespmem:s0+$0x104D0]  }
0x3f: {  	v14 =	vld [tilespmem:s0+$0x104E0]  }
0x40: {  	[tilespmem:s0+$0xA000] =	vst.add.f32.msk $0xffff, v1  }
0x41: {  	[tilespmem:s0+$0xA010] =	vst.add.f32.msk $0xffff, v2  }
0x42: {  	[tilespmem:s0+$0xA020] =	vst.add.f32.msk $0xffff, v3  }
0x43: {  	[tilespmem:s0+$0xA030] =	vst.add.f32.msk $0xffff, v4  }
0x44: {  	[tilespmem:s0+$0xA040] =	vst.add.f32.msk $0xffff, v0  }
0x45: {  	[tilespmem:s0+$0xA050] =	vst.add.f32.msk $0xffff, v5  }
0x46: {  	[tilespmem:s0+$0xA060] =	vst.add.f32.msk $0xffff, v6  }
0x47: {  	[tilespmem:s0+$0xA070] =	vst.add.f32.msk $0xffff, v7  }
0x48: {  	[tilespmem:s0+$0xA080] =	vst.add.f32.msk $0xffff, v8  }
0x49: {  	[tilespmem:s0+$0xA090] =	vst.add.f32.msk $0xffff, v9  }
.Ltmp2:
0x4a: {  	[tilespmem:s0+$0xA0A0] =	vst.add.f32.msk $0xffff, v10;
	(pc) =	sbr.rel @p0 .LBB2_3-.Ltmp2, $4  }
0x4b: {  	[tilespmem:s0+$0xA0B0] =	vst.add.f32.msk $0xffff, v11  }
0x4c: {  	[tilespmem:s0+$0xA0C0] =	vst.add.f32.msk $0xffff, v12  }
0x4d: {  	[tilespmem:s0+$0xA0D0] =	vst.add.f32.msk $0xffff, v13  }
0x4e: {  	[tilespmem:s0+$0xA0E0] =	vst.add.f32.msk $0xffff, v14;
	s0 =	sshra.s32 s1, $0x2;
	s1 =	sadd.s32 $0x400, s1  }
0x4f: {  	v0 =	vld [tilespmem:s0+$0x104F0]  }
0x50: {  	v1 =	vld [tilespmem:s0+$0x10400]  }
0x51: {  	v2 =	vld [tilespmem:s0+$0x10410]  }
0x52: {  	v3 =	vld [tilespmem:s0+$0x10420]  }
0x53: {  	v4 =	vld [tilespmem:s0+$0x10430]  }
0x54: {  	v63 =	vld [tilespmem:s0+$0x10440]  }
0x55: {  	v5 =	vld [tilespmem:s0+$0x10450]  }
0x56: {  	v6 =	vld [tilespmem:s0+$0x10460]  }
0x57: {  	v7 =	vld [tilespmem:s0+$0x10470]  }
0x58: {  	v8 =	vld [tilespmem:s0+$0x10480]  }
0x59: {  	v9 =	vld [tilespmem:s0+$0x10490]  }
0x5a: {  	v10 =	vld [tilespmem:s0+$0x104A0]  }
0x5b: {  	v11 =	vld [tilespmem:s0+$0x104B0]  }
0x5c: {  	v12 =	vld [tilespmem:s0+$0x104C0]  }
0x5d: {  	v13 =	vld [tilespmem:s0+$0x104D0]  }
0x5e: {  	v14 =	vld [tilespmem:s0+$0x104E0]  }
0x5f: {  	[tilespmem:s0+$0xA0F0] =	vst.add.f32.msk $0xffff, v0  }
0x60: {  	[tilespmem:s0+$0xA000] =	vst.add.f32.msk $0xffff, v1  }
0x61: {  	[tilespmem:s0+$0xA010] =	vst.add.f32.msk $0xffff, v2  }
0x62: {  	[tilespmem:s0+$0xA020] =	vst.add.f32.msk $0xffff, v3  }
0x63: {  	[tilespmem:s0+$0xA030] =	vst.add.f32.msk $0xffff, v4  }
0x64: {  	[tilespmem:s0+$0xA040] =	vst.add.f32.msk $0xffff, v63  }
0x65: {  	[tilespmem:s0+$0xA050] =	vst.add.f32.msk $0xffff, v5  }
0x66: {  	[tilespmem:s0+$0xA060] =	vst.add.f32.msk $0xffff, v6  }
0x67: {  	[tilespmem:s0+$0xA070] =	vst.add.f32.msk $0xffff, v7  }
0x68: {  	[tilespmem:s0+$0xA080] =	vst.add.f32.msk $0xffff, v8  }
0x69: {  	[tilespmem:s0+$0xA090] =	vst.add.f32.msk $0xffff, v9  }
0x6a: {  	s1 =	sadd.s32 s7, s31;
	s10 =	smul.u32 $0x5, s31;
	[tilespmem:s0+$0xA0A0] =	vst.add.f32.msk $0xffff, v10  }
0x6b: {  	s1 =	smul.u32 $0x6400, s1;
	[tilespmem:s0+$0xA0B0] =	vst.add.f32.msk $0xffff, v11  }
0x6c: {  	s5 =	sadd.s32 $0xFFFFFFFD, s10;
	[tilespmem:s0+$0xA0C0] =	vst.add.f32.msk $0xffff, v12  }
0x6d: {  	s1 =	sshrl.u32 s1, $0x3;
	p0 =	sgt.u32 s5, $0x13A;
	[tilespmem:s0+$0xA0D0] =	vst.add.f32.msk $0xffff, v13  }
0x6e: {  	s14 =	smul.u32 $0xA00, s31;
	s5 =	simm.s32 @!p0 $0x8;
	[tilespmem:s0+$0xA0E0] =	vst.add.f32.msk $0xffff, v14;
	s0 =	sadd.s32 s3, s1  }
0x6f: {  	[hbm4b:s0+s4] =	stream.linear.scatter [tilespmem:s13], [sflag:$0x6], $0x1400, $0x38;
	[tilespmem:$0x16800] =	vst v63  }
0x70: {  	_ =	swait.ge @!p0 [sflag:s5], $0x1400  }
0x71: {  	s1 =	sshra.s32 s14, $0x2;
	[sflag:s5] =	ssyncset.done @!p0 $0x0  }
0x72: {  	s14 =	sadd.s32 $0x100, s1;
	[sflag:s5] =	ssyncadd.s32 @!p0 $0xFFFFEC00  }
0x73: {  	[tilespmem:s17], [sflag:$0x3] =	stream.indirect.gather [hbm4b:s2+s12], $0x80, s14, s12, $0xb8;
	[tilespmem:$0x16800] =	vst v63  }
0x74: {  	_ =	swait.ge [sflag:s18], $0x1400  }
0x75: {  	[sflag:s18] =	ssyncset.done $0x0  }
0x76: {  	s5 =	simm.s32 $0x400;
	s14 =	simm.s32 $0x0;
	[sflag:s18] =	ssyncadd.s32 $0xFFFFEC00  }
.LBB2_5:
0x77: {  	p0 =	sne.s32 s5, $0x4C00;
	v0 =	vld [tilespmem:s14+$0x118F0]  }
0x78: {  	v1 =	vld [tilespmem:s14+$0x11800]  }
0x79: {  	v2 =	vld [tilespmem:s14+$0x11810]  }
0x7a: {  	v3 =	vld [tilespmem:s14+$0x11820]  }
0x7b: {  	v4 =	vld [tilespmem:s14+$0x11830]  }
0x7c: {  	[tilespmem:s14+$0xB4F0] =	vst.add.f32.msk $0xffff, v0  }
0x7d: {  	v0 =	vld [tilespmem:s14+$0x11840]  }
0x7e: {  	v5 =	vld [tilespmem:s14+$0x11850]  }
0x7f: {  	v6 =	vld [tilespmem:s14+$0x11860]  }
0x80: {  	v7 =	vld [tilespmem:s14+$0x11870]  }
0x81: {  	v8 =	vld [tilespmem:s14+$0x11880]  }
0x82: {  	v9 =	vld [tilespmem:s14+$0x11890]  }
0x83: {  	v10 =	vld [tilespmem:s14+$0x118A0]  }
0x84: {  	v11 =	vld [tilespmem:s14+$0x118B0]  }
0x85: {  	v12 =	vld [tilespmem:s14+$0x118C0]  }
0x86: {  	v13 =	vld [tilespmem:s14+$0x118D0]  }
0x87: {  	v14 =	vld [tilespmem:s14+$0x118E0]  }
0x88: {  	[tilespmem:s14+$0xB400] =	vst.add.f32.msk $0xffff, v1  }
0x89: {  	[tilespmem:s14+$0xB410] =	vst.add.f32.msk $0xffff, v2  }
0x8a: {  	[tilespmem:s14+$0xB420] =	vst.add.f32.msk $0xffff, v3  }
0x8b: {  	[tilespmem:s14+$0xB430] =	vst.add.f32.msk $0xffff, v4  }
0x8c: {  	[tilespmem:s14+$0xB440] =	vst.add.f32.msk $0xffff, v0  }
0x8d: {  	[tilespmem:s14+$0xB450] =	vst.add.f32.msk $0xffff, v5  }
0x8e: {  	[tilespmem:s14+$0xB460] =	vst.add.f32.msk $0xffff, v6  }
0x8f: {  	[tilespmem:s14+$0xB470] =	vst.add.f32.msk $0xffff, v7  }
0x90: {  	[tilespmem:s14+$0xB480] =	vst.add.f32.msk $0xffff, v8  }
0x91: {  	[tilespmem:s14+$0xB490] =	vst.add.f32.msk $0xffff, v9  }
.Ltmp3:
0x92: {  	[tilespmem:s14+$0xB4A0] =	vst.add.f32.msk $0xffff, v10;
	(pc) =	sbr.rel @p0 .LBB2_5-.Ltmp3, $4  }
0x93: {  	[tilespmem:s14+$0xB4B0] =	vst.add.f32.msk $0xffff, v11  }
0x94: {  	[tilespmem:s14+$0xB4C0] =	vst.add.f32.msk $0xffff, v12  }
0x95: {  	[tilespmem:s14+$0xB4D0] =	vst.add.f32.msk $0xffff, v13  }
0x96: {  	[tilespmem:s14+$0xB4E0] =	vst.add.f32.msk $0xffff, v14;
	s14 =	sshra.s32 s5, $0x2;
	s5 =	sadd.s32 $0x400, s5  }
0x97: {  	v0 =	vld [tilespmem:s14+$0x118F0]  }
0x98: {  	v1 =	vld [tilespmem:s14+$0x11800]  }
0x99: {  	v2 =	vld [tilespmem:s14+$0x11810]  }
0x9a: {  	v3 =	vld [tilespmem:s14+$0x11820]  }
0x9b: {  	v4 =	vld [tilespmem:s14+$0x11830]  }
0x9c: {  	v63 =	vld [tilespmem:s14+$0x11840]  }
0x9d: {  	v5 =	vld [tilespmem:s14+$0x11850]  }
0x9e: {  	v6 =	vld [tilespmem:s14+$0x11860]  }
0x9f: {  	v7 =	vld [tilespmem:s14+$0x11870]  }
0xa0: {  	v8 =	vld [tilespmem:s14+$0x11880]  }
0xa1: {  	v9 =	vld [tilespmem:s14+$0x11890]  }
0xa2: {  	v10 =	vld [tilespmem:s14+$0x118A0]  }
0xa3: {  	v11 =	vld [tilespmem:s14+$0x118B0]  }
0xa4: {  	v12 =	vld [tilespmem:s14+$0x118C0]  }
0xa5: {  	v13 =	vld [tilespmem:s14+$0x118D0]  }
0xa6: {  	v14 =	vld [tilespmem:s14+$0x118E0]  }
0xa7: {  	[tilespmem:s14+$0xB4F0] =	vst.add.f32.msk $0xffff, v0  }
0xa8: {  	[tilespmem:s14+$0xB400] =	vst.add.f32.msk $0xffff, v1  }
0xa9: {  	[tilespmem:s14+$0xB410] =	vst.add.f32.msk $0xffff, v2  }
0xaa: {  	[tilespmem:s14+$0xB420] =	vst.add.f32.msk $0xffff, v3  }
0xab: {  	[tilespmem:s14+$0xB430] =	vst.add.f32.msk $0xffff, v4  }
0xac: {  	[tilespmem:s14+$0xB440] =	vst.add.f32.msk $0xffff, v63  }
0xad: {  	[tilespmem:s14+$0xB450] =	vst.add.f32.msk $0xffff, v5  }
0xae: {  	[tilespmem:s14+$0xB460] =	vst.add.f32.msk $0xffff, v6  }
0xaf: {  	[tilespmem:s14+$0xB470] =	vst.add.f32.msk $0xffff, v7  }
0xb0: {  	[tilespmem:s14+$0xB480] =	vst.add.f32.msk $0xffff, v8  }
0xb1: {  	[tilespmem:s14+$0xB490] =	vst.add.f32.msk $0xffff, v9  }
0xb2: {  	[tilespmem:s14+$0xB4A0] =	vst.add.f32.msk $0xffff, v10  }
0xb3: {  	[tilespmem:s14+$0xB4B0] =	vst.add.f32.msk $0xffff, v11  }
0xb4: {  	[tilespmem:s14+$0xB4C0] =	vst.add.f32.msk $0xffff, v12  }
0xb5: {  	[tilespmem:s14+$0xB4D0] =	vst.add.f32.msk $0xffff, v13  }
0xb6: {  	s5 =	sadd.s32 $0x280, s0;
	[tilespmem:s14+$0xB4E0] =	vst.add.f32.msk $0xffff, v14;
	s14 =	sadd.s32 $0xFFFFFFFE, s10  }
0xb7: {  	[hbm4b:s5+s4] =	stream.linear.scatter [tilespmem:s15], [sflag:$0x7], $0x1400, $0x38;
	[tilespmem:$0x16800] =	vst v63  }
0xb8: {  	p0 =	sgt.u32 s14, $0x13A  }
0xb9: {  	s5 =	simm.s32 @!p0 $0x9  }
0xba: {  	_ =	swait.ge @!p0 [sflag:s5], $0x1400  }
0xbb: {  	[sflag:s5] =	ssyncset.done @!p0 $0x0  }
0xbc: {  	s14 =	sadd.s32 $0x180, s1;
	[sflag:s5] =	ssyncadd.s32 @!p0 $0xFFFFEC00  }
0xbd: {  	[tilespmem:s19], [sflag:$0x4] =	stream.indirect.gather [hbm4b:s2+s12], $0x80, s14, s12, $0xb8;
	[tilespmem:$0x16800] =	vst v63  }
0xbe: {  	_ =	swait.ge [sflag:s20], $0x1400  }
0xbf: {  	[sflag:s20] =	ssyncset.done $0x0  }
0xc0: {  	s5 =	simm.s32 $0x400;
	s14 =	simm.s32 $0x0;
	[sflag:s20] =	ssyncadd.s32 $0xFFFFEC00  }
.LBB2_7:
0xc1: {  	p0 =	sne.s32 s5, $0x4C00;
	v0 =	vld [tilespmem:s14+$0x12CF0]  }
0xc2: {  	v1 =	vld [tilespmem:s14+$0x12C00]  }
0xc3: {  	v2 =	vld [tilespmem:s14+$0x12C10]  }
0xc4: {  	v3 =	vld [tilespmem:s14+$0x12C20]  }
0xc5: {  	v4 =	vld [tilespmem:s14+$0x12C30]  }
0xc6: {  	[tilespmem:s14+$0xC8F0] =	vst.add.f32.msk $0xffff, v0  }
0xc7: {  	v0 =	vld [tilespmem:s14+$0x12C40]  }
0xc8: {  	v5 =	vld [tilespmem:s14+$0x12C50]  }
0xc9: {  	v6 =	vld [tilespmem:s14+$0x12C60]  }
0xca: {  	v7 =	vld [tilespmem:s14+$0x12C70]  }
0xcb: {  	v8 =	vld [tilespmem:s14+$0x12C80]  }
0xcc: {  	v9 =	vld [tilespmem:s14+$0x12C90]  }
0xcd: {  	v10 =	vld [tilespmem:s14+$0x12CA0]  }
0xce: {  	v11 =	vld [tilespmem:s14+$0x12CB0]  }
0xcf: {  	v12 =	vld [tilespmem:s14+$0x12CC0]  }
0xd0: {  	v13 =	vld [tilespmem:s14+$0x12CD0]  }
0xd1: {  	v14 =	vld [tilespmem:s14+$0x12CE0]  }
0xd2: {  	[tilespmem:s14+$0xC800] =	vst.add.f32.msk $0xffff, v1  }
0xd3: {  	[tilespmem:s14+$0xC810] =	vst.add.f32.msk $0xffff, v2  }
0xd4: {  	[tilespmem:s14+$0xC820] =	vst.add.f32.msk $0xffff, v3  }
0xd5: {  	[tilespmem:s14+$0xC830] =	vst.add.f32.msk $0xffff, v4  }
0xd6: {  	[tilespmem:s14+$0xC840] =	vst.add.f32.msk $0xffff, v0  }
0xd7: {  	[tilespmem:s14+$0xC850] =	vst.add.f32.msk $0xffff, v5  }
0xd8: {  	[tilespmem:s14+$0xC860] =	vst.add.f32.msk $0xffff, v6  }
0xd9: {  	[tilespmem:s14+$0xC870] =	vst.add.f32.msk $0xffff, v7  }
0xda: {  	[tilespmem:s14+$0xC880] =	vst.add.f32.msk $0xffff, v8  }
0xdb: {  	[tilespmem:s14+$0xC890] =	vst.add.f32.msk $0xffff, v9  }
.Ltmp4:
0xdc: {  	[tilespmem:s14+$0xC8A0] =	vst.add.f32.msk $0xffff, v10;
	(pc) =	sbr.rel @p0 .LBB2_7-.Ltmp4, $4  }
0xdd: {  	[tilespmem:s14+$0xC8B0] =	vst.add.f32.msk $0xffff, v11  }
0xde: {  	[tilespmem:s14+$0xC8C0] =	vst.add.f32.msk $0xffff, v12  }
0xdf: {  	[tilespmem:s14+$0xC8D0] =	vst.add.f32.msk $0xffff, v13  }
0xe0: {  	[tilespmem:s14+$0xC8E0] =	vst.add.f32.msk $0xffff, v14;
	s14 =	sshra.s32 s5, $0x2;
	s5 =	sadd.s32 $0x400, s5  }
0xe1: {  	v0 =	vld [tilespmem:s14+$0x12CF0]  }
0xe2: {  	v1 =	vld [tilespmem:s14+$0x12C00]  }
0xe3: {  	v2 =	vld [tilespmem:s14+$0x12C10]  }
0xe4: {  	v3 =	vld [tilespmem:s14+$0x12C20]  }
0xe5: {  	v4 =	vld [tilespmem:s14+$0x12C30]  }
0xe6: {  	v63 =	vld [tilespmem:s14+$0x12C40]  }
0xe7: {  	v5 =	vld [tilespmem:s14+$0x12C50]  }
0xe8: {  	v6 =	vld [tilespmem:s14+$0x12C60]  }
0xe9: {  	v7 =	vld [tilespmem:s14+$0x12C70]  }
0xea: {  	v8 =	vld [tilespmem:s14+$0x12C80]  }
0xeb: {  	v9 =	vld [tilespmem:s14+$0x12C90]  }
0xec: {  	v10 =	vld [tilespmem:s14+$0x12CA0]  }
0xed: {  	v11 =	vld [tilespmem:s14+$0x12CB0]  }
0xee: {  	v12 =	vld [tilespmem:s14+$0x12CC0]  }
0xef: {  	v13 =	vld [tilespmem:s14+$0x12CD0]  }
0xf0: {  	v14 =	vld [tilespmem:s14+$0x12CE0]  }
0xf1: {  	[tilespmem:s14+$0xC8F0] =	vst.add.f32.msk $0xffff, v0  }
0xf2: {  	[tilespmem:s14+$0xC800] =	vst.add.f32.msk $0xffff, v1  }
0xf3: {  	[tilespmem:s14+$0xC810] =	vst.add.f32.msk $0xffff, v2  }
0xf4: {  	[tilespmem:s14+$0xC820] =	vst.add.f32.msk $0xffff, v3  }
0xf5: {  	[tilespmem:s14+$0xC830] =	vst.add.f32.msk $0xffff, v4  }
0xf6: {  	[tilespmem:s14+$0xC840] =	vst.add.f32.msk $0xffff, v63  }
0xf7: {  	[tilespmem:s14+$0xC850] =	vst.add.f32.msk $0xffff, v5  }
0xf8: {  	[tilespmem:s14+$0xC860] =	vst.add.f32.msk $0xffff, v6  }
0xf9: {  	[tilespmem:s14+$0xC870] =	vst.add.f32.msk $0xffff, v7  }
0xfa: {  	[tilespmem:s14+$0xC880] =	vst.add.f32.msk $0xffff, v8  }
0xfb: {  	[tilespmem:s14+$0xC890] =	vst.add.f32.msk $0xffff, v9  }
0xfc: {  	[tilespmem:s14+$0xC8A0] =	vst.add.f32.msk $0xffff, v10  }
0xfd: {  	[tilespmem:s14+$0xC8B0] =	vst.add.f32.msk $0xffff, v11  }
0xfe: {  	[tilespmem:s14+$0xC8C0] =	vst.add.f32.msk $0xffff, v12  }
0xff: {  	s10 =	sadd.s32 $0xFFFFFFFF, s10;
	[tilespmem:s14+$0xC8D0] =	vst.add.f32.msk $0xffff, v13  }
0x100: {  	s5 =	sadd.s32 $0x500, s0;
	p0 =	sgt.u32 s10, $0x13A;
	[tilespmem:s14+$0xC8E0] =	vst.add.f32.msk $0xffff, v14  }
0x101: {  	[hbm4b:s5+s4] =	stream.linear.scatter [tilespmem:s17], [sflag:$0x8], $0x1400, $0x38;
	[tilespmem:$0x16800] =	vst v63  }
0x102: {  	s5 =	simm.s32 @!p0 $0xA  }
0x103: {  	_ =	swait.ge @!p0 [sflag:s5], $0x1400  }
0x104: {  	[sflag:s5] =	ssyncset.done @!p0 $0x0  }
0x105: {  	s14 =	sadd.s32 $0x200, s1;
	[sflag:s5] =	ssyncadd.s32 @!p0 $0xFFFFEC00  }
0x106: {  	[tilespmem:s21], [sflag:$0x5] =	stream.indirect.gather [hbm4b:s2+s12], $0x80, s14, s12, $0xb8;
	[tilespmem:$0x16800] =	vst v63  }
0x107: {  	_ =	swait.ge [sflag:s22], $0x1400  }
0x108: {  	[sflag:s22] =	ssyncset.done $0x0  }
0x109: {  	s10 =	simm.s32 $0x0;
	s5 =	simm.s32 $0x400;
	[sflag:s22] =	ssyncadd.s32 $0xFFFFEC00  }
.LBB2_9:
0x10a: {  	p0 =	sne.s32 s5, $0x4C00;
	v0 =	vld [tilespmem:s10+$0x140F0]  }
0x10b: {  	v1 =	vld [tilespmem:s10+$0x14000]  }
0x10c: {  	v2 =	vld [tilespmem:s10+$0x14010]  }
0x10d: {  	v3 =	vld [tilespmem:s10+$0x14020]  }
0x10e: {  	v4 =	vld [tilespmem:s10+$0x14030]  }
0x10f: {  	[tilespmem:s10+$0xDCF0] =	vst.add.f32.msk $0xffff, v0  }
0x110: {  	v0 =	vld [tilespmem:s10+$0x14040]  }
0x111: {  	v5 =	vld [tilespmem:s10+$0x14050]  }
0x112: {  	v6 =	vld [tilespmem:s10+$0x14060]  }
0x113: {  	v7 =	vld [tilespmem:s10+$0x14070]  }
0x114: {  	v8 =	vld [tilespmem:s10+$0x14080]  }
0x115: {  	v9 =	vld [tilespmem:s10+$0x14090]  }
0x116: {  	v10 =	vld [tilespmem:s10+$0x140A0]  }
0x117: {  	v11 =	vld [tilespmem:s10+$0x140B0]  }
0x118: {  	v12 =	vld [tilespmem:s10+$0x140C0]  }
0x119: {  	v13 =	vld [tilespmem:s10+$0x140D0]  }
0x11a: {  	v14 =	vld [tilespmem:s10+$0x140E0]  }
0x11b: {  	[tilespmem:s10+$0xDC00] =	vst.add.f32.msk $0xffff, v1  }
0x11c: {  	[tilespmem:s10+$0xDC10] =	vst.add.f32.msk $0xffff, v2  }
0x11d: {  	[tilespmem:s10+$0xDC20] =	vst.add.f32.msk $0xffff, v3  }
0x11e: {  	[tilespmem:s10+$0xDC30] =	vst.add.f32.msk $0xffff, v4  }
0x11f: {  	[tilespmem:s10+$0xDC40] =	vst.add.f32.msk $0xffff, v0  }
0x120: {  	[tilespmem:s10+$0xDC50] =	vst.add.f32.msk $0xffff, v5  }
0x121: {  	[tilespmem:s10+$0xDC60] =	vst.add.f32.msk $0xffff, v6  }
0x122: {  	[tilespmem:s10+$0xDC70] =	vst.add.f32.msk $0xffff, v7  }
0x123: {  	[tilespmem:s10+$0xDC80] =	vst.add.f32.msk $0xffff, v8  }
0x124: {  	[tilespmem:s10+$0xDC90] =	vst.add.f32.msk $0xffff, v9  }
.Ltmp5:
0x125: {  	[tilespmem:s10+$0xDCA0] =	vst.add.f32.msk $0xffff, v10;
	(pc) =	sbr.rel @p0 .LBB2_9-.Ltmp5, $4  }
0x126: {  	[tilespmem:s10+$0xDCB0] =	vst.add.f32.msk $0xffff, v11  }
0x127: {  	[tilespmem:s10+$0xDCC0] =	vst.add.f32.msk $0xffff, v12  }
0x128: {  	[tilespmem:s10+$0xDCD0] =	vst.add.f32.msk $0xffff, v13  }
0x129: {  	[tilespmem:s10+$0xDCE0] =	vst.add.f32.msk $0xffff, v14;
	s10 =	sshra.s32 s5, $0x2;
	s5 =	sadd.s32 $0x400, s5  }
0x12a: {  	v0 =	vld [tilespmem:s10+$0x140F0]  }
0x12b: {  	v1 =	vld [tilespmem:s10+$0x14000]  }
0x12c: {  	v2 =	vld [tilespmem:s10+$0x14010]  }
0x12d: {  	v3 =	vld [tilespmem:s10+$0x14020]  }
0x12e: {  	v4 =	vld [tilespmem:s10+$0x14030]  }
0x12f: {  	v63 =	vld [tilespmem:s10+$0x14040]  }
0x130: {  	v5 =	vld [tilespmem:s10+$0x14050]  }
0x131: {  	v6 =	vld [tilespmem:s10+$0x14060]  }
0x132: {  	v7 =	vld [tilespmem:s10+$0x14070]  }
0x133: {  	v8 =	vld [tilespmem:s10+$0x14080]  }
0x134: {  	v9 =	vld [tilespmem:s10+$0x14090]  }
0x135: {  	v10 =	vld [tilespmem:s10+$0x140A0]  }
0x136: {  	v11 =	vld [tilespmem:s10+$0x140B0]  }
0x137: {  	v12 =	vld [tilespmem:s10+$0x140C0]  }
0x138: {  	v13 =	vld [tilespmem:s10+$0x140D0]  }
0x139: {  	v14 =	vld [tilespmem:s10+$0x140E0]  }
0x13a: {  	[tilespmem:s10+$0xDCF0] =	vst.add.f32.msk $0xffff, v0  }
0x13b: {  	[tilespmem:s10+$0xDC00] =	vst.add.f32.msk $0xffff, v1  }
0x13c: {  	[tilespmem:s10+$0xDC10] =	vst.add.f32.msk $0xffff, v2  }
0x13d: {  	[tilespmem:s10+$0xDC20] =	vst.add.f32.msk $0xffff, v3  }
0x13e: {  	[tilespmem:s10+$0xDC30] =	vst.add.f32.msk $0xffff, v4  }
0x13f: {  	[tilespmem:s10+$0xDC40] =	vst.add.f32.msk $0xffff, v63  }
0x140: {  	[tilespmem:s10+$0xDC50] =	vst.add.f32.msk $0xffff, v5  }
0x141: {  	[tilespmem:s10+$0xDC60] =	vst.add.f32.msk $0xffff, v6  }
0x142: {  	[tilespmem:s10+$0xDC70] =	vst.add.f32.msk $0xffff, v7  }
0x143: {  	[tilespmem:s10+$0xDC80] =	vst.add.f32.msk $0xffff, v8  }
0x144: {  	[tilespmem:s10+$0xDC90] =	vst.add.f32.msk $0xffff, v9  }
0x145: {  	[tilespmem:s10+$0xDCA0] =	vst.add.f32.msk $0xffff, v10  }
0x146: {  	[tilespmem:s10+$0xDCB0] =	vst.add.f32.msk $0xffff, v11  }
0x147: {  	[tilespmem:s10+$0xDCC0] =	vst.add.f32.msk $0xffff, v12  }
0x148: {  	[tilespmem:s10+$0xDCD0] =	vst.add.f32.msk $0xffff, v13  }
0x149: {  	s5 =	sadd.s32 $0x780, s0;
	p0 =	seq.s32 s31, $0x3F;
	[tilespmem:s10+$0xDCE0] =	vst.add.f32.msk $0xffff, v14  }
0x14a: {  	[hbm4b:s5+s4] =	stream.linear.scatter [tilespmem:s19], [sflag:$0x9], $0x1400, $0x38;
	[tilespmem:$0x16800] =	vst v63  }
0x14b: {  	s5 =	simm.s32 @!p0 $0x6  }
0x14c: {  	_ =	swait.ge @!p0 [sflag:s5], $0x1400  }
0x14d: {  	s14 =	simm.s32 @!p0 $0xA000;
	[sflag:s5] =	ssyncset.done @!p0 $0x0  }
0x14e: {  	s10 =	simm.s32 @!p0 $0x28;
	[sflag:s5] =	ssyncadd.s32 @!p0 $0xFFFFEC00;
	s5 =	sadd.s32 @!p0 $0x280, s1  }
0x14f: {  	[tilespmem:s14], [sflag:$0x1] =	stream.indirect.gather @!p0 [hbm4b:s2+s10], $0x80, s5, s10, $0xb8;
	[tilespmem:$0x16800] =	vst v63  }
0x150: {  	_ =	swait.ge [sflag:s23], $0x1400  }
0x151: {  	[sflag:s23] =	ssyncset.done $0x0  }
0x152: {  	s10 =	simm.s32 $0x0;
	s5 =	simm.s32 $0x400;
	[sflag:s23] =	ssyncadd.s32 $0xFFFFEC00  }
.LBB2_11:
0x153: {  	p1 =	sne.s32 s5, $0x4C00;
	v0 =	vld [tilespmem:s10+$0x154F0]  }
0x154: {  	v1 =	vld [tilespmem:s10+$0x15400]  }
0x155: {  	v2 =	vld [tilespmem:s10+$0x15410]  }
0x156: {  	v3 =	vld [tilespmem:s10+$0x15420]  }
0x157: {  	v4 =	vld [tilespmem:s10+$0x15430]  }
0x158: {  	[tilespmem:s10+$0xF0F0] =	vst.add.f32.msk $0xffff, v0  }
0x159: {  	v0 =	vld [tilespmem:s10+$0x15440]  }
0x15a: {  	v5 =	vld [tilespmem:s10+$0x15450]  }
0x15b: {  	v6 =	vld [tilespmem:s10+$0x15460]  }
0x15c: {  	v7 =	vld [tilespmem:s10+$0x15470]  }
0x15d: {  	v8 =	vld [tilespmem:s10+$0x15480]  }
0x15e: {  	v9 =	vld [tilespmem:s10+$0x15490]  }
0x15f: {  	v10 =	vld [tilespmem:s10+$0x154A0]  }
0x160: {  	v11 =	vld [tilespmem:s10+$0x154B0]  }
0x161: {  	v12 =	vld [tilespmem:s10+$0x154C0]  }
0x162: {  	v13 =	vld [tilespmem:s10+$0x154D0]  }
0x163: {  	v14 =	vld [tilespmem:s10+$0x154E0]  }
0x164: {  	[tilespmem:s10+$0xF000] =	vst.add.f32.msk $0xffff, v1  }
0x165: {  	[tilespmem:s10+$0xF010] =	vst.add.f32.msk $0xffff, v2  }
0x166: {  	[tilespmem:s10+$0xF020] =	vst.add.f32.msk $0xffff, v3  }
0x167: {  	[tilespmem:s10+$0xF030] =	vst.add.f32.msk $0xffff, v4  }
0x168: {  	[tilespmem:s10+$0xF040] =	vst.add.f32.msk $0xffff, v0  }
0x169: {  	[tilespmem:s10+$0xF050] =	vst.add.f32.msk $0xffff, v5  }
0x16a: {  	[tilespmem:s10+$0xF060] =	vst.add.f32.msk $0xffff, v6  }
0x16b: {  	[tilespmem:s10+$0xF070] =	vst.add.f32.msk $0xffff, v7  }
0x16c: {  	[tilespmem:s10+$0xF080] =	vst.add.f32.msk $0xffff, v8  }
0x16d: {  	[tilespmem:s10+$0xF090] =	vst.add.f32.msk $0xffff, v9  }
.Ltmp6:
0x16e: {  	[tilespmem:s10+$0xF0A0] =	vst.add.f32.msk $0xffff, v10;
	(pc) =	sbr.rel @p1 .LBB2_11-.Ltmp6, $4  }
0x16f: {  	[tilespmem:s10+$0xF0B0] =	vst.add.f32.msk $0xffff, v11  }
0x170: {  	[tilespmem:s10+$0xF0C0] =	vst.add.f32.msk $0xffff, v12  }
0x171: {  	[tilespmem:s10+$0xF0D0] =	vst.add.f32.msk $0xffff, v13  }
0x172: {  	[tilespmem:s10+$0xF0E0] =	vst.add.f32.msk $0xffff, v14;
	s10 =	sshra.s32 s5, $0x2;
	s5 =	sadd.s32 $0x400, s5  }
0x173: {  	v0 =	vld [tilespmem:s10+$0x154F0]  }
0x174: {  	v1 =	vld [tilespmem:s10+$0x15400]  }
0x175: {  	v2 =	vld [tilespmem:s10+$0x15410]  }
0x176: {  	v3 =	vld [tilespmem:s10+$0x15420]  }
0x177: {  	v4 =	vld [tilespmem:s10+$0x15430]  }
0x178: {  	v63 =	vld [tilespmem:s10+$0x15440]  }
0x179: {  	v5 =	vld [tilespmem:s10+$0x15450]  }
0x17a: {  	v6 =	vld [tilespmem:s10+$0x15460]  }
0x17b: {  	v7 =	vld [tilespmem:s10+$0x15470]  }
0x17c: {  	v8 =	vld [tilespmem:s10+$0x15480]  }
0x17d: {  	v9 =	vld [tilespmem:s10+$0x15490]  }
0x17e: {  	v10 =	vld [tilespmem:s10+$0x154A0]  }
0x17f: {  	v11 =	vld [tilespmem:s10+$0x154B0]  }
0x180: {  	v12 =	vld [tilespmem:s10+$0x154C0]  }
0x181: {  	v13 =	vld [tilespmem:s10+$0x154D0]  }
0x182: {  	v14 =	vld [tilespmem:s10+$0x154E0]  }
0x183: {  	[tilespmem:s10+$0xF0F0] =	vst.add.f32.msk $0xffff, v0  }
0x184: {  	[tilespmem:s10+$0xF000] =	vst.add.f32.msk $0xffff, v1  }
0x185: {  	[tilespmem:s10+$0xF010] =	vst.add.f32.msk $0xffff, v2  }
0x186: {  	[tilespmem:s10+$0xF020] =	vst.add.f32.msk $0xffff, v3  }
0x187: {  	[tilespmem:s10+$0xF030] =	vst.add.f32.msk $0xffff, v4  }
0x188: {  	[tilespmem:s10+$0xF040] =	vst.add.f32.msk $0xffff, v63  }
0x189: {  	[tilespmem:s10+$0xF050] =	vst.add.f32.msk $0xffff, v5  }
0x18a: {  	[tilespmem:s10+$0xF060] =	vst.add.f32.msk $0xffff, v6  }
0x18b: {  	[tilespmem:s10+$0xF070] =	vst.add.f32.msk $0xffff, v7  }
0x18c: {  	[tilespmem:s10+$0xF080] =	vst.add.f32.msk $0xffff, v8  }
0x18d: {  	[tilespmem:s10+$0xF090] =	vst.add.f32.msk $0xffff, v9  }
0x18e: {  	[tilespmem:s10+$0xF0A0] =	vst.add.f32.msk $0xffff, v10  }
.Ltmp7:
0x18f: {  	[tilespmem:s10+$0xF0B0] =	vst.add.f32.msk $0xffff, v11;
	(pc) =	sbr.rel @p0 .LBB2_14-.Ltmp7, $4  }
0x190: {  	[tilespmem:s10+$0xF0C0] =	vst.add.f32.msk $0xffff, v12  }
0x191: {  	[tilespmem:s10+$0xF0D0] =	vst.add.f32.msk $0xffff, v13  }
0x192: {  	s0 =	sadd.s32 $0xA00, s0;
	[tilespmem:s10+$0xF0E0] =	vst.add.f32.msk $0xffff, v14  }
0x193: {  	[hbm4b:s0+s4] =	stream.linear.scatter [tilespmem:s21], [sflag:$0xA], $0x1400, $0x38;
	[tilespmem:$0x16800] =	vst v63  }
.Ltmp8:
0x194: {  	(pc) =	sbr.rel .LBB2_2-.Ltmp8, $4  }
0x195: {  	_ =	swait.ge [sflag:s25], $0x1400  }
0x196: {  	[sflag:s25] =	ssyncset.done $0x0  }
0x197: {  	s0 =	sadd.s32 $0x300, s1;
	s31 =	sadd.s32 $0x1, s31;
	[sflag:s25] =	ssyncadd.s32 $0xFFFFEC00  }
0x198: {  	[tilespmem:s15], [sflag:$0x2] =	stream.indirect.gather [hbm4b:s2+s12], $0x80, s0, s12, $0xb8;
	[tilespmem:$0x16800] =	vst v63  }
.LBB2_14:
0x199: {  	_ =	swait.ge [sflag:s24], $0x1400  }
0x19a: {  	[sflag:s24] =	ssyncset.done $0x0  }
0x19b: {  	[sflag:s24] =	ssyncadd.s32 $0xFFFFEC00  }
0x19c: {  	_ =	swait.ge [sflag:s25], $0x1400  }
0x19d: {  	[sflag:s25] =	ssyncset.done $0x0  }
0x19e: {  	[sflag:s25] =	ssyncadd.s32 $0xFFFFEC00  }
0x19f: {  	_ =	swait.ge [sflag:s26], $0x1400  }
0x1a0: {  	[sflag:s26] =	ssyncset.done $0x0  }
0x1a1: {  	[sflag:s26] =	ssyncadd.s32 $0xFFFFEC00  }
0x1a2: {  	_ =	swait.ge [sflag:s28], $0x1400  }
0x1a3: {  	[sflag:s28] =	ssyncset.done $0x0  }
0x1a4: {  	[sflag:s28] =	ssyncadd.s32 $0xFFFFEC00  }
0x1a5: {  	_ =	swait.ge [sflag:s29], $0x1400  }
0x1a6: {  	[sflag:s29] =	ssyncset.done $0x0  }
0x1a7: {  	s31 =	simm.s32 $0x0;
	[sflag:s29] =	ssyncadd.s32 $0xFFFFEC00  }
0x1a8: {  	[tilespmem:s31], [sflag:$0xB] =	stream.linear.gather [hbm4b:s8+s31], $0xA000, $0x38;
	[tilespmem:$0x16800] =	vst v63  }
0x1a9: {  	_ =	swait.ge [sflag:s11], $0xA000  }
0x1aa: {  	[sflag:s11] =	ssyncset.done $0x0  }
0x1ab: {  	[sflag:s11] =	ssyncadd.s32 $0xFFFF6000  }
0x1ac: {  	[tilespmem:s13], [sflag:$0x1] =	stream.indirect.gather [hbm4b:s2+s12], $0x80, s31, s12, $0xb8;
	[tilespmem:$0x16800] =	vst v63  }
0x1ad: {  	s0 =	simm.s32 $0x80  }
0x1ae: {  	[tilespmem:s15], [sflag:$0x2] =	stream.indirect.gather [hbm4b:s2+s12], $0x80, s0, s12, $0xb8;
	[tilespmem:$0x16800] =	vst v63  }
.LBB2_15:
0x1af: {  	_ =	swait.ge [sflag:s16], $0x1400  }
0x1b0: {  	[sflag:s16] =	ssyncset.done $0x0  }
0x1b1: {  	s0 =	simm.s32 $0x0;
	s1 =	simm.s32 $0x400;
	[sflag:s16] =	ssyncadd.s32 $0xFFFFEC00  }
.LBB2_16:
0x1b2: {  	p0 =	sne.s32 s1, $0x4C00;
	v0 =	vld [tilespmem:s0+$0x104F0]  }
0x1b3: {  	v1 =	vld [tilespmem:s0+$0x10400]  }
0x1b4: {  	v2 =	vld [tilespmem:s0+$0x10410]  }
0x1b5: {  	v3 =	vld [tilespmem:s0+$0x10420]  }
0x1b6: {  	v4 =	vld [tilespmem:s0+$0x10430]  }
0x1b7: {  	[tilespmem:s0+$0xA0F0] =	vst.add.f32.msk $0xffff, v0  }
0x1b8: {  	v0 =	vld [tilespmem:s0+$0x10440]  }
0x1b9: {  	v5 =	vld [tilespmem:s0+$0x10450]  }
0x1ba: {  	v6 =	vld [tilespmem:s0+$0x10460]  }
0x1bb: {  	v7 =	vld [tilespmem:s0+$0x10470]  }
0x1bc: {  	v8 =	vld [tilespmem:s0+$0x10480]  }
0x1bd: {  	v9 =	vld [tilespmem:s0+$0x10490]  }
0x1be: {  	v10 =	vld [tilespmem:s0+$0x104A0]  }
0x1bf: {  	v11 =	vld [tilespmem:s0+$0x104B0]  }
0x1c0: {  	v12 =	vld [tilespmem:s0+$0x104C0]  }
0x1c1: {  	v13 =	vld [tilespmem:s0+$0x104D0]  }
0x1c2: {  	v14 =	vld [tilespmem:s0+$0x104E0]  }
0x1c3: {  	[tilespmem:s0+$0xA000] =	vst.add.f32.msk $0xffff, v1  }
0x1c4: {  	[tilespmem:s0+$0xA010] =	vst.add.f32.msk $0xffff, v2  }
0x1c5: {  	[tilespmem:s0+$0xA020] =	vst.add.f32.msk $0xffff, v3  }
0x1c6: {  	[tilespmem:s0+$0xA030] =	vst.add.f32.msk $0xffff, v4  }
0x1c7: {  	[tilespmem:s0+$0xA040] =	vst.add.f32.msk $0xffff, v0  }
0x1c8: {  	[tilespmem:s0+$0xA050] =	vst.add.f32.msk $0xffff, v5  }
0x1c9: {  	[tilespmem:s0+$0xA060] =	vst.add.f32.msk $0xffff, v6  }
0x1ca: {  	[tilespmem:s0+$0xA070] =	vst.add.f32.msk $0xffff, v7  }
0x1cb: {  	[tilespmem:s0+$0xA080] =	vst.add.f32.msk $0xffff, v8  }
0x1cc: {  	[tilespmem:s0+$0xA090] =	vst.add.f32.msk $0xffff, v9  }
.Ltmp9:
0x1cd: {  	[tilespmem:s0+$0xA0A0] =	vst.add.f32.msk $0xffff, v10;
	(pc) =	sbr.rel @p0 .LBB2_16-.Ltmp9, $4  }
0x1ce: {  	[tilespmem:s0+$0xA0B0] =	vst.add.f32.msk $0xffff, v11  }
0x1cf: {  	[tilespmem:s0+$0xA0C0] =	vst.add.f32.msk $0xffff, v12  }
0x1d0: {  	[tilespmem:s0+$0xA0D0] =	vst.add.f32.msk $0xffff, v13  }
0x1d1: {  	[tilespmem:s0+$0xA0E0] =	vst.add.f32.msk $0xffff, v14;
	s0 =	sshra.s32 s1, $0x2;
	s1 =	sadd.s32 $0x400, s1  }
0x1d2: {  	v0 =	vld [tilespmem:s0+$0x104F0]  }
0x1d3: {  	v1 =	vld [tilespmem:s0+$0x10400]  }
0x1d4: {  	v2 =	vld [tilespmem:s0+$0x10410]  }
0x1d5: {  	v3 =	vld [tilespmem:s0+$0x10420]  }
0x1d6: {  	v4 =	vld [tilespmem:s0+$0x10430]  }
0x1d7: {  	v63 =	vld [tilespmem:s0+$0x10440]  }
0x1d8: {  	v5 =	vld [tilespmem:s0+$0x10450]  }
0x1d9: {  	v6 =	vld [tilespmem:s0+$0x10460]  }
0x1da: {  	v7 =	vld [tilespmem:s0+$0x10470]  }
0x1db: {  	v8 =	vld [tilespmem:s0+$0x10480]  }
0x1dc: {  	v9 =	vld [tilespmem:s0+$0x10490]  }
0x1dd: {  	v10 =	vld [tilespmem:s0+$0x104A0]  }
0x1de: {  	v11 =	vld [tilespmem:s0+$0x104B0]  }
0x1df: {  	v12 =	vld [tilespmem:s0+$0x104C0]  }
0x1e0: {  	v13 =	vld [tilespmem:s0+$0x104D0]  }
0x1e1: {  	v14 =	vld [tilespmem:s0+$0x104E0]  }
0x1e2: {  	[tilespmem:s0+$0xA0F0] =	vst.add.f32.msk $0xffff, v0  }
0x1e3: {  	[tilespmem:s0+$0xA000] =	vst.add.f32.msk $0xffff, v1  }
0x1e4: {  	[tilespmem:s0+$0xA010] =	vst.add.f32.msk $0xffff, v2  }
0x1e5: {  	[tilespmem:s0+$0xA020] =	vst.add.f32.msk $0xffff, v3  }
0x1e6: {  	[tilespmem:s0+$0xA030] =	vst.add.f32.msk $0xffff, v4  }
0x1e7: {  	[tilespmem:s0+$0xA040] =	vst.add.f32.msk $0xffff, v63  }
0x1e8: {  	[tilespmem:s0+$0xA050] =	vst.add.f32.msk $0xffff, v5  }
0x1e9: {  	[tilespmem:s0+$0xA060] =	vst.add.f32.msk $0xffff, v6  }
0x1ea: {  	[tilespmem:s0+$0xA070] =	vst.add.f32.msk $0xffff, v7  }
0x1eb: {  	[tilespmem:s0+$0xA080] =	vst.add.f32.msk $0xffff, v8  }
0x1ec: {  	s1 =	sadd.s32 s7, s31;
	[tilespmem:s0+$0xA090] =	vst.add.f32.msk $0xffff, v9  }
0x1ed: {  	s1 =	smul.u32 $0x6400, s1;
	[tilespmem:s0+$0xA0A0] =	vst.add.f32.msk $0xffff, v10  }
0x1ee: {  	s10 =	smul.u32 $0x5, s31;
	[tilespmem:s0+$0xA0B0] =	vst.add.f32.msk $0xffff, v11  }
0x1ef: {  	s1 =	sshrl.u32 s1, $0x3;
	[tilespmem:s0+$0xA0C0] =	vst.add.f32.msk $0xffff, v12  }
0x1f0: {  	s5 =	sadd.s32 $0xFFFFFFFD, s10;
	s1 =	sadd.s32 s3, s1;
	[tilespmem:s0+$0xA0D0] =	vst.add.f32.msk $0xffff, v13  }
0x1f1: {  	p0 =	sgt.u32 s5, $0x13A;
	[tilespmem:s0+$0xA0E0] =	vst.add.f32.msk $0xffff, v14;
	s14 =	sadd.s32 $0x32000, s1  }
0x1f2: {  	[hbm4b:s14+s4] =	stream.linear.scatter [tilespmem:s13], [sflag:$0x6], $0x1400, $0x38;
	[tilespmem:$0x16800] =	vst v63  }
0x1f3: {  	s5 =	simm.s32 @!p0 $0x8;
	s14 =	smul.u32 $0xA00, s31  }
0x1f4: {  	_ =	swait.ge @!p0 [sflag:s5], $0x1400  }
0x1f5: {  	[sflag:s5] =	ssyncset.done @!p0 $0x0;
	s0 =	sshra.s32 s14, $0x2  }
0x1f6: {  	[sflag:s5] =	ssyncadd.s32 @!p0 $0xFFFFEC00;
	s14 =	sadd.s32 $0x100, s0  }
0x1f7: {  	[tilespmem:s17], [sflag:$0x3] =	stream.indirect.gather [hbm4b:s2+s12], $0x80, s14, s12, $0xb8;
	[tilespmem:$0x16800] =	vst v63  }
0x1f8: {  	_ =	swait.ge [sflag:s18], $0x1400  }
0x1f9: {  	[sflag:s18] =	ssyncset.done $0x0  }
0x1fa: {  	s5 =	simm.s32 $0x400;
	s14 =	simm.s32 $0x0;
	[sflag:s18] =	ssyncadd.s32 $0xFFFFEC00  }
.LBB2_18:
0x1fb: {  	p0 =	sne.s32 s5, $0x4C00;
	v0 =	vld [tilespmem:s14+$0x118F0]  }
0x1fc: {  	v1 =	vld [tilespmem:s14+$0x11800]  }
0x1fd: {  	v2 =	vld [tilespmem:s14+$0x11810]  }
0x1fe: {  	v3 =	vld [tilespmem:s14+$0x11820]  }
0x1ff: {  	v4 =	vld [tilespmem:s14+$0x11830]  }
0x200: {  	[tilespmem:s14+$0xB4F0] =	vst.add.f32.msk $0xffff, v0  }
0x201: {  	v0 =	vld [tilespmem:s14+$0x11840]  }
0x202: {  	v5 =	vld [tilespmem:s14+$0x11850]  }
0x203: {  	v6 =	vld [tilespmem:s14+$0x11860]  }
0x204: {  	v7 =	vld [tilespmem:s14+$0x11870]  }
0x205: {  	v8 =	vld [tilespmem:s14+$0x11880]  }
0x206: {  	v9 =	vld [tilespmem:s14+$0x11890]  }
0x207: {  	v10 =	vld [tilespmem:s14+$0x118A0]  }
0x208: {  	v11 =	vld [tilespmem:s14+$0x118B0]  }
0x209: {  	v12 =	vld [tilespmem:s14+$0x118C0]  }
0x20a: {  	v13 =	vld [tilespmem:s14+$0x118D0]  }
0x20b: {  	v14 =	vld [tilespmem:s14+$0x118E0]  }
0x20c: {  	[tilespmem:s14+$0xB400] =	vst.add.f32.msk $0xffff, v1  }
0x20d: {  	[tilespmem:s14+$0xB410] =	vst.add.f32.msk $0xffff, v2  }
0x20e: {  	[tilespmem:s14+$0xB420] =	vst.add.f32.msk $0xffff, v3  }
0x20f: {  	[tilespmem:s14+$0xB430] =	vst.add.f32.msk $0xffff, v4  }
0x210: {  	[tilespmem:s14+$0xB440] =	vst.add.f32.msk $0xffff, v0  }
0x211: {  	[tilespmem:s14+$0xB450] =	vst.add.f32.msk $0xffff, v5  }
0x212: {  	[tilespmem:s14+$0xB460] =	vst.add.f32.msk $0xffff, v6  }
0x213: {  	[tilespmem:s14+$0xB470] =	vst.add.f32.msk $0xffff, v7  }
0x214: {  	[tilespmem:s14+$0xB480] =	vst.add.f32.msk $0xffff, v8  }
0x215: {  	[tilespmem:s14+$0xB490] =	vst.add.f32.msk $0xffff, v9  }
.Ltmp10:
0x216: {  	[tilespmem:s14+$0xB4A0] =	vst.add.f32.msk $0xffff, v10;
	(pc) =	sbr.rel @p0 .LBB2_18-.Ltmp10, $4  }
0x217: {  	[tilespmem:s14+$0xB4B0] =	vst.add.f32.msk $0xffff, v11  }
0x218: {  	[tilespmem:s14+$0xB4C0] =	vst.add.f32.msk $0xffff, v12  }
0x219: {  	[tilespmem:s14+$0xB4D0] =	vst.add.f32.msk $0xffff, v13  }
0x21a: {  	[tilespmem:s14+$0xB4E0] =	vst.add.f32.msk $0xffff, v14;
	s14 =	sshra.s32 s5, $0x2;
	s5 =	sadd.s32 $0x400, s5  }
0x21b: {  	v0 =	vld [tilespmem:s14+$0x118F0]  }
0x21c: {  	v1 =	vld [tilespmem:s14+$0x11800]  }
0x21d: {  	v2 =	vld [tilespmem:s14+$0x11810]  }
0x21e: {  	v3 =	vld [tilespmem:s14+$0x11820]  }
0x21f: {  	v4 =	vld [tilespmem:s14+$0x11830]  }
0x220: {  	v63 =	vld [tilespmem:s14+$0x11840]  }
0x221: {  	v5 =	vld [tilespmem:s14+$0x11850]  }
0x222: {  	v6 =	vld [tilespmem:s14+$0x11860]  }
0x223: {  	v7 =	vld [tilespmem:s14+$0x11870]  }
0x224: {  	v8 =	vld [tilespmem:s14+$0x11880]  }
0x225: {  	v9 =	vld [tilespmem:s14+$0x11890]  }
0x226: {  	v10 =	vld [tilespmem:s14+$0x118A0]  }
0x227: {  	v11 =	vld [tilespmem:s14+$0x118B0]  }
0x228: {  	v12 =	vld [tilespmem:s14+$0x118C0]  }
0x229: {  	v13 =	vld [tilespmem:s14+$0x118D0]  }
0x22a: {  	v14 =	vld [tilespmem:s14+$0x118E0]  }
0x22b: {  	[tilespmem:s14+$0xB4F0] =	vst.add.f32.msk $0xffff, v0  }
0x22c: {  	[tilespmem:s14+$0xB400] =	vst.add.f32.msk $0xffff, v1  }
0x22d: {  	[tilespmem:s14+$0xB410] =	vst.add.f32.msk $0xffff, v2  }
0x22e: {  	[tilespmem:s14+$0xB420] =	vst.add.f32.msk $0xffff, v3  }
0x22f: {  	[tilespmem:s14+$0xB430] =	vst.add.f32.msk $0xffff, v4  }
0x230: {  	[tilespmem:s14+$0xB440] =	vst.add.f32.msk $0xffff, v63  }
0x231: {  	[tilespmem:s14+$0xB450] =	vst.add.f32.msk $0xffff, v5  }
0x232: {  	[tilespmem:s14+$0xB460] =	vst.add.f32.msk $0xffff, v6  }
0x233: {  	[tilespmem:s14+$0xB470] =	vst.add.f32.msk $0xffff, v7  }
0x234: {  	[tilespmem:s14+$0xB480] =	vst.add.f32.msk $0xffff, v8  }
0x235: {  	[tilespmem:s14+$0xB490] =	vst.add.f32.msk $0xffff, v9  }
0x236: {  	[tilespmem:s14+$0xB4A0] =	vst.add.f32.msk $0xffff, v10  }
0x237: {  	[tilespmem:s14+$0xB4B0] =	vst.add.f32.msk $0xffff, v11  }
0x238: {  	[tilespmem:s14+$0xB4C0] =	vst.add.f32.msk $0xffff, v12  }
0x239: {  	[tilespmem:s14+$0xB4D0] =	vst.add.f32.msk $0xffff, v13  }
0x23a: {  	s5 =	sadd.s32 $0x32280, s1;
	[tilespmem:s14+$0xB4E0] =	vst.add.f32.msk $0xffff, v14;
	s14 =	sadd.s32 $0xFFFFFFFE, s10  }
0x23b: {  	[hbm4b:s5+s4] =	stream.linear.scatter [tilespmem:s15], [sflag:$0x7], $0x1400, $0x38;
	[tilespmem:$0x16800] =	vst v63  }
0x23c: {  	p0 =	sgt.u32 s14, $0x13A  }
0x23d: {  	s5 =	simm.s32 @!p0 $0x9  }
0x23e: {  	_ =	swait.ge @!p0 [sflag:s5], $0x1400  }
0x23f: {  	[sflag:s5] =	ssyncset.done @!p0 $0x0  }
0x240: {  	s14 =	sadd.s32 $0x180, s0;
	[sflag:s5] =	ssyncadd.s32 @!p0 $0xFFFFEC00  }
0x241: {  	[tilespmem:s19], [sflag:$0x4] =	stream.indirect.gather [hbm4b:s2+s12], $0x80, s14, s12, $0xb8;
	[tilespmem:$0x16800] =	vst v63  }
0x242: {  	_ =	swait.ge [sflag:s20], $0x1400  }
0x243: {  	[sflag:s20] =	ssyncset.done $0x0  }
0x244: {  	s5 =	simm.s32 $0x400;
	s14 =	simm.s32 $0x0;
	[sflag:s20] =	ssyncadd.s32 $0xFFFFEC00  }
.LBB2_20:
0x245: {  	p0 =	sne.s32 s5, $0x4C00;
	v0 =	vld [tilespmem:s14+$0x12CF0]  }
0x246: {  	v1 =	vld [tilespmem:s14+$0x12C00]  }
0x247: {  	v2 =	vld [tilespmem:s14+$0x12C10]  }
0x248: {  	v3 =	vld [tilespmem:s14+$0x12C20]  }
0x249: {  	v4 =	vld [tilespmem:s14+$0x12C30]  }
0x24a: {  	[tilespmem:s14+$0xC8F0] =	vst.add.f32.msk $0xffff, v0  }
0x24b: {  	v0 =	vld [tilespmem:s14+$0x12C40]  }
0x24c: {  	v5 =	vld [tilespmem:s14+$0x12C50]  }
0x24d: {  	v6 =	vld [tilespmem:s14+$0x12C60]  }
0x24e: {  	v7 =	vld [tilespmem:s14+$0x12C70]  }
0x24f: {  	v8 =	vld [tilespmem:s14+$0x12C80]  }
0x250: {  	v9 =	vld [tilespmem:s14+$0x12C90]  }
0x251: {  	v10 =	vld [tilespmem:s14+$0x12CA0]  }
0x252: {  	v11 =	vld [tilespmem:s14+$0x12CB0]  }
0x253: {  	v12 =	vld [tilespmem:s14+$0x12CC0]  }
0x254: {  	v13 =	vld [tilespmem:s14+$0x12CD0]  }
0x255: {  	v14 =	vld [tilespmem:s14+$0x12CE0]  }
0x256: {  	[tilespmem:s14+$0xC800] =	vst.add.f32.msk $0xffff, v1  }
0x257: {  	[tilespmem:s14+$0xC810] =	vst.add.f32.msk $0xffff, v2  }
0x258: {  	[tilespmem:s14+$0xC820] =	vst.add.f32.msk $0xffff, v3  }
0x259: {  	[tilespmem:s14+$0xC830] =	vst.add.f32.msk $0xffff, v4  }
0x25a: {  	[tilespmem:s14+$0xC840] =	vst.add.f32.msk $0xffff, v0  }
0x25b: {  	[tilespmem:s14+$0xC850] =	vst.add.f32.msk $0xffff, v5  }
0x25c: {  	[tilespmem:s14+$0xC860] =	vst.add.f32.msk $0xffff, v6  }
0x25d: {  	[tilespmem:s14+$0xC870] =	vst.add.f32.msk $0xffff, v7  }
0x25e: {  	[tilespmem:s14+$0xC880] =	vst.add.f32.msk $0xffff, v8  }
0x25f: {  	[tilespmem:s14+$0xC890] =	vst.add.f32.msk $0xffff, v9  }
.Ltmp11:
0x260: {  	[tilespmem:s14+$0xC8A0] =	vst.add.f32.msk $0xffff, v10;
	(pc) =	sbr.rel @p0 .LBB2_20-.Ltmp11, $4  }
0x261: {  	[tilespmem:s14+$0xC8B0] =	vst.add.f32.msk $0xffff, v11  }
0x262: {  	[tilespmem:s14+$0xC8C0] =	vst.add.f32.msk $0xffff, v12  }
0x263: {  	[tilespmem:s14+$0xC8D0] =	vst.add.f32.msk $0xffff, v13  }
0x264: {  	[tilespmem:s14+$0xC8E0] =	vst.add.f32.msk $0xffff, v14;
	s14 =	sshra.s32 s5, $0x2;
	s5 =	sadd.s32 $0x400, s5  }
0x265: {  	v0 =	vld [tilespmem:s14+$0x12CF0]  }
0x266: {  	v1 =	vld [tilespmem:s14+$0x12C00]  }
0x267: {  	v2 =	vld [tilespmem:s14+$0x12C10]  }
0x268: {  	v3 =	vld [tilespmem:s14+$0x12C20]  }
0x269: {  	v4 =	vld [tilespmem:s14+$0x12C30]  }
0x26a: {  	v63 =	vld [tilespmem:s14+$0x12C40]  }
0x26b: {  	v5 =	vld [tilespmem:s14+$0x12C50]  }
0x26c: {  	v6 =	vld [tilespmem:s14+$0x12C60]  }
0x26d: {  	v7 =	vld [tilespmem:s14+$0x12C70]  }
0x26e: {  	v8 =	vld [tilespmem:s14+$0x12C80]  }
0x26f: {  	v9 =	vld [tilespmem:s14+$0x12C90]  }
0x270: {  	v10 =	vld [tilespmem:s14+$0x12CA0]  }
0x271: {  	v11 =	vld [tilespmem:s14+$0x12CB0]  }
0x272: {  	v12 =	vld [tilespmem:s14+$0x12CC0]  }
0x273: {  	v13 =	vld [tilespmem:s14+$0x12CD0]  }
0x274: {  	v14 =	vld [tilespmem:s14+$0x12CE0]  }
0x275: {  	[tilespmem:s14+$0xC8F0] =	vst.add.f32.msk $0xffff, v0  }
0x276: {  	[tilespmem:s14+$0xC800] =	vst.add.f32.msk $0xffff, v1  }
0x277: {  	[tilespmem:s14+$0xC810] =	vst.add.f32.msk $0xffff, v2  }
0x278: {  	[tilespmem:s14+$0xC820] =	vst.add.f32.msk $0xffff, v3  }
0x279: {  	[tilespmem:s14+$0xC830] =	vst.add.f32.msk $0xffff, v4  }
0x27a: {  	[tilespmem:s14+$0xC840] =	vst.add.f32.msk $0xffff, v63  }
0x27b: {  	[tilespmem:s14+$0xC850] =	vst.add.f32.msk $0xffff, v5  }
0x27c: {  	[tilespmem:s14+$0xC860] =	vst.add.f32.msk $0xffff, v6  }
0x27d: {  	[tilespmem:s14+$0xC870] =	vst.add.f32.msk $0xffff, v7  }
0x27e: {  	[tilespmem:s14+$0xC880] =	vst.add.f32.msk $0xffff, v8  }
0x27f: {  	[tilespmem:s14+$0xC890] =	vst.add.f32.msk $0xffff, v9  }
0x280: {  	[tilespmem:s14+$0xC8A0] =	vst.add.f32.msk $0xffff, v10  }
0x281: {  	[tilespmem:s14+$0xC8B0] =	vst.add.f32.msk $0xffff, v11  }
0x282: {  	[tilespmem:s14+$0xC8C0] =	vst.add.f32.msk $0xffff, v12  }
0x283: {  	s10 =	sadd.s32 $0xFFFFFFFF, s10;
	[tilespmem:s14+$0xC8D0] =	vst.add.f32.msk $0xffff, v13  }
0x284: {  	s5 =	sadd.s32 $0x32500, s1;
	p0 =	sgt.u32 s10, $0x13A;
	[tilespmem:s14+$0xC8E0] =	vst.add.f32.msk $0xffff, v14  }
0x285: {  	[hbm4b:s5+s4] =	stream.linear.scatter [tilespmem:s17], [sflag:$0x8], $0x1400, $0x38;
	[tilespmem:$0x16800] =	vst v63  }
0x286: {  	s5 =	simm.s32 @!p0 $0xA  }
0x287: {  	_ =	swait.ge @!p0 [sflag:s5], $0x1400  }
0x288: {  	[sflag:s5] =	ssyncset.done @!p0 $0x0  }
0x289: {  	s14 =	sadd.s32 $0x200, s0;
	[sflag:s5] =	ssyncadd.s32 @!p0 $0xFFFFEC00  }
0x28a: {  	[tilespmem:s21], [sflag:$0x5] =	stream.indirect.gather [hbm4b:s2+s12], $0x80, s14, s12, $0xb8;
	[tilespmem:$0x16800] =	vst v63  }
0x28b: {  	_ =	swait.ge [sflag:s22], $0x1400  }
0x28c: {  	[sflag:s22] =	ssyncset.done $0x0  }
0x28d: {  	s10 =	simm.s32 $0x0;
	s5 =	simm.s32 $0x400;
	[sflag:s22] =	ssyncadd.s32 $0xFFFFEC00  }
.LBB2_22:
0x28e: {  	p0 =	sne.s32 s5, $0x4C00;
	v0 =	vld [tilespmem:s10+$0x140F0]  }
0x28f: {  	v1 =	vld [tilespmem:s10+$0x14000]  }
0x290: {  	v2 =	vld [tilespmem:s10+$0x14010]  }
0x291: {  	v3 =	vld [tilespmem:s10+$0x14020]  }
0x292: {  	v4 =	vld [tilespmem:s10+$0x14030]  }
0x293: {  	[tilespmem:s10+$0xDCF0] =	vst.add.f32.msk $0xffff, v0  }
0x294: {  	v0 =	vld [tilespmem:s10+$0x14040]  }
0x295: {  	v5 =	vld [tilespmem:s10+$0x14050]  }
0x296: {  	v6 =	vld [tilespmem:s10+$0x14060]  }
0x297: {  	v7 =	vld [tilespmem:s10+$0x14070]  }
0x298: {  	v8 =	vld [tilespmem:s10+$0x14080]  }
0x299: {  	v9 =	vld [tilespmem:s10+$0x14090]  }
0x29a: {  	v10 =	vld [tilespmem:s10+$0x140A0]  }
0x29b: {  	v11 =	vld [tilespmem:s10+$0x140B0]  }
0x29c: {  	v12 =	vld [tilespmem:s10+$0x140C0]  }
0x29d: {  	v13 =	vld [tilespmem:s10+$0x140D0]  }
0x29e: {  	v14 =	vld [tilespmem:s10+$0x140E0]  }
0x29f: {  	[tilespmem:s10+$0xDC00] =	vst.add.f32.msk $0xffff, v1  }
0x2a0: {  	[tilespmem:s10+$0xDC10] =	vst.add.f32.msk $0xffff, v2  }
0x2a1: {  	[tilespmem:s10+$0xDC20] =	vst.add.f32.msk $0xffff, v3  }
0x2a2: {  	[tilespmem:s10+$0xDC30] =	vst.add.f32.msk $0xffff, v4  }
0x2a3: {  	[tilespmem:s10+$0xDC40] =	vst.add.f32.msk $0xffff, v0  }
0x2a4: {  	[tilespmem:s10+$0xDC50] =	vst.add.f32.msk $0xffff, v5  }
0x2a5: {  	[tilespmem:s10+$0xDC60] =	vst.add.f32.msk $0xffff, v6  }
0x2a6: {  	[tilespmem:s10+$0xDC70] =	vst.add.f32.msk $0xffff, v7  }
0x2a7: {  	[tilespmem:s10+$0xDC80] =	vst.add.f32.msk $0xffff, v8  }
0x2a8: {  	[tilespmem:s10+$0xDC90] =	vst.add.f32.msk $0xffff, v9  }
.Ltmp12:
0x2a9: {  	[tilespmem:s10+$0xDCA0] =	vst.add.f32.msk $0xffff, v10;
	(pc) =	sbr.rel @p0 .LBB2_22-.Ltmp12, $4  }
0x2aa: {  	[tilespmem:s10+$0xDCB0] =	vst.add.f32.msk $0xffff, v11  }
0x2ab: {  	[tilespmem:s10+$0xDCC0] =	vst.add.f32.msk $0xffff, v12  }
0x2ac: {  	[tilespmem:s10+$0xDCD0] =	vst.add.f32.msk $0xffff, v13  }
0x2ad: {  	[tilespmem:s10+$0xDCE0] =	vst.add.f32.msk $0xffff, v14;
	s10 =	sshra.s32 s5, $0x2;
	s5 =	sadd.s32 $0x400, s5  }
0x2ae: {  	v0 =	vld [tilespmem:s10+$0x140F0]  }
0x2af: {  	v1 =	vld [tilespmem:s10+$0x14000]  }
0x2b0: {  	v2 =	vld [tilespmem:s10+$0x14010]  }
0x2b1: {  	v3 =	vld [tilespmem:s10+$0x14020]  }
0x2b2: {  	v4 =	vld [tilespmem:s10+$0x14030]  }
0x2b3: {  	v63 =	vld [tilespmem:s10+$0x14040]  }
0x2b4: {  	v5 =	vld [tilespmem:s10+$0x14050]  }
0x2b5: {  	v6 =	vld [tilespmem:s10+$0x14060]  }
0x2b6: {  	v7 =	vld [tilespmem:s10+$0x14070]  }
0x2b7: {  	v8 =	vld [tilespmem:s10+$0x14080]  }
0x2b8: {  	v9 =	vld [tilespmem:s10+$0x14090]  }
0x2b9: {  	v10 =	vld [tilespmem:s10+$0x140A0]  }
0x2ba: {  	v11 =	vld [tilespmem:s10+$0x140B0]  }
0x2bb: {  	v12 =	vld [tilespmem:s10+$0x140C0]  }
0x2bc: {  	v13 =	vld [tilespmem:s10+$0x140D0]  }
0x2bd: {  	v14 =	vld [tilespmem:s10+$0x140E0]  }
0x2be: {  	[tilespmem:s10+$0xDCF0] =	vst.add.f32.msk $0xffff, v0  }
0x2bf: {  	[tilespmem:s10+$0xDC00] =	vst.add.f32.msk $0xffff, v1  }
0x2c0: {  	[tilespmem:s10+$0xDC10] =	vst.add.f32.msk $0xffff, v2  }
0x2c1: {  	[tilespmem:s10+$0xDC20] =	vst.add.f32.msk $0xffff, v3  }
0x2c2: {  	[tilespmem:s10+$0xDC30] =	vst.add.f32.msk $0xffff, v4  }
0x2c3: {  	[tilespmem:s10+$0xDC40] =	vst.add.f32.msk $0xffff, v63  }
0x2c4: {  	[tilespmem:s10+$0xDC50] =	vst.add.f32.msk $0xffff, v5  }
0x2c5: {  	[tilespmem:s10+$0xDC60] =	vst.add.f32.msk $0xffff, v6  }
0x2c6: {  	[tilespmem:s10+$0xDC70] =	vst.add.f32.msk $0xffff, v7  }
0x2c7: {  	[tilespmem:s10+$0xDC80] =	vst.add.f32.msk $0xffff, v8  }
0x2c8: {  	[tilespmem:s10+$0xDC90] =	vst.add.f32.msk $0xffff, v9  }
0x2c9: {  	[tilespmem:s10+$0xDCA0] =	vst.add.f32.msk $0xffff, v10  }
0x2ca: {  	[tilespmem:s10+$0xDCB0] =	vst.add.f32.msk $0xffff, v11  }
0x2cb: {  	[tilespmem:s10+$0xDCC0] =	vst.add.f32.msk $0xffff, v12  }
0x2cc: {  	[tilespmem:s10+$0xDCD0] =	vst.add.f32.msk $0xffff, v13  }
0x2cd: {  	s5 =	sadd.s32 $0x32780, s1;
	p0 =	seq.s32 s31, $0x3F;
	[tilespmem:s10+$0xDCE0] =	vst.add.f32.msk $0xffff, v14  }
0x2ce: {  	[hbm4b:s5+s4] =	stream.linear.scatter [tilespmem:s19], [sflag:$0x9], $0x1400, $0x38;
	[tilespmem:$0x16800] =	vst v63  }
0x2cf: {  	s5 =	simm.s32 @!p0 $0x6  }
0x2d0: {  	_ =	swait.ge @!p0 [sflag:s5], $0x1400  }
0x2d1: {  	s14 =	simm.s32 @!p0 $0xA000;
	[sflag:s5] =	ssyncset.done @!p0 $0x0  }
0x2d2: {  	s10 =	simm.s32 @!p0 $0x28;
	[sflag:s5] =	ssyncadd.s32 @!p0 $0xFFFFEC00;
	s5 =	sadd.s32 @!p0 $0x280, s0  }
0x2d3: {  	[tilespmem:s14], [sflag:$0x1] =	stream.indirect.gather @!p0 [hbm4b:s2+s10], $0x80, s5, s10, $0xb8;
	[tilespmem:$0x16800] =	vst v63  }
0x2d4: {  	_ =	swait.ge [sflag:s23], $0x1400  }
0x2d5: {  	[sflag:s23] =	ssyncset.done $0x0  }
0x2d6: {  	s10 =	simm.s32 $0x0;
	s5 =	simm.s32 $0x400;
	[sflag:s23] =	ssyncadd.s32 $0xFFFFEC00  }
.LBB2_24:
0x2d7: {  	p1 =	sne.s32 s5, $0x4C00;
	v0 =	vld [tilespmem:s10+$0x154F0]  }
0x2d8: {  	v1 =	vld [tilespmem:s10+$0x15400]  }
0x2d9: {  	v2 =	vld [tilespmem:s10+$0x15410]  }
0x2da: {  	v3 =	vld [tilespmem:s10+$0x15420]  }
0x2db: {  	v4 =	vld [tilespmem:s10+$0x15430]  }
0x2dc: {  	[tilespmem:s10+$0xF0F0] =	vst.add.f32.msk $0xffff, v0  }
0x2dd: {  	v0 =	vld [tilespmem:s10+$0x15440]  }
0x2de: {  	v5 =	vld [tilespmem:s10+$0x15450]  }
0x2df: {  	v6 =	vld [tilespmem:s10+$0x15460]  }
0x2e0: {  	v7 =	vld [tilespmem:s10+$0x15470]  }
0x2e1: {  	v8 =	vld [tilespmem:s10+$0x15480]  }
0x2e2: {  	v9 =	vld [tilespmem:s10+$0x15490]  }
0x2e3: {  	v10 =	vld [tilespmem:s10+$0x154A0]  }
0x2e4: {  	v11 =	vld [tilespmem:s10+$0x154B0]  }
0x2e5: {  	v12 =	vld [tilespmem:s10+$0x154C0]  }
0x2e6: {  	v13 =	vld [tilespmem:s10+$0x154D0]  }
0x2e7: {  	v14 =	vld [tilespmem:s10+$0x154E0]  }
0x2e8: {  	[tilespmem:s10+$0xF000] =	vst.add.f32.msk $0xffff, v1  }
0x2e9: {  	[tilespmem:s10+$0xF010] =	vst.add.f32.msk $0xffff, v2  }
0x2ea: {  	[tilespmem:s10+$0xF020] =	vst.add.f32.msk $0xffff, v3  }
0x2eb: {  	[tilespmem:s10+$0xF030] =	vst.add.f32.msk $0xffff, v4  }
0x2ec: {  	[tilespmem:s10+$0xF040] =	vst.add.f32.msk $0xffff, v0  }
0x2ed: {  	[tilespmem:s10+$0xF050] =	vst.add.f32.msk $0xffff, v5  }
0x2ee: {  	[tilespmem:s10+$0xF060] =	vst.add.f32.msk $0xffff, v6  }
0x2ef: {  	[tilespmem:s10+$0xF070] =	vst.add.f32.msk $0xffff, v7  }
0x2f0: {  	[tilespmem:s10+$0xF080] =	vst.add.f32.msk $0xffff, v8  }
0x2f1: {  	[tilespmem:s10+$0xF090] =	vst.add.f32.msk $0xffff, v9  }
.Ltmp13:
0x2f2: {  	[tilespmem:s10+$0xF0A0] =	vst.add.f32.msk $0xffff, v10;
	(pc) =	sbr.rel @p1 .LBB2_24-.Ltmp13, $4  }
0x2f3: {  	[tilespmem:s10+$0xF0B0] =	vst.add.f32.msk $0xffff, v11  }
0x2f4: {  	[tilespmem:s10+$0xF0C0] =	vst.add.f32.msk $0xffff, v12  }
0x2f5: {  	[tilespmem:s10+$0xF0D0] =	vst.add.f32.msk $0xffff, v13  }
0x2f6: {  	[tilespmem:s10+$0xF0E0] =	vst.add.f32.msk $0xffff, v14;
	s10 =	sshra.s32 s5, $0x2;
	s5 =	sadd.s32 $0x400, s5  }
0x2f7: {  	v0 =	vld [tilespmem:s10+$0x154F0]  }
0x2f8: {  	v1 =	vld [tilespmem:s10+$0x15400]  }
0x2f9: {  	v2 =	vld [tilespmem:s10+$0x15410]  }
0x2fa: {  	v3 =	vld [tilespmem:s10+$0x15420]  }
0x2fb: {  	v4 =	vld [tilespmem:s10+$0x15430]  }
0x2fc: {  	v63 =	vld [tilespmem:s10+$0x15440]  }
0x2fd: {  	v5 =	vld [tilespmem:s10+$0x15450]  }
0x2fe: {  	v6 =	vld [tilespmem:s10+$0x15460]  }
0x2ff: {  	v7 =	vld [tilespmem:s10+$0x15470]  }
0x300: {  	v8 =	vld [tilespmem:s10+$0x15480]  }
0x301: {  	v9 =	vld [tilespmem:s10+$0x15490]  }
0x302: {  	v10 =	vld [tilespmem:s10+$0x154A0]  }
0x303: {  	v11 =	vld [tilespmem:s10+$0x154B0]  }
0x304: {  	v12 =	vld [tilespmem:s10+$0x154C0]  }
0x305: {  	v13 =	vld [tilespmem:s10+$0x154D0]  }
0x306: {  	v14 =	vld [tilespmem:s10+$0x154E0]  }
0x307: {  	[tilespmem:s10+$0xF0F0] =	vst.add.f32.msk $0xffff, v0  }
0x308: {  	[tilespmem:s10+$0xF000] =	vst.add.f32.msk $0xffff, v1  }
0x309: {  	[tilespmem:s10+$0xF010] =	vst.add.f32.msk $0xffff, v2  }
0x30a: {  	[tilespmem:s10+$0xF020] =	vst.add.f32.msk $0xffff, v3  }
0x30b: {  	[tilespmem:s10+$0xF030] =	vst.add.f32.msk $0xffff, v4  }
0x30c: {  	[tilespmem:s10+$0xF040] =	vst.add.f32.msk $0xffff, v63  }
0x30d: {  	[tilespmem:s10+$0xF050] =	vst.add.f32.msk $0xffff, v5  }
0x30e: {  	[tilespmem:s10+$0xF060] =	vst.add.f32.msk $0xffff, v6  }
0x30f: {  	[tilespmem:s10+$0xF070] =	vst.add.f32.msk $0xffff, v7  }
0x310: {  	[tilespmem:s10+$0xF080] =	vst.add.f32.msk $0xffff, v8  }
0x311: {  	[tilespmem:s10+$0xF090] =	vst.add.f32.msk $0xffff, v9  }
0x312: {  	[tilespmem:s10+$0xF0A0] =	vst.add.f32.msk $0xffff, v10  }
.Ltmp14:
0x313: {  	[tilespmem:s10+$0xF0B0] =	vst.add.f32.msk $0xffff, v11;
	(pc) =	sbr.rel @p0 .LBB2_27-.Ltmp14, $4  }
0x314: {  	[tilespmem:s10+$0xF0C0] =	vst.add.f32.msk $0xffff, v12  }
0x315: {  	[tilespmem:s10+$0xF0D0] =	vst.add.f32.msk $0xffff, v13  }
0x316: {  	s1 =	sadd.s32 $0x32A00, s1;
	[tilespmem:s10+$0xF0E0] =	vst.add.f32.msk $0xffff, v14  }
0x317: {  	[hbm4b:s1+s4] =	stream.linear.scatter [tilespmem:s21], [sflag:$0xA], $0x1400, $0x38;
	[tilespmem:$0x16800] =	vst v63  }
.Ltmp15:
0x318: {  	(pc) =	sbr.rel .LBB2_15-.Ltmp15, $4  }
0x319: {  	_ =	swait.ge [sflag:s25], $0x1400  }
0x31a: {  	[sflag:s25] =	ssyncset.done $0x0  }
0x31b: {  	s0 =	sadd.s32 $0x300, s0;
	s31 =	sadd.s32 $0x1, s31;
	[sflag:s25] =	ssyncadd.s32 $0xFFFFEC00  }
0x31c: {  	[tilespmem:s15], [sflag:$0x2] =	stream.indirect.gather [hbm4b:s2+s12], $0x80, s0, s12, $0xb8;
	[tilespmem:$0x16800] =	vst v63  }
.LBB2_28:
0x31d: {  	_ =	sfence.sel $0x180000  }
0x31e: {  	[bflag:$0x0] =	sbarrier.arrive $0xFFFF  }
0x31f: {  	_ =	strace $0x90000047  }
0x320: {  	s0 =	stileid.u32;
	[bflag:$0x2] =	sbarrier.arrive $0xFFFF  }
0x321: {  	p0 =	sne.s32 s0, $0x0;
	s0 =	rddreg [dreg:$0x3]  }
0x322: {  	s0 =	sadd.s32 @!p0 $0x100000, s0  }
0x323: {  	[sflag:s0] =	ssyncadd.tile.s32 @!p0 $0x1;
	_ =	shalt  }
.Lfunc_end2:
_tile_overlayer_lowered:
.L_overlay_start_2:
0x324: {  	(tag) =	ssettag $0x2  }
0x325: {  	s0 =	rddreg [dreg:$0x0];
	s2 =	stileid.u32  }
0x326: {  	s1 =	rddreg [dreg:$0x1];
	p0 =	sne.s32 s2, $0x0  }
0x327: {  	s3 =	rddreg [dreg:$0x2];
	[bflag:$0x3] =	sbarrier.arrive $0xFFFF;
	s2 =	simm.s32 @!p0 $0x1C0B  }
0x328: {  	[timem:s3], [sflag:s2] =	dma.local @!p0 [hbm:s0], s1  }
0x329: {  	s0 =	simm.s32 @!p0 $0xB  }
0x32a: {  	_ =	swait.ge @!p0 [sflag:s0], s1  }
0x32b: {  	s1 =	ssub.s32 @!p0 $0x0, s1;
	[sflag:s0] =	ssyncset.done @!p0 $0x0  }
0x32c: {  	[sflag:s0] =	ssyncadd.s32 @!p0 s1  }
0x32d: {  	[bflag:$0x3] =	sbarrier.arrive $0xFFFF  }
0x32e: {  	_ =	shalt  }

</sc_bundles>
